<compile_context>
chip_gen: v7x
topology: tpu7x:2x2x1
jax: 0.10.2.dev20260603
libtpu: 0.0.44.dev20260713+nightly
codegen_flags: <defaults>
</compile_context>

<pallas_src>
import functools

import jax
import jax.numpy as jnp
import numpy as np
from jax import lax
from jax.experimental import pallas as pl
from jax.experimental.pallas import tpu as pltpu
from jax.experimental.pallas import tpu_sc as plsc

_ACT_CST = 1.6790

_NC = 2
_NS = 16
_LANES = 16


def _wf_tc(edge_embed_t, edge_feat_t, W0, W1, W2p, eoff, epart):
    R, E = edge_embed_t.shape
    H = W0.shape[1]
    D = W2p.shape[1]
    BE = 16000
    assert epart % BE == 0 and eoff % BE == 0
    s0 = 1.0 / np.sqrt(W0.shape[0])
    s1 = 1.0 / np.sqrt(W1.shape[0])
    cdims = (((0,), (0,)), ((), ()))

    def body(ee_ref, ef_ref, w0_ref, w1_ref, w2_ref, out_ref):
        x = ee_ref[...]
        h = lax.dot_general(w0_ref[...] * s0, x, cdims,
                            preferred_element_type=jnp.float32)
        h = jax.nn.silu(h) * _ACT_CST
        h = lax.dot_general(w1_ref[...] * s1, h, cdims,
                            preferred_element_type=jnp.float32)
        h = jax.nn.silu(h) * _ACT_CST
        h = h * ef_ref[...]
        wf = lax.dot_general(h, w2_ref[...], cdims,
                             preferred_element_type=jnp.float32)
        out_ref[...] = pltpu.bitcast(wf.astype(jnp.bfloat16), jnp.int32)

    ob = eoff // BE
    return pl.pallas_call(
        body,
        grid=(epart // BE,),
        in_specs=[
            pl.BlockSpec((R, BE), lambda i: (0, i + ob)),
            pl.BlockSpec((1, BE), lambda i: (0, i + ob)),
            pl.BlockSpec((W0.shape[0], H), lambda i: (0, 0)),
            pl.BlockSpec((H, H), lambda i: (0, 0)),
            pl.BlockSpec((H, D), lambda i: (0, 0)),
        ],
        out_specs=pl.BlockSpec((BE // 2, D), lambda i: (i, 0)),
        out_shape=jax.ShapeDtypeStruct((epart // 2, D), jnp.int32),
    )(edge_embed_t, edge_feat_t, W0, W1, W2p)


def _gather_scatter_sc(src, dst, wf, node_feat, zeros, K, eoff, epart):
    NW = _NC * _NS
    CH = epart // (NW * K)
    KH = K // 2
    N, D = node_feat.shape
    RPT = (N // _NS) & ~7
    TAIL = N - RPT * _NS

    mesh = plsc.VectorSubcoreMesh(core_axis_name="c", subcore_axis_name="s")

    @functools.partial(
        pl.kernel,
        out_type=[jax.ShapeDtypeStruct((N, D), jnp.float32)] * 2,
        mesh=mesh,
        scratch_types=[
            [pltpu.VMEM((K,), jnp.int32)] * 4,
            [pltpu.VMEM((K,), jnp.int32)] * 4,
            [pltpu.VMEM((K, D), jnp.float32)] * 2,
            [pltpu.VMEM((KH, D), jnp.int32)] * 2,
            pltpu.VMEM_SHARED((N, D), jnp.float32),
            [pltpu.SemaphoreType.DMA] * 4,
            [pltpu.SemaphoreType.DMA] * 2,
            [pltpu.SemaphoreType.DMA] * 2,
        ],
    )
    def sc_kernel(src_hbm, dst_hbm, wf_hbm, node_hbm, zeros_hbm,
                  out0, out1, srcb, dstb, rows, wfb, acc,
                  isem, gsem, wsem):
        c = lax.axis_index("c")
        s = lax.axis_index("s")
        wid = c * _NS + s
        base0h = wid * (CH * KH)

        pltpu.sync_copy(zeros_hbm.at[pl.ds(0, RPT)],
                        acc.at[pl.ds(s * RPT, RPT)])
        if TAIL:
            @pl.when(s == 0)
            def _():
                pltpu.sync_copy(zeros_hbm.at[pl.ds(0, TAIL)],
                                acc.at[pl.ds(RPT * _NS, TAIL)])
        plsc.subcore_barrier()

        def _idx_copies(i, q):
            base = eoff + (wid * CH + i) * K
            return (
                pltpu.make_async_copy(src_hbm.at[pl.ds(base, K)],
                                      srcb[q], isem[q]),
                pltpu.make_async_copy(dst_hbm.at[pl.ds(base, K)],
                                      dstb[q], isem[q]),
            )

        def start_idx(i, q):
            for cp in _idx_copies(i, q):
                cp.start()

        def wait_idx(i, q):
            for cp in _idx_copies(i, q):
                cp.wait()

        def start_data(i, p, q):
            pltpu.async_copy(node_hbm.at[srcb[q]], rows[p], gsem[p])
            pltpu.async_copy(wf_hbm.at[pl.ds(base0h + i * KH, KH)],
                             wfb[p], wsem[p])

        def wait_data(i, p, q):
            pltpu.make_async_copy(node_hbm.at[srcb[q]], rows[p],
                                  gsem[p]).wait()
            pltpu.make_async_copy(wf_hbm.at[pl.ds(base0h + i * KH, KH)],
                                  wfb[p], wsem[p]).wait()

        for q in range(4):
            start_idx(q, q)
        for p in range(2):
            wait_idx(p, p)
            start_data(p, p, p)

        def body(i, p, q):
            q2 = (q + 2) % 4
            wait_data(i, p, q)

            wfb_bf = wfb[p].bitcast(jnp.bfloat16).reshape(KH, 2, D)

            @plsc.parallel_loop(0, KH, unroll=2)
            def _(pp):
                for sub in range(2):
                    e = pp * 2 + sub
                    for m in range(D // (4 * _LANES)):
                        sl = pl.ds(m * 4 * _LANES, 4 * _LANES)
                        w32 = wfb_bf[pp, sub, sl].astype(jnp.float32)
                        rows[p][e, sl] = rows[p][e, sl] * w32

            pltpu.sync_copy(rows[p], acc.at[dstb[q]], add=True)

            @pl.when(i + 2 < CH)
            def _():
                wait_idx(i + 2, q2)
                start_data(i + 2, p, q2)

            @pl.when(i + 4 < CH)
            def _():
                start_idx(i + 4, q)

        def chunk(i, carry):
            for p in range(2):
                for q in (p, p + 2):
                    @pl.when(lax.rem(i, 4) == q)
                    def _(i=i, p=p, q=q):
                        body(i, p, q)
            return carry

        lax.fori_loop(0, CH, chunk, 0)
        plsc.subcore_barrier()

        def drain(out):
            pltpu.sync_copy(acc.at[pl.ds(s * RPT, RPT)],
                            out.at[pl.ds(s * RPT, RPT)])
            if TAIL:
                @pl.when(s == 0)
                def _():
                    pltpu.sync_copy(acc.at[pl.ds(RPT * _NS, TAIL)],
                                    out.at[pl.ds(RPT * _NS, TAIL)])

        @pl.when(c == 0)
        def _():
            drain(out0)

        @pl.when(c == 1)
        def _():
            drain(out1)

    return sc_kernel(src, dst, wf, node_feat, zeros)


def _combine_tc(partials, node_feat, W_sc):
    N, D = node_feat.shape
    BN = 2000
    assert N % BN == 0
    ssc = 1.0 / np.sqrt(W_sc.shape[0])
    NP = len(partials)

    def body(*refs):
        *p_refs, nf_ref, wsc_ref, out_ref = refs
        acc = jnp.dot(nf_ref[...], wsc_ref[...] * ssc,
                      preferred_element_type=jnp.float32)
        for pr in p_refs:
            acc = acc + pr[...]
        out_ref[...] = acc

    return pl.pallas_call(
        body,
        grid=(N // BN,),
        in_specs=[pl.BlockSpec((BN, D), lambda i: (i, 0))] * (NP + 1)
        + [pl.BlockSpec((D, D), lambda i: (0, 0))],
        out_specs=pl.BlockSpec((BN, D), lambda i: (i, 0)),
        out_shape=jax.ShapeDtypeStruct((N, D), jnp.float32),
    )(*partials, node_feat, W_sc)


def kernel(edge_index, node_feat, edge_feat, edge_embed, dim_size,
           W0, W1, W2, W_sc):
    N, D = node_feat.shape
    E = edge_index.shape[1]
    W2p = W2 * (1.0 / np.sqrt(W2.shape[0]))
    zeros = jnp.zeros((N // _NS, D), jnp.float32)
    src, dst = edge_index[0], edge_index[1]
    ee_t, ef_t = edge_embed.T, edge_feat.T
    ea = (E * 3 // 5 // 12800) * 12800
    parts = [(0, ea), (ea, E - ea)]
    partials = []
    for eoff, epart in parts:
        wf = _wf_tc(ee_t, ef_t, W0, W1, W2p, eoff, epart)
        partials += _gather_scatter_sc(src, dst, wf, node_feat, zeros,
                                       K=80, eoff=eoff, epart=epart)
    return _combine_tc(partials, node_feat, W_sc)

# --- scband reference (transcript-rebuilt; emitter-appended) ---
"""Pipeline reference for scband-inf-gcn-55009941127335 (READ-ONLY COPY).

The authoritative reference and input builder live on the scoring server;
editing this copy changes nothing except your own understanding.
"""

import jax, jax.numpy as jnp
import numpy as np

# e3nn normalize2mom constant for SiLU (1/sqrt(E[silu(z)^2]), z~N(0,1))
ACT_CST = 1.6790


def _radial_mlp(x, Ws):
    # Faithful to e3nn.nn.FullyConnectedNet: each layer divides by sqrt(fan_in),
    # hidden layers use second-moment-normalized SiLU, last layer is linear.
    *hidden, last = Ws
    for W in hidden:
        x = jax.nn.silu(x @ (W / np.sqrt(W.shape[0]))) * ACT_CST
    return x @ (last / np.sqrt(last.shape[0]))


def setup_inputs(seed: int = 0) -> dict:
    key = jax.random.key(seed)
    ks = jax.random.split(key, 8)
    N, E, D, R, H = 10000, 320000, 128, 16, 64
    edge_index = jax.random.randint(ks[0], (2, E), 0, N, dtype=jnp.int32)
    node_feat = jax.random.normal(ks[1], (N, D), dtype=jnp.float32)
    edge_feat = jax.random.normal(ks[2], (E, 1), dtype=jnp.float32)
    edge_embed = jax.random.normal(ks[3], (E, R), dtype=jnp.float32)
    # radial network weights: [R] + 2*[H] + [weight_numel]; weight_numel = mul_in = D for 'uvu' scalar path
    W0 = jax.random.normal(ks[4], (R, H), dtype=jnp.float32)
    W1 = jax.random.normal(ks[5], (H, H), dtype=jnp.float32)
    W2 = jax.random.normal(ks[6], (H, D), dtype=jnp.float32)
    # self-connection o3.Linear on 128x0e -> 128x0e (scalar linear, weight / sqrt(fan_in))
    W_sc = jax.random.normal(ks[7], (D, D), dtype=jnp.float32)
    return {"edge_index": edge_index, "node_feat": node_feat, "edge_feat": edge_feat,
            "edge_embed": edge_embed, "dim_size": N, "W0": W0, "W1": W1, "W2": W2, "W_sc": W_sc}


def reference(edge_index, node_feat, edge_feat, edge_embed, dim_size, W0, W1, W2, W_sc):
    src = edge_index[0]
    dst = edge_index[1]
    # weight = self.fc(edge_embed): per-edge tensor-product weights, shape [E, weight_numel=128]
    weight = _radial_mlp(edge_embed, [W0, W1, W2])
    # o3.TensorProduct with scalar irreps (128x0e x 1x0e -> 128x0e, 'uvu', weighted):
    # z_u = w_u * x_u * y  (path normalization coefficient = 1 for the single 0e x 0e -> 0e path)
    gathered = jnp.take(node_feat, src, axis=0)  # node_feat[src]
    msg = weight * gathered * edge_feat  # edge_feat [E,1] broadcasts
    # scatter(out, dst, dim=0, dim_size, reduce='sum')
    num_segments = node_feat.shape[0]
    out = jax.ops.segment_sum(msg, dst, num_segments=num_segments)
    out = out + (jnp.asarray(dim_size) - jnp.asarray(dim_size)).astype(out.dtype)
    # self-connection: o3.Linear on scalars == node_feat @ W / sqrt(fan_in)
    out = out + node_feat @ (W_sc / np.sqrt(W_sc.shape[0]))
    return out

if __name__ == "__main__":
    import jax
    _d = setup_inputs()
    print(jax.jit(kernel)(*tuple(_d.values())))

</pallas_src>

<mosaic_0001>
#map = affine_map<(d0, d1) -> (0)>
#map1 = affine_map<(d0, d1) -> (0, 0)>
module attributes {stable_mosaic.version = 14 : i64} {
  func.func @sc_kernel(%arg0: i32, %arg1: i32, %arg2: memref<320000xi32, #tpu.memory_space<hbm>>, %arg3: memref<320000xi32, #tpu.memory_space<hbm>>, %arg4: memref<64000x128xi32, #tpu.memory_space<hbm>>, %arg5: memref<10000x128xf32, #tpu.memory_space<hbm>>, %arg6: memref<625x128xf32, #tpu.memory_space<hbm>>, %arg7: memref<10000x128xf32, #tpu.memory_space<hbm>>, %arg8: memref<10000x128xf32, #tpu.memory_space<hbm>>, %arg9: memref<80xi32, #tpu.memory_space<vmem>>, %arg10: memref<80xi32, #tpu.memory_space<vmem>>, %arg11: memref<80xi32, #tpu.memory_space<vmem>>, %arg12: memref<80xi32, #tpu.memory_space<vmem>>, %arg13: memref<80xi32, #tpu.memory_space<vmem>>, %arg14: memref<80xi32, #tpu.memory_space<vmem>>, %arg15: memref<80xi32, #tpu.memory_space<vmem>>, %arg16: memref<80xi32, #tpu.memory_space<vmem>>, %arg17: memref<80x128xf32, #tpu.memory_space<vmem>>, %arg18: memref<80x128xf32, #tpu.memory_space<vmem>>, %arg19: memref<40x128xi32, #tpu.memory_space<vmem>>, %arg20: memref<40x128xi32, #tpu.memory_space<vmem>>, %arg21: memref<10000x128xf32, #tpu.memory_space<vmem_shared>>, %arg22: memref<!tpu.dma_semaphore, #tpu.memory_space<semaphore_mem>>, %arg23: memref<!tpu.dma_semaphore, #tpu.memory_space<semaphore_mem>>, %arg24: memref<!tpu.dma_semaphore, #tpu.memory_space<semaphore_mem>>, %arg25: memref<!tpu.dma_semaphore, #tpu.memory_space<semaphore_mem>>, %arg26: memref<!tpu.dma_semaphore, #tpu.memory_space<semaphore_mem>>, %arg27: memref<!tpu.dma_semaphore, #tpu.memory_space<semaphore_mem>>, %arg28: memref<!tpu.dma_semaphore, #tpu.memory_space<semaphore_mem>>, %arg29: memref<!tpu.dma_semaphore, #tpu.memory_space<semaphore_mem>>) attributes {dimension_semantics = [#tpu.dimension_semantics<core_parallel>, #tpu.dimension_semantics<subcore_parallel>], iteration_bounds = array<i64: 2, 16>, scalar_prefetch = 0 : i64, scratch_operands = 21 : i64, tpu.core_type = #tpu.core_type<sc_vector_subcore>, window_params = [{transform_indices = #map}, {transform_indices = #map}, {transform_indices = #map1}, {transform_indices = #map1}, {transform_indices = #map1}, {transform_indices = #map1}, {transform_indices = #map1}]} {
    %mul3A = arith.constant 16 : i32
    %mul3A_0 = arith.muli %arg0, %mul3A : i32
    %add3A = arith.addi %mul3A_0, %arg1 : i32
    %mul3A_1 = arith.constant 2000 : i32
    %mul3A_2 = arith.muli %add3A, %mul3A_1 : i32
    %mul3A_3 = arith.constant 624 : i32
    %mul3A_4 = arith.muli %arg1, %mul3A_3 : i32
    "tpu.region"() ({
      %run_scoped3A = tpu.sem_alloc : memref<!tpu.dma_semaphore, #tpu.memory_space<semaphore_mem>>
      %dma_start3A_111 = arith.constant 0 : i32
      %dma_start3A_112 = tpu.memref_slice %arg21[%mul3A_4, %dma_start3A_111] : memref<10000x128xf32, #tpu.memory_space<vmem_shared>> -> memref<624x128xf32, #tpu.memory_space<vmem_shared>>
      %dma_start3A_113 = arith.constant 0 : i32
      %dma_start3A_114 = arith.constant 0 : i32
      %dma_start3A_115 = tpu.memref_slice %arg6[%dma_start3A_113, %dma_start3A_114] : memref<625x128xf32, #tpu.memory_space<hbm>> -> memref<624x128xf32, #tpu.memory_space<hbm>>
      tpu.enqueue_dma source(%dma_start3A_115 : memref<624x128xf32, #tpu.memory_space<hbm>>) target(%dma_start3A_112 : memref<624x128xf32, #tpu.memory_space<vmem_shared>>) target_semaphore(%run_scoped3A : memref<!tpu.dma_semaphore, #tpu.memory_space<semaphore_mem>>)
      %dma_wait3A_116 = arith.constant 0 : i32
      %dma_wait3A_117 = tpu.memref_slice %arg21[%mul3A_4, %dma_wait3A_116] : memref<10000x128xf32, #tpu.memory_space<vmem_shared>> -> memref<624x128xf32, #tpu.memory_space<vmem_shared>>
      %dma_wait3A_118 = arith.constant 0 : i32
      %dma_wait3A_119 = arith.constant 0 : i32
      %dma_wait3A_120 = tpu.memref_slice %arg6[%dma_wait3A_118, %dma_wait3A_119] : memref<625x128xf32, #tpu.memory_space<hbm>> -> memref<624x128xf32, #tpu.memory_space<hbm>>
      tpu.wait_dma2 semaphore(%run_scoped3A : memref<!tpu.dma_semaphore, #tpu.memory_space<semaphore_mem>>) src(%dma_wait3A_120 : memref<624x128xf32, #tpu.memory_space<hbm>>) dst(%dma_wait3A_117 : memref<624x128xf32, #tpu.memory_space<vmem_shared>>)
      tpu.yield
    }) : () -> ()
    %eq3A = arith.constant 0 : i32
    %eq3A_5 = arith.cmpi eq, %arg1, %eq3A : i32
    %convert_element_type3A = arith.extui %eq3A_5 : i1 to i32
    %cond3A = arith.constant 0 : i32
    %cond3A_6 = arith.cmpi ne, %convert_element_type3A, %cond3A : i32
    scf.if %cond3A_6 {
      "tpu.region"() ({
        %run_scoped3A = tpu.sem_alloc : memref<!tpu.dma_semaphore, #tpu.memory_space<semaphore_mem>>
        %dma_start3A_111 = arith.constant 9984 : i32
        %dma_start3A_112 = arith.constant 0 : i32
        %dma_start3A_113 = tpu.memref_slice %arg21[%dma_start3A_111, %dma_start3A_112] : memref<10000x128xf32, #tpu.memory_space<vmem_shared>> -> memref<16x128xf32, #tpu.memory_space<vmem_shared>>
        %dma_start3A_114 = arith.constant 0 : i32
        %dma_start3A_115 = arith.constant 0 : i32
        %dma_start3A_116 = tpu.memref_slice %arg6[%dma_start3A_114, %dma_start3A_115] : memref<625x128xf32, #tpu.memory_space<hbm>> -> memref<16x128xf32, #tpu.memory_space<hbm>>
        tpu.enqueue_dma source(%dma_start3A_116 : memref<16x128xf32, #tpu.memory_space<hbm>>) target(%dma_start3A_113 : memref<16x128xf32, #tpu.memory_space<vmem_shared>>) target_semaphore(%run_scoped3A : memref<!tpu.dma_semaphore, #tpu.memory_space<semaphore_mem>>)
        %dma_wait3A_117 = arith.constant 9984 : i32
        %dma_wait3A_118 = arith.constant 0 : i32
        %dma_wait3A_119 = tpu.memref_slice %arg21[%dma_wait3A_117, %dma_wait3A_118] : memref<10000x128xf32, #tpu.memory_space<vmem_shared>> -> memref<16x128xf32, #tpu.memory_space<vmem_shared>>
        %dma_wait3A_120 = arith.constant 0 : i32
        %dma_wait3A_121 = arith.constant 0 : i32
        %dma_wait3A_122 = tpu.memref_slice %arg6[%dma_wait3A_120, %dma_wait3A_121] : memref<625x128xf32, #tpu.memory_space<hbm>> -> memref<16x128xf32, #tpu.memory_space<hbm>>
        tpu.wait_dma2 semaphore(%run_scoped3A : memref<!tpu.dma_semaphore, #tpu.memory_space<semaphore_mem>>) src(%dma_wait3A_122 : memref<16x128xf32, #tpu.memory_space<hbm>>) dst(%dma_wait3A_119 : memref<16x128xf32, #tpu.memory_space<vmem_shared>>)
        tpu.yield
      }) : () -> ()
    } else {
    }
    %barrier3A = arith.constant 0 : index
    tpu.barrier barrier_id(%barrier3A)
    %mul3A_7 = arith.constant 50 : i32
    %mul3A_8 = arith.muli %add3A, %mul3A_7 : i32
    %add3A_9 = arith.constant 0 : i32
    %add3A_10 = arith.addi %mul3A_8, %add3A_9 : i32
    %mul3A_11 = arith.constant 80 : i32
    %mul3A_12 = arith.muli %add3A_10, %mul3A_11 : i32
    %add3A_13 = arith.constant 192000 : i32
    %add3A_14 = arith.addi %add3A_13, %mul3A_12 : i32
    %dma_start3A = tpu.memref_slice %arg2[%add3A_14] : memref<320000xi32, #tpu.memory_space<hbm>> -> memref<80xi32, #tpu.memory_space<hbm>>
    %dma_start3A_15 = tpu.memref_slice %arg2[%add3A_14] : memref<320000xi32, #tpu.memory_space<hbm>> -> memref<80xi32, #tpu.memory_space<hbm>>
    tpu.enqueue_dma source(%dma_start3A_15 : memref<80xi32, #tpu.memory_space<hbm>>) target(%arg9 : memref<80xi32, #tpu.memory_space<vmem>>) target_semaphore(%arg22 : memref<!tpu.dma_semaphore, #tpu.memory_space<semaphore_mem>>)
    %dma_start3A_16 = tpu.memref_slice %arg3[%add3A_14] : memref<320000xi32, #tpu.memory_space<hbm>> -> memref<80xi32, #tpu.memory_space<hbm>>
    %dma_start3A_17 = tpu.memref_slice %arg3[%add3A_14] : memref<320000xi32, #tpu.memory_space<hbm>> -> memref<80xi32, #tpu.memory_space<hbm>>
    tpu.enqueue_dma source(%dma_start3A_17 : memref<80xi32, #tpu.memory_space<hbm>>) target(%arg13 : memref<80xi32, #tpu.memory_space<vmem>>) target_semaphore(%arg22 : memref<!tpu.dma_semaphore, #tpu.memory_space<semaphore_mem>>)
    %mul3A_18 = arith.constant 50 : i32
    %mul3A_19 = arith.muli %add3A, %mul3A_18 : i32
    %add3A_20 = arith.constant 1 : i32
    %add3A_21 = arith.addi %mul3A_19, %add3A_20 : i32
    %mul3A_22 = arith.constant 80 : i32
    %mul3A_23 = arith.muli %add3A_21, %mul3A_22 : i32
    %add3A_24 = arith.constant 192000 : i32
    %add3A_25 = arith.addi %add3A_24, %mul3A_23 : i32
    %dma_start3A_26 = tpu.memref_slice %arg2[%add3A_25] : memref<320000xi32, #tpu.memory_space<hbm>> -> memref<80xi32, #tpu.memory_space<hbm>>
    %dma_start3A_27 = tpu.memref_slice %arg2[%add3A_25] : memref<320000xi32, #tpu.memory_space<hbm>> -> memref<80xi32, #tpu.memory_space<hbm>>
    tpu.enqueue_dma source(%dma_start3A_27 : memref<80xi32, #tpu.memory_space<hbm>>) target(%arg10 : memref<80xi32, #tpu.memory_space<vmem>>) target_semaphore(%arg23 : memref<!tpu.dma_semaphore, #tpu.memory_space<semaphore_mem>>)
    %dma_start3A_28 = tpu.memref_slice %arg3[%add3A_25] : memref<320000xi32, #tpu.memory_space<hbm>> -> memref<80xi32, #tpu.memory_space<hbm>>
    %dma_start3A_29 = tpu.memref_slice %arg3[%add3A_25] : memref<320000xi32, #tpu.memory_space<hbm>> -> memref<80xi32, #tpu.memory_space<hbm>>
    tpu.enqueue_dma source(%dma_start3A_29 : memref<80xi32, #tpu.memory_space<hbm>>) target(%arg14 : memref<80xi32, #tpu.memory_space<vmem>>) target_semaphore(%arg23 : memref<!tpu.dma_semaphore, #tpu.memory_space<semaphore_mem>>)
    %mul3A_30 = arith.constant 50 : i32
    %mul3A_31 = arith.muli %add3A, %mul3A_30 : i32
    %add3A_32 = arith.constant 2 : i32
    %add3A_33 = arith.addi %mul3A_31, %add3A_32 : i32
    %mul3A_34 = arith.constant 80 : i32
    %mul3A_35 = arith.muli %add3A_33, %mul3A_34 : i32
    %add3A_36 = arith.constant 192000 : i32
    %add3A_37 = arith.addi %add3A_36, %mul3A_35 : i32
    %dma_start3A_38 = tpu.memref_slice %arg2[%add3A_37] : memref<320000xi32, #tpu.memory_space<hbm>> -> memref<80xi32, #tpu.memory_space<hbm>>
    %dma_start3A_39 = tpu.memref_slice %arg2[%add3A_37] : memref<320000xi32, #tpu.memory_space<hbm>> -> memref<80xi32, #tpu.memory_space<hbm>>
    tpu.enqueue_dma source(%dma_start3A_39 : memref<80xi32, #tpu.memory_space<hbm>>) target(%arg11 : memref<80xi32, #tpu.memory_space<vmem>>) target_semaphore(%arg24 : memref<!tpu.dma_semaphore, #tpu.memory_space<semaphore_mem>>)
    %dma_start3A_40 = tpu.memref_slice %arg3[%add3A_37] : memref<320000xi32, #tpu.memory_space<hbm>> -> memref<80xi32, #tpu.memory_space<hbm>>
    %dma_start3A_41 = tpu.memref_slice %arg3[%add3A_37] : memref<320000xi32, #tpu.memory_space<hbm>> -> memref<80xi32, #tpu.memory_space<hbm>>
    tpu.enqueue_dma source(%dma_start3A_41 : memref<80xi32, #tpu.memory_space<hbm>>) target(%arg15 : memref<80xi32, #tpu.memory_space<vmem>>) target_semaphore(%arg24 : memref<!tpu.dma_semaphore, #tpu.memory_space<semaphore_mem>>)
    %mul3A_42 = arith.constant 50 : i32
    %mul3A_43 = arith.muli %add3A, %mul3A_42 : i32
    %add3A_44 = arith.constant 3 : i32
    %add3A_45 = arith.addi %mul3A_43, %add3A_44 : i32
    %mul3A_46 = arith.constant 80 : i32
    %mul3A_47 = arith.muli %add3A_45, %mul3A_46 : i32
    %add3A_48 = arith.constant 192000 : i32
    %add3A_49 = arith.addi %add3A_48, %mul3A_47 : i32
    %dma_start3A_50 = tpu.memref_slice %arg2[%add3A_49] : memref<320000xi32, #tpu.memory_space<hbm>> -> memref<80xi32, #tpu.memory_space<hbm>>
    %dma_start3A_51 = tpu.memref_slice %arg2[%add3A_49] : memref<320000xi32, #tpu.memory_space<hbm>> -> memref<80xi32, #tpu.memory_space<hbm>>
    tpu.enqueue_dma source(%dma_start3A_51 : memref<80xi32, #tpu.memory_space<hbm>>) target(%arg12 : memref<80xi32, #tpu.memory_space<vmem>>) target_semaphore(%arg25 : memref<!tpu.dma_semaphore, #tpu.memory_space<semaphore_mem>>)
    %dma_start3A_52 = tpu.memref_slice %arg3[%add3A_49] : memref<320000xi32, #tpu.memory_space<hbm>> -> memref<80xi32, #tpu.memory_space<hbm>>
    %dma_start3A_53 = tpu.memref_slice %arg3[%add3A_49] : memref<320000xi32, #tpu.memory_space<hbm>> -> memref<80xi32, #tpu.memory_space<hbm>>
    tpu.enqueue_dma source(%dma_start3A_53 : memref<80xi32, #tpu.memory_space<hbm>>) target(%arg16 : memref<80xi32, #tpu.memory_space<vmem>>) target_semaphore(%arg25 : memref<!tpu.dma_semaphore, #tpu.memory_space<semaphore_mem>>)
    %mul3A_54 = arith.constant 50 : i32
    %mul3A_55 = arith.muli %add3A, %mul3A_54 : i32
    %add3A_56 = arith.constant 0 : i32
    %add3A_57 = arith.addi %mul3A_55, %add3A_56 : i32
    %mul3A_58 = arith.constant 80 : i32
    %mul3A_59 = arith.muli %add3A_57, %mul3A_58 : i32
    %add3A_60 = arith.constant 192000 : i32
    %add3A_61 = arith.addi %add3A_60, %mul3A_59 : i32
    %dma_wait3A = tpu.memref_slice %arg2[%add3A_61] : memref<320000xi32, #tpu.memory_space<hbm>> -> memref<80xi32, #tpu.memory_space<hbm>>
    %dma_wait3A_62 = tpu.memref_slice %arg2[%add3A_61] : memref<320000xi32, #tpu.memory_space<hbm>> -> memref<80xi32, #tpu.memory_space<hbm>>
    tpu.wait_dma2 semaphore(%arg22 : memref<!tpu.dma_semaphore, #tpu.memory_space<semaphore_mem>>) src(%dma_wait3A_62 : memref<80xi32, #tpu.memory_space<hbm>>) dst(%arg9 : memref<80xi32, #tpu.memory_space<vmem>>)
    %dma_wait3A_63 = tpu.memref_slice %arg3[%add3A_61] : memref<320000xi32, #tpu.memory_space<hbm>> -> memref<80xi32, #tpu.memory_space<hbm>>
    %dma_wait3A_64 = tpu.memref_slice %arg3[%add3A_61] : memref<320000xi32, #tpu.memory_space<hbm>> -> memref<80xi32, #tpu.memory_space<hbm>>
    tpu.wait_dma2 semaphore(%arg22 : memref<!tpu.dma_semaphore, #tpu.memory_space<semaphore_mem>>) src(%dma_wait3A_64 : memref<80xi32, #tpu.memory_space<hbm>>) dst(%arg13 : memref<80xi32, #tpu.memory_space<vmem>>)
    %dma_start3A_65 = arith.constant 0 : i32
    %dma_start3A_66 = arith.constant 0 : i32
    %dma_start3A_67 = tpu.memref_slice %arg5[%dma_start3A_65, %dma_start3A_66] : memref<10000x128xf32, #tpu.memory_space<hbm>> -> memref<10000x128xf32, #tpu.memory_space<hbm>>
    tpu.enqueue_indirect_dma source(%dma_start3A_67 : memref<10000x128xf32, #tpu.memory_space<hbm>>) target(%arg17 : memref<80x128xf32, #tpu.memory_space<vmem>>) offsets(%arg9 : memref<80xi32, #tpu.memory_space<vmem>>) semaphore(%arg26 : memref<!tpu.dma_semaphore, #tpu.memory_space<semaphore_mem>>)
    %add3A_68 = arith.constant 0 : i32
    %add3A_69 = arith.addi %mul3A_2, %add3A_68 : i32
    %dma_start3A_70 = arith.constant 0 : i32
    %dma_start3A_71 = tpu.memref_slice %arg4[%add3A_69, %dma_start3A_70] : memref<64000x128xi32, #tpu.memory_space<hbm>> -> memref<40x128xi32, #tpu.memory_space<hbm>>
    %dma_start3A_72 = arith.constant 0 : i32
    %dma_start3A_73 = tpu.memref_slice %arg4[%add3A_69, %dma_start3A_72] : memref<64000x128xi32, #tpu.memory_space<hbm>> -> memref<40x128xi32, #tpu.memory_space<hbm>>
    tpu.enqueue_dma source(%dma_start3A_73 : memref<40x128xi32, #tpu.memory_space<hbm>>) target(%arg19 : memref<40x128xi32, #tpu.memory_space<vmem>>) target_semaphore(%arg28 : memref<!tpu.dma_semaphore, #tpu.memory_space<semaphore_mem>>)
    %mul3A_74 = arith.constant 50 : i32
    %mul3A_75 = arith.muli %add3A, %mul3A_74 : i32
    %add3A_76 = arith.constant 1 : i32
    %add3A_77 = arith.addi %mul3A_75, %add3A_76 : i32
    %mul3A_78 = arith.constant 80 : i32
    %mul3A_79 = arith.muli %add3A_77, %mul3A_78 : i32
    %add3A_80 = arith.constant 192000 : i32
    %add3A_81 = arith.addi %add3A_80, %mul3A_79 : i32
    %dma_wait3A_82 = tpu.memref_slice %arg2[%add3A_81] : memref<320000xi32, #tpu.memory_space<hbm>> -> memref<80xi32, #tpu.memory_space<hbm>>
    %dma_wait3A_83 = tpu.memref_slice %arg2[%add3A_81] : memref<320000xi32, #tpu.memory_space<hbm>> -> memref<80xi32, #tpu.memory_space<hbm>>
    tpu.wait_dma2 semaphore(%arg23 : memref<!tpu.dma_semaphore, #tpu.memory_space<semaphore_mem>>) src(%dma_wait3A_83 : memref<80xi32, #tpu.memory_space<hbm>>) dst(%arg10 : memref<80xi32, #tpu.memory_space<vmem>>)
    %dma_wait3A_84 = tpu.memref_slice %arg3[%add3A_81] : memref<320000xi32, #tpu.memory_space<hbm>> -> memref<80xi32, #tpu.memory_space<hbm>>
    %dma_wait3A_85 = tpu.memref_slice %arg3[%add3A_81] : memref<320000xi32, #tpu.memory_space<hbm>> -> memref<80xi32, #tpu.memory_space<hbm>>
    tpu.wait_dma2 semaphore(%arg23 : memref<!tpu.dma_semaphore, #tpu.memory_space<semaphore_mem>>) src(%dma_wait3A_85 : memref<80xi32, #tpu.memory_space<hbm>>) dst(%arg14 : memref<80xi32, #tpu.memory_space<vmem>>)
    %dma_start3A_86 = arith.constant 0 : i32
    %dma_start3A_87 = arith.constant 0 : i32
    %dma_start3A_88 = tpu.memref_slice %arg5[%dma_start3A_86, %dma_start3A_87] : memref<10000x128xf32, #tpu.memory_space<hbm>> -> memref<10000x128xf32, #tpu.memory_space<hbm>>
    tpu.enqueue_indirect_dma source(%dma_start3A_88 : memref<10000x128xf32, #tpu.memory_space<hbm>>) target(%arg18 : memref<80x128xf32, #tpu.memory_space<vmem>>) offsets(%arg10 : memref<80xi32, #tpu.memory_space<vmem>>) semaphore(%arg27 : memref<!tpu.dma_semaphore, #tpu.memory_space<semaphore_mem>>)
    %add3A_89 = arith.constant 40 : i32
    %add3A_90 = arith.addi %mul3A_2, %add3A_89 : i32
    %dma_start3A_91 = arith.constant 0 : i32
    %dma_start3A_92 = tpu.memref_slice %arg4[%add3A_90, %dma_start3A_91] : memref<64000x128xi32, #tpu.memory_space<hbm>> -> memref<40x128xi32, #tpu.memory_space<hbm>>
    %dma_start3A_93 = arith.constant 0 : i32
    %dma_start3A_94 = tpu.memref_slice %arg4[%add3A_90, %dma_start3A_93] : memref<64000x128xi32, #tpu.memory_space<hbm>> -> memref<40x128xi32, #tpu.memory_space<hbm>>
    tpu.enqueue_dma source(%dma_start3A_94 : memref<40x128xi32, #tpu.memory_space<hbm>>) target(%arg20 : memref<40x128xi32, #tpu.memory_space<vmem>>) target_semaphore(%arg29 : memref<!tpu.dma_semaphore, #tpu.memory_space<semaphore_mem>>)
    %scan3A = arith.constant 0 : i32
    %scan3A_95 = arith.constant 0 : i32
    %scan3A_96 = arith.constant 50 : i32
    %scan3A_97 = arith.addi %scan3A_95, %scan3A_96 : i32
    %scan3A_98 = arith.constant 1 : i32
    scf.for %scan3A_111 = %scan3A_95 to %scan3A_97 step %scan3A_98  : i32 {
      %rem3A = arith.constant 4 : i32
      %rem3A_112 = arith.remsi %scan3A_111, %rem3A : i32
      %eq3A_113 = arith.constant 0 : i32
      %eq3A_114 = arith.cmpi eq, %rem3A_112, %eq3A_113 : i32
      %convert_element_type3A_115 = arith.extui %eq3A_114 : i1 to i32
      %cond3A_116 = arith.constant 0 : i32
      %cond3A_117 = arith.cmpi ne, %convert_element_type3A_115, %cond3A_116 : i32
      scf.if %cond3A_117 {
        %dma_wait3A_139 = arith.constant 0 : i32
        %dma_wait3A_140 = arith.constant 0 : i32
        %dma_wait3A_141 = tpu.memref_slice %arg5[%dma_wait3A_139, %dma_wait3A_140] : memref<10000x128xf32, #tpu.memory_space<hbm>> -> memref<10000x128xf32, #tpu.memory_space<hbm>>
        tpu.wait_indirect_dma semaphore(%arg26 : memref<!tpu.dma_semaphore, #tpu.memory_space<semaphore_mem>>) src(%dma_wait3A_141 : memref<10000x128xf32, #tpu.memory_space<hbm>>) dst(%arg17 : memref<80x128xf32, #tpu.memory_space<vmem>>)
        %mul3A_142 = arith.constant 40 : i32
        %mul3A_143 = arith.muli %scan3A_111, %mul3A_142 : i32
        %add3A_144 = arith.addi %mul3A_2, %mul3A_143 : i32
        %dma_wait3A_145 = arith.constant 0 : i32
        %dma_wait3A_146 = tpu.memref_slice %arg4[%add3A_144, %dma_wait3A_145] : memref<64000x128xi32, #tpu.memory_space<hbm>> -> memref<40x128xi32, #tpu.memory_space<hbm>>
        %dma_wait3A_147 = arith.constant 0 : i32
        %dma_wait3A_148 = tpu.memref_slice %arg4[%add3A_144, %dma_wait3A_147] : memref<64000x128xi32, #tpu.memory_space<hbm>> -> memref<40x128xi32, #tpu.memory_space<hbm>>
        tpu.wait_dma2 semaphore(%arg28 : memref<!tpu.dma_semaphore, #tpu.memory_space<semaphore_mem>>) src(%dma_wait3A_148 : memref<40x128xi32, #tpu.memory_space<hbm>>) dst(%arg19 : memref<40x128xi32, #tpu.memory_space<vmem>>)
        %parallel_loop3A = arith.constant 0 : i32
        %parallel_loop3A_149 = arith.constant 40 : i32
        %parallel_loop3A_150 = arith.constant 1 : i32
        scf.for %parallel_loop3A_164 = %parallel_loop3A to %parallel_loop3A_149 step %parallel_loop3A_150  : i32 {
          %parallel_loop3A_165 = arith.constant 2 : i32
          %parallel_loop3A_166 = arith.muli %parallel_loop3A_164, %parallel_loop3A_165 : i32
          %parallel_loop3A_167 = arith.constant 0 : i32
          %parallel_loop3A_168 = arith.addi %parallel_loop3A_166, %parallel_loop3A_167 : i32
          %parallel_loop3A_169 = arith.constant 0 : i32
          %parallel_loop3A_170 = tpu.memref_bitcast %arg19 : memref<40x128xi32, #tpu.memory_space<vmem>> -> memref<80x128xbf16, #tpu.memory_space<vmem>>
          %parallel_loop3A_171 = tpu.memref_reshape %parallel_loop3A_170 : memref<80x128xbf16, #tpu.memory_space<vmem>> -> memref<40x2x128xbf16, #tpu.memory_space<vmem>>
          %parallel_loop3A_172 = arith.index_cast %parallel_loop3A_164 : i32 to index
          %parallel_loop3A_173 = arith.index_cast %parallel_loop3A_169 : i32 to index
          %parallel_loop3A_174 = arith.constant 0 : index
          %parallel_loop3A_175 = tpu.vector_load %parallel_loop3A_171[%parallel_loop3A_172, %parallel_loop3A_173, %parallel_loop3A_174] {strides = array<i32>} : memref<40x2x128xbf16, #tpu.memory_space<vmem>>, vector<1x1x64xbf16>,
          %parallel_loop3A_176 = vector.shape_cast %parallel_loop3A_175 : vector<1x1x64xbf16> to vector<64xbf16>
          %parallel_loop3A_177 = arith.extf %parallel_loop3A_176 : vector<64xbf16> to vector<64xf32>
          %parallel_loop3A_178 = arith.index_cast %parallel_loop3A_168 : i32 to index
          %parallel_loop3A_179 = arith.constant 0 : index
          %parallel_loop3A_180 = tpu.vector_load %arg17[%parallel_loop3A_178, %parallel_loop3A_179] {strides = array<i32>} : memref<80x128xf32, #tpu.memory_space<vmem>>, vector<1x64xf32>,
          %parallel_loop3A_181 = vector.shape_cast %parallel_loop3A_180 : vector<1x64xf32> to vector<64xf32>
          %parallel_loop3A_182 = arith.mulf %parallel_loop3A_181, %parallel_loop3A_177 : vector<64xf32>
          %parallel_loop3A_183 = arith.index_cast %parallel_loop3A_168 : i32 to index
          %parallel_loop3A_184 = arith.constant 0 : index
          %parallel_loop3A_185 = tpu.vector_load %arg17[%parallel_loop3A_183, %parallel_loop3A_184] {strides = array<i32>} : memref<80x128xf32, #tpu.memory_space<vmem>>, vector<1x64xf32>,
          %parallel_loop3A_186 = vector.shape_cast %parallel_loop3A_185 : vector<1x64xf32> to vector<64xf32>
          %parallel_loop3A_187 = vector.shape_cast %parallel_loop3A_182 : vector<64xf32> to vector<1x64xf32>
          tpu.vector_store %arg17[%parallel_loop3A_183, %parallel_loop3A_184], %parallel_loop3A_187 {strides = array<i32>} : memref<80x128xf32, #tpu.memory_space<vmem>>, vector<1x64xf32>,
          %parallel_loop3A_188 = arith.constant 0 : i32
          %parallel_loop3A_189 = tpu.memref_bitcast %arg19 : memref<40x128xi32, #tpu.memory_space<vmem>> -> memref<80x128xbf16, #tpu.memory_space<vmem>>
          %parallel_loop3A_190 = tpu.memref_reshape %parallel_loop3A_189 : memref<80x128xbf16, #tpu.memory_space<vmem>> -> memref<40x2x128xbf16, #tpu.memory_space<vmem>>
          %parallel_loop3A_191 = arith.index_cast %parallel_loop3A_164 : i32 to index
          %parallel_loop3A_192 = arith.index_cast %parallel_loop3A_188 : i32 to index
          %parallel_loop3A_193 = arith.constant 64 : index
          %parallel_loop3A_194 = tpu.vector_load %parallel_loop3A_190[%parallel_loop3A_191, %parallel_loop3A_192, %parallel_loop3A_193] {strides = array<i32>} : memref<40x2x128xbf16, #tpu.memory_space<vmem>>, vector<1x1x64xbf16>,
          %parallel_loop3A_195 = vector.shape_cast %parallel_loop3A_194 : vector<1x1x64xbf16> to vector<64xbf16>
          %parallel_loop3A_196 = arith.extf %parallel_loop3A_195 : vector<64xbf16> to vector<64xf32>
          %parallel_loop3A_197 = arith.index_cast %parallel_loop3A_168 : i32 to index
          %parallel_loop3A_198 = arith.constant 64 : index
          %parallel_loop3A_199 = tpu.vector_load %arg17[%parallel_loop3A_197, %parallel_loop3A_198] {strides = array<i32>} : memref<80x128xf32, #tpu.memory_space<vmem>>, vector<1x64xf32>,
          %parallel_loop3A_200 = vector.shape_cast %parallel_loop3A_199 : vector<1x64xf32> to vector<64xf32>
          %parallel_loop3A_201 = arith.mulf %parallel_loop3A_200, %parallel_loop3A_196 : vector<64xf32>
          %parallel_loop3A_202 = arith.index_cast %parallel_loop3A_168 : i32 to index
          %parallel_loop3A_203 = arith.constant 64 : index
          %parallel_loop3A_204 = tpu.vector_load %arg17[%parallel_loop3A_202, %parallel_loop3A_203] {strides = array<i32>} : memref<80x128xf32, #tpu.memory_space<vmem>>, vector<1x64xf32>,
          %parallel_loop3A_205 = vector.shape_cast %parallel_loop3A_204 : vector<1x64xf32> to vector<64xf32>
          %parallel_loop3A_206 = vector.shape_cast %parallel_loop3A_201 : vector<64xf32> to vector<1x64xf32>
          tpu.vector_store %arg17[%parallel_loop3A_202, %parallel_loop3A_203], %parallel_loop3A_206 {strides = array<i32>} : memref<80x128xf32, #tpu.memory_space<vmem>>, vector<1x64xf32>,
          %parallel_loop3A_207 = arith.constant 2 : i32
          %parallel_loop3A_208 = arith.muli %parallel_loop3A_164, %parallel_loop3A_207 : i32
          %parallel_loop3A_209 = arith.constant 1 : i32
          %parallel_loop3A_210 = arith.addi %parallel_loop3A_208, %parallel_loop3A_209 : i32
          %parallel_loop3A_211 = arith.constant 1 : i32
          %parallel_loop3A_212 = tpu.memref_bitcast %arg19 : memref<40x128xi32, #tpu.memory_space<vmem>> -> memref<80x128xbf16, #tpu.memory_space<vmem>>
          %parallel_loop3A_213 = tpu.memref_reshape %parallel_loop3A_212 : memref<80x128xbf16, #tpu.memory_space<vmem>> -> memref<40x2x128xbf16, #tpu.memory_space<vmem>>
          %parallel_loop3A_214 = arith.index_cast %parallel_loop3A_164 : i32 to index
          %parallel_loop3A_215 = arith.index_cast %parallel_loop3A_211 : i32 to index
          %parallel_loop3A_216 = arith.constant 0 : index
          %parallel_loop3A_217 = tpu.vector_load %parallel_loop3A_213[%parallel_loop3A_214, %parallel_loop3A_215, %parallel_loop3A_216] {strides = array<i32>} : memref<40x2x128xbf16, #tpu.memory_space<vmem>>, vector<1x1x64xbf16>,
          %parallel_loop3A_218 = vector.shape_cast %parallel_loop3A_217 : vector<1x1x64xbf16> to vector<64xbf16>
          %parallel_loop3A_219 = arith.extf %parallel_loop3A_218 : vector<64xbf16> to vector<64xf32>
          %parallel_loop3A_220 = arith.index_cast %parallel_loop3A_210 : i32 to index
          %parallel_loop3A_221 = arith.constant 0 : index
          %parallel_loop3A_222 = tpu.vector_load %arg17[%parallel_loop3A_220, %parallel_loop3A_221] {strides = array<i32>} : memref<80x128xf32, #tpu.memory_space<vmem>>, vector<1x64xf32>,
          %parallel_loop3A_223 = vector.shape_cast %parallel_loop3A_222 : vector<1x64xf32> to vector<64xf32>
          %parallel_loop3A_224 = arith.mulf %parallel_loop3A_223, %parallel_loop3A_219 : vector<64xf32>
          %parallel_loop3A_225 = arith.index_cast %parallel_loop3A_210 : i32 to index
          %parallel_loop3A_226 = arith.constant 0 : index
          %parallel_loop3A_227 = tpu.vector_load %arg17[%parallel_loop3A_225, %parallel_loop3A_226] {strides = array<i32>} : memref<80x128xf32, #tpu.memory_space<vmem>>, vector<1x64xf32>,
          %parallel_loop3A_228 = vector.shape_cast %parallel_loop3A_227 : vector<1x64xf32> to vector<64xf32>
          %parallel_loop3A_229 = vector.shape_cast %parallel_loop3A_224 : vector<64xf32> to vector<1x64xf32>
          tpu.vector_store %arg17[%parallel_loop3A_225, %parallel_loop3A_226], %parallel_loop3A_229 {strides = array<i32>} : memref<80x128xf32, #tpu.memory_space<vmem>>, vector<1x64xf32>,
          %parallel_loop3A_230 = arith.constant 1 : i32
          %parallel_loop3A_231 = tpu.memref_bitcast %arg19 : memref<40x128xi32, #tpu.memory_space<vmem>> -> memref<80x128xbf16, #tpu.memory_space<vmem>>
          %parallel_loop3A_232 = tpu.memref_reshape %parallel_loop3A_231 : memref<80x128xbf16, #tpu.memory_space<vmem>> -> memref<40x2x128xbf16, #tpu.memory_space<vmem>>
          %parallel_loop3A_233 = arith.index_cast %parallel_loop3A_164 : i32 to index
          %parallel_loop3A_234 = arith.index_cast %parallel_loop3A_230 : i32 to index
          %parallel_loop3A_235 = arith.constant 64 : index
          %parallel_loop3A_236 = tpu.vector_load %parallel_loop3A_232[%parallel_loop3A_233, %parallel_loop3A_234, %parallel_loop3A_235] {strides = array<i32>} : memref<40x2x128xbf16, #tpu.memory_space<vmem>>, vector<1x1x64xbf16>,
          %parallel_loop3A_237 = vector.shape_cast %parallel_loop3A_236 : vector<1x1x64xbf16> to vector<64xbf16>
          %parallel_loop3A_238 = arith.extf %parallel_loop3A_237 : vector<64xbf16> to vector<64xf32>
          %parallel_loop3A_239 = arith.index_cast %parallel_loop3A_210 : i32 to index
          %parallel_loop3A_240 = arith.constant 64 : index
          %parallel_loop3A_241 = tpu.vector_load %arg17[%parallel_loop3A_239, %parallel_loop3A_240] {strides = array<i32>} : memref<80x128xf32, #tpu.memory_space<vmem>>, vector<1x64xf32>,
          %parallel_loop3A_242 = vector.shape_cast %parallel_loop3A_241 : vector<1x64xf32> to vector<64xf32>
          %parallel_loop3A_243 = arith.mulf %parallel_loop3A_242, %parallel_loop3A_238 : vector<64xf32>
          %parallel_loop3A_244 = arith.index_cast %parallel_loop3A_210 : i32 to index
          %parallel_loop3A_245 = arith.constant 64 : index
          %parallel_loop3A_246 = tpu.vector_load %arg17[%parallel_loop3A_244, %parallel_loop3A_245] {strides = array<i32>} : memref<80x128xf32, #tpu.memory_space<vmem>>, vector<1x64xf32>,
          %parallel_loop3A_247 = vector.shape_cast %parallel_loop3A_246 : vector<1x64xf32> to vector<64xf32>
          %parallel_loop3A_248 = vector.shape_cast %parallel_loop3A_243 : vector<64xf32> to vector<1x64xf32>
          tpu.vector_store %arg17[%parallel_loop3A_244, %parallel_loop3A_245], %parallel_loop3A_248 {strides = array<i32>} : memref<80x128xf32, #tpu.memory_space<vmem>>, vector<1x64xf32>,
        } {sc.loop_unroll_factor = 2 : i64, sc.parallel_access}
        "tpu.region"() ({
          %run_scoped3A = tpu.sem_alloc : memref<!tpu.dma_semaphore, #tpu.memory_space<semaphore_mem>>
          %dma_start3A_164 = arith.constant 0 : i32
          %dma_start3A_165 = arith.constant 0 : i32
          %dma_start3A_166 = tpu.memref_slice %arg21[%dma_start3A_164, %dma_start3A_165] : memref<10000x128xf32, #tpu.memory_space<vmem_shared>> -> memref<10000x128xf32, #tpu.memory_space<vmem_shared>>
          tpu.enqueue_indirect_dma source(%arg17 : memref<80x128xf32, #tpu.memory_space<vmem>>) target(%dma_start3A_166 : memref<10000x128xf32, #tpu.memory_space<vmem_shared>>) offsets(%arg13 : memref<80xi32, #tpu.memory_space<vmem>>) semaphore(%run_scoped3A : memref<!tpu.dma_semaphore, #tpu.memory_space<semaphore_mem>>) {add = true}
          %dma_wait3A_167 = arith.constant 0 : i32
          %dma_wait3A_168 = arith.constant 0 : i32
          %dma_wait3A_169 = tpu.memref_slice %arg21[%dma_wait3A_167, %dma_wait3A_168] : memref<10000x128xf32, #tpu.memory_space<vmem_shared>> -> memref<10000x128xf32, #tpu.memory_space<vmem_shared>>
          tpu.wait_indirect_dma semaphore(%run_scoped3A : memref<!tpu.dma_semaphore, #tpu.memory_space<semaphore_mem>>) src(%arg17 : memref<80x128xf32, #tpu.memory_space<vmem>>) dst(%dma_wait3A_169 : memref<10000x128xf32, #tpu.memory_space<vmem_shared>>)
          tpu.yield
        }) : () -> ()
        %add3A_151 = arith.constant 2 : i32
        %add3A_152 = arith.addi %scan3A_111, %add3A_151 : i32
        %lt3A = arith.constant 50 : i32
        %lt3A_153 = arith.cmpi slt, %add3A_152, %lt3A : i32
        %convert_element_type3A_154 = arith.extui %lt3A_153 : i1 to i32
        %cond3A_155 = arith.constant 0 : i32
        %cond3A_156 = arith.cmpi ne, %convert_element_type3A_154, %cond3A_155 : i32
        scf.if %cond3A_156 {
          %add3A_164 = arith.constant 2 : i32
          %add3A_165 = arith.addi %scan3A_111, %add3A_164 : i32
          %mul3A_166 = arith.constant 50 : i32
          %mul3A_167 = arith.muli %add3A, %mul3A_166 : i32
          %add3A_168 = arith.addi %mul3A_167, %add3A_165 : i32
          %mul3A_169 = arith.constant 80 : i32
          %mul3A_170 = arith.muli %add3A_168, %mul3A_169 : i32
          %add3A_171 = arith.constant 192000 : i32
          %add3A_172 = arith.addi %add3A_171, %mul3A_170 : i32
          %dma_wait3A_173 = tpu.memref_slice %arg2[%add3A_172] : memref<320000xi32, #tpu.memory_space<hbm>> -> memref<80xi32, #tpu.memory_space<hbm>>
          %dma_wait3A_174 = tpu.memref_slice %arg2[%add3A_172] : memref<320000xi32, #tpu.memory_space<hbm>> -> memref<80xi32, #tpu.memory_space<hbm>>
          tpu.wait_dma2 semaphore(%arg24 : memref<!tpu.dma_semaphore, #tpu.memory_space<semaphore_mem>>) src(%dma_wait3A_174 : memref<80xi32, #tpu.memory_space<hbm>>) dst(%arg11 : memref<80xi32, #tpu.memory_space<vmem>>)
          %dma_wait3A_175 = tpu.memref_slice %arg3[%add3A_172] : memref<320000xi32, #tpu.memory_space<hbm>> -> memref<80xi32, #tpu.memory_space<hbm>>
          %dma_wait3A_176 = tpu.memref_slice %arg3[%add3A_172] : memref<320000xi32, #tpu.memory_space<hbm>> -> memref<80xi32, #tpu.memory_space<hbm>>
          tpu.wait_dma2 semaphore(%arg24 : memref<!tpu.dma_semaphore, #tpu.memory_space<semaphore_mem>>) src(%dma_wait3A_176 : memref<80xi32, #tpu.memory_space<hbm>>) dst(%arg15 : memref<80xi32, #tpu.memory_space<vmem>>)
          %add3A_177 = arith.constant 2 : i32
          %add3A_178 = arith.addi %scan3A_111, %add3A_177 : i32
          %dma_start3A_179 = arith.constant 0 : i32
          %dma_start3A_180 = arith.constant 0 : i32
          %dma_start3A_181 = tpu.memref_slice %arg5[%dma_start3A_179, %dma_start3A_180] : memref<10000x128xf32, #tpu.memory_space<hbm>> -> memref<10000x128xf32, #tpu.memory_space<hbm>>
          tpu.enqueue_indirect_dma source(%dma_start3A_181 : memref<10000x128xf32, #tpu.memory_space<hbm>>) target(%arg17 : memref<80x128xf32, #tpu.memory_space<vmem>>) offsets(%arg11 : memref<80xi32, #tpu.memory_space<vmem>>) semaphore(%arg26 : memref<!tpu.dma_semaphore, #tpu.memory_space<semaphore_mem>>)
          %mul3A_182 = arith.constant 40 : i32
          %mul3A_183 = arith.muli %add3A_178, %mul3A_182 : i32
          %add3A_184 = arith.addi %mul3A_2, %mul3A_183 : i32
          %dma_start3A_185 = arith.constant 0 : i32
          %dma_start3A_186 = tpu.memref_slice %arg4[%add3A_184, %dma_start3A_185] : memref<64000x128xi32, #tpu.memory_space<hbm>> -> memref<40x128xi32, #tpu.memory_space<hbm>>
          %dma_start3A_187 = arith.constant 0 : i32
          %dma_start3A_188 = tpu.memref_slice %arg4[%add3A_184, %dma_start3A_187] : memref<64000x128xi32, #tpu.memory_space<hbm>> -> memref<40x128xi32, #tpu.memory_space<hbm>>
          tpu.enqueue_dma source(%dma_start3A_188 : memref<40x128xi32, #tpu.memory_space<hbm>>) target(%arg19 : memref<40x128xi32, #tpu.memory_space<vmem>>) target_semaphore(%arg28 : memref<!tpu.dma_semaphore, #tpu.memory_space<semaphore_mem>>)
        } else {
        }
        %add3A_157 = arith.constant 4 : i32
        %add3A_158 = arith.addi %scan3A_111, %add3A_157 : i32
        %lt3A_159 = arith.constant 50 : i32
        %lt3A_160 = arith.cmpi slt, %add3A_158, %lt3A_159 : i32
        %convert_element_type3A_161 = arith.extui %lt3A_160 : i1 to i32
        %cond3A_162 = arith.constant 0 : i32
        %cond3A_163 = arith.cmpi ne, %convert_element_type3A_161, %cond3A_162 : i32
        scf.if %cond3A_163 {
          %add3A_164 = arith.constant 4 : i32
          %add3A_165 = arith.addi %scan3A_111, %add3A_164 : i32
          %mul3A_166 = arith.constant 50 : i32
          %mul3A_167 = arith.muli %add3A, %mul3A_166 : i32
          %add3A_168 = arith.addi %mul3A_167, %add3A_165 : i32
          %mul3A_169 = arith.constant 80 : i32
          %mul3A_170 = arith.muli %add3A_168, %mul3A_169 : i32
          %add3A_171 = arith.constant 192000 : i32
          %add3A_172 = arith.addi %add3A_171, %mul3A_170 : i32
          %dma_start3A_173 = tpu.memref_slice %arg2[%add3A_172] : memref<320000xi32, #tpu.memory_space<hbm>> -> memref<80xi32, #tpu.memory_space<hbm>>
          %dma_start3A_174 = tpu.memref_slice %arg2[%add3A_172] : memref<320000xi32, #tpu.memory_space<hbm>> -> memref<80xi32, #tpu.memory_space<hbm>>
          tpu.enqueue_dma source(%dma_start3A_174 : memref<80xi32, #tpu.memory_space<hbm>>) target(%arg9 : memref<80xi32, #tpu.memory_space<vmem>>) target_semaphore(%arg22 : memref<!tpu.dma_semaphore, #tpu.memory_space<semaphore_mem>>)
          %dma_start3A_175 = tpu.memref_slice %arg3[%add3A_172] : memref<320000xi32, #tpu.memory_space<hbm>> -> memref<80xi32, #tpu.memory_space<hbm>>
          %dma_start3A_176 = tpu.memref_slice %arg3[%add3A_172] : memref<320000xi32, #tpu.memory_space<hbm>> -> memref<80xi32, #tpu.memory_space<hbm>>
          tpu.enqueue_dma source(%dma_start3A_176 : memref<80xi32, #tpu.memory_space<hbm>>) target(%arg13 : memref<80xi32, #tpu.memory_space<vmem>>) target_semaphore(%arg22 : memref<!tpu.dma_semaphore, #tpu.memory_space<semaphore_mem>>)
        } else {
        }
      } else {
      }
      %rem3A_118 = arith.constant 4 : i32
      %rem3A_119 = arith.remsi %scan3A_111, %rem3A_118 : i32
      %eq3A_120 = arith.constant 2 : i32
      %eq3A_121 = arith.cmpi eq, %rem3A_119, %eq3A_120 : i32
      %convert_element_type3A_122 = arith.extui %eq3A_121 : i1 to i32
      %cond3A_123 = arith.constant 0 : i32
      %cond3A_124 = arith.cmpi ne, %convert_element_type3A_122, %cond3A_123 : i32
      scf.if %cond3A_124 {
        %dma_wait3A_139 = arith.constant 0 : i32
        %dma_wait3A_140 = arith.constant 0 : i32
        %dma_wait3A_141 = tpu.memref_slice %arg5[%dma_wait3A_139, %dma_wait3A_140] : memref<10000x128xf32, #tpu.memory_space<hbm>> -> memref<10000x128xf32, #tpu.memory_space<hbm>>
        tpu.wait_indirect_dma semaphore(%arg26 : memref<!tpu.dma_semaphore, #tpu.memory_space<semaphore_mem>>) src(%dma_wait3A_141 : memref<10000x128xf32, #tpu.memory_space<hbm>>) dst(%arg17 : memref<80x128xf32, #tpu.memory_space<vmem>>)
        %mul3A_142 = arith.constant 40 : i32
        %mul3A_143 = arith.muli %scan3A_111, %mul3A_142 : i32
        %add3A_144 = arith.addi %mul3A_2, %mul3A_143 : i32
        %dma_wait3A_145 = arith.constant 0 : i32
        %dma_wait3A_146 = tpu.memref_slice %arg4[%add3A_144, %dma_wait3A_145] : memref<64000x128xi32, #tpu.memory_space<hbm>> -> memref<40x128xi32, #tpu.memory_space<hbm>>
        %dma_wait3A_147 = arith.constant 0 : i32
        %dma_wait3A_148 = tpu.memref_slice %arg4[%add3A_144, %dma_wait3A_147] : memref<64000x128xi32, #tpu.memory_space<hbm>> -> memref<40x128xi32, #tpu.memory_space<hbm>>
        tpu.wait_dma2 semaphore(%arg28 : memref<!tpu.dma_semaphore, #tpu.memory_space<semaphore_mem>>) src(%dma_wait3A_148 : memref<40x128xi32, #tpu.memory_space<hbm>>) dst(%arg19 : memref<40x128xi32, #tpu.memory_space<vmem>>)
        %parallel_loop3A = arith.constant 0 : i32
        %parallel_loop3A_149 = arith.constant 40 : i32
        %parallel_loop3A_150 = arith.constant 1 : i32
        scf.for %parallel_loop3A_164 = %parallel_loop3A to %parallel_loop3A_149 step %parallel_loop3A_150  : i32 {
          %parallel_loop3A_165 = arith.constant 2 : i32
          %parallel_loop3A_166 = arith.muli %parallel_loop3A_164, %parallel_loop3A_165 : i32
          %parallel_loop3A_167 = arith.constant 0 : i32
          %parallel_loop3A_168 = arith.addi %parallel_loop3A_166, %parallel_loop3A_167 : i32
          %parallel_loop3A_169 = arith.constant 0 : i32
          %parallel_loop3A_170 = tpu.memref_bitcast %arg19 : memref<40x128xi32, #tpu.memory_space<vmem>> -> memref<80x128xbf16, #tpu.memory_space<vmem>>
          %parallel_loop3A_171 = tpu.memref_reshape %parallel_loop3A_170 : memref<80x128xbf16, #tpu.memory_space<vmem>> -> memref<40x2x128xbf16, #tpu.memory_space<vmem>>
          %parallel_loop3A_172 = arith.index_cast %parallel_loop3A_164 : i32 to index
          %parallel_loop3A_173 = arith.index_cast %parallel_loop3A_169 : i32 to index
          %parallel_loop3A_174 = arith.constant 0 : index
          %parallel_loop3A_175 = tpu.vector_load %parallel_loop3A_171[%parallel_loop3A_172, %parallel_loop3A_173, %parallel_loop3A_174] {strides = array<i32>} : memref<40x2x128xbf16, #tpu.memory_space<vmem>>, vector<1x1x64xbf16>,
          %parallel_loop3A_176 = vector.shape_cast %parallel_loop3A_175 : vector<1x1x64xbf16> to vector<64xbf16>
          %parallel_loop3A_177 = arith.extf %parallel_loop3A_176 : vector<64xbf16> to vector<64xf32>
          %parallel_loop3A_178 = arith.index_cast %parallel_loop3A_168 : i32 to index
          %parallel_loop3A_179 = arith.constant 0 : index
          %parallel_loop3A_180 = tpu.vector_load %arg17[%parallel_loop3A_178, %parallel_loop3A_179] {strides = array<i32>} : memref<80x128xf32, #tpu.memory_space<vmem>>, vector<1x64xf32>,
          %parallel_loop3A_181 = vector.shape_cast %parallel_loop3A_180 : vector<1x64xf32> to vector<64xf32>
          %parallel_loop3A_182 = arith.mulf %parallel_loop3A_181, %parallel_loop3A_177 : vector<64xf32>
          %parallel_loop3A_183 = arith.index_cast %parallel_loop3A_168 : i32 to index
          %parallel_loop3A_184 = arith.constant 0 : index
          %parallel_loop3A_185 = tpu.vector_load %arg17[%parallel_loop3A_183, %parallel_loop3A_184] {strides = array<i32>} : memref<80x128xf32, #tpu.memory_space<vmem>>, vector<1x64xf32>,
          %parallel_loop3A_186 = vector.shape_cast %parallel_loop3A_185 : vector<1x64xf32> to vector<64xf32>
          %parallel_loop3A_187 = vector.shape_cast %parallel_loop3A_182 : vector<64xf32> to vector<1x64xf32>
          tpu.vector_store %arg17[%parallel_loop3A_183, %parallel_loop3A_184], %parallel_loop3A_187 {strides = array<i32>} : memref<80x128xf32, #tpu.memory_space<vmem>>, vector<1x64xf32>,
          %parallel_loop3A_188 = arith.constant 0 : i32
          %parallel_loop3A_189 = tpu.memref_bitcast %arg19 : memref<40x128xi32, #tpu.memory_space<vmem>> -> memref<80x128xbf16, #tpu.memory_space<vmem>>
          %parallel_loop3A_190 = tpu.memref_reshape %parallel_loop3A_189 : memref<80x128xbf16, #tpu.memory_space<vmem>> -> memref<40x2x128xbf16, #tpu.memory_space<vmem>>
          %parallel_loop3A_191 = arith.index_cast %parallel_loop3A_164 : i32 to index
          %parallel_loop3A_192 = arith.index_cast %parallel_loop3A_188 : i32 to index
          %parallel_loop3A_193 = arith.constant 64 : index
          %parallel_loop3A_194 = tpu.vector_load %parallel_loop3A_190[%parallel_loop3A_191, %parallel_loop3A_192, %parallel_loop3A_193] {strides = array<i32>} : memref<40x2x128xbf16, #tpu.memory_space<vmem>>, vector<1x1x64xbf16>,
          %parallel_loop3A_195 = vector.shape_cast %parallel_loop3A_194 : vector<1x1x64xbf16> to vector<64xbf16>
          %parallel_loop3A_196 = arith.extf %parallel_loop3A_195 : vector<64xbf16> to vector<64xf32>
          %parallel_loop3A_197 = arith.index_cast %parallel_loop3A_168 : i32 to index
          %parallel_loop3A_198 = arith.constant 64 : index
          %parallel_loop3A_199 = tpu.vector_load %arg17[%parallel_loop3A_197, %parallel_loop3A_198] {strides = array<i32>} : memref<80x128xf32, #tpu.memory_space<vmem>>, vector<1x64xf32>,
          %parallel_loop3A_200 = vector.shape_cast %parallel_loop3A_199 : vector<1x64xf32> to vector<64xf32>
          %parallel_loop3A_201 = arith.mulf %parallel_loop3A_200, %parallel_loop3A_196 : vector<64xf32>
          %parallel_loop3A_202 = arith.index_cast %parallel_loop3A_168 : i32 to index
          %parallel_loop3A_203 = arith.constant 64 : index
          %parallel_loop3A_204 = tpu.vector_load %arg17[%parallel_loop3A_202, %parallel_loop3A_203] {strides = array<i32>} : memref<80x128xf32, #tpu.memory_space<vmem>>, vector<1x64xf32>,
          %parallel_loop3A_205 = vector.shape_cast %parallel_loop3A_204 : vector<1x64xf32> to vector<64xf32>
          %parallel_loop3A_206 = vector.shape_cast %parallel_loop3A_201 : vector<64xf32> to vector<1x64xf32>
          tpu.vector_store %arg17[%parallel_loop3A_202, %parallel_loop3A_203], %parallel_loop3A_206 {strides = array<i32>} : memref<80x128xf32, #tpu.memory_space<vmem>>, vector<1x64xf32>,
          %parallel_loop3A_207 = arith.constant 2 : i32
          %parallel_loop3A_208 = arith.muli %parallel_loop3A_164, %parallel_loop3A_207 : i32
          %parallel_loop3A_209 = arith.constant 1 : i32
          %parallel_loop3A_210 = arith.addi %parallel_loop3A_208, %parallel_loop3A_209 : i32
          %parallel_loop3A_211 = arith.constant 1 : i32
          %parallel_loop3A_212 = tpu.memref_bitcast %arg19 : memref<40x128xi32, #tpu.memory_space<vmem>> -> memref<80x128xbf16, #tpu.memory_space<vmem>>
          %parallel_loop3A_213 = tpu.memref_reshape %parallel_loop3A_212 : memref<80x128xbf16, #tpu.memory_space<vmem>> -> memref<40x2x128xbf16, #tpu.memory_space<vmem>>
          %parallel_loop3A_214 = arith.index_cast %parallel_loop3A_164 : i32 to index
          %parallel_loop3A_215 = arith.index_cast %parallel_loop3A_211 : i32 to index
          %parallel_loop3A_216 = arith.constant 0 : index
          %parallel_loop3A_217 = tpu.vector_load %parallel_loop3A_213[%parallel_loop3A_214, %parallel_loop3A_215, %parallel_loop3A_216] {strides = array<i32>} : memref<40x2x128xbf16, #tpu.memory_space<vmem>>, vector<1x1x64xbf16>,
          %parallel_loop3A_218 = vector.shape_cast %parallel_loop3A_217 : vector<1x1x64xbf16> to vector<64xbf16>
          %parallel_loop3A_219 = arith.extf %parallel_loop3A_218 : vector<64xbf16> to vector<64xf32>
          %parallel_loop3A_220 = arith.index_cast %parallel_loop3A_210 : i32 to index
          %parallel_loop3A_221 = arith.constant 0 : index
          %parallel_loop3A_222 = tpu.vector_load %arg17[%parallel_loop3A_220, %parallel_loop3A_221] {strides = array<i32>} : memref<80x128xf32, #tpu.memory_space<vmem>>, vector<1x64xf32>,
          %parallel_loop3A_223 = vector.shape_cast %parallel_loop3A_222 : vector<1x64xf32> to vector<64xf32>
          %parallel_loop3A_224 = arith.mulf %parallel_loop3A_223, %parallel_loop3A_219 : vector<64xf32>
          %parallel_loop3A_225 = arith.index_cast %parallel_loop3A_210 : i32 to index
          %parallel_loop3A_226 = arith.constant 0 : index
          %parallel_loop3A_227 = tpu.vector_load %arg17[%parallel_loop3A_225, %parallel_loop3A_226] {strides = array<i32>} : memref<80x128xf32, #tpu.memory_space<vmem>>, vector<1x64xf32>,
          %parallel_loop3A_228 = vector.shape_cast %parallel_loop3A_227 : vector<1x64xf32> to vector<64xf32>
          %parallel_loop3A_229 = vector.shape_cast %parallel_loop3A_224 : vector<64xf32> to vector<1x64xf32>
          tpu.vector_store %arg17[%parallel_loop3A_225, %parallel_loop3A_226], %parallel_loop3A_229 {strides = array<i32>} : memref<80x128xf32, #tpu.memory_space<vmem>>, vector<1x64xf32>,
          %parallel_loop3A_230 = arith.constant 1 : i32
          %parallel_loop3A_231 = tpu.memref_bitcast %arg19 : memref<40x128xi32, #tpu.memory_space<vmem>> -> memref<80x128xbf16, #tpu.memory_space<vmem>>
          %parallel_loop3A_232 = tpu.memref_reshape %parallel_loop3A_231 : memref<80x128xbf16, #tpu.memory_space<vmem>> -> memref<40x2x128xbf16, #tpu.memory_space<vmem>>
          %parallel_loop3A_233 = arith.index_cast %parallel_loop3A_164 : i32 to index
          %parallel_loop3A_234 = arith.index_cast %parallel_loop3A_230 : i32 to index
          %parallel_loop3A_235 = arith.constant 64 : index
          %parallel_loop3A_236 = tpu.vector_load %parallel_loop3A_232[%parallel_loop3A_233, %parallel_loop3A_234, %parallel_loop3A_235] {strides = array<i32>} : memref<40x2x128xbf16, #tpu.memory_space<vmem>>, vector<1x1x64xbf16>,
          %parallel_loop3A_237 = vector.shape_cast %parallel_loop3A_236 : vector<1x1x64xbf16> to vector<64xbf16>
          %parallel_loop3A_238 = arith.extf %parallel_loop3A_237 : vector<64xbf16> to vector<64xf32>
          %parallel_loop3A_239 = arith.index_cast %parallel_loop3A_210 : i32 to index
          %parallel_loop3A_240 = arith.constant 64 : index
          %parallel_loop3A_241 = tpu.vector_load %arg17[%parallel_loop3A_239, %parallel_loop3A_240] {strides = array<i32>} : memref<80x128xf32, #tpu.memory_space<vmem>>, vector<1x64xf32>,
          %parallel_loop3A_242 = vector.shape_cast %parallel_loop3A_241 : vector<1x64xf32> to vector<64xf32>
          %parallel_loop3A_243 = arith.mulf %parallel_loop3A_242, %parallel_loop3A_238 : vector<64xf32>
          %parallel_loop3A_244 = arith.index_cast %parallel_loop3A_210 : i32 to index
          %parallel_loop3A_245 = arith.constant 64 : index
          %parallel_loop3A_246 = tpu.vector_load %arg17[%parallel_loop3A_244, %parallel_loop3A_245] {strides = array<i32>} : memref<80x128xf32, #tpu.memory_space<vmem>>, vector<1x64xf32>,
          %parallel_loop3A_247 = vector.shape_cast %parallel_loop3A_246 : vector<1x64xf32> to vector<64xf32>
          %parallel_loop3A_248 = vector.shape_cast %parallel_loop3A_243 : vector<64xf32> to vector<1x64xf32>
          tpu.vector_store %arg17[%parallel_loop3A_244, %parallel_loop3A_245], %parallel_loop3A_248 {strides = array<i32>} : memref<80x128xf32, #tpu.memory_space<vmem>>, vector<1x64xf32>,
        } {sc.loop_unroll_factor = 2 : i64, sc.parallel_access}
        "tpu.region"() ({
          %run_scoped3A = tpu.sem_alloc : memref<!tpu.dma_semaphore, #tpu.memory_space<semaphore_mem>>
          %dma_start3A_164 = arith.constant 0 : i32
          %dma_start3A_165 = arith.constant 0 : i32
          %dma_start3A_166 = tpu.memref_slice %arg21[%dma_start3A_164, %dma_start3A_165] : memref<10000x128xf32, #tpu.memory_space<vmem_shared>> -> memref<10000x128xf32, #tpu.memory_space<vmem_shared>>
          tpu.enqueue_indirect_dma source(%arg17 : memref<80x128xf32, #tpu.memory_space<vmem>>) target(%dma_start3A_166 : memref<10000x128xf32, #tpu.memory_space<vmem_shared>>) offsets(%arg15 : memref<80xi32, #tpu.memory_space<vmem>>) semaphore(%run_scoped3A : memref<!tpu.dma_semaphore, #tpu.memory_space<semaphore_mem>>) {add = true}
          %dma_wait3A_167 = arith.constant 0 : i32
          %dma_wait3A_168 = arith.constant 0 : i32
          %dma_wait3A_169 = tpu.memref_slice %arg21[%dma_wait3A_167, %dma_wait3A_168] : memref<10000x128xf32, #tpu.memory_space<vmem_shared>> -> memref<10000x128xf32, #tpu.memory_space<vmem_shared>>
          tpu.wait_indirect_dma semaphore(%run_scoped3A : memref<!tpu.dma_semaphore, #tpu.memory_space<semaphore_mem>>) src(%arg17 : memref<80x128xf32, #tpu.memory_space<vmem>>) dst(%dma_wait3A_169 : memref<10000x128xf32, #tpu.memory_space<vmem_shared>>)
          tpu.yield
        }) : () -> ()
        %add3A_151 = arith.constant 2 : i32
        %add3A_152 = arith.addi %scan3A_111, %add3A_151 : i32
        %lt3A = arith.constant 50 : i32
        %lt3A_153 = arith.cmpi slt, %add3A_152, %lt3A : i32
        %convert_element_type3A_154 = arith.extui %lt3A_153 : i1 to i32
        %cond3A_155 = arith.constant 0 : i32
        %cond3A_156 = arith.cmpi ne, %convert_element_type3A_154, %cond3A_155 : i32
        scf.if %cond3A_156 {
          %add3A_164 = arith.constant 2 : i32
          %add3A_165 = arith.addi %scan3A_111, %add3A_164 : i32
          %mul3A_166 = arith.constant 50 : i32
          %mul3A_167 = arith.muli %add3A, %mul3A_166 : i32
          %add3A_168 = arith.addi %mul3A_167, %add3A_165 : i32
          %mul3A_169 = arith.constant 80 : i32
          %mul3A_170 = arith.muli %add3A_168, %mul3A_169 : i32
          %add3A_171 = arith.constant 192000 : i32
          %add3A_172 = arith.addi %add3A_171, %mul3A_170 : i32
          %dma_wait3A_173 = tpu.memref_slice %arg2[%add3A_172] : memref<320000xi32, #tpu.memory_space<hbm>> -> memref<80xi32, #tpu.memory_space<hbm>>
          %dma_wait3A_174 = tpu.memref_slice %arg2[%add3A_172] : memref<320000xi32, #tpu.memory_space<hbm>> -> memref<80xi32, #tpu.memory_space<hbm>>
          tpu.wait_dma2 semaphore(%arg22 : memref<!tpu.dma_semaphore, #tpu.memory_space<semaphore_mem>>) src(%dma_wait3A_174 : memref<80xi32, #tpu.memory_space<hbm>>) dst(%arg9 : memref<80xi32, #tpu.memory_space<vmem>>)
          %dma_wait3A_175 = tpu.memref_slice %arg3[%add3A_172] : memref<320000xi32, #tpu.memory_space<hbm>> -> memref<80xi32, #tpu.memory_space<hbm>>
          %dma_wait3A_176 = tpu.memref_slice %arg3[%add3A_172] : memref<320000xi32, #tpu.memory_space<hbm>> -> memref<80xi32, #tpu.memory_space<hbm>>
          tpu.wait_dma2 semaphore(%arg22 : memref<!tpu.dma_semaphore, #tpu.memory_space<semaphore_mem>>) src(%dma_wait3A_176 : memref<80xi32, #tpu.memory_space<hbm>>) dst(%arg13 : memref<80xi32, #tpu.memory_space<vmem>>)
          %add3A_177 = arith.constant 2 : i32
          %add3A_178 = arith.addi %scan3A_111, %add3A_177 : i32
          %dma_start3A_179 = arith.constant 0 : i32
          %dma_start3A_180 = arith.constant 0 : i32
          %dma_start3A_181 = tpu.memref_slice %arg5[%dma_start3A_179, %dma_start3A_180] : memref<10000x128xf32, #tpu.memory_space<hbm>> -> memref<10000x128xf32, #tpu.memory_space<hbm>>
          tpu.enqueue_indirect_dma source(%dma_start3A_181 : memref<10000x128xf32, #tpu.memory_space<hbm>>) target(%arg17 : memref<80x128xf32, #tpu.memory_space<vmem>>) offsets(%arg9 : memref<80xi32, #tpu.memory_space<vmem>>) semaphore(%arg26 : memref<!tpu.dma_semaphore, #tpu.memory_space<semaphore_mem>>)
          %mul3A_182 = arith.constant 40 : i32
          %mul3A_183 = arith.muli %add3A_178, %mul3A_182 : i32
          %add3A_184 = arith.addi %mul3A_2, %mul3A_183 : i32
          %dma_start3A_185 = arith.constant 0 : i32
          %dma_start3A_186 = tpu.memref_slice %arg4[%add3A_184, %dma_start3A_185] : memref<64000x128xi32, #tpu.memory_space<hbm>> -> memref<40x128xi32, #tpu.memory_space<hbm>>
          %dma_start3A_187 = arith.constant 0 : i32
          %dma_start3A_188 = tpu.memref_slice %arg4[%add3A_184, %dma_start3A_187] : memref<64000x128xi32, #tpu.memory_space<hbm>> -> memref<40x128xi32, #tpu.memory_space<hbm>>
          tpu.enqueue_dma source(%dma_start3A_188 : memref<40x128xi32, #tpu.memory_space<hbm>>) target(%arg19 : memref<40x128xi32, #tpu.memory_space<vmem>>) target_semaphore(%arg28 : memref<!tpu.dma_semaphore, #tpu.memory_space<semaphore_mem>>)
        } else {
        }
        %add3A_157 = arith.constant 4 : i32
        %add3A_158 = arith.addi %scan3A_111, %add3A_157 : i32
        %lt3A_159 = arith.constant 50 : i32
        %lt3A_160 = arith.cmpi slt, %add3A_158, %lt3A_159 : i32
        %convert_element_type3A_161 = arith.extui %lt3A_160 : i1 to i32
        %cond3A_162 = arith.constant 0 : i32
        %cond3A_163 = arith.cmpi ne, %convert_element_type3A_161, %cond3A_162 : i32
        scf.if %cond3A_163 {
          %add3A_164 = arith.constant 4 : i32
          %add3A_165 = arith.addi %scan3A_111, %add3A_164 : i32
          %mul3A_166 = arith.constant 50 : i32
          %mul3A_167 = arith.muli %add3A, %mul3A_166 : i32
          %add3A_168 = arith.addi %mul3A_167, %add3A_165 : i32
          %mul3A_169 = arith.constant 80 : i32
          %mul3A_170 = arith.muli %add3A_168, %mul3A_169 : i32
          %add3A_171 = arith.constant 192000 : i32
          %add3A_172 = arith.addi %add3A_171, %mul3A_170 : i32
          %dma_start3A_173 = tpu.memref_slice %arg2[%add3A_172] : memref<320000xi32, #tpu.memory_space<hbm>> -> memref<80xi32, #tpu.memory_space<hbm>>
          %dma_start3A_174 = tpu.memref_slice %arg2[%add3A_172] : memref<320000xi32, #tpu.memory_space<hbm>> -> memref<80xi32, #tpu.memory_space<hbm>>
          tpu.enqueue_dma source(%dma_start3A_174 : memref<80xi32, #tpu.memory_space<hbm>>) target(%arg11 : memref<80xi32, #tpu.memory_space<vmem>>) target_semaphore(%arg24 : memref<!tpu.dma_semaphore, #tpu.memory_space<semaphore_mem>>)
          %dma_start3A_175 = tpu.memref_slice %arg3[%add3A_172] : memref<320000xi32, #tpu.memory_space<hbm>> -> memref<80xi32, #tpu.memory_space<hbm>>
          %dma_start3A_176 = tpu.memref_slice %arg3[%add3A_172] : memref<320000xi32, #tpu.memory_space<hbm>> -> memref<80xi32, #tpu.memory_space<hbm>>
          tpu.enqueue_dma source(%dma_start3A_176 : memref<80xi32, #tpu.memory_space<hbm>>) target(%arg15 : memref<80xi32, #tpu.memory_space<vmem>>) target_semaphore(%arg24 : memref<!tpu.dma_semaphore, #tpu.memory_space<semaphore_mem>>)
        } else {
        }
      } else {
      }
      %rem3A_125 = arith.constant 4 : i32
      %rem3A_126 = arith.remsi %scan3A_111, %rem3A_125 : i32
      %eq3A_127 = arith.constant 1 : i32
      %eq3A_128 = arith.cmpi eq, %rem3A_126, %eq3A_127 : i32
      %convert_element_type3A_129 = arith.extui %eq3A_128 : i1 to i32
      %cond3A_130 = arith.constant 0 : i32
      %cond3A_131 = arith.cmpi ne, %convert_element_type3A_129, %cond3A_130 : i32
      scf.if %cond3A_131 {
        %dma_wait3A_139 = arith.constant 0 : i32
        %dma_wait3A_140 = arith.constant 0 : i32
        %dma_wait3A_141 = tpu.memref_slice %arg5[%dma_wait3A_139, %dma_wait3A_140] : memref<10000x128xf32, #tpu.memory_space<hbm>> -> memref<10000x128xf32, #tpu.memory_space<hbm>>
        tpu.wait_indirect_dma semaphore(%arg27 : memref<!tpu.dma_semaphore, #tpu.memory_space<semaphore_mem>>) src(%dma_wait3A_141 : memref<10000x128xf32, #tpu.memory_space<hbm>>) dst(%arg18 : memref<80x128xf32, #tpu.memory_space<vmem>>)
        %mul3A_142 = arith.constant 40 : i32
        %mul3A_143 = arith.muli %scan3A_111, %mul3A_142 : i32
        %add3A_144 = arith.addi %mul3A_2, %mul3A_143 : i32
        %dma_wait3A_145 = arith.constant 0 : i32
        %dma_wait3A_146 = tpu.memref_slice %arg4[%add3A_144, %dma_wait3A_145] : memref<64000x128xi32, #tpu.memory_space<hbm>> -> memref<40x128xi32, #tpu.memory_space<hbm>>
        %dma_wait3A_147 = arith.constant 0 : i32
        %dma_wait3A_148 = tpu.memref_slice %arg4[%add3A_144, %dma_wait3A_147] : memref<64000x128xi32, #tpu.memory_space<hbm>> -> memref<40x128xi32, #tpu.memory_space<hbm>>
        tpu.wait_dma2 semaphore(%arg29 : memref<!tpu.dma_semaphore, #tpu.memory_space<semaphore_mem>>) src(%dma_wait3A_148 : memref<40x128xi32, #tpu.memory_space<hbm>>) dst(%arg20 : memref<40x128xi32, #tpu.memory_space<vmem>>)
        %parallel_loop3A = arith.constant 0 : i32
        %parallel_loop3A_149 = arith.constant 40 : i32
        %parallel_loop3A_150 = arith.constant 1 : i32
        scf.for %parallel_loop3A_164 = %parallel_loop3A to %parallel_loop3A_149 step %parallel_loop3A_150  : i32 {
          %parallel_loop3A_165 = arith.constant 2 : i32
          %parallel_loop3A_166 = arith.muli %parallel_loop3A_164, %parallel_loop3A_165 : i32
          %parallel_loop3A_167 = arith.constant 0 : i32
          %parallel_loop3A_168 = arith.addi %parallel_loop3A_166, %parallel_loop3A_167 : i32
          %parallel_loop3A_169 = arith.constant 0 : i32
          %parallel_loop3A_170 = tpu.memref_bitcast %arg20 : memref<40x128xi32, #tpu.memory_space<vmem>> -> memref<80x128xbf16, #tpu.memory_space<vmem>>
          %parallel_loop3A_171 = tpu.memref_reshape %parallel_loop3A_170 : memref<80x128xbf16, #tpu.memory_space<vmem>> -> memref<40x2x128xbf16, #tpu.memory_space<vmem>>
          %parallel_loop3A_172 = arith.index_cast %parallel_loop3A_164 : i32 to index
          %parallel_loop3A_173 = arith.index_cast %parallel_loop3A_169 : i32 to index
          %parallel_loop3A_174 = arith.constant 0 : index
          %parallel_loop3A_175 = tpu.vector_load %parallel_loop3A_171[%parallel_loop3A_172, %parallel_loop3A_173, %parallel_loop3A_174] {strides = array<i32>} : memref<40x2x128xbf16, #tpu.memory_space<vmem>>, vector<1x1x64xbf16>,
          %parallel_loop3A_176 = vector.shape_cast %parallel_loop3A_175 : vector<1x1x64xbf16> to vector<64xbf16>
          %parallel_loop3A_177 = arith.extf %parallel_loop3A_176 : vector<64xbf16> to vector<64xf32>
          %parallel_loop3A_178 = arith.index_cast %parallel_loop3A_168 : i32 to index
          %parallel_loop3A_179 = arith.constant 0 : index
          %parallel_loop3A_180 = tpu.vector_load %arg18[%parallel_loop3A_178, %parallel_loop3A_179] {strides = array<i32>} : memref<80x128xf32, #tpu.memory_space<vmem>>, vector<1x64xf32>,
          %parallel_loop3A_181 = vector.shape_cast %parallel_loop3A_180 : vector<1x64xf32> to vector<64xf32>
          %parallel_loop3A_182 = arith.mulf %parallel_loop3A_181, %parallel_loop3A_177 : vector<64xf32>
          %parallel_loop3A_183 = arith.index_cast %parallel_loop3A_168 : i32 to index
          %parallel_loop3A_184 = arith.constant 0 : index
          %parallel_loop3A_185 = tpu.vector_load %arg18[%parallel_loop3A_183, %parallel_loop3A_184] {strides = array<i32>} : memref<80x128xf32, #tpu.memory_space<vmem>>, vector<1x64xf32>,
          %parallel_loop3A_186 = vector.shape_cast %parallel_loop3A_185 : vector<1x64xf32> to vector<64xf32>
          %parallel_loop3A_187 = vector.shape_cast %parallel_loop3A_182 : vector<64xf32> to vector<1x64xf32>
          tpu.vector_store %arg18[%parallel_loop3A_183, %parallel_loop3A_184], %parallel_loop3A_187 {strides = array<i32>} : memref<80x128xf32, #tpu.memory_space<vmem>>, vector<1x64xf32>,
          %parallel_loop3A_188 = arith.constant 0 : i32
          %parallel_loop3A_189 = tpu.memref_bitcast %arg20 : memref<40x128xi32, #tpu.memory_space<vmem>> -> memref<80x128xbf16, #tpu.memory_space<vmem>>
          %parallel_loop3A_190 = tpu.memref_reshape %parallel_loop3A_189 : memref<80x128xbf16, #tpu.memory_space<vmem>> -> memref<40x2x128xbf16, #tpu.memory_space<vmem>>
          %parallel_loop3A_191 = arith.index_cast %parallel_loop3A_164 : i32 to index
          %parallel_loop3A_192 = arith.index_cast %parallel_loop3A_188 : i32 to index
          %parallel_loop3A_193 = arith.constant 64 : index
          %parallel_loop3A_194 = tpu.vector_load %parallel_loop3A_190[%parallel_loop3A_191, %parallel_loop3A_192, %parallel_loop3A_193] {strides = array<i32>} : memref<40x2x128xbf16, #tpu.memory_space<vmem>>, vector<1x1x64xbf16>,
          %parallel_loop3A_195 = vector.shape_cast %parallel_loop3A_194 : vector<1x1x64xbf16> to vector<64xbf16>
          %parallel_loop3A_196 = arith.extf %parallel_loop3A_195 : vector<64xbf16> to vector<64xf32>
          %parallel_loop3A_197 = arith.index_cast %parallel_loop3A_168 : i32 to index
          %parallel_loop3A_198 = arith.constant 64 : index
          %parallel_loop3A_199 = tpu.vector_load %arg18[%parallel_loop3A_197, %parallel_loop3A_198] {strides = array<i32>} : memref<80x128xf32, #tpu.memory_space<vmem>>, vector<1x64xf32>,
          %parallel_loop3A_200 = vector.shape_cast %parallel_loop3A_199 : vector<1x64xf32> to vector<64xf32>
          %parallel_loop3A_201 = arith.mulf %parallel_loop3A_200, %parallel_loop3A_196 : vector<64xf32>
          %parallel_loop3A_202 = arith.index_cast %parallel_loop3A_168 : i32 to index
          %parallel_loop3A_203 = arith.constant 64 : index
          %parallel_loop3A_204 = tpu.vector_load %arg18[%parallel_loop3A_202, %parallel_loop3A_203] {strides = array<i32>} : memref<80x128xf32, #tpu.memory_space<vmem>>, vector<1x64xf32>,
          %parallel_loop3A_205 = vector.shape_cast %parallel_loop3A_204 : vector<1x64xf32> to vector<64xf32>
          %parallel_loop3A_206 = vector.shape_cast %parallel_loop3A_201 : vector<64xf32> to vector<1x64xf32>
          tpu.vector_store %arg18[%parallel_loop3A_202, %parallel_loop3A_203], %parallel_loop3A_206 {strides = array<i32>} : memref<80x128xf32, #tpu.memory_space<vmem>>, vector<1x64xf32>,
          %parallel_loop3A_207 = arith.constant 2 : i32
          %parallel_loop3A_208 = arith.muli %parallel_loop3A_164, %parallel_loop3A_207 : i32
          %parallel_loop3A_209 = arith.constant 1 : i32
          %parallel_loop3A_210 = arith.addi %parallel_loop3A_208, %parallel_loop3A_209 : i32
          %parallel_loop3A_211 = arith.constant 1 : i32
          %parallel_loop3A_212 = tpu.memref_bitcast %arg20 : memref<40x128xi32, #tpu.memory_space<vmem>> -> memref<80x128xbf16, #tpu.memory_space<vmem>>
          %parallel_loop3A_213 = tpu.memref_reshape %parallel_loop3A_212 : memref<80x128xbf16, #tpu.memory_space<vmem>> -> memref<40x2x128xbf16, #tpu.memory_space<vmem>>
          %parallel_loop3A_214 = arith.index_cast %parallel_loop3A_164 : i32 to index
          %parallel_loop3A_215 = arith.index_cast %parallel_loop3A_211 : i32 to index
          %parallel_loop3A_216 = arith.constant 0 : index
          %parallel_loop3A_217 = tpu.vector_load %parallel_loop3A_213[%parallel_loop3A_214, %parallel_loop3A_215, %parallel_loop3A_216] {strides = array<i32>} : memref<40x2x128xbf16, #tpu.memory_space<vmem>>, vector<1x1x64xbf16>,
          %parallel_loop3A_218 = vector.shape_cast %parallel_loop3A_217 : vector<1x1x64xbf16> to vector<64xbf16>
          %parallel_loop3A_219 = arith.extf %parallel_loop3A_218 : vector<64xbf16> to vector<64xf32>
          %parallel_loop3A_220 = arith.index_cast %parallel_loop3A_210 : i32 to index
          %parallel_loop3A_221 = arith.constant 0 : index
          %parallel_loop3A_222 = tpu.vector_load %arg18[%parallel_loop3A_220, %parallel_loop3A_221] {strides = array<i32>} : memref<80x128xf32, #tpu.memory_space<vmem>>, vector<1x64xf32>,
          %parallel_loop3A_223 = vector.shape_cast %parallel_loop3A_222 : vector<1x64xf32> to vector<64xf32>
          %parallel_loop3A_224 = arith.mulf %parallel_loop3A_223, %parallel_loop3A_219 : vector<64xf32>
          %parallel_loop3A_225 = arith.index_cast %parallel_loop3A_210 : i32 to index
          %parallel_loop3A_226 = arith.constant 0 : index
          %parallel_loop3A_227 = tpu.vector_load %arg18[%parallel_loop3A_225, %parallel_loop3A_226] {strides = array<i32>} : memref<80x128xf32, #tpu.memory_space<vmem>>, vector<1x64xf32>,
          %parallel_loop3A_228 = vector.shape_cast %parallel_loop3A_227 : vector<1x64xf32> to vector<64xf32>
          %parallel_loop3A_229 = vector.shape_cast %parallel_loop3A_224 : vector<64xf32> to vector<1x64xf32>
          tpu.vector_store %arg18[%parallel_loop3A_225, %parallel_loop3A_226], %parallel_loop3A_229 {strides = array<i32>} : memref<80x128xf32, #tpu.memory_space<vmem>>, vector<1x64xf32>,
          %parallel_loop3A_230 = arith.constant 1 : i32
          %parallel_loop3A_231 = tpu.memref_bitcast %arg20 : memref<40x128xi32, #tpu.memory_space<vmem>> -> memref<80x128xbf16, #tpu.memory_space<vmem>>
          %parallel_loop3A_232 = tpu.memref_reshape %parallel_loop3A_231 : memref<80x128xbf16, #tpu.memory_space<vmem>> -> memref<40x2x128xbf16, #tpu.memory_space<vmem>>
          %parallel_loop3A_233 = arith.index_cast %parallel_loop3A_164 : i32 to index
          %parallel_loop3A_234 = arith.index_cast %parallel_loop3A_230 : i32 to index
          %parallel_loop3A_235 = arith.constant 64 : index
          %parallel_loop3A_236 = tpu.vector_load %parallel_loop3A_232[%parallel_loop3A_233, %parallel_loop3A_234, %parallel_loop3A_235] {strides = array<i32>} : memref<40x2x128xbf16, #tpu.memory_space<vmem>>, vector<1x1x64xbf16>,
          %parallel_loop3A_237 = vector.shape_cast %parallel_loop3A_236 : vector<1x1x64xbf16> to vector<64xbf16>
          %parallel_loop3A_238 = arith.extf %parallel_loop3A_237 : vector<64xbf16> to vector<64xf32>
          %parallel_loop3A_239 = arith.index_cast %parallel_loop3A_210 : i32 to index
          %parallel_loop3A_240 = arith.constant 64 : index
          %parallel_loop3A_241 = tpu.vector_load %arg18[%parallel_loop3A_239, %parallel_loop3A_240] {strides = array<i32>} : memref<80x128xf32, #tpu.memory_space<vmem>>, vector<1x64xf32>,
          %parallel_loop3A_242 = vector.shape_cast %parallel_loop3A_241 : vector<1x64xf32> to vector<64xf32>
          %parallel_loop3A_243 = arith.mulf %parallel_loop3A_242, %parallel_loop3A_238 : vector<64xf32>
          %parallel_loop3A_244 = arith.index_cast %parallel_loop3A_210 : i32 to index
          %parallel_loop3A_245 = arith.constant 64 : index
          %parallel_loop3A_246 = tpu.vector_load %arg18[%parallel_loop3A_244, %parallel_loop3A_245] {strides = array<i32>} : memref<80x128xf32, #tpu.memory_space<vmem>>, vector<1x64xf32>,
          %parallel_loop3A_247 = vector.shape_cast %parallel_loop3A_246 : vector<1x64xf32> to vector<64xf32>
          %parallel_loop3A_248 = vector.shape_cast %parallel_loop3A_243 : vector<64xf32> to vector<1x64xf32>
          tpu.vector_store %arg18[%parallel_loop3A_244, %parallel_loop3A_245], %parallel_loop3A_248 {strides = array<i32>} : memref<80x128xf32, #tpu.memory_space<vmem>>, vector<1x64xf32>,
        } {sc.loop_unroll_factor = 2 : i64, sc.parallel_access}
        "tpu.region"() ({
          %run_scoped3A = tpu.sem_alloc : memref<!tpu.dma_semaphore, #tpu.memory_space<semaphore_mem>>
          %dma_start3A_164 = arith.constant 0 : i32
          %dma_start3A_165 = arith.constant 0 : i32
          %dma_start3A_166 = tpu.memref_slice %arg21[%dma_start3A_164, %dma_start3A_165] : memref<10000x128xf32, #tpu.memory_space<vmem_shared>> -> memref<10000x128xf32, #tpu.memory_space<vmem_shared>>
          tpu.enqueue_indirect_dma source(%arg18 : memref<80x128xf32, #tpu.memory_space<vmem>>) target(%dma_start3A_166 : memref<10000x128xf32, #tpu.memory_space<vmem_shared>>) offsets(%arg14 : memref<80xi32, #tpu.memory_space<vmem>>) semaphore(%run_scoped3A : memref<!tpu.dma_semaphore, #tpu.memory_space<semaphore_mem>>) {add = true}
          %dma_wait3A_167 = arith.constant 0 : i32
          %dma_wait3A_168 = arith.constant 0 : i32
          %dma_wait3A_169 = tpu.memref_slice %arg21[%dma_wait3A_167, %dma_wait3A_168] : memref<10000x128xf32, #tpu.memory_space<vmem_shared>> -> memref<10000x128xf32, #tpu.memory_space<vmem_shared>>
          tpu.wait_indirect_dma semaphore(%run_scoped3A : memref<!tpu.dma_semaphore, #tpu.memory_space<semaphore_mem>>) src(%arg18 : memref<80x128xf32, #tpu.memory_space<vmem>>) dst(%dma_wait3A_169 : memref<10000x128xf32, #tpu.memory_space<vmem_shared>>)
          tpu.yield
        }) : () -> ()
        %add3A_151 = arith.constant 2 : i32
        %add3A_152 = arith.addi %scan3A_111, %add3A_151 : i32
        %lt3A = arith.constant 50 : i32
        %lt3A_153 = arith.cmpi slt, %add3A_152, %lt3A : i32
        %convert_element_type3A_154 = arith.extui %lt3A_153 : i1 to i32
        %cond3A_155 = arith.constant 0 : i32
        %cond3A_156 = arith.cmpi ne, %convert_element_type3A_154, %cond3A_155 : i32
        scf.if %cond3A_156 {
          %add3A_164 = arith.constant 2 : i32
          %add3A_165 = arith.addi %scan3A_111, %add3A_164 : i32
          %mul3A_166 = arith.constant 50 : i32
          %mul3A_167 = arith.muli %add3A, %mul3A_166 : i32
          %add3A_168 = arith.addi %mul3A_167, %add3A_165 : i32
          %mul3A_169 = arith.constant 80 : i32
          %mul3A_170 = arith.muli %add3A_168, %mul3A_169 : i32
          %add3A_171 = arith.constant 192000 : i32
          %add3A_172 = arith.addi %add3A_171, %mul3A_170 : i32
          %dma_wait3A_173 = tpu.memref_slice %arg2[%add3A_172] : memref<320000xi32, #tpu.memory_space<hbm>> -> memref<80xi32, #tpu.memory_space<hbm>>
          %dma_wait3A_174 = tpu.memref_slice %arg2[%add3A_172] : memref<320000xi32, #tpu.memory_space<hbm>> -> memref<80xi32, #tpu.memory_space<hbm>>
          tpu.wait_dma2 semaphore(%arg25 : memref<!tpu.dma_semaphore, #tpu.memory_space<semaphore_mem>>) src(%dma_wait3A_174 : memref<80xi32, #tpu.memory_space<hbm>>) dst(%arg12 : memref<80xi32, #tpu.memory_space<vmem>>)
          %dma_wait3A_175 = tpu.memref_slice %arg3[%add3A_172] : memref<320000xi32, #tpu.memory_space<hbm>> -> memref<80xi32, #tpu.memory_space<hbm>>
          %dma_wait3A_176 = tpu.memref_slice %arg3[%add3A_172] : memref<320000xi32, #tpu.memory_space<hbm>> -> memref<80xi32, #tpu.memory_space<hbm>>
          tpu.wait_dma2 semaphore(%arg25 : memref<!tpu.dma_semaphore, #tpu.memory_space<semaphore_mem>>) src(%dma_wait3A_176 : memref<80xi32, #tpu.memory_space<hbm>>) dst(%arg16 : memref<80xi32, #tpu.memory_space<vmem>>)
          %add3A_177 = arith.constant 2 : i32
          %add3A_178 = arith.addi %scan3A_111, %add3A_177 : i32
          %dma_start3A_179 = arith.constant 0 : i32
          %dma_start3A_180 = arith.constant 0 : i32
          %dma_start3A_181 = tpu.memref_slice %arg5[%dma_start3A_179, %dma_start3A_180] : memref<10000x128xf32, #tpu.memory_space<hbm>> -> memref<10000x128xf32, #tpu.memory_space<hbm>>
          tpu.enqueue_indirect_dma source(%dma_start3A_181 : memref<10000x128xf32, #tpu.memory_space<hbm>>) target(%arg18 : memref<80x128xf32, #tpu.memory_space<vmem>>) offsets(%arg12 : memref<80xi32, #tpu.memory_space<vmem>>) semaphore(%arg27 : memref<!tpu.dma_semaphore, #tpu.memory_space<semaphore_mem>>)
          %mul3A_182 = arith.constant 40 : i32
          %mul3A_183 = arith.muli %add3A_178, %mul3A_182 : i32
          %add3A_184 = arith.addi %mul3A_2, %mul3A_183 : i32
          %dma_start3A_185 = arith.constant 0 : i32
          %dma_start3A_186 = tpu.memref_slice %arg4[%add3A_184, %dma_start3A_185] : memref<64000x128xi32, #tpu.memory_space<hbm>> -> memref<40x128xi32, #tpu.memory_space<hbm>>
          %dma_start3A_187 = arith.constant 0 : i32
          %dma_start3A_188 = tpu.memref_slice %arg4[%add3A_184, %dma_start3A_187] : memref<64000x128xi32, #tpu.memory_space<hbm>> -> memref<40x128xi32, #tpu.memory_space<hbm>>
          tpu.enqueue_dma source(%dma_start3A_188 : memref<40x128xi32, #tpu.memory_space<hbm>>) target(%arg20 : memref<40x128xi32, #tpu.memory_space<vmem>>) target_semaphore(%arg29 : memref<!tpu.dma_semaphore, #tpu.memory_space<semaphore_mem>>)
        } else {
        }
        %add3A_157 = arith.constant 4 : i32
        %add3A_158 = arith.addi %scan3A_111, %add3A_157 : i32
        %lt3A_159 = arith.constant 50 : i32
        %lt3A_160 = arith.cmpi slt, %add3A_158, %lt3A_159 : i32
        %convert_element_type3A_161 = arith.extui %lt3A_160 : i1 to i32
        %cond3A_162 = arith.constant 0 : i32
        %cond3A_163 = arith.cmpi ne, %convert_element_type3A_161, %cond3A_162 : i32
        scf.if %cond3A_163 {
          %add3A_164 = arith.constant 4 : i32
          %add3A_165 = arith.addi %scan3A_111, %add3A_164 : i32
          %mul3A_166 = arith.constant 50 : i32
          %mul3A_167 = arith.muli %add3A, %mul3A_166 : i32
          %add3A_168 = arith.addi %mul3A_167, %add3A_165 : i32
          %mul3A_169 = arith.constant 80 : i32
          %mul3A_170 = arith.muli %add3A_168, %mul3A_169 : i32
          %add3A_171 = arith.constant 192000 : i32
          %add3A_172 = arith.addi %add3A_171, %mul3A_170 : i32
          %dma_start3A_173 = tpu.memref_slice %arg2[%add3A_172] : memref<320000xi32, #tpu.memory_space<hbm>> -> memref<80xi32, #tpu.memory_space<hbm>>
          %dma_start3A_174 = tpu.memref_slice %arg2[%add3A_172] : memref<320000xi32, #tpu.memory_space<hbm>> -> memref<80xi32, #tpu.memory_space<hbm>>
          tpu.enqueue_dma source(%dma_start3A_174 : memref<80xi32, #tpu.memory_space<hbm>>) target(%arg10 : memref<80xi32, #tpu.memory_space<vmem>>) target_semaphore(%arg23 : memref<!tpu.dma_semaphore, #tpu.memory_space<semaphore_mem>>)
          %dma_start3A_175 = tpu.memref_slice %arg3[%add3A_172] : memref<320000xi32, #tpu.memory_space<hbm>> -> memref<80xi32, #tpu.memory_space<hbm>>
          %dma_start3A_176 = tpu.memref_slice %arg3[%add3A_172] : memref<320000xi32, #tpu.memory_space<hbm>> -> memref<80xi32, #tpu.memory_space<hbm>>
          tpu.enqueue_dma source(%dma_start3A_176 : memref<80xi32, #tpu.memory_space<hbm>>) target(%arg14 : memref<80xi32, #tpu.memory_space<vmem>>) target_semaphore(%arg23 : memref<!tpu.dma_semaphore, #tpu.memory_space<semaphore_mem>>)
        } else {
        }
      } else {
      }
      %rem3A_132 = arith.constant 4 : i32
      %rem3A_133 = arith.remsi %scan3A_111, %rem3A_132 : i32
      %eq3A_134 = arith.constant 3 : i32
      %eq3A_135 = arith.cmpi eq, %rem3A_133, %eq3A_134 : i32
      %convert_element_type3A_136 = arith.extui %eq3A_135 : i1 to i32
      %cond3A_137 = arith.constant 0 : i32
      %cond3A_138 = arith.cmpi ne, %convert_element_type3A_136, %cond3A_137 : i32
      scf.if %cond3A_138 {
        %dma_wait3A_139 = arith.constant 0 : i32
        %dma_wait3A_140 = arith.constant 0 : i32
        %dma_wait3A_141 = tpu.memref_slice %arg5[%dma_wait3A_139, %dma_wait3A_140] : memref<10000x128xf32, #tpu.memory_space<hbm>> -> memref<10000x128xf32, #tpu.memory_space<hbm>>
        tpu.wait_indirect_dma semaphore(%arg27 : memref<!tpu.dma_semaphore, #tpu.memory_space<semaphore_mem>>) src(%dma_wait3A_141 : memref<10000x128xf32, #tpu.memory_space<hbm>>) dst(%arg18 : memref<80x128xf32, #tpu.memory_space<vmem>>)
        %mul3A_142 = arith.constant 40 : i32
        %mul3A_143 = arith.muli %scan3A_111, %mul3A_142 : i32
        %add3A_144 = arith.addi %mul3A_2, %mul3A_143 : i32
        %dma_wait3A_145 = arith.constant 0 : i32
        %dma_wait3A_146 = tpu.memref_slice %arg4[%add3A_144, %dma_wait3A_145] : memref<64000x128xi32, #tpu.memory_space<hbm>> -> memref<40x128xi32, #tpu.memory_space<hbm>>
        %dma_wait3A_147 = arith.constant 0 : i32
        %dma_wait3A_148 = tpu.memref_slice %arg4[%add3A_144, %dma_wait3A_147] : memref<64000x128xi32, #tpu.memory_space<hbm>> -> memref<40x128xi32, #tpu.memory_space<hbm>>
        tpu.wait_dma2 semaphore(%arg29 : memref<!tpu.dma_semaphore, #tpu.memory_space<semaphore_mem>>) src(%dma_wait3A_148 : memref<40x128xi32, #tpu.memory_space<hbm>>) dst(%arg20 : memref<40x128xi32, #tpu.memory_space<vmem>>)
        %parallel_loop3A = arith.constant 0 : i32
        %parallel_loop3A_149 = arith.constant 40 : i32
        %parallel_loop3A_150 = arith.constant 1 : i32
        scf.for %parallel_loop3A_164 = %parallel_loop3A to %parallel_loop3A_149 step %parallel_loop3A_150  : i32 {
          %parallel_loop3A_165 = arith.constant 2 : i32
          %parallel_loop3A_166 = arith.muli %parallel_loop3A_164, %parallel_loop3A_165 : i32
          %parallel_loop3A_167 = arith.constant 0 : i32
          %parallel_loop3A_168 = arith.addi %parallel_loop3A_166, %parallel_loop3A_167 : i32
          %parallel_loop3A_169 = arith.constant 0 : i32
          %parallel_loop3A_170 = tpu.memref_bitcast %arg20 : memref<40x128xi32, #tpu.memory_space<vmem>> -> memref<80x128xbf16, #tpu.memory_space<vmem>>
          %parallel_loop3A_171 = tpu.memref_reshape %parallel_loop3A_170 : memref<80x128xbf16, #tpu.memory_space<vmem>> -> memref<40x2x128xbf16, #tpu.memory_space<vmem>>
          %parallel_loop3A_172 = arith.index_cast %parallel_loop3A_164 : i32 to index
          %parallel_loop3A_173 = arith.index_cast %parallel_loop3A_169 : i32 to index
          %parallel_loop3A_174 = arith.constant 0 : index
          %parallel_loop3A_175 = tpu.vector_load %parallel_loop3A_171[%parallel_loop3A_172, %parallel_loop3A_173, %parallel_loop3A_174] {strides = array<i32>} : memref<40x2x128xbf16, #tpu.memory_space<vmem>>, vector<1x1x64xbf16>,
          %parallel_loop3A_176 = vector.shape_cast %parallel_loop3A_175 : vector<1x1x64xbf16> to vector<64xbf16>
          %parallel_loop3A_177 = arith.extf %parallel_loop3A_176 : vector<64xbf16> to vector<64xf32>
          %parallel_loop3A_178 = arith.index_cast %parallel_loop3A_168 : i32 to index
          %parallel_loop3A_179 = arith.constant 0 : index
          %parallel_loop3A_180 = tpu.vector_load %arg18[%parallel_loop3A_178, %parallel_loop3A_179] {strides = array<i32>} : memref<80x128xf32, #tpu.memory_space<vmem>>, vector<1x64xf32>,
          %parallel_loop3A_181 = vector.shape_cast %parallel_loop3A_180 : vector<1x64xf32> to vector<64xf32>
          %parallel_loop3A_182 = arith.mulf %parallel_loop3A_181, %parallel_loop3A_177 : vector<64xf32>
          %parallel_loop3A_183 = arith.index_cast %parallel_loop3A_168 : i32 to index
          %parallel_loop3A_184 = arith.constant 0 : index
          %parallel_loop3A_185 = tpu.vector_load %arg18[%parallel_loop3A_183, %parallel_loop3A_184] {strides = array<i32>} : memref<80x128xf32, #tpu.memory_space<vmem>>, vector<1x64xf32>,
          %parallel_loop3A_186 = vector.shape_cast %parallel_loop3A_185 : vector<1x64xf32> to vector<64xf32>
          %parallel_loop3A_187 = vector.shape_cast %parallel_loop3A_182 : vector<64xf32> to vector<1x64xf32>
          tpu.vector_store %arg18[%parallel_loop3A_183, %parallel_loop3A_184], %parallel_loop3A_187 {strides = array<i32>} : memref<80x128xf32, #tpu.memory_space<vmem>>, vector<1x64xf32>,
          %parallel_loop3A_188 = arith.constant 0 : i32
          %parallel_loop3A_189 = tpu.memref_bitcast %arg20 : memref<40x128xi32, #tpu.memory_space<vmem>> -> memref<80x128xbf16, #tpu.memory_space<vmem>>
          %parallel_loop3A_190 = tpu.memref_reshape %parallel_loop3A_189 : memref<80x128xbf16, #tpu.memory_space<vmem>> -> memref<40x2x128xbf16, #tpu.memory_space<vmem>>
          %parallel_loop3A_191 = arith.index_cast %parallel_loop3A_164 : i32 to index
          %parallel_loop3A_192 = arith.index_cast %parallel_loop3A_188 : i32 to index
          %parallel_loop3A_193 = arith.constant 64 : index
          %parallel_loop3A_194 = tpu.vector_load %parallel_loop3A_190[%parallel_loop3A_191, %parallel_loop3A_192, %parallel_loop3A_193] {strides = array<i32>} : memref<40x2x128xbf16, #tpu.memory_space<vmem>>, vector<1x1x64xbf16>,
          %parallel_loop3A_195 = vector.shape_cast %parallel_loop3A_194 : vector<1x1x64xbf16> to vector<64xbf16>
          %parallel_loop3A_196 = arith.extf %parallel_loop3A_195 : vector<64xbf16> to vector<64xf32>
          %parallel_loop3A_197 = arith.index_cast %parallel_loop3A_168 : i32 to index
          %parallel_loop3A_198 = arith.constant 64 : index
          %parallel_loop3A_199 = tpu.vector_load %arg18[%parallel_loop3A_197, %parallel_loop3A_198] {strides = array<i32>} : memref<80x128xf32, #tpu.memory_space<vmem>>, vector<1x64xf32>,
          %parallel_loop3A_200 = vector.shape_cast %parallel_loop3A_199 : vector<1x64xf32> to vector<64xf32>
          %parallel_loop3A_201 = arith.mulf %parallel_loop3A_200, %parallel_loop3A_196 : vector<64xf32>
          %parallel_loop3A_202 = arith.index_cast %parallel_loop3A_168 : i32 to index
          %parallel_loop3A_203 = arith.constant 64 : index
          %parallel_loop3A_204 = tpu.vector_load %arg18[%parallel_loop3A_202, %parallel_loop3A_203] {strides = array<i32>} : memref<80x128xf32, #tpu.memory_space<vmem>>, vector<1x64xf32>,
          %parallel_loop3A_205 = vector.shape_cast %parallel_loop3A_204 : vector<1x64xf32> to vector<64xf32>
          %parallel_loop3A_206 = vector.shape_cast %parallel_loop3A_201 : vector<64xf32> to vector<1x64xf32>
          tpu.vector_store %arg18[%parallel_loop3A_202, %parallel_loop3A_203], %parallel_loop3A_206 {strides = array<i32>} : memref<80x128xf32, #tpu.memory_space<vmem>>, vector<1x64xf32>,
          %parallel_loop3A_207 = arith.constant 2 : i32
          %parallel_loop3A_208 = arith.muli %parallel_loop3A_164, %parallel_loop3A_207 : i32
          %parallel_loop3A_209 = arith.constant 1 : i32
          %parallel_loop3A_210 = arith.addi %parallel_loop3A_208, %parallel_loop3A_209 : i32
          %parallel_loop3A_211 = arith.constant 1 : i32
          %parallel_loop3A_212 = tpu.memref_bitcast %arg20 : memref<40x128xi32, #tpu.memory_space<vmem>> -> memref<80x128xbf16, #tpu.memory_space<vmem>>
          %parallel_loop3A_213 = tpu.memref_reshape %parallel_loop3A_212 : memref<80x128xbf16, #tpu.memory_space<vmem>> -> memref<40x2x128xbf16, #tpu.memory_space<vmem>>
          %parallel_loop3A_214 = arith.index_cast %parallel_loop3A_164 : i32 to index
          %parallel_loop3A_215 = arith.index_cast %parallel_loop3A_211 : i32 to index
          %parallel_loop3A_216 = arith.constant 0 : index
          %parallel_loop3A_217 = tpu.vector_load %parallel_loop3A_213[%parallel_loop3A_214, %parallel_loop3A_215, %parallel_loop3A_216] {strides = array<i32>} : memref<40x2x128xbf16, #tpu.memory_space<vmem>>, vector<1x1x64xbf16>,
          %parallel_loop3A_218 = vector.shape_cast %parallel_loop3A_217 : vector<1x1x64xbf16> to vector<64xbf16>
          %parallel_loop3A_219 = arith.extf %parallel_loop3A_218 : vector<64xbf16> to vector<64xf32>
          %parallel_loop3A_220 = arith.index_cast %parallel_loop3A_210 : i32 to index
          %parallel_loop3A_221 = arith.constant 0 : index
          %parallel_loop3A_222 = tpu.vector_load %arg18[%parallel_loop3A_220, %parallel_loop3A_221] {strides = array<i32>} : memref<80x128xf32, #tpu.memory_space<vmem>>, vector<1x64xf32>,
          %parallel_loop3A_223 = vector.shape_cast %parallel_loop3A_222 : vector<1x64xf32> to vector<64xf32>
          %parallel_loop3A_224 = arith.mulf %parallel_loop3A_223, %parallel_loop3A_219 : vector<64xf32>
          %parallel_loop3A_225 = arith.index_cast %parallel_loop3A_210 : i32 to index
          %parallel_loop3A_226 = arith.constant 0 : index
          %parallel_loop3A_227 = tpu.vector_load %arg18[%parallel_loop3A_225, %parallel_loop3A_226] {strides = array<i32>} : memref<80x128xf32, #tpu.memory_space<vmem>>, vector<1x64xf32>,
          %parallel_loop3A_228 = vector.shape_cast %parallel_loop3A_227 : vector<1x64xf32> to vector<64xf32>
          %parallel_loop3A_229 = vector.shape_cast %parallel_loop3A_224 : vector<64xf32> to vector<1x64xf32>
          tpu.vector_store %arg18[%parallel_loop3A_225, %parallel_loop3A_226], %parallel_loop3A_229 {strides = array<i32>} : memref<80x128xf32, #tpu.memory_space<vmem>>, vector<1x64xf32>,
          %parallel_loop3A_230 = arith.constant 1 : i32
          %parallel_loop3A_231 = tpu.memref_bitcast %arg20 : memref<40x128xi32, #tpu.memory_space<vmem>> -> memref<80x128xbf16, #tpu.memory_space<vmem>>
          %parallel_loop3A_232 = tpu.memref_reshape %parallel_loop3A_231 : memref<80x128xbf16, #tpu.memory_space<vmem>> -> memref<40x2x128xbf16, #tpu.memory_space<vmem>>
          %parallel_loop3A_233 = arith.index_cast %parallel_loop3A_164 : i32 to index
          %parallel_loop3A_234 = arith.index_cast %parallel_loop3A_230 : i32 to index
          %parallel_loop3A_235 = arith.constant 64 : index
          %parallel_loop3A_236 = tpu.vector_load %parallel_loop3A_232[%parallel_loop3A_233, %parallel_loop3A_234, %parallel_loop3A_235] {strides = array<i32>} : memref<40x2x128xbf16, #tpu.memory_space<vmem>>, vector<1x1x64xbf16>,
          %parallel_loop3A_237 = vector.shape_cast %parallel_loop3A_236 : vector<1x1x64xbf16> to vector<64xbf16>
          %parallel_loop3A_238 = arith.extf %parallel_loop3A_237 : vector<64xbf16> to vector<64xf32>
          %parallel_loop3A_239 = arith.index_cast %parallel_loop3A_210 : i32 to index
          %parallel_loop3A_240 = arith.constant 64 : index
          %parallel_loop3A_241 = tpu.vector_load %arg18[%parallel_loop3A_239, %parallel_loop3A_240] {strides = array<i32>} : memref<80x128xf32, #tpu.memory_space<vmem>>, vector<1x64xf32>,
          %parallel_loop3A_242 = vector.shape_cast %parallel_loop3A_241 : vector<1x64xf32> to vector<64xf32>
          %parallel_loop3A_243 = arith.mulf %parallel_loop3A_242, %parallel_loop3A_238 : vector<64xf32>
          %parallel_loop3A_244 = arith.index_cast %parallel_loop3A_210 : i32 to index
          %parallel_loop3A_245 = arith.constant 64 : index
          %parallel_loop3A_246 = tpu.vector_load %arg18[%parallel_loop3A_244, %parallel_loop3A_245] {strides = array<i32>} : memref<80x128xf32, #tpu.memory_space<vmem>>, vector<1x64xf32>,
          %parallel_loop3A_247 = vector.shape_cast %parallel_loop3A_246 : vector<1x64xf32> to vector<64xf32>
          %parallel_loop3A_248 = vector.shape_cast %parallel_loop3A_243 : vector<64xf32> to vector<1x64xf32>
          tpu.vector_store %arg18[%parallel_loop3A_244, %parallel_loop3A_245], %parallel_loop3A_248 {strides = array<i32>} : memref<80x128xf32, #tpu.memory_space<vmem>>, vector<1x64xf32>,
        } {sc.loop_unroll_factor = 2 : i64, sc.parallel_access}
        "tpu.region"() ({
          %run_scoped3A = tpu.sem_alloc : memref<!tpu.dma_semaphore, #tpu.memory_space<semaphore_mem>>
          %dma_start3A_164 = arith.constant 0 : i32
          %dma_start3A_165 = arith.constant 0 : i32
          %dma_start3A_166 = tpu.memref_slice %arg21[%dma_start3A_164, %dma_start3A_165] : memref<10000x128xf32, #tpu.memory_space<vmem_shared>> -> memref<10000x128xf32, #tpu.memory_space<vmem_shared>>
          tpu.enqueue_indirect_dma source(%arg18 : memref<80x128xf32, #tpu.memory_space<vmem>>) target(%dma_start3A_166 : memref<10000x128xf32, #tpu.memory_space<vmem_shared>>) offsets(%arg16 : memref<80xi32, #tpu.memory_space<vmem>>) semaphore(%run_scoped3A : memref<!tpu.dma_semaphore, #tpu.memory_space<semaphore_mem>>) {add = true}
          %dma_wait3A_167 = arith.constant 0 : i32
          %dma_wait3A_168 = arith.constant 0 : i32
          %dma_wait3A_169 = tpu.memref_slice %arg21[%dma_wait3A_167, %dma_wait3A_168] : memref<10000x128xf32, #tpu.memory_space<vmem_shared>> -> memref<10000x128xf32, #tpu.memory_space<vmem_shared>>
          tpu.wait_indirect_dma semaphore(%run_scoped3A : memref<!tpu.dma_semaphore, #tpu.memory_space<semaphore_mem>>) src(%arg18 : memref<80x128xf32, #tpu.memory_space<vmem>>) dst(%dma_wait3A_169 : memref<10000x128xf32, #tpu.memory_space<vmem_shared>>)
          tpu.yield
        }) : () -> ()
        %add3A_151 = arith.constant 2 : i32
        %add3A_152 = arith.addi %scan3A_111, %add3A_151 : i32
        %lt3A = arith.constant 50 : i32
        %lt3A_153 = arith.cmpi slt, %add3A_152, %lt3A : i32
        %convert_element_type3A_154 = arith.extui %lt3A_153 : i1 to i32
        %cond3A_155 = arith.constant 0 : i32
        %cond3A_156 = arith.cmpi ne, %convert_element_type3A_154, %cond3A_155 : i32
        scf.if %cond3A_156 {
          %add3A_164 = arith.constant 2 : i32
          %add3A_165 = arith.addi %scan3A_111, %add3A_164 : i32
          %mul3A_166 = arith.constant 50 : i32
          %mul3A_167 = arith.muli %add3A, %mul3A_166 : i32
          %add3A_168 = arith.addi %mul3A_167, %add3A_165 : i32
          %mul3A_169 = arith.constant 80 : i32
          %mul3A_170 = arith.muli %add3A_168, %mul3A_169 : i32
          %add3A_171 = arith.constant 192000 : i32
          %add3A_172 = arith.addi %add3A_171, %mul3A_170 : i32
          %dma_wait3A_173 = tpu.memref_slice %arg2[%add3A_172] : memref<320000xi32, #tpu.memory_space<hbm>> -> memref<80xi32, #tpu.memory_space<hbm>>
          %dma_wait3A_174 = tpu.memref_slice %arg2[%add3A_172] : memref<320000xi32, #tpu.memory_space<hbm>> -> memref<80xi32, #tpu.memory_space<hbm>>
          tpu.wait_dma2 semaphore(%arg23 : memref<!tpu.dma_semaphore, #tpu.memory_space<semaphore_mem>>) src(%dma_wait3A_174 : memref<80xi32, #tpu.memory_space<hbm>>) dst(%arg10 : memref<80xi32, #tpu.memory_space<vmem>>)
          %dma_wait3A_175 = tpu.memref_slice %arg3[%add3A_172] : memref<320000xi32, #tpu.memory_space<hbm>> -> memref<80xi32, #tpu.memory_space<hbm>>
          %dma_wait3A_176 = tpu.memref_slice %arg3[%add3A_172] : memref<320000xi32, #tpu.memory_space<hbm>> -> memref<80xi32, #tpu.memory_space<hbm>>
          tpu.wait_dma2 semaphore(%arg23 : memref<!tpu.dma_semaphore, #tpu.memory_space<semaphore_mem>>) src(%dma_wait3A_176 : memref<80xi32, #tpu.memory_space<hbm>>) dst(%arg14 : memref<80xi32, #tpu.memory_space<vmem>>)
          %add3A_177 = arith.constant 2 : i32
          %add3A_178 = arith.addi %scan3A_111, %add3A_177 : i32
          %dma_start3A_179 = arith.constant 0 : i32
          %dma_start3A_180 = arith.constant 0 : i32
          %dma_start3A_181 = tpu.memref_slice %arg5[%dma_start3A_179, %dma_start3A_180] : memref<10000x128xf32, #tpu.memory_space<hbm>> -> memref<10000x128xf32, #tpu.memory_space<hbm>>
          tpu.enqueue_indirect_dma source(%dma_start3A_181 : memref<10000x128xf32, #tpu.memory_space<hbm>>) target(%arg18 : memref<80x128xf32, #tpu.memory_space<vmem>>) offsets(%arg10 : memref<80xi32, #tpu.memory_space<vmem>>) semaphore(%arg27 : memref<!tpu.dma_semaphore, #tpu.memory_space<semaphore_mem>>)
          %mul3A_182 = arith.constant 40 : i32
          %mul3A_183 = arith.muli %add3A_178, %mul3A_182 : i32
          %add3A_184 = arith.addi %mul3A_2, %mul3A_183 : i32
          %dma_start3A_185 = arith.constant 0 : i32
          %dma_start3A_186 = tpu.memref_slice %arg4[%add3A_184, %dma_start3A_185] : memref<64000x128xi32, #tpu.memory_space<hbm>> -> memref<40x128xi32, #tpu.memory_space<hbm>>
          %dma_start3A_187 = arith.constant 0 : i32
          %dma_start3A_188 = tpu.memref_slice %arg4[%add3A_184, %dma_start3A_187] : memref<64000x128xi32, #tpu.memory_space<hbm>> -> memref<40x128xi32, #tpu.memory_space<hbm>>
          tpu.enqueue_dma source(%dma_start3A_188 : memref<40x128xi32, #tpu.memory_space<hbm>>) target(%arg20 : memref<40x128xi32, #tpu.memory_space<vmem>>) target_semaphore(%arg29 : memref<!tpu.dma_semaphore, #tpu.memory_space<semaphore_mem>>)
        } else {
        }
        %add3A_157 = arith.constant 4 : i32
        %add3A_158 = arith.addi %scan3A_111, %add3A_157 : i32
        %lt3A_159 = arith.constant 50 : i32
        %lt3A_160 = arith.cmpi slt, %add3A_158, %lt3A_159 : i32
        %convert_element_type3A_161 = arith.extui %lt3A_160 : i1 to i32
        %cond3A_162 = arith.constant 0 : i32
        %cond3A_163 = arith.cmpi ne, %convert_element_type3A_161, %cond3A_162 : i32
        scf.if %cond3A_163 {
          %add3A_164 = arith.constant 4 : i32
          %add3A_165 = arith.addi %scan3A_111, %add3A_164 : i32
          %mul3A_166 = arith.constant 50 : i32
          %mul3A_167 = arith.muli %add3A, %mul3A_166 : i32
          %add3A_168 = arith.addi %mul3A_167, %add3A_165 : i32
          %mul3A_169 = arith.constant 80 : i32
          %mul3A_170 = arith.muli %add3A_168, %mul3A_169 : i32
          %add3A_171 = arith.constant 192000 : i32
          %add3A_172 = arith.addi %add3A_171, %mul3A_170 : i32
          %dma_start3A_173 = tpu.memref_slice %arg2[%add3A_172] : memref<320000xi32, #tpu.memory_space<hbm>> -> memref<80xi32, #tpu.memory_space<hbm>>
          %dma_start3A_174 = tpu.memref_slice %arg2[%add3A_172] : memref<320000xi32, #tpu.memory_space<hbm>> -> memref<80xi32, #tpu.memory_space<hbm>>
          tpu.enqueue_dma source(%dma_start3A_174 : memref<80xi32, #tpu.memory_space<hbm>>) target(%arg12 : memref<80xi32, #tpu.memory_space<vmem>>) target_semaphore(%arg25 : memref<!tpu.dma_semaphore, #tpu.memory_space<semaphore_mem>>)
          %dma_start3A_175 = tpu.memref_slice %arg3[%add3A_172] : memref<320000xi32, #tpu.memory_space<hbm>> -> memref<80xi32, #tpu.memory_space<hbm>>
          %dma_start3A_176 = tpu.memref_slice %arg3[%add3A_172] : memref<320000xi32, #tpu.memory_space<hbm>> -> memref<80xi32, #tpu.memory_space<hbm>>
          tpu.enqueue_dma source(%dma_start3A_176 : memref<80xi32, #tpu.memory_space<hbm>>) target(%arg16 : memref<80xi32, #tpu.memory_space<vmem>>) target_semaphore(%arg25 : memref<!tpu.dma_semaphore, #tpu.memory_space<semaphore_mem>>)
        } else {
        }
      } else {
      }
    }
    %scan3A_99 = arith.constant 50 : i32
    %barrier3A_100 = arith.constant 0 : index
    tpu.barrier barrier_id(%barrier3A_100)
    %eq3A_101 = arith.constant 0 : i32
    %eq3A_102 = arith.cmpi eq, %arg0, %eq3A_101 : i32
    %convert_element_type3A_103 = arith.extui %eq3A_102 : i1 to i32
    %cond3A_104 = arith.constant 0 : i32
    %cond3A_105 = arith.cmpi ne, %convert_element_type3A_103, %cond3A_104 : i32
    scf.if %cond3A_105 {
      %mul3A_111 = arith.constant 624 : i32
      %mul3A_112 = arith.muli %arg1, %mul3A_111 : i32
      %mul3A_113 = arith.constant 624 : i32
      %mul3A_114 = arith.muli %arg1, %mul3A_113 : i32
      "tpu.region"() ({
        %run_scoped3A = tpu.sem_alloc : memref<!tpu.dma_semaphore, #tpu.memory_space<semaphore_mem>>
        %dma_start3A_120 = arith.constant 0 : i32
        %dma_start3A_121 = tpu.memref_slice %arg7[%mul3A_114, %dma_start3A_120] : memref<10000x128xf32, #tpu.memory_space<hbm>> -> memref<624x128xf32, #tpu.memory_space<hbm>>
        %dma_start3A_122 = arith.constant 0 : i32
        %dma_start3A_123 = tpu.memref_slice %arg21[%mul3A_112, %dma_start3A_122] : memref<10000x128xf32, #tpu.memory_space<vmem_shared>> -> memref<624x128xf32, #tpu.memory_space<vmem_shared>>
        tpu.enqueue_dma source(%dma_start3A_123 : memref<624x128xf32, #tpu.memory_space<vmem_shared>>) target(%dma_start3A_121 : memref<624x128xf32, #tpu.memory_space<hbm>>) target_semaphore(%run_scoped3A : memref<!tpu.dma_semaphore, #tpu.memory_space<semaphore_mem>>)
        %dma_wait3A_124 = arith.constant 0 : i32
        %dma_wait3A_125 = tpu.memref_slice %arg7[%mul3A_114, %dma_wait3A_124] : memref<10000x128xf32, #tpu.memory_space<hbm>> -> memref<624x128xf32, #tpu.memory_space<hbm>>
        %dma_wait3A_126 = arith.constant 0 : i32
        %dma_wait3A_127 = tpu.memref_slice %arg21[%mul3A_112, %dma_wait3A_126] : memref<10000x128xf32, #tpu.memory_space<vmem_shared>> -> memref<624x128xf32, #tpu.memory_space<vmem_shared>>
        tpu.wait_dma2 semaphore(%run_scoped3A : memref<!tpu.dma_semaphore, #tpu.memory_space<semaphore_mem>>) src(%dma_wait3A_127 : memref<624x128xf32, #tpu.memory_space<vmem_shared>>) dst(%dma_wait3A_125 : memref<624x128xf32, #tpu.memory_space<hbm>>)
        tpu.yield
      }) : () -> ()
      %eq3A_115 = arith.constant 0 : i32
      %eq3A_116 = arith.cmpi eq, %arg1, %eq3A_115 : i32
      %convert_element_type3A_117 = arith.extui %eq3A_116 : i1 to i32
      %cond3A_118 = arith.constant 0 : i32
      %cond3A_119 = arith.cmpi ne, %convert_element_type3A_117, %cond3A_118 : i32
      scf.if %cond3A_119 {
        "tpu.region"() ({
          %run_scoped3A = tpu.sem_alloc : memref<!tpu.dma_semaphore, #tpu.memory_space<semaphore_mem>>
          %dma_start3A_120 = arith.constant 9984 : i32
          %dma_start3A_121 = arith.constant 0 : i32
          %dma_start3A_122 = tpu.memref_slice %arg7[%dma_start3A_120, %dma_start3A_121] : memref<10000x128xf32, #tpu.memory_space<hbm>> -> memref<16x128xf32, #tpu.memory_space<hbm>>
          %dma_start3A_123 = arith.constant 9984 : i32
          %dma_start3A_124 = arith.constant 0 : i32
          %dma_start3A_125 = tpu.memref_slice %arg21[%dma_start3A_123, %dma_start3A_124] : memref<10000x128xf32, #tpu.memory_space<vmem_shared>> -> memref<16x128xf32, #tpu.memory_space<vmem_shared>>
          tpu.enqueue_dma source(%dma_start3A_125 : memref<16x128xf32, #tpu.memory_space<vmem_shared>>) target(%dma_start3A_122 : memref<16x128xf32, #tpu.memory_space<hbm>>) target_semaphore(%run_scoped3A : memref<!tpu.dma_semaphore, #tpu.memory_space<semaphore_mem>>)
          %dma_wait3A_126 = arith.constant 9984 : i32
          %dma_wait3A_127 = arith.constant 0 : i32
          %dma_wait3A_128 = tpu.memref_slice %arg7[%dma_wait3A_126, %dma_wait3A_127] : memref<10000x128xf32, #tpu.memory_space<hbm>> -> memref<16x128xf32, #tpu.memory_space<hbm>>
          %dma_wait3A_129 = arith.constant 9984 : i32
          %dma_wait3A_130 = arith.constant 0 : i32
          %dma_wait3A_131 = tpu.memref_slice %arg21[%dma_wait3A_129, %dma_wait3A_130] : memref<10000x128xf32, #tpu.memory_space<vmem_shared>> -> memref<16x128xf32, #tpu.memory_space<vmem_shared>>
          tpu.wait_dma2 semaphore(%run_scoped3A : memref<!tpu.dma_semaphore, #tpu.memory_space<semaphore_mem>>) src(%dma_wait3A_131 : memref<16x128xf32, #tpu.memory_space<vmem_shared>>) dst(%dma_wait3A_128 : memref<16x128xf32, #tpu.memory_space<hbm>>)
          tpu.yield
        }) : () -> ()
      } else {
      }
    } else {
    }
    %eq3A_106 = arith.constant 1 : i32
    %eq3A_107 = arith.cmpi eq, %arg0, %eq3A_106 : i32
    %convert_element_type3A_108 = arith.extui %eq3A_107 : i1 to i32
    %cond3A_109 = arith.constant 0 : i32
    %cond3A_110 = arith.cmpi ne, %convert_element_type3A_108, %cond3A_109 : i32
    scf.if %cond3A_110 {
      %mul3A_111 = arith.constant 624 : i32
      %mul3A_112 = arith.muli %arg1, %mul3A_111 : i32
      %mul3A_113 = arith.constant 624 : i32
      %mul3A_114 = arith.muli %arg1, %mul3A_113 : i32
      "tpu.region"() ({
        %run_scoped3A = tpu.sem_alloc : memref<!tpu.dma_semaphore, #tpu.memory_space<semaphore_mem>>
        %dma_start3A_120 = arith.constant 0 : i32
        %dma_start3A_121 = tpu.memref_slice %arg8[%mul3A_114, %dma_start3A_120] : memref<10000x128xf32, #tpu.memory_space<hbm>> -> memref<624x128xf32, #tpu.memory_space<hbm>>
        %dma_start3A_122 = arith.constant 0 : i32
        %dma_start3A_123 = tpu.memref_slice %arg21[%mul3A_112, %dma_start3A_122] : memref<10000x128xf32, #tpu.memory_space<vmem_shared>> -> memref<624x128xf32, #tpu.memory_space<vmem_shared>>
        tpu.enqueue_dma source(%dma_start3A_123 : memref<624x128xf32, #tpu.memory_space<vmem_shared>>) target(%dma_start3A_121 : memref<624x128xf32, #tpu.memory_space<hbm>>) target_semaphore(%run_scoped3A : memref<!tpu.dma_semaphore, #tpu.memory_space<semaphore_mem>>)
        %dma_wait3A_124 = arith.constant 0 : i32
        %dma_wait3A_125 = tpu.memref_slice %arg8[%mul3A_114, %dma_wait3A_124] : memref<10000x128xf32, #tpu.memory_space<hbm>> -> memref<624x128xf32, #tpu.memory_space<hbm>>
        %dma_wait3A_126 = arith.constant 0 : i32
        %dma_wait3A_127 = tpu.memref_slice %arg21[%mul3A_112, %dma_wait3A_126] : memref<10000x128xf32, #tpu.memory_space<vmem_shared>> -> memref<624x128xf32, #tpu.memory_space<vmem_shared>>
        tpu.wait_dma2 semaphore(%run_scoped3A : memref<!tpu.dma_semaphore, #tpu.memory_space<semaphore_mem>>) src(%dma_wait3A_127 : memref<624x128xf32, #tpu.memory_space<vmem_shared>>) dst(%dma_wait3A_125 : memref<624x128xf32, #tpu.memory_space<hbm>>)
        tpu.yield
      }) : () -> ()
      %eq3A_115 = arith.constant 0 : i32
      %eq3A_116 = arith.cmpi eq, %arg1, %eq3A_115 : i32
      %convert_element_type3A_117 = arith.extui %eq3A_116 : i1 to i32
      %cond3A_118 = arith.constant 0 : i32
      %cond3A_119 = arith.cmpi ne, %convert_element_type3A_117, %cond3A_118 : i32
      scf.if %cond3A_119 {
        "tpu.region"() ({
          %run_scoped3A = tpu.sem_alloc : memref<!tpu.dma_semaphore, #tpu.memory_space<semaphore_mem>>
          %dma_start3A_120 = arith.constant 9984 : i32
          %dma_start3A_121 = arith.constant 0 : i32
          %dma_start3A_122 = tpu.memref_slice %arg8[%dma_start3A_120, %dma_start3A_121] : memref<10000x128xf32, #tpu.memory_space<hbm>> -> memref<16x128xf32, #tpu.memory_space<hbm>>
          %dma_start3A_123 = arith.constant 9984 : i32
          %dma_start3A_124 = arith.constant 0 : i32
          %dma_start3A_125 = tpu.memref_slice %arg21[%dma_start3A_123, %dma_start3A_124] : memref<10000x128xf32, #tpu.memory_space<vmem_shared>> -> memref<16x128xf32, #tpu.memory_space<vmem_shared>>
          tpu.enqueue_dma source(%dma_start3A_125 : memref<16x128xf32, #tpu.memory_space<vmem_shared>>) target(%dma_start3A_122 : memref<16x128xf32, #tpu.memory_space<hbm>>) target_semaphore(%run_scoped3A : memref<!tpu.dma_semaphore, #tpu.memory_space<semaphore_mem>>)
          %dma_wait3A_126 = arith.constant 9984 : i32
          %dma_wait3A_127 = arith.constant 0 : i32
          %dma_wait3A_128 = tpu.memref_slice %arg8[%dma_wait3A_126, %dma_wait3A_127] : memref<10000x128xf32, #tpu.memory_space<hbm>> -> memref<16x128xf32, #tpu.memory_space<hbm>>
          %dma_wait3A_129 = arith.constant 9984 : i32
          %dma_wait3A_130 = arith.constant 0 : i32
          %dma_wait3A_131 = tpu.memref_slice %arg21[%dma_wait3A_129, %dma_wait3A_130] : memref<10000x128xf32, #tpu.memory_space<vmem_shared>> -> memref<16x128xf32, #tpu.memory_space<vmem_shared>>
          tpu.wait_dma2 semaphore(%run_scoped3A : memref<!tpu.dma_semaphore, #tpu.memory_space<semaphore_mem>>) src(%dma_wait3A_131 : memref<16x128xf32, #tpu.memory_space<vmem_shared>>) dst(%dma_wait3A_128 : memref<16x128xf32, #tpu.memory_space<hbm>>)
          tpu.yield
        }) : () -> ()
      } else {
      }
    } else {
    }
    return
  }
}

#map = affine_map<(d0, d1) -> (0)>
#map1 = affine_map<(d0, d1) -> (0, 0)>
module attributes {stable_mosaic.version = 14 : i64} {
  func.func @sc_kernel(%arg0: i32, %arg1: i32, %arg2: memref<320000xi32, #tpu.memory_space<hbm>>, %arg3: memref<320000xi32, #tpu.memory_space<hbm>>, %arg4: memref<96000x128xi32, #tpu.memory_space<hbm>>, %arg5: memref<10000x128xf32, #tpu.memory_space<hbm>>, %arg6: memref<625x128xf32, #tpu.memory_space<hbm>>, %arg7: memref<10000x128xf32, #tpu.memory_space<hbm>>, %arg8: memref<10000x128xf32, #tpu.memory_space<hbm>>, %arg9: memref<80xi32, #tpu.memory_space<vmem>>, %arg10: memref<80xi32, #tpu.memory_space<vmem>>, %arg11: memref<80xi32, #tpu.memory_space<vmem>>, %arg12: memref<80xi32, #tpu.memory_space<vmem>>, %arg13: memref<80xi32, #tpu.memory_space<vmem>>, %arg14: memref<80xi32, #tpu.memory_space<vmem>>, %arg15: memref<80xi32, #tpu.memory_space<vmem>>, %arg16: memref<80xi32, #tpu.memory_space<vmem>>, %arg17: memref<80x128xf32, #tpu.memory_space<vmem>>, %arg18: memref<80x128xf32, #tpu.memory_space<vmem>>, %arg19: memref<40x128xi32, #tpu.memory_space<vmem>>, %arg20: memref<40x128xi32, #tpu.memory_space<vmem>>, %arg21: memref<10000x128xf32, #tpu.memory_space<vmem_shared>>, %arg22: memref<!tpu.dma_semaphore, #tpu.memory_space<semaphore_mem>>, %arg23: memref<!tpu.dma_semaphore, #tpu.memory_space<semaphore_mem>>, %arg24: memref<!tpu.dma_semaphore, #tpu.memory_space<semaphore_mem>>, %arg25: memref<!tpu.dma_semaphore, #tpu.memory_space<semaphore_mem>>, %arg26: memref<!tpu.dma_semaphore, #tpu.memory_space<semaphore_mem>>, %arg27: memref<!tpu.dma_semaphore, #tpu.memory_space<semaphore_mem>>, %arg28: memref<!tpu.dma_semaphore, #tpu.memory_space<semaphore_mem>>, %arg29: memref<!tpu.dma_semaphore, #tpu.memory_space<semaphore_mem>>) attributes {dimension_semantics = [#tpu.dimension_semantics<core_parallel>, #tpu.dimension_semantics<subcore_parallel>], iteration_bounds = array<i64: 2, 16>, scalar_prefetch = 0 : i64, scratch_operands = 21 : i64, tpu.core_type = #tpu.core_type<sc_vector_subcore>, window_params = [{transform_indices = #map}, {transform_indices = #map}, {transform_indices = #map1}, {transform_indices = #map1}, {transform_indices = #map1}, {transform_indices = #map1}, {transform_indices = #map1}]} {
    %mul3A = arith.constant 16 : i32
    %mul3A_0 = arith.muli %arg0, %mul3A : i32
    %add3A = arith.addi %mul3A_0, %arg1 : i32
    %mul3A_1 = arith.constant 3000 : i32
    %mul3A_2 = arith.muli %add3A, %mul3A_1 : i32
    %mul3A_3 = arith.constant 624 : i32
    %mul3A_4 = arith.muli %arg1, %mul3A_3 : i32
    "tpu.region"() ({
      %run_scoped3A = tpu.sem_alloc : memref<!tpu.dma_semaphore, #tpu.memory_space<semaphore_mem>>
      %dma_start3A_111 = arith.constant 0 : i32
      %dma_start3A_112 = tpu.memref_slice %arg21[%mul3A_4, %dma_start3A_111] : memref<10000x128xf32, #tpu.memory_space<vmem_shared>> -> memref<624x128xf32, #tpu.memory_space<vmem_shared>>
      %dma_start3A_113 = arith.constant 0 : i32
      %dma_start3A_114 = arith.constant 0 : i32
      %dma_start3A_115 = tpu.memref_slice %arg6[%dma_start3A_113, %dma_start3A_114] : memref<625x128xf32, #tpu.memory_space<hbm>> -> memref<624x128xf32, #tpu.memory_space<hbm>>
      tpu.enqueue_dma source(%dma_start3A_115 : memref<624x128xf32, #tpu.memory_space<hbm>>) target(%dma_start3A_112 : memref<624x128xf32, #tpu.memory_space<vmem_shared>>) target_semaphore(%run_scoped3A : memref<!tpu.dma_semaphore, #tpu.memory_space<semaphore_mem>>)
      %dma_wait3A_116 = arith.constant 0 : i32
      %dma_wait3A_117 = tpu.memref_slice %arg21[%mul3A_4, %dma_wait3A_116] : memref<10000x128xf32, #tpu.memory_space<vmem_shared>> -> memref<624x128xf32, #tpu.memory_space<vmem_shared>>
      %dma_wait3A_118 = arith.constant 0 : i32
      %dma_wait3A_119 = arith.constant 0 : i32
      %dma_wait3A_120 = tpu.memref_slice %arg6[%dma_wait3A_118, %dma_wait3A_119] : memref<625x128xf32, #tpu.memory_space<hbm>> -> memref<624x128xf32, #tpu.memory_space<hbm>>
      tpu.wait_dma2 semaphore(%run_scoped3A : memref<!tpu.dma_semaphore, #tpu.memory_space<semaphore_mem>>) src(%dma_wait3A_120 : memref<624x128xf32, #tpu.memory_space<hbm>>) dst(%dma_wait3A_117 : memref<624x128xf32, #tpu.memory_space<vmem_shared>>)
      tpu.yield
    }) : () -> ()
    %eq3A = arith.constant 0 : i32
    %eq3A_5 = arith.cmpi eq, %arg1, %eq3A : i32
    %convert_element_type3A = arith.extui %eq3A_5 : i1 to i32
    %cond3A = arith.constant 0 : i32
    %cond3A_6 = arith.cmpi ne, %convert_element_type3A, %cond3A : i32
    scf.if %cond3A_6 {
      "tpu.region"() ({
        %run_scoped3A = tpu.sem_alloc : memref<!tpu.dma_semaphore, #tpu.memory_space<semaphore_mem>>
        %dma_start3A_111 = arith.constant 9984 : i32
        %dma_start3A_112 = arith.constant 0 : i32
        %dma_start3A_113 = tpu.memref_slice %arg21[%dma_start3A_111, %dma_start3A_112] : memref<10000x128xf32, #tpu.memory_space<vmem_shared>> -> memref<16x128xf32, #tpu.memory_space<vmem_shared>>
        %dma_start3A_114 = arith.constant 0 : i32
        %dma_start3A_115 = arith.constant 0 : i32
        %dma_start3A_116 = tpu.memref_slice %arg6[%dma_start3A_114, %dma_start3A_115] : memref<625x128xf32, #tpu.memory_space<hbm>> -> memref<16x128xf32, #tpu.memory_space<hbm>>
        tpu.enqueue_dma source(%dma_start3A_116 : memref<16x128xf32, #tpu.memory_space<hbm>>) target(%dma_start3A_113 : memref<16x128xf32, #tpu.memory_space<vmem_shared>>) target_semaphore(%run_scoped3A : memref<!tpu.dma_semaphore, #tpu.memory_space<semaphore_mem>>)
        %dma_wait3A_117 = arith.constant 9984 : i32
        %dma_wait3A_118 = arith.constant 0 : i32
        %dma_wait3A_119 = tpu.memref_slice %arg21[%dma_wait3A_117, %dma_wait3A_118] : memref<10000x128xf32, #tpu.memory_space<vmem_shared>> -> memref<16x128xf32, #tpu.memory_space<vmem_shared>>
        %dma_wait3A_120 = arith.constant 0 : i32
        %dma_wait3A_121 = arith.constant 0 : i32
        %dma_wait3A_122 = tpu.memref_slice %arg6[%dma_wait3A_120, %dma_wait3A_121] : memref<625x128xf32, #tpu.memory_space<hbm>> -> memref<16x128xf32, #tpu.memory_space<hbm>>
        tpu.wait_dma2 semaphore(%run_scoped3A : memref<!tpu.dma_semaphore, #tpu.memory_space<semaphore_mem>>) src(%dma_wait3A_122 : memref<16x128xf32, #tpu.memory_space<hbm>>) dst(%dma_wait3A_119 : memref<16x128xf32, #tpu.memory_space<vmem_shared>>)
        tpu.yield
      }) : () -> ()
    } else {
    }
    %barrier3A = arith.constant 0 : index
    tpu.barrier barrier_id(%barrier3A)
    %mul3A_7 = arith.constant 75 : i32
    %mul3A_8 = arith.muli %add3A, %mul3A_7 : i32
    %add3A_9 = arith.constant 0 : i32
    %add3A_10 = arith.addi %mul3A_8, %add3A_9 : i32
    %mul3A_11 = arith.constant 80 : i32
    %mul3A_12 = arith.muli %add3A_10, %mul3A_11 : i32
    %add3A_13 = arith.constant 0 : i32
    %add3A_14 = arith.addi %add3A_13, %mul3A_12 : i32
    %dma_start3A = tpu.memref_slice %arg2[%add3A_14] : memref<320000xi32, #tpu.memory_space<hbm>> -> memref<80xi32, #tpu.memory_space<hbm>>
    %dma_start3A_15 = tpu.memref_slice %arg2[%add3A_14] : memref<320000xi32, #tpu.memory_space<hbm>> -> memref<80xi32, #tpu.memory_space<hbm>>
    tpu.enqueue_dma source(%dma_start3A_15 : memref<80xi32, #tpu.memory_space<hbm>>) target(%arg9 : memref<80xi32, #tpu.memory_space<vmem>>) target_semaphore(%arg22 : memref<!tpu.dma_semaphore, #tpu.memory_space<semaphore_mem>>)
    %dma_start3A_16 = tpu.memref_slice %arg3[%add3A_14] : memref<320000xi32, #tpu.memory_space<hbm>> -> memref<80xi32, #tpu.memory_space<hbm>>
    %dma_start3A_17 = tpu.memref_slice %arg3[%add3A_14] : memref<320000xi32, #tpu.memory_space<hbm>> -> memref<80xi32, #tpu.memory_space<hbm>>
    tpu.enqueue_dma source(%dma_start3A_17 : memref<80xi32, #tpu.memory_space<hbm>>) target(%arg13 : memref<80xi32, #tpu.memory_space<vmem>>) target_semaphore(%arg22 : memref<!tpu.dma_semaphore, #tpu.memory_space<semaphore_mem>>)
    %mul3A_18 = arith.constant 75 : i32
    %mul3A_19 = arith.muli %add3A, %mul3A_18 : i32
    %add3A_20 = arith.constant 1 : i32
    %add3A_21 = arith.addi %mul3A_19, %add3A_20 : i32
    %mul3A_22 = arith.constant 80 : i32
    %mul3A_23 = arith.muli %add3A_21, %mul3A_22 : i32
    %add3A_24 = arith.constant 0 : i32
    %add3A_25 = arith.addi %add3A_24, %mul3A_23 : i32
    %dma_start3A_26 = tpu.memref_slice %arg2[%add3A_25] : memref<320000xi32, #tpu.memory_space<hbm>> -> memref<80xi32, #tpu.memory_space<hbm>>
    %dma_start3A_27 = tpu.memref_slice %arg2[%add3A_25] : memref<320000xi32, #tpu.memory_space<hbm>> -> memref<80xi32, #tpu.memory_space<hbm>>
    tpu.enqueue_dma source(%dma_start3A_27 : memref<80xi32, #tpu.memory_space<hbm>>) target(%arg10 : memref<80xi32, #tpu.memory_space<vmem>>) target_semaphore(%arg23 : memref<!tpu.dma_semaphore, #tpu.memory_space<semaphore_mem>>)
    %dma_start3A_28 = tpu.memref_slice %arg3[%add3A_25] : memref<320000xi32, #tpu.memory_space<hbm>> -> memref<80xi32, #tpu.memory_space<hbm>>
    %dma_start3A_29 = tpu.memref_slice %arg3[%add3A_25] : memref<320000xi32, #tpu.memory_space<hbm>> -> memref<80xi32, #tpu.memory_space<hbm>>
    tpu.enqueue_dma source(%dma_start3A_29 : memref<80xi32, #tpu.memory_space<hbm>>) target(%arg14 : memref<80xi32, #tpu.memory_space<vmem>>) target_semaphore(%arg23 : memref<!tpu.dma_semaphore, #tpu.memory_space<semaphore_mem>>)
    %mul3A_30 = arith.constant 75 : i32
    %mul3A_31 = arith.muli %add3A, %mul3A_30 : i32
    %add3A_32 = arith.constant 2 : i32
    %add3A_33 = arith.addi %mul3A_31, %add3A_32 : i32
    %mul3A_34 = arith.constant 80 : i32
    %mul3A_35 = arith.muli %add3A_33, %mul3A_34 : i32
    %add3A_36 = arith.constant 0 : i32
    %add3A_37 = arith.addi %add3A_36, %mul3A_35 : i32
    %dma_start3A_38 = tpu.memref_slice %arg2[%add3A_37] : memref<320000xi32, #tpu.memory_space<hbm>> -> memref<80xi32, #tpu.memory_space<hbm>>
    %dma_start3A_39 = tpu.memref_slice %arg2[%add3A_37] : memref<320000xi32, #tpu.memory_space<hbm>> -> memref<80xi32, #tpu.memory_space<hbm>>
    tpu.enqueue_dma source(%dma_start3A_39 : memref<80xi32, #tpu.memory_space<hbm>>) target(%arg11 : memref<80xi32, #tpu.memory_space<vmem>>) target_semaphore(%arg24 : memref<!tpu.dma_semaphore, #tpu.memory_space<semaphore_mem>>)
    %dma_start3A_40 = tpu.memref_slice %arg3[%add3A_37] : memref<320000xi32, #tpu.memory_space<hbm>> -> memref<80xi32, #tpu.memory_space<hbm>>
    %dma_start3A_41 = tpu.memref_slice %arg3[%add3A_37] : memref<320000xi32, #tpu.memory_space<hbm>> -> memref<80xi32, #tpu.memory_space<hbm>>
    tpu.enqueue_dma source(%dma_start3A_41 : memref<80xi32, #tpu.memory_space<hbm>>) target(%arg15 : memref<80xi32, #tpu.memory_space<vmem>>) target_semaphore(%arg24 : memref<!tpu.dma_semaphore, #tpu.memory_space<semaphore_mem>>)
    %mul3A_42 = arith.constant 75 : i32
    %mul3A_43 = arith.muli %add3A, %mul3A_42 : i32
    %add3A_44 = arith.constant 3 : i32
    %add3A_45 = arith.addi %mul3A_43, %add3A_44 : i32
    %mul3A_46 = arith.constant 80 : i32
    %mul3A_47 = arith.muli %add3A_45, %mul3A_46 : i32
    %add3A_48 = arith.constant 0 : i32
    %add3A_49 = arith.addi %add3A_48, %mul3A_47 : i32
    %dma_start3A_50 = tpu.memref_slice %arg2[%add3A_49] : memref<320000xi32, #tpu.memory_space<hbm>> -> memref<80xi32, #tpu.memory_space<hbm>>
    %dma_start3A_51 = tpu.memref_slice %arg2[%add3A_49] : memref<320000xi32, #tpu.memory_space<hbm>> -> memref<80xi32, #tpu.memory_space<hbm>>
    tpu.enqueue_dma source(%dma_start3A_51 : memref<80xi32, #tpu.memory_space<hbm>>) target(%arg12 : memref<80xi32, #tpu.memory_space<vmem>>) target_semaphore(%arg25 : memref<!tpu.dma_semaphore, #tpu.memory_space<semaphore_mem>>)
    %dma_start3A_52 = tpu.memref_slice %arg3[%add3A_49] : memref<320000xi32, #tpu.memory_space<hbm>> -> memref<80xi32, #tpu.memory_space<hbm>>
    %dma_start3A_53 = tpu.memref_slice %arg3[%add3A_49] : memref<320000xi32, #tpu.memory_space<hbm>> -> memref<80xi32, #tpu.memory_space<hbm>>
    tpu.enqueue_dma source(%dma_start3A_53 : memref<80xi32, #tpu.memory_space<hbm>>) target(%arg16 : memref<80xi32, #tpu.memory_space<vmem>>) target_semaphore(%arg25 : memref<!tpu.dma_semaphore, #tpu.memory_space<semaphore_mem>>)
    %mul3A_54 = arith.constant 75 : i32
    %mul3A_55 = arith.muli %add3A, %mul3A_54 : i32
    %add3A_56 = arith.constant 0 : i32
    %add3A_57 = arith.addi %mul3A_55, %add3A_56 : i32
    %mul3A_58 = arith.constant 80 : i32
    %mul3A_59 = arith.muli %add3A_57, %mul3A_58 : i32
    %add3A_60 = arith.constant 0 : i32
    %add3A_61 = arith.addi %add3A_60, %mul3A_59 : i32
    %dma_wait3A = tpu.memref_slice %arg2[%add3A_61] : memref<320000xi32, #tpu.memory_space<hbm>> -> memref<80xi32, #tpu.memory_space<hbm>>
    %dma_wait3A_62 = tpu.memref_slice %arg2[%add3A_61] : memref<320000xi32, #tpu.memory_space<hbm>> -> memref<80xi32, #tpu.memory_space<hbm>>
    tpu.wait_dma2 semaphore(%arg22 : memref<!tpu.dma_semaphore, #tpu.memory_space<semaphore_mem>>) src(%dma_wait3A_62 : memref<80xi32, #tpu.memory_space<hbm>>) dst(%arg9 : memref<80xi32, #tpu.memory_space<vmem>>)
    %dma_wait3A_63 = tpu.memref_slice %arg3[%add3A_61] : memref<320000xi32, #tpu.memory_space<hbm>> -> memref<80xi32, #tpu.memory_space<hbm>>
    %dma_wait3A_64 = tpu.memref_slice %arg3[%add3A_61] : memref<320000xi32, #tpu.memory_space<hbm>> -> memref<80xi32, #tpu.memory_space<hbm>>
    tpu.wait_dma2 semaphore(%arg22 : memref<!tpu.dma_semaphore, #tpu.memory_space<semaphore_mem>>) src(%dma_wait3A_64 : memref<80xi32, #tpu.memory_space<hbm>>) dst(%arg13 : memref<80xi32, #tpu.memory_space<vmem>>)
    %dma_start3A_65 = arith.constant 0 : i32
    %dma_start3A_66 = arith.constant 0 : i32
    %dma_start3A_67 = tpu.memref_slice %arg5[%dma_start3A_65, %dma_start3A_66] : memref<10000x128xf32, #tpu.memory_space<hbm>> -> memref<10000x128xf32, #tpu.memory_space<hbm>>
    tpu.enqueue_indirect_dma source(%dma_start3A_67 : memref<10000x128xf32, #tpu.memory_space<hbm>>) target(%arg17 : memref<80x128xf32, #tpu.memory_space<vmem>>) offsets(%arg9 : memref<80xi32, #tpu.memory_space<vmem>>) semaphore(%arg26 : memref<!tpu.dma_semaphore, #tpu.memory_space<semaphore_mem>>)
    %add3A_68 = arith.constant 0 : i32
    %add3A_69 = arith.addi %mul3A_2, %add3A_68 : i32
    %dma_start3A_70 = arith.constant 0 : i32
    %dma_start3A_71 = tpu.memref_slice %arg4[%add3A_69, %dma_start3A_70] : memref<96000x128xi32, #tpu.memory_space<hbm>> -> memref<40x128xi32, #tpu.memory_space<hbm>>
    %dma_start3A_72 = arith.constant 0 : i32
    %dma_start3A_73 = tpu.memref_slice %arg4[%add3A_69, %dma_start3A_72] : memref<96000x128xi32, #tpu.memory_space<hbm>> -> memref<40x128xi32, #tpu.memory_space<hbm>>
    tpu.enqueue_dma source(%dma_start3A_73 : memref<40x128xi32, #tpu.memory_space<hbm>>) target(%arg19 : memref<40x128xi32, #tpu.memory_space<vmem>>) target_semaphore(%arg28 : memref<!tpu.dma_semaphore, #tpu.memory_space<semaphore_mem>>)
    %mul3A_74 = arith.constant 75 : i32
    %mul3A_75 = arith.muli %add3A, %mul3A_74 : i32
    %add3A_76 = arith.constant 1 : i32
    %add3A_77 = arith.addi %mul3A_75, %add3A_76 : i32
    %mul3A_78 = arith.constant 80 : i32
    %mul3A_79 = arith.muli %add3A_77, %mul3A_78 : i32
    %add3A_80 = arith.constant 0 : i32
    %add3A_81 = arith.addi %add3A_80, %mul3A_79 : i32
    %dma_wait3A_82 = tpu.memref_slice %arg2[%add3A_81] : memref<320000xi32, #tpu.memory_space<hbm>> -> memref<80xi32, #tpu.memory_space<hbm>>
    %dma_wait3A_83 = tpu.memref_slice %arg2[%add3A_81] : memref<320000xi32, #tpu.memory_space<hbm>> -> memref<80xi32, #tpu.memory_space<hbm>>
    tpu.wait_dma2 semaphore(%arg23 : memref<!tpu.dma_semaphore, #tpu.memory_space<semaphore_mem>>) src(%dma_wait3A_83 : memref<80xi32, #tpu.memory_space<hbm>>) dst(%arg10 : memref<80xi32, #tpu.memory_space<vmem>>)
    %dma_wait3A_84 = tpu.memref_slice %arg3[%add3A_81] : memref<320000xi32, #tpu.memory_space<hbm>> -> memref<80xi32, #tpu.memory_space<hbm>>
    %dma_wait3A_85 = tpu.memref_slice %arg3[%add3A_81] : memref<320000xi32, #tpu.memory_space<hbm>> -> memref<80xi32, #tpu.memory_space<hbm>>
    tpu.wait_dma2 semaphore(%arg23 : memref<!tpu.dma_semaphore, #tpu.memory_space<semaphore_mem>>) src(%dma_wait3A_85 : memref<80xi32, #tpu.memory_space<hbm>>) dst(%arg14 : memref<80xi32, #tpu.memory_space<vmem>>)
    %dma_start3A_86 = arith.constant 0 : i32
    %dma_start3A_87 = arith.constant 0 : i32
    %dma_start3A_88 = tpu.memref_slice %arg5[%dma_start3A_86, %dma_start3A_87] : memref<10000x128xf32, #tpu.memory_space<hbm>> -> memref<10000x128xf32, #tpu.memory_space<hbm>>
    tpu.enqueue_indirect_dma source(%dma_start3A_88 : memref<10000x128xf32, #tpu.memory_space<hbm>>) target(%arg18 : memref<80x128xf32, #tpu.memory_space<vmem>>) offsets(%arg10 : memref<80xi32, #tpu.memory_space<vmem>>) semaphore(%arg27 : memref<!tpu.dma_semaphore, #tpu.memory_space<semaphore_mem>>)
    %add3A_89 = arith.constant 40 : i32
    %add3A_90 = arith.addi %mul3A_2, %add3A_89 : i32
    %dma_start3A_91 = arith.constant 0 : i32
    %dma_start3A_92 = tpu.memref_slice %arg4[%add3A_90, %dma_start3A_91] : memref<96000x128xi32, #tpu.memory_space<hbm>> -> memref<40x128xi32, #tpu.memory_space<hbm>>
    %dma_start3A_93 = arith.constant 0 : i32
    %dma_start3A_94 = tpu.memref_slice %arg4[%add3A_90, %dma_start3A_93] : memref<96000x128xi32, #tpu.memory_space<hbm>> -> memref<40x128xi32, #tpu.memory_space<hbm>>
    tpu.enqueue_dma source(%dma_start3A_94 : memref<40x128xi32, #tpu.memory_space<hbm>>) target(%arg20 : memref<40x128xi32, #tpu.memory_space<vmem>>) target_semaphore(%arg29 : memref<!tpu.dma_semaphore, #tpu.memory_space<semaphore_mem>>)
    %scan3A = arith.constant 0 : i32
    %scan3A_95 = arith.constant 0 : i32
    %scan3A_96 = arith.constant 75 : i32
    %scan3A_97 = arith.addi %scan3A_95, %scan3A_96 : i32
    %scan3A_98 = arith.constant 1 : i32
    scf.for %scan3A_111 = %scan3A_95 to %scan3A_97 step %scan3A_98  : i32 {
      %rem3A = arith.constant 4 : i32
      %rem3A_112 = arith.remsi %scan3A_111, %rem3A : i32
      %eq3A_113 = arith.constant 0 : i32
      %eq3A_114 = arith.cmpi eq, %rem3A_112, %eq3A_113 : i32
      %convert_element_type3A_115 = arith.extui %eq3A_114 : i1 to i32
      %cond3A_116 = arith.constant 0 : i32
      %cond3A_117 = arith.cmpi ne, %convert_element_type3A_115, %cond3A_116 : i32
      scf.if %cond3A_117 {
        %dma_wait3A_139 = arith.constant 0 : i32
        %dma_wait3A_140 = arith.constant 0 : i32
        %dma_wait3A_141 = tpu.memref_slice %arg5[%dma_wait3A_139, %dma_wait3A_140] : memref<10000x128xf32, #tpu.memory_space<hbm>> -> memref<10000x128xf32, #tpu.memory_space<hbm>>
        tpu.wait_indirect_dma semaphore(%arg26 : memref<!tpu.dma_semaphore, #tpu.memory_space<semaphore_mem>>) src(%dma_wait3A_141 : memref<10000x128xf32, #tpu.memory_space<hbm>>) dst(%arg17 : memref<80x128xf32, #tpu.memory_space<vmem>>)
        %mul3A_142 = arith.constant 40 : i32
        %mul3A_143 = arith.muli %scan3A_111, %mul3A_142 : i32
        %add3A_144 = arith.addi %mul3A_2, %mul3A_143 : i32
        %dma_wait3A_145 = arith.constant 0 : i32
        %dma_wait3A_146 = tpu.memref_slice %arg4[%add3A_144, %dma_wait3A_145] : memref<96000x128xi32, #tpu.memory_space<hbm>> -> memref<40x128xi32, #tpu.memory_space<hbm>>
        %dma_wait3A_147 = arith.constant 0 : i32
        %dma_wait3A_148 = tpu.memref_slice %arg4[%add3A_144, %dma_wait3A_147] : memref<96000x128xi32, #tpu.memory_space<hbm>> -> memref<40x128xi32, #tpu.memory_space<hbm>>
        tpu.wait_dma2 semaphore(%arg28 : memref<!tpu.dma_semaphore, #tpu.memory_space<semaphore_mem>>) src(%dma_wait3A_148 : memref<40x128xi32, #tpu.memory_space<hbm>>) dst(%arg19 : memref<40x128xi32, #tpu.memory_space<vmem>>)
        %parallel_loop3A = arith.constant 0 : i32
        %parallel_loop3A_149 = arith.constant 40 : i32
        %parallel_loop3A_150 = arith.constant 1 : i32
        scf.for %parallel_loop3A_164 = %parallel_loop3A to %parallel_loop3A_149 step %parallel_loop3A_150  : i32 {
          %parallel_loop3A_165 = arith.constant 2 : i32
          %parallel_loop3A_166 = arith.muli %parallel_loop3A_164, %parallel_loop3A_165 : i32
          %parallel_loop3A_167 = arith.constant 0 : i32
          %parallel_loop3A_168 = arith.addi %parallel_loop3A_166, %parallel_loop3A_167 : i32
          %parallel_loop3A_169 = arith.constant 0 : i32
          %parallel_loop3A_170 = tpu.memref_bitcast %arg19 : memref<40x128xi32, #tpu.memory_space<vmem>> -> memref<80x128xbf16, #tpu.memory_space<vmem>>
          %parallel_loop3A_171 = tpu.memref_reshape %parallel_loop3A_170 : memref<80x128xbf16, #tpu.memory_space<vmem>> -> memref<40x2x128xbf16, #tpu.memory_space<vmem>>
          %parallel_loop3A_172 = arith.index_cast %parallel_loop3A_164 : i32 to index
          %parallel_loop3A_173 = arith.index_cast %parallel_loop3A_169 : i32 to index
          %parallel_loop3A_174 = arith.constant 0 : index
          %parallel_loop3A_175 = tpu.vector_load %parallel_loop3A_171[%parallel_loop3A_172, %parallel_loop3A_173, %parallel_loop3A_174] {strides = array<i32>} : memref<40x2x128xbf16, #tpu.memory_space<vmem>>, vector<1x1x64xbf16>,
          %parallel_loop3A_176 = vector.shape_cast %parallel_loop3A_175 : vector<1x1x64xbf16> to vector<64xbf16>
          %parallel_loop3A_177 = arith.extf %parallel_loop3A_176 : vector<64xbf16> to vector<64xf32>
          %parallel_loop3A_178 = arith.index_cast %parallel_loop3A_168 : i32 to index
          %parallel_loop3A_179 = arith.constant 0 : index
          %parallel_loop3A_180 = tpu.vector_load %arg17[%parallel_loop3A_178, %parallel_loop3A_179] {strides = array<i32>} : memref<80x128xf32, #tpu.memory_space<vmem>>, vector<1x64xf32>,
          %parallel_loop3A_181 = vector.shape_cast %parallel_loop3A_180 : vector<1x64xf32> to vector<64xf32>
          %parallel_loop3A_182 = arith.mulf %parallel_loop3A_181, %parallel_loop3A_177 : vector<64xf32>
          %parallel_loop3A_183 = arith.index_cast %parallel_loop3A_168 : i32 to index
          %parallel_loop3A_184 = arith.constant 0 : index
          %parallel_loop3A_185 = tpu.vector_load %arg17[%parallel_loop3A_183, %parallel_loop3A_184] {strides = array<i32>} : memref<80x128xf32, #tpu.memory_space<vmem>>, vector<1x64xf32>,
          %parallel_loop3A_186 = vector.shape_cast %parallel_loop3A_185 : vector<1x64xf32> to vector<64xf32>
          %parallel_loop3A_187 = vector.shape_cast %parallel_loop3A_182 : vector<64xf32> to vector<1x64xf32>
          tpu.vector_store %arg17[%parallel_loop3A_183, %parallel_loop3A_184], %parallel_loop3A_187 {strides = array<i32>} : memref<80x128xf32, #tpu.memory_space<vmem>>, vector<1x64xf32>,
          %parallel_loop3A_188 = arith.constant 0 : i32
          %parallel_loop3A_189 = tpu.memref_bitcast %arg19 : memref<40x128xi32, #tpu.memory_space<vmem>> -> memref<80x128xbf16, #tpu.memory_space<vmem>>
          %parallel_loop3A_190 = tpu.memref_reshape %parallel_loop3A_189 : memref<80x128xbf16, #tpu.memory_space<vmem>> -> memref<40x2x128xbf16, #tpu.memory_space<vmem>>
          %parallel_loop3A_191 = arith.index_cast %parallel_loop3A_164 : i32 to index
          %parallel_loop3A_192 = arith.index_cast %parallel_loop3A_188 : i32 to index
          %parallel_loop3A_193 = arith.constant 64 : index
          %parallel_loop3A_194 = tpu.vector_load %parallel_loop3A_190[%parallel_loop3A_191, %parallel_loop3A_192, %parallel_loop3A_193] {strides = array<i32>} : memref<40x2x128xbf16, #tpu.memory_space<vmem>>, vector<1x1x64xbf16>,
          %parallel_loop3A_195 = vector.shape_cast %parallel_loop3A_194 : vector<1x1x64xbf16> to vector<64xbf16>
          %parallel_loop3A_196 = arith.extf %parallel_loop3A_195 : vector<64xbf16> to vector<64xf32>
          %parallel_loop3A_197 = arith.index_cast %parallel_loop3A_168 : i32 to index
          %parallel_loop3A_198 = arith.constant 64 : index
          %parallel_loop3A_199 = tpu.vector_load %arg17[%parallel_loop3A_197, %parallel_loop3A_198] {strides = array<i32>} : memref<80x128xf32, #tpu.memory_space<vmem>>, vector<1x64xf32>,
          %parallel_loop3A_200 = vector.shape_cast %parallel_loop3A_199 : vector<1x64xf32> to vector<64xf32>
          %parallel_loop3A_201 = arith.mulf %parallel_loop3A_200, %parallel_loop3A_196 : vector<64xf32>
          %parallel_loop3A_202 = arith.index_cast %parallel_loop3A_168 : i32 to index
          %parallel_loop3A_203 = arith.constant 64 : index
          %parallel_loop3A_204 = tpu.vector_load %arg17[%parallel_loop3A_202, %parallel_loop3A_203] {strides = array<i32>} : memref<80x128xf32, #tpu.memory_space<vmem>>, vector<1x64xf32>,
          %parallel_loop3A_205 = vector.shape_cast %parallel_loop3A_204 : vector<1x64xf32> to vector<64xf32>
          %parallel_loop3A_206 = vector.shape_cast %parallel_loop3A_201 : vector<64xf32> to vector<1x64xf32>
          tpu.vector_store %arg17[%parallel_loop3A_202, %parallel_loop3A_203], %parallel_loop3A_206 {strides = array<i32>} : memref<80x128xf32, #tpu.memory_space<vmem>>, vector<1x64xf32>,
          %parallel_loop3A_207 = arith.constant 2 : i32
          %parallel_loop3A_208 = arith.muli %parallel_loop3A_164, %parallel_loop3A_207 : i32
          %parallel_loop3A_209 = arith.constant 1 : i32
          %parallel_loop3A_210 = arith.addi %parallel_loop3A_208, %parallel_loop3A_209 : i32
          %parallel_loop3A_211 = arith.constant 1 : i32
          %parallel_loop3A_212 = tpu.memref_bitcast %arg19 : memref<40x128xi32, #tpu.memory_space<vmem>> -> memref<80x128xbf16, #tpu.memory_space<vmem>>
          %parallel_loop3A_213 = tpu.memref_reshape %parallel_loop3A_212 : memref<80x128xbf16, #tpu.memory_space<vmem>> -> memref<40x2x128xbf16, #tpu.memory_space<vmem>>
          %parallel_loop3A_214 = arith.index_cast %parallel_loop3A_164 : i32 to index
          %parallel_loop3A_215 = arith.index_cast %parallel_loop3A_211 : i32 to index
          %parallel_loop3A_216 = arith.constant 0 : index
          %parallel_loop3A_217 = tpu.vector_load %parallel_loop3A_213[%parallel_loop3A_214, %parallel_loop3A_215, %parallel_loop3A_216] {strides = array<i32>} : memref<40x2x128xbf16, #tpu.memory_space<vmem>>, vector<1x1x64xbf16>,
          %parallel_loop3A_218 = vector.shape_cast %parallel_loop3A_217 : vector<1x1x64xbf16> to vector<64xbf16>
          %parallel_loop3A_219 = arith.extf %parallel_loop3A_218 : vector<64xbf16> to vector<64xf32>
          %parallel_loop3A_220 = arith.index_cast %parallel_loop3A_210 : i32 to index
          %parallel_loop3A_221 = arith.constant 0 : index
          %parallel_loop3A_222 = tpu.vector_load %arg17[%parallel_loop3A_220, %parallel_loop3A_221] {strides = array<i32>} : memref<80x128xf32, #tpu.memory_space<vmem>>, vector<1x64xf32>,
          %parallel_loop3A_223 = vector.shape_cast %parallel_loop3A_222 : vector<1x64xf32> to vector<64xf32>
          %parallel_loop3A_224 = arith.mulf %parallel_loop3A_223, %parallel_loop3A_219 : vector<64xf32>
          %parallel_loop3A_225 = arith.index_cast %parallel_loop3A_210 : i32 to index
          %parallel_loop3A_226 = arith.constant 0 : index
          %parallel_loop3A_227 = tpu.vector_load %arg17[%parallel_loop3A_225, %parallel_loop3A_226] {strides = array<i32>} : memref<80x128xf32, #tpu.memory_space<vmem>>, vector<1x64xf32>,
          %parallel_loop3A_228 = vector.shape_cast %parallel_loop3A_227 : vector<1x64xf32> to vector<64xf32>
          %parallel_loop3A_229 = vector.shape_cast %parallel_loop3A_224 : vector<64xf32> to vector<1x64xf32>
          tpu.vector_store %arg17[%parallel_loop3A_225, %parallel_loop3A_226], %parallel_loop3A_229 {strides = array<i32>} : memref<80x128xf32, #tpu.memory_space<vmem>>, vector<1x64xf32>,
          %parallel_loop3A_230 = arith.constant 1 : i32
          %parallel_loop3A_231 = tpu.memref_bitcast %arg19 : memref<40x128xi32, #tpu.memory_space<vmem>> -> memref<80x128xbf16, #tpu.memory_space<vmem>>
          %parallel_loop3A_232 = tpu.memref_reshape %parallel_loop3A_231 : memref<80x128xbf16, #tpu.memory_space<vmem>> -> memref<40x2x128xbf16, #tpu.memory_space<vmem>>
          %parallel_loop3A_233 = arith.index_cast %parallel_loop3A_164 : i32 to index
          %parallel_loop3A_234 = arith.index_cast %parallel_loop3A_230 : i32 to index
          %parallel_loop3A_235 = arith.constant 64 : index
          %parallel_loop3A_236 = tpu.vector_load %parallel_loop3A_232[%parallel_loop3A_233, %parallel_loop3A_234, %parallel_loop3A_235] {strides = array<i32>} : memref<40x2x128xbf16, #tpu.memory_space<vmem>>, vector<1x1x64xbf16>,
          %parallel_loop3A_237 = vector.shape_cast %parallel_loop3A_236 : vector<1x1x64xbf16> to vector<64xbf16>
          %parallel_loop3A_238 = arith.extf %parallel_loop3A_237 : vector<64xbf16> to vector<64xf32>
          %parallel_loop3A_239 = arith.index_cast %parallel_loop3A_210 : i32 to index
          %parallel_loop3A_240 = arith.constant 64 : index
          %parallel_loop3A_241 = tpu.vector_load %arg17[%parallel_loop3A_239, %parallel_loop3A_240] {strides = array<i32>} : memref<80x128xf32, #tpu.memory_space<vmem>>, vector<1x64xf32>,
          %parallel_loop3A_242 = vector.shape_cast %parallel_loop3A_241 : vector<1x64xf32> to vector<64xf32>
          %parallel_loop3A_243 = arith.mulf %parallel_loop3A_242, %parallel_loop3A_238 : vector<64xf32>
          %parallel_loop3A_244 = arith.index_cast %parallel_loop3A_210 : i32 to index
          %parallel_loop3A_245 = arith.constant 64 : index
          %parallel_loop3A_246 = tpu.vector_load %arg17[%parallel_loop3A_244, %parallel_loop3A_245] {strides = array<i32>} : memref<80x128xf32, #tpu.memory_space<vmem>>, vector<1x64xf32>,
          %parallel_loop3A_247 = vector.shape_cast %parallel_loop3A_246 : vector<1x64xf32> to vector<64xf32>
          %parallel_loop3A_248 = vector.shape_cast %parallel_loop3A_243 : vector<64xf32> to vector<1x64xf32>
          tpu.vector_store %arg17[%parallel_loop3A_244, %parallel_loop3A_245], %parallel_loop3A_248 {strides = array<i32>} : memref<80x128xf32, #tpu.memory_space<vmem>>, vector<1x64xf32>,
        } {sc.loop_unroll_factor = 2 : i64, sc.parallel_access}
        "tpu.region"() ({
          %run_scoped3A = tpu.sem_alloc : memref<!tpu.dma_semaphore, #tpu.memory_space<semaphore_mem>>
          %dma_start3A_164 = arith.constant 0 : i32
          %dma_start3A_165 = arith.constant 0 : i32
          %dma_start3A_166 = tpu.memref_slice %arg21[%dma_start3A_164, %dma_start3A_165] : memref<10000x128xf32, #tpu.memory_space<vmem_shared>> -> memref<10000x128xf32, #tpu.memory_space<vmem_shared>>
          tpu.enqueue_indirect_dma source(%arg17 : memref<80x128xf32, #tpu.memory_space<vmem>>) target(%dma_start3A_166 : memref<10000x128xf32, #tpu.memory_space<vmem_shared>>) offsets(%arg13 : memref<80xi32, #tpu.memory_space<vmem>>) semaphore(%run_scoped3A : memref<!tpu.dma_semaphore, #tpu.memory_space<semaphore_mem>>) {add = true}
          %dma_wait3A_167 = arith.constant 0 : i32
          %dma_wait3A_168 = arith.constant 0 : i32
          %dma_wait3A_169 = tpu.memref_slice %arg21[%dma_wait3A_167, %dma_wait3A_168] : memref<10000x128xf32, #tpu.memory_space<vmem_shared>> -> memref<10000x128xf32, #tpu.memory_space<vmem_shared>>
          tpu.wait_indirect_dma semaphore(%run_scoped3A : memref<!tpu.dma_semaphore, #tpu.memory_space<semaphore_mem>>) src(%arg17 : memref<80x128xf32, #tpu.memory_space<vmem>>) dst(%dma_wait3A_169 : memref<10000x128xf32, #tpu.memory_space<vmem_shared>>)
          tpu.yield
        }) : () -> ()
        %add3A_151 = arith.constant 2 : i32
        %add3A_152 = arith.addi %scan3A_111, %add3A_151 : i32
        %lt3A = arith.constant 75 : i32
        %lt3A_153 = arith.cmpi slt, %add3A_152, %lt3A : i32
        %convert_element_type3A_154 = arith.extui %lt3A_153 : i1 to i32
        %cond3A_155 = arith.constant 0 : i32
        %cond3A_156 = arith.cmpi ne, %convert_element_type3A_154, %cond3A_155 : i32
        scf.if %cond3A_156 {
          %add3A_164 = arith.constant 2 : i32
          %add3A_165 = arith.addi %scan3A_111, %add3A_164 : i32
          %mul3A_166 = arith.constant 75 : i32
          %mul3A_167 = arith.muli %add3A, %mul3A_166 : i32
          %add3A_168 = arith.addi %mul3A_167, %add3A_165 : i32
          %mul3A_169 = arith.constant 80 : i32
          %mul3A_170 = arith.muli %add3A_168, %mul3A_169 : i32
          %add3A_171 = arith.constant 0 : i32
          %add3A_172 = arith.addi %add3A_171, %mul3A_170 : i32
          %dma_wait3A_173 = tpu.memref_slice %arg2[%add3A_172] : memref<320000xi32, #tpu.memory_space<hbm>> -> memref<80xi32, #tpu.memory_space<hbm>>
          %dma_wait3A_174 = tpu.memref_slice %arg2[%add3A_172] : memref<320000xi32, #tpu.memory_space<hbm>> -> memref<80xi32, #tpu.memory_space<hbm>>
          tpu.wait_dma2 semaphore(%arg24 : memref<!tpu.dma_semaphore, #tpu.memory_space<semaphore_mem>>) src(%dma_wait3A_174 : memref<80xi32, #tpu.memory_space<hbm>>) dst(%arg11 : memref<80xi32, #tpu.memory_space<vmem>>)
          %dma_wait3A_175 = tpu.memref_slice %arg3[%add3A_172] : memref<320000xi32, #tpu.memory_space<hbm>> -> memref<80xi32, #tpu.memory_space<hbm>>
          %dma_wait3A_176 = tpu.memref_slice %arg3[%add3A_172] : memref<320000xi32, #tpu.memory_space<hbm>> -> memref<80xi32, #tpu.memory_space<hbm>>
          tpu.wait_dma2 semaphore(%arg24 : memref<!tpu.dma_semaphore, #tpu.memory_space<semaphore_mem>>) src(%dma_wait3A_176 : memref<80xi32, #tpu.memory_space<hbm>>) dst(%arg15 : memref<80xi32, #tpu.memory_space<vmem>>)
          %add3A_177 = arith.constant 2 : i32
          %add3A_178 = arith.addi %scan3A_111, %add3A_177 : i32
          %dma_start3A_179 = arith.constant 0 : i32
          %dma_start3A_180 = arith.constant 0 : i32
          %dma_start3A_181 = tpu.memref_slice %arg5[%dma_start3A_179, %dma_start3A_180] : memref<10000x128xf32, #tpu.memory_space<hbm>> -> memref<10000x128xf32, #tpu.memory_space<hbm>>
          tpu.enqueue_indirect_dma source(%dma_start3A_181 : memref<10000x128xf32, #tpu.memory_space<hbm>>) target(%arg17 : memref<80x128xf32, #tpu.memory_space<vmem>>) offsets(%arg11 : memref<80xi32, #tpu.memory_space<vmem>>) semaphore(%arg26 : memref<!tpu.dma_semaphore, #tpu.memory_space<semaphore_mem>>)
          %mul3A_182 = arith.constant 40 : i32
          %mul3A_183 = arith.muli %add3A_178, %mul3A_182 : i32
          %add3A_184 = arith.addi %mul3A_2, %mul3A_183 : i32
          %dma_start3A_185 = arith.constant 0 : i32
          %dma_start3A_186 = tpu.memref_slice %arg4[%add3A_184, %dma_start3A_185] : memref<96000x128xi32, #tpu.memory_space<hbm>> -> memref<40x128xi32, #tpu.memory_space<hbm>>
          %dma_start3A_187 = arith.constant 0 : i32
          %dma_start3A_188 = tpu.memref_slice %arg4[%add3A_184, %dma_start3A_187] : memref<96000x128xi32, #tpu.memory_space<hbm>> -> memref<40x128xi32, #tpu.memory_space<hbm>>
          tpu.enqueue_dma source(%dma_start3A_188 : memref<40x128xi32, #tpu.memory_space<hbm>>) target(%arg19 : memref<40x128xi32, #tpu.memory_space<vmem>>) target_semaphore(%arg28 : memref<!tpu.dma_semaphore, #tpu.memory_space<semaphore_mem>>)
        } else {
        }
        %add3A_157 = arith.constant 4 : i32
        %add3A_158 = arith.addi %scan3A_111, %add3A_157 : i32
        %lt3A_159 = arith.constant 75 : i32
        %lt3A_160 = arith.cmpi slt, %add3A_158, %lt3A_159 : i32
        %convert_element_type3A_161 = arith.extui %lt3A_160 : i1 to i32
        %cond3A_162 = arith.constant 0 : i32
        %cond3A_163 = arith.cmpi ne, %convert_element_type3A_161, %cond3A_162 : i32
        scf.if %cond3A_163 {
          %add3A_164 = arith.constant 4 : i32
          %add3A_165 = arith.addi %scan3A_111, %add3A_164 : i32
          %mul3A_166 = arith.constant 75 : i32
          %mul3A_167 = arith.muli %add3A, %mul3A_166 : i32
          %add3A_168 = arith.addi %mul3A_167, %add3A_165 : i32
          %mul3A_169 = arith.constant 80 : i32
          %mul3A_170 = arith.muli %add3A_168, %mul3A_169 : i32
          %add3A_171 = arith.constant 0 : i32
          %add3A_172 = arith.addi %add3A_171, %mul3A_170 : i32
          %dma_start3A_173 = tpu.memref_slice %arg2[%add3A_172] : memref<320000xi32, #tpu.memory_space<hbm>> -> memref<80xi32, #tpu.memory_space<hbm>>
          %dma_start3A_174 = tpu.memref_slice %arg2[%add3A_172] : memref<320000xi32, #tpu.memory_space<hbm>> -> memref<80xi32, #tpu.memory_space<hbm>>
          tpu.enqueue_dma source(%dma_start3A_174 : memref<80xi32, #tpu.memory_space<hbm>>) target(%arg9 : memref<80xi32, #tpu.memory_space<vmem>>) target_semaphore(%arg22 : memref<!tpu.dma_semaphore, #tpu.memory_space<semaphore_mem>>)
          %dma_start3A_175 = tpu.memref_slice %arg3[%add3A_172] : memref<320000xi32, #tpu.memory_space<hbm>> -> memref<80xi32, #tpu.memory_space<hbm>>
          %dma_start3A_176 = tpu.memref_slice %arg3[%add3A_172] : memref<320000xi32, #tpu.memory_space<hbm>> -> memref<80xi32, #tpu.memory_space<hbm>>
          tpu.enqueue_dma source(%dma_start3A_176 : memref<80xi32, #tpu.memory_space<hbm>>) target(%arg13 : memref<80xi32, #tpu.memory_space<vmem>>) target_semaphore(%arg22 : memref<!tpu.dma_semaphore, #tpu.memory_space<semaphore_mem>>)
        } else {
        }
      } else {
      }
      %rem3A_118 = arith.constant 4 : i32
      %rem3A_119 = arith.remsi %scan3A_111, %rem3A_118 : i32
      %eq3A_120 = arith.constant 2 : i32
      %eq3A_121 = arith.cmpi eq, %rem3A_119, %eq3A_120 : i32
      %convert_element_type3A_122 = arith.extui %eq3A_121 : i1 to i32
      %cond3A_123 = arith.constant 0 : i32
      %cond3A_124 = arith.cmpi ne, %convert_element_type3A_122, %cond3A_123 : i32
      scf.if %cond3A_124 {
        %dma_wait3A_139 = arith.constant 0 : i32
        %dma_wait3A_140 = arith.constant 0 : i32
        %dma_wait3A_141 = tpu.memref_slice %arg5[%dma_wait3A_139, %dma_wait3A_140] : memref<10000x128xf32, #tpu.memory_space<hbm>> -> memref<10000x128xf32, #tpu.memory_space<hbm>>
        tpu.wait_indirect_dma semaphore(%arg26 : memref<!tpu.dma_semaphore, #tpu.memory_space<semaphore_mem>>) src(%dma_wait3A_141 : memref<10000x128xf32, #tpu.memory_space<hbm>>) dst(%arg17 : memref<80x128xf32, #tpu.memory_space<vmem>>)
        %mul3A_142 = arith.constant 40 : i32
        %mul3A_143 = arith.muli %scan3A_111, %mul3A_142 : i32
        %add3A_144 = arith.addi %mul3A_2, %mul3A_143 : i32
        %dma_wait3A_145 = arith.constant 0 : i32
        %dma_wait3A_146 = tpu.memref_slice %arg4[%add3A_144, %dma_wait3A_145] : memref<96000x128xi32, #tpu.memory_space<hbm>> -> memref<40x128xi32, #tpu.memory_space<hbm>>
        %dma_wait3A_147 = arith.constant 0 : i32
        %dma_wait3A_148 = tpu.memref_slice %arg4[%add3A_144, %dma_wait3A_147] : memref<96000x128xi32, #tpu.memory_space<hbm>> -> memref<40x128xi32, #tpu.memory_space<hbm>>
        tpu.wait_dma2 semaphore(%arg28 : memref<!tpu.dma_semaphore, #tpu.memory_space<semaphore_mem>>) src(%dma_wait3A_148 : memref<40x128xi32, #tpu.memory_space<hbm>>) dst(%arg19 : memref<40x128xi32, #tpu.memory_space<vmem>>)
        %parallel_loop3A = arith.constant 0 : i32
        %parallel_loop3A_149 = arith.constant 40 : i32
        %parallel_loop3A_150 = arith.constant 1 : i32
        scf.for %parallel_loop3A_164 = %parallel_loop3A to %parallel_loop3A_149 step %parallel_loop3A_150  : i32 {
          %parallel_loop3A_165 = arith.constant 2 : i32
          %parallel_loop3A_166 = arith.muli %parallel_loop3A_164, %parallel_loop3A_165 : i32
          %parallel_loop3A_167 = arith.constant 0 : i32
          %parallel_loop3A_168 = arith.addi %parallel_loop3A_166, %parallel_loop3A_167 : i32
          %parallel_loop3A_169 = arith.constant 0 : i32
          %parallel_loop3A_170 = tpu.memref_bitcast %arg19 : memref<40x128xi32, #tpu.memory_space<vmem>> -> memref<80x128xbf16, #tpu.memory_space<vmem>>
          %parallel_loop3A_171 = tpu.memref_reshape %parallel_loop3A_170 : memref<80x128xbf16, #tpu.memory_space<vmem>> -> memref<40x2x128xbf16, #tpu.memory_space<vmem>>
          %parallel_loop3A_172 = arith.index_cast %parallel_loop3A_164 : i32 to index
          %parallel_loop3A_173 = arith.index_cast %parallel_loop3A_169 : i32 to index
          %parallel_loop3A_174 = arith.constant 0 : index
          %parallel_loop3A_175 = tpu.vector_load %parallel_loop3A_171[%parallel_loop3A_172, %parallel_loop3A_173, %parallel_loop3A_174] {strides = array<i32>} : memref<40x2x128xbf16, #tpu.memory_space<vmem>>, vector<1x1x64xbf16>,
          %parallel_loop3A_176 = vector.shape_cast %parallel_loop3A_175 : vector<1x1x64xbf16> to vector<64xbf16>
          %parallel_loop3A_177 = arith.extf %parallel_loop3A_176 : vector<64xbf16> to vector<64xf32>
          %parallel_loop3A_178 = arith.index_cast %parallel_loop3A_168 : i32 to index
          %parallel_loop3A_179 = arith.constant 0 : index
          %parallel_loop3A_180 = tpu.vector_load %arg17[%parallel_loop3A_178, %parallel_loop3A_179] {strides = array<i32>} : memref<80x128xf32, #tpu.memory_space<vmem>>, vector<1x64xf32>,
          %parallel_loop3A_181 = vector.shape_cast %parallel_loop3A_180 : vector<1x64xf32> to vector<64xf32>
          %parallel_loop3A_182 = arith.mulf %parallel_loop3A_181, %parallel_loop3A_177 : vector<64xf32>
          %parallel_loop3A_183 = arith.index_cast %parallel_loop3A_168 : i32 to index
          %parallel_loop3A_184 = arith.constant 0 : index
          %parallel_loop3A_185 = tpu.vector_load %arg17[%parallel_loop3A_183, %parallel_loop3A_184] {strides = array<i32>} : memref<80x128xf32, #tpu.memory_space<vmem>>, vector<1x64xf32>,
          %parallel_loop3A_186 = vector.shape_cast %parallel_loop3A_185 : vector<1x64xf32> to vector<64xf32>
          %parallel_loop3A_187 = vector.shape_cast %parallel_loop3A_182 : vector<64xf32> to vector<1x64xf32>
          tpu.vector_store %arg17[%parallel_loop3A_183, %parallel_loop3A_184], %parallel_loop3A_187 {strides = array<i32>} : memref<80x128xf32, #tpu.memory_space<vmem>>, vector<1x64xf32>,
          %parallel_loop3A_188 = arith.constant 0 : i32
          %parallel_loop3A_189 = tpu.memref_bitcast %arg19 : memref<40x128xi32, #tpu.memory_space<vmem>> -> memref<80x128xbf16, #tpu.memory_space<vmem>>
          %parallel_loop3A_190 = tpu.memref_reshape %parallel_loop3A_189 : memref<80x128xbf16, #tpu.memory_space<vmem>> -> memref<40x2x128xbf16, #tpu.memory_space<vmem>>
          %parallel_loop3A_191 = arith.index_cast %parallel_loop3A_164 : i32 to index
          %parallel_loop3A_192 = arith.index_cast %parallel_loop3A_188 : i32 to index
          %parallel_loop3A_193 = arith.constant 64 : index
          %parallel_loop3A_194 = tpu.vector_load %parallel_loop3A_190[%parallel_loop3A_191, %parallel_loop3A_192, %parallel_loop3A_193] {strides = array<i32>} : memref<40x2x128xbf16, #tpu.memory_space<vmem>>, vector<1x1x64xbf16>,
          %parallel_loop3A_195 = vector.shape_cast %parallel_loop3A_194 : vector<1x1x64xbf16> to vector<64xbf16>
          %parallel_loop3A_196 = arith.extf %parallel_loop3A_195 : vector<64xbf16> to vector<64xf32>
          %parallel_loop3A_197 = arith.index_cast %parallel_loop3A_168 : i32 to index
          %parallel_loop3A_198 = arith.constant 64 : index
          %parallel_loop3A_199 = tpu.vector_load %arg17[%parallel_loop3A_197, %parallel_loop3A_198] {strides = array<i32>} : memref<80x128xf32, #tpu.memory_space<vmem>>, vector<1x64xf32>,
          %parallel_loop3A_200 = vector.shape_cast %parallel_loop3A_199 : vector<1x64xf32> to vector<64xf32>
          %parallel_loop3A_201 = arith.mulf %parallel_loop3A_200, %parallel_loop3A_196 : vector<64xf32>
          %parallel_loop3A_202 = arith.index_cast %parallel_loop3A_168 : i32 to index
          %parallel_loop3A_203 = arith.constant 64 : index
          %parallel_loop3A_204 = tpu.vector_load %arg17[%parallel_loop3A_202, %parallel_loop3A_203] {strides = array<i32>} : memref<80x128xf32, #tpu.memory_space<vmem>>, vector<1x64xf32>,
          %parallel_loop3A_205 = vector.shape_cast %parallel_loop3A_204 : vector<1x64xf32> to vector<64xf32>
          %parallel_loop3A_206 = vector.shape_cast %parallel_loop3A_201 : vector<64xf32> to vector<1x64xf32>
          tpu.vector_store %arg17[%parallel_loop3A_202, %parallel_loop3A_203], %parallel_loop3A_206 {strides = array<i32>} : memref<80x128xf32, #tpu.memory_space<vmem>>, vector<1x64xf32>,
          %parallel_loop3A_207 = arith.constant 2 : i32
          %parallel_loop3A_208 = arith.muli %parallel_loop3A_164, %parallel_loop3A_207 : i32
          %parallel_loop3A_209 = arith.constant 1 : i32
          %parallel_loop3A_210 = arith.addi %parallel_loop3A_208, %parallel_loop3A_209 : i32
          %parallel_loop3A_211 = arith.constant 1 : i32
          %parallel_loop3A_212 = tpu.memref_bitcast %arg19 : memref<40x128xi32, #tpu.memory_space<vmem>> -> memref<80x128xbf16, #tpu.memory_space<vmem>>
          %parallel_loop3A_213 = tpu.memref_reshape %parallel_loop3A_212 : memref<80x128xbf16, #tpu.memory_space<vmem>> -> memref<40x2x128xbf16, #tpu.memory_space<vmem>>
          %parallel_loop3A_214 = arith.index_cast %parallel_loop3A_164 : i32 to index
          %parallel_loop3A_215 = arith.index_cast %parallel_loop3A_211 : i32 to index
          %parallel_loop3A_216 = arith.constant 0 : index
          %parallel_loop3A_217 = tpu.vector_load %parallel_loop3A_213[%parallel_loop3A_214, %parallel_loop3A_215, %parallel_loop3A_216] {strides = array<i32>} : memref<40x2x128xbf16, #tpu.memory_space<vmem>>, vector<1x1x64xbf16>,
          %parallel_loop3A_218 = vector.shape_cast %parallel_loop3A_217 : vector<1x1x64xbf16> to vector<64xbf16>
          %parallel_loop3A_219 = arith.extf %parallel_loop3A_218 : vector<64xbf16> to vector<64xf32>
          %parallel_loop3A_220 = arith.index_cast %parallel_loop3A_210 : i32 to index
          %parallel_loop3A_221 = arith.constant 0 : index
          %parallel_loop3A_222 = tpu.vector_load %arg17[%parallel_loop3A_220, %parallel_loop3A_221] {strides = array<i32>} : memref<80x128xf32, #tpu.memory_space<vmem>>, vector<1x64xf32>,
          %parallel_loop3A_223 = vector.shape_cast %parallel_loop3A_222 : vector<1x64xf32> to vector<64xf32>
          %parallel_loop3A_224 = arith.mulf %parallel_loop3A_223, %parallel_loop3A_219 : vector<64xf32>
          %parallel_loop3A_225 = arith.index_cast %parallel_loop3A_210 : i32 to index
          %parallel_loop3A_226 = arith.constant 0 : index
          %parallel_loop3A_227 = tpu.vector_load %arg17[%parallel_loop3A_225, %parallel_loop3A_226] {strides = array<i32>} : memref<80x128xf32, #tpu.memory_space<vmem>>, vector<1x64xf32>,
          %parallel_loop3A_228 = vector.shape_cast %parallel_loop3A_227 : vector<1x64xf32> to vector<64xf32>
          %parallel_loop3A_229 = vector.shape_cast %parallel_loop3A_224 : vector<64xf32> to vector<1x64xf32>
          tpu.vector_store %arg17[%parallel_loop3A_225, %parallel_loop3A_226], %parallel_loop3A_229 {strides = array<i32>} : memref<80x128xf32, #tpu.memory_space<vmem>>, vector<1x64xf32>,
          %parallel_loop3A_230 = arith.constant 1 : i32
          %parallel_loop3A_231 = tpu.memref_bitcast %arg19 : memref<40x128xi32, #tpu.memory_space<vmem>> -> memref<80x128xbf16, #tpu.memory_space<vmem>>
          %parallel_loop3A_232 = tpu.memref_reshape %parallel_loop3A_231 : memref<80x128xbf16, #tpu.memory_space<vmem>> -> memref<40x2x128xbf16, #tpu.memory_space<vmem>>
          %parallel_loop3A_233 = arith.index_cast %parallel_loop3A_164 : i32 to index
          %parallel_loop3A_234 = arith.index_cast %parallel_loop3A_230 : i32 to index
          %parallel_loop3A_235 = arith.constant 64 : index
          %parallel_loop3A_236 = tpu.vector_load %parallel_loop3A_232[%parallel_loop3A_233, %parallel_loop3A_234, %parallel_loop3A_235] {strides = array<i32>} : memref<40x2x128xbf16, #tpu.memory_space<vmem>>, vector<1x1x64xbf16>,
          %parallel_loop3A_237 = vector.shape_cast %parallel_loop3A_236 : vector<1x1x64xbf16> to vector<64xbf16>
          %parallel_loop3A_238 = arith.extf %parallel_loop3A_237 : vector<64xbf16> to vector<64xf32>
          %parallel_loop3A_239 = arith.index_cast %parallel_loop3A_210 : i32 to index
          %parallel_loop3A_240 = arith.constant 64 : index
          %parallel_loop3A_241 = tpu.vector_load %arg17[%parallel_loop3A_239, %parallel_loop3A_240] {strides = array<i32>} : memref<80x128xf32, #tpu.memory_space<vmem>>, vector<1x64xf32>,
          %parallel_loop3A_242 = vector.shape_cast %parallel_loop3A_241 : vector<1x64xf32> to vector<64xf32>
          %parallel_loop3A_243 = arith.mulf %parallel_loop3A_242, %parallel_loop3A_238 : vector<64xf32>
          %parallel_loop3A_244 = arith.index_cast %parallel_loop3A_210 : i32 to index
          %parallel_loop3A_245 = arith.constant 64 : index
          %parallel_loop3A_246 = tpu.vector_load %arg17[%parallel_loop3A_244, %parallel_loop3A_245] {strides = array<i32>} : memref<80x128xf32, #tpu.memory_space<vmem>>, vector<1x64xf32>,
          %parallel_loop3A_247 = vector.shape_cast %parallel_loop3A_246 : vector<1x64xf32> to vector<64xf32>
          %parallel_loop3A_248 = vector.shape_cast %parallel_loop3A_243 : vector<64xf32> to vector<1x64xf32>
          tpu.vector_store %arg17[%parallel_loop3A_244, %parallel_loop3A_245], %parallel_loop3A_248 {strides = array<i32>} : memref<80x128xf32, #tpu.memory_space<vmem>>, vector<1x64xf32>,
        } {sc.loop_unroll_factor = 2 : i64, sc.parallel_access}
        "tpu.region"() ({
          %run_scoped3A = tpu.sem_alloc : memref<!tpu.dma_semaphore, #tpu.memory_space<semaphore_mem>>
          %dma_start3A_164 = arith.constant 0 : i32
          %dma_start3A_165 = arith.constant 0 : i32
          %dma_start3A_166 = tpu.memref_slice %arg21[%dma_start3A_164, %dma_start3A_165] : memref<10000x128xf32, #tpu.memory_space<vmem_shared>> -> memref<10000x128xf32, #tpu.memory_space<vmem_shared>>
          tpu.enqueue_indirect_dma source(%arg17 : memref<80x128xf32, #tpu.memory_space<vmem>>) target(%dma_start3A_166 : memref<10000x128xf32, #tpu.memory_space<vmem_shared>>) offsets(%arg15 : memref<80xi32, #tpu.memory_space<vmem>>) semaphore(%run_scoped3A : memref<!tpu.dma_semaphore, #tpu.memory_space<semaphore_mem>>) {add = true}
          %dma_wait3A_167 = arith.constant 0 : i32
          %dma_wait3A_168 = arith.constant 0 : i32
          %dma_wait3A_169 = tpu.memref_slice %arg21[%dma_wait3A_167, %dma_wait3A_168] : memref<10000x128xf32, #tpu.memory_space<vmem_shared>> -> memref<10000x128xf32, #tpu.memory_space<vmem_shared>>
          tpu.wait_indirect_dma semaphore(%run_scoped3A : memref<!tpu.dma_semaphore, #tpu.memory_space<semaphore_mem>>) src(%arg17 : memref<80x128xf32, #tpu.memory_space<vmem>>) dst(%dma_wait3A_169 : memref<10000x128xf32, #tpu.memory_space<vmem_shared>>)
          tpu.yield
        }) : () -> ()
        %add3A_151 = arith.constant 2 : i32
        %add3A_152 = arith.addi %scan3A_111, %add3A_151 : i32
        %lt3A = arith.constant 75 : i32
        %lt3A_153 = arith.cmpi slt, %add3A_152, %lt3A : i32
        %convert_element_type3A_154 = arith.extui %lt3A_153 : i1 to i32
        %cond3A_155 = arith.constant 0 : i32
        %cond3A_156 = arith.cmpi ne, %convert_element_type3A_154, %cond3A_155 : i32
        scf.if %cond3A_156 {
          %add3A_164 = arith.constant 2 : i32
          %add3A_165 = arith.addi %scan3A_111, %add3A_164 : i32
          %mul3A_166 = arith.constant 75 : i32
          %mul3A_167 = arith.muli %add3A, %mul3A_166 : i32
          %add3A_168 = arith.addi %mul3A_167, %add3A_165 : i32
          %mul3A_169 = arith.constant 80 : i32
          %mul3A_170 = arith.muli %add3A_168, %mul3A_169 : i32
          %add3A_171 = arith.constant 0 : i32
          %add3A_172 = arith.addi %add3A_171, %mul3A_170 : i32
          %dma_wait3A_173 = tpu.memref_slice %arg2[%add3A_172] : memref<320000xi32, #tpu.memory_space<hbm>> -> memref<80xi32, #tpu.memory_space<hbm>>
          %dma_wait3A_174 = tpu.memref_slice %arg2[%add3A_172] : memref<320000xi32, #tpu.memory_space<hbm>> -> memref<80xi32, #tpu.memory_space<hbm>>
          tpu.wait_dma2 semaphore(%arg22 : memref<!tpu.dma_semaphore, #tpu.memory_space<semaphore_mem>>) src(%dma_wait3A_174 : memref<80xi32, #tpu.memory_space<hbm>>) dst(%arg9 : memref<80xi32, #tpu.memory_space<vmem>>)
          %dma_wait3A_175 = tpu.memref_slice %arg3[%add3A_172] : memref<320000xi32, #tpu.memory_space<hbm>> -> memref<80xi32, #tpu.memory_space<hbm>>
          %dma_wait3A_176 = tpu.memref_slice %arg3[%add3A_172] : memref<320000xi32, #tpu.memory_space<hbm>> -> memref<80xi32, #tpu.memory_space<hbm>>
          tpu.wait_dma2 semaphore(%arg22 : memref<!tpu.dma_semaphore, #tpu.memory_space<semaphore_mem>>) src(%dma_wait3A_176 : memref<80xi32, #tpu.memory_space<hbm>>) dst(%arg13 : memref<80xi32, #tpu.memory_space<vmem>>)
          %add3A_177 = arith.constant 2 : i32
          %add3A_178 = arith.addi %scan3A_111, %add3A_177 : i32
          %dma_start3A_179 = arith.constant 0 : i32
          %dma_start3A_180 = arith.constant 0 : i32
          %dma_start3A_181 = tpu.memref_slice %arg5[%dma_start3A_179, %dma_start3A_180] : memref<10000x128xf32, #tpu.memory_space<hbm>> -> memref<10000x128xf32, #tpu.memory_space<hbm>>
          tpu.enqueue_indirect_dma source(%dma_start3A_181 : memref<10000x128xf32, #tpu.memory_space<hbm>>) target(%arg17 : memref<80x128xf32, #tpu.memory_space<vmem>>) offsets(%arg9 : memref<80xi32, #tpu.memory_space<vmem>>) semaphore(%arg26 : memref<!tpu.dma_semaphore, #tpu.memory_space<semaphore_mem>>)
          %mul3A_182 = arith.constant 40 : i32
          %mul3A_183 = arith.muli %add3A_178, %mul3A_182 : i32
          %add3A_184 = arith.addi %mul3A_2, %mul3A_183 : i32
          %dma_start3A_185 = arith.constant 0 : i32
          %dma_start3A_186 = tpu.memref_slice %arg4[%add3A_184, %dma_start3A_185] : memref<96000x128xi32, #tpu.memory_space<hbm>> -> memref<40x128xi32, #tpu.memory_space<hbm>>
          %dma_start3A_187 = arith.constant 0 : i32
          %dma_start3A_188 = tpu.memref_slice %arg4[%add3A_184, %dma_start3A_187] : memref<96000x128xi32, #tpu.memory_space<hbm>> -> memref<40x128xi32, #tpu.memory_space<hbm>>
          tpu.enqueue_dma source(%dma_start3A_188 : memref<40x128xi32, #tpu.memory_space<hbm>>) target(%arg19 : memref<40x128xi32, #tpu.memory_space<vmem>>) target_semaphore(%arg28 : memref<!tpu.dma_semaphore, #tpu.memory_space<semaphore_mem>>)
        } else {
        }
        %add3A_157 = arith.constant 4 : i32
        %add3A_158 = arith.addi %scan3A_111, %add3A_157 : i32
        %lt3A_159 = arith.constant 75 : i32
        %lt3A_160 = arith.cmpi slt, %add3A_158, %lt3A_159 : i32
        %convert_element_type3A_161 = arith.extui %lt3A_160 : i1 to i32
        %cond3A_162 = arith.constant 0 : i32
        %cond3A_163 = arith.cmpi ne, %convert_element_type3A_161, %cond3A_162 : i32
        scf.if %cond3A_163 {
          %add3A_164 = arith.constant 4 : i32
          %add3A_165 = arith.addi %scan3A_111, %add3A_164 : i32
          %mul3A_166 = arith.constant 75 : i32
          %mul3A_167 = arith.muli %add3A, %mul3A_166 : i32
          %add3A_168 = arith.addi %mul3A_167, %add3A_165 : i32
          %mul3A_169 = arith.constant 80 : i32
          %mul3A_170 = arith.muli %add3A_168, %mul3A_169 : i32
          %add3A_171 = arith.constant 0 : i32
          %add3A_172 = arith.addi %add3A_171, %mul3A_170 : i32
          %dma_start3A_173 = tpu.memref_slice %arg2[%add3A_172] : memref<320000xi32, #tpu.memory_space<hbm>> -> memref<80xi32, #tpu.memory_space<hbm>>
          %dma_start3A_174 = tpu.memref_slice %arg2[%add3A_172] : memref<320000xi32, #tpu.memory_space<hbm>> -> memref<80xi32, #tpu.memory_space<hbm>>
          tpu.enqueue_dma source(%dma_start3A_174 : memref<80xi32, #tpu.memory_space<hbm>>) target(%arg11 : memref<80xi32, #tpu.memory_space<vmem>>) target_semaphore(%arg24 : memref<!tpu.dma_semaphore, #tpu.memory_space<semaphore_mem>>)
          %dma_start3A_175 = tpu.memref_slice %arg3[%add3A_172] : memref<320000xi32, #tpu.memory_space<hbm>> -> memref<80xi32, #tpu.memory_space<hbm>>
          %dma_start3A_176 = tpu.memref_slice %arg3[%add3A_172] : memref<320000xi32, #tpu.memory_space<hbm>> -> memref<80xi32, #tpu.memory_space<hbm>>
          tpu.enqueue_dma source(%dma_start3A_176 : memref<80xi32, #tpu.memory_space<hbm>>) target(%arg15 : memref<80xi32, #tpu.memory_space<vmem>>) target_semaphore(%arg24 : memref<!tpu.dma_semaphore, #tpu.memory_space<semaphore_mem>>)
        } else {
        }
      } else {
      }
      %rem3A_125 = arith.constant 4 : i32
      %rem3A_126 = arith.remsi %scan3A_111, %rem3A_125 : i32
      %eq3A_127 = arith.constant 1 : i32
      %eq3A_128 = arith.cmpi eq, %rem3A_126, %eq3A_127 : i32
      %convert_element_type3A_129 = arith.extui %eq3A_128 : i1 to i32
      %cond3A_130 = arith.constant 0 : i32
      %cond3A_131 = arith.cmpi ne, %convert_element_type3A_129, %cond3A_130 : i32
      scf.if %cond3A_131 {
        %dma_wait3A_139 = arith.constant 0 : i32
        %dma_wait3A_140 = arith.constant 0 : i32
        %dma_wait3A_141 = tpu.memref_slice %arg5[%dma_wait3A_139, %dma_wait3A_140] : memref<10000x128xf32, #tpu.memory_space<hbm>> -> memref<10000x128xf32, #tpu.memory_space<hbm>>
        tpu.wait_indirect_dma semaphore(%arg27 : memref<!tpu.dma_semaphore, #tpu.memory_space<semaphore_mem>>) src(%dma_wait3A_141 : memref<10000x128xf32, #tpu.memory_space<hbm>>) dst(%arg18 : memref<80x128xf32, #tpu.memory_space<vmem>>)
        %mul3A_142 = arith.constant 40 : i32
        %mul3A_143 = arith.muli %scan3A_111, %mul3A_142 : i32
        %add3A_144 = arith.addi %mul3A_2, %mul3A_143 : i32
        %dma_wait3A_145 = arith.constant 0 : i32
        %dma_wait3A_146 = tpu.memref_slice %arg4[%add3A_144, %dma_wait3A_145] : memref<96000x128xi32, #tpu.memory_space<hbm>> -> memref<40x128xi32, #tpu.memory_space<hbm>>
        %dma_wait3A_147 = arith.constant 0 : i32
        %dma_wait3A_148 = tpu.memref_slice %arg4[%add3A_144, %dma_wait3A_147] : memref<96000x128xi32, #tpu.memory_space<hbm>> -> memref<40x128xi32, #tpu.memory_space<hbm>>
        tpu.wait_dma2 semaphore(%arg29 : memref<!tpu.dma_semaphore, #tpu.memory_space<semaphore_mem>>) src(%dma_wait3A_148 : memref<40x128xi32, #tpu.memory_space<hbm>>) dst(%arg20 : memref<40x128xi32, #tpu.memory_space<vmem>>)
        %parallel_loop3A = arith.constant 0 : i32
        %parallel_loop3A_149 = arith.constant 40 : i32
        %parallel_loop3A_150 = arith.constant 1 : i32
        scf.for %parallel_loop3A_164 = %parallel_loop3A to %parallel_loop3A_149 step %parallel_loop3A_150  : i32 {
          %parallel_loop3A_165 = arith.constant 2 : i32
          %parallel_loop3A_166 = arith.muli %parallel_loop3A_164, %parallel_loop3A_165 : i32
          %parallel_loop3A_167 = arith.constant 0 : i32
          %parallel_loop3A_168 = arith.addi %parallel_loop3A_166, %parallel_loop3A_167 : i32
          %parallel_loop3A_169 = arith.constant 0 : i32
          %parallel_loop3A_170 = tpu.memref_bitcast %arg20 : memref<40x128xi32, #tpu.memory_space<vmem>> -> memref<80x128xbf16, #tpu.memory_space<vmem>>
          %parallel_loop3A_171 = tpu.memref_reshape %parallel_loop3A_170 : memref<80x128xbf16, #tpu.memory_space<vmem>> -> memref<40x2x128xbf16, #tpu.memory_space<vmem>>
          %parallel_loop3A_172 = arith.index_cast %parallel_loop3A_164 : i32 to index
          %parallel_loop3A_173 = arith.index_cast %parallel_loop3A_169 : i32 to index
          %parallel_loop3A_174 = arith.constant 0 : index
          %parallel_loop3A_175 = tpu.vector_load %parallel_loop3A_171[%parallel_loop3A_172, %parallel_loop3A_173, %parallel_loop3A_174] {strides = array<i32>} : memref<40x2x128xbf16, #tpu.memory_space<vmem>>, vector<1x1x64xbf16>,
          %parallel_loop3A_176 = vector.shape_cast %parallel_loop3A_175 : vector<1x1x64xbf16> to vector<64xbf16>
          %parallel_loop3A_177 = arith.extf %parallel_loop3A_176 : vector<64xbf16> to vector<64xf32>
          %parallel_loop3A_178 = arith.index_cast %parallel_loop3A_168 : i32 to index
          %parallel_loop3A_179 = arith.constant 0 : index
          %parallel_loop3A_180 = tpu.vector_load %arg18[%parallel_loop3A_178, %parallel_loop3A_179] {strides = array<i32>} : memref<80x128xf32, #tpu.memory_space<vmem>>, vector<1x64xf32>,
          %parallel_loop3A_181 = vector.shape_cast %parallel_loop3A_180 : vector<1x64xf32> to vector<64xf32>
          %parallel_loop3A_182 = arith.mulf %parallel_loop3A_181, %parallel_loop3A_177 : vector<64xf32>
          %parallel_loop3A_183 = arith.index_cast %parallel_loop3A_168 : i32 to index
          %parallel_loop3A_184 = arith.constant 0 : index
          %parallel_loop3A_185 = tpu.vector_load %arg18[%parallel_loop3A_183, %parallel_loop3A_184] {strides = array<i32>} : memref<80x128xf32, #tpu.memory_space<vmem>>, vector<1x64xf32>,
          %parallel_loop3A_186 = vector.shape_cast %parallel_loop3A_185 : vector<1x64xf32> to vector<64xf32>
          %parallel_loop3A_187 = vector.shape_cast %parallel_loop3A_182 : vector<64xf32> to vector<1x64xf32>
          tpu.vector_store %arg18[%parallel_loop3A_183, %parallel_loop3A_184], %parallel_loop3A_187 {strides = array<i32>} : memref<80x128xf32, #tpu.memory_space<vmem>>, vector<1x64xf32>,
          %parallel_loop3A_188 = arith.constant 0 : i32
          %parallel_loop3A_189 = tpu.memref_bitcast %arg20 : memref<40x128xi32, #tpu.memory_space<vmem>> -> memref<80x128xbf16, #tpu.memory_space<vmem>>
          %parallel_loop3A_190 = tpu.memref_reshape %parallel_loop3A_189 : memref<80x128xbf16, #tpu.memory_space<vmem>> -> memref<40x2x128xbf16, #tpu.memory_space<vmem>>
          %parallel_loop3A_191 = arith.index_cast %parallel_loop3A_164 : i32 to index
          %parallel_loop3A_192 = arith.index_cast %parallel_loop3A_188 : i32 to index
          %parallel_loop3A_193 = arith.constant 64 : index
          %parallel_loop3A_194 = tpu.vector_load %parallel_loop3A_190[%parallel_loop3A_191, %parallel_loop3A_192, %parallel_loop3A_193] {strides = array<i32>} : memref<40x2x128xbf16, #tpu.memory_space<vmem>>, vector<1x1x64xbf16>,
          %parallel_loop3A_195 = vector.shape_cast %parallel_loop3A_194 : vector<1x1x64xbf16> to vector<64xbf16>
          %parallel_loop3A_196 = arith.extf %parallel_loop3A_195 : vector<64xbf16> to vector<64xf32>
          %parallel_loop3A_197 = arith.index_cast %parallel_loop3A_168 : i32 to index
          %parallel_loop3A_198 = arith.constant 64 : index
          %parallel_loop3A_199 = tpu.vector_load %arg18[%parallel_loop3A_197, %parallel_loop3A_198] {strides = array<i32>} : memref<80x128xf32, #tpu.memory_space<vmem>>, vector<1x64xf32>,
          %parallel_loop3A_200 = vector.shape_cast %parallel_loop3A_199 : vector<1x64xf32> to vector<64xf32>
          %parallel_loop3A_201 = arith.mulf %parallel_loop3A_200, %parallel_loop3A_196 : vector<64xf32>
          %parallel_loop3A_202 = arith.index_cast %parallel_loop3A_168 : i32 to index
          %parallel_loop3A_203 = arith.constant 64 : index
          %parallel_loop3A_204 = tpu.vector_load %arg18[%parallel_loop3A_202, %parallel_loop3A_203] {strides = array<i32>} : memref<80x128xf32, #tpu.memory_space<vmem>>, vector<1x64xf32>,
          %parallel_loop3A_205 = vector.shape_cast %parallel_loop3A_204 : vector<1x64xf32> to vector<64xf32>
          %parallel_loop3A_206 = vector.shape_cast %parallel_loop3A_201 : vector<64xf32> to vector<1x64xf32>
          tpu.vector_store %arg18[%parallel_loop3A_202, %parallel_loop3A_203], %parallel_loop3A_206 {strides = array<i32>} : memref<80x128xf32, #tpu.memory_space<vmem>>, vector<1x64xf32>,
          %parallel_loop3A_207 = arith.constant 2 : i32
          %parallel_loop3A_208 = arith.muli %parallel_loop3A_164, %parallel_loop3A_207 : i32
          %parallel_loop3A_209 = arith.constant 1 : i32
          %parallel_loop3A_210 = arith.addi %parallel_loop3A_208, %parallel_loop3A_209 : i32
          %parallel_loop3A_211 = arith.constant 1 : i32
          %parallel_loop3A_212 = tpu.memref_bitcast %arg20 : memref<40x128xi32, #tpu.memory_space<vmem>> -> memref<80x128xbf16, #tpu.memory_space<vmem>>
          %parallel_loop3A_213 = tpu.memref_reshape %parallel_loop3A_212 : memref<80x128xbf16, #tpu.memory_space<vmem>> -> memref<40x2x128xbf16, #tpu.memory_space<vmem>>
          %parallel_loop3A_214 = arith.index_cast %parallel_loop3A_164 : i32 to index
          %parallel_loop3A_215 = arith.index_cast %parallel_loop3A_211 : i32 to index
          %parallel_loop3A_216 = arith.constant 0 : index
          %parallel_loop3A_217 = tpu.vector_load %parallel_loop3A_213[%parallel_loop3A_214, %parallel_loop3A_215, %parallel_loop3A_216] {strides = array<i32>} : memref<40x2x128xbf16, #tpu.memory_space<vmem>>, vector<1x1x64xbf16>,
          %parallel_loop3A_218 = vector.shape_cast %parallel_loop3A_217 : vector<1x1x64xbf16> to vector<64xbf16>
          %parallel_loop3A_219 = arith.extf %parallel_loop3A_218 : vector<64xbf16> to vector<64xf32>
          %parallel_loop3A_220 = arith.index_cast %parallel_loop3A_210 : i32 to index
          %parallel_loop3A_221 = arith.constant 0 : index
          %parallel_loop3A_222 = tpu.vector_load %arg18[%parallel_loop3A_220, %parallel_loop3A_221] {strides = array<i32>} : memref<80x128xf32, #tpu.memory_space<vmem>>, vector<1x64xf32>,
          %parallel_loop3A_223 = vector.shape_cast %parallel_loop3A_222 : vector<1x64xf32> to vector<64xf32>
          %parallel_loop3A_224 = arith.mulf %parallel_loop3A_223, %parallel_loop3A_219 : vector<64xf32>
          %parallel_loop3A_225 = arith.index_cast %parallel_loop3A_210 : i32 to index
          %parallel_loop3A_226 = arith.constant 0 : index
          %parallel_loop3A_227 = tpu.vector_load %arg18[%parallel_loop3A_225, %parallel_loop3A_226] {strides = array<i32>} : memref<80x128xf32, #tpu.memory_space<vmem>>, vector<1x64xf32>,
          %parallel_loop3A_228 = vector.shape_cast %parallel_loop3A_227 : vector<1x64xf32> to vector<64xf32>
          %parallel_loop3A_229 = vector.shape_cast %parallel_loop3A_224 : vector<64xf32> to vector<1x64xf32>
          tpu.vector_store %arg18[%parallel_loop3A_225, %parallel_loop3A_226], %parallel_loop3A_229 {strides = array<i32>} : memref<80x128xf32, #tpu.memory_space<vmem>>, vector<1x64xf32>,
          %parallel_loop3A_230 = arith.constant 1 : i32
          %parallel_loop3A_231 = tpu.memref_bitcast %arg20 : memref<40x128xi32, #tpu.memory_space<vmem>> -> memref<80x128xbf16, #tpu.memory_space<vmem>>
          %parallel_loop3A_232 = tpu.memref_reshape %parallel_loop3A_231 : memref<80x128xbf16, #tpu.memory_space<vmem>> -> memref<40x2x128xbf16, #tpu.memory_space<vmem>>
          %parallel_loop3A_233 = arith.index_cast %parallel_loop3A_164 : i32 to index
          %parallel_loop3A_234 = arith.index_cast %parallel_loop3A_230 : i32 to index
          %parallel_loop3A_235 = arith.constant 64 : index
          %parallel_loop3A_236 = tpu.vector_load %parallel_loop3A_232[%parallel_loop3A_233, %parallel_loop3A_234, %parallel_loop3A_235] {strides = array<i32>} : memref<40x2x128xbf16, #tpu.memory_space<vmem>>, vector<1x1x64xbf16>,
          %parallel_loop3A_237 = vector.shape_cast %parallel_loop3A_236 : vector<1x1x64xbf16> to vector<64xbf16>
          %parallel_loop3A_238 = arith.extf %parallel_loop3A_237 : vector<64xbf16> to vector<64xf32>
          %parallel_loop3A_239 = arith.index_cast %parallel_loop3A_210 : i32 to index
          %parallel_loop3A_240 = arith.constant 64 : index
          %parallel_loop3A_241 = tpu.vector_load %arg18[%parallel_loop3A_239, %parallel_loop3A_240] {strides = array<i32>} : memref<80x128xf32, #tpu.memory_space<vmem>>, vector<1x64xf32>,
          %parallel_loop3A_242 = vector.shape_cast %parallel_loop3A_241 : vector<1x64xf32> to vector<64xf32>
          %parallel_loop3A_243 = arith.mulf %parallel_loop3A_242, %parallel_loop3A_238 : vector<64xf32>
          %parallel_loop3A_244 = arith.index_cast %parallel_loop3A_210 : i32 to index
          %parallel_loop3A_245 = arith.constant 64 : index
          %parallel_loop3A_246 = tpu.vector_load %arg18[%parallel_loop3A_244, %parallel_loop3A_245] {strides = array<i32>} : memref<80x128xf32, #tpu.memory_space<vmem>>, vector<1x64xf32>,
          %parallel_loop3A_247 = vector.shape_cast %parallel_loop3A_246 : vector<1x64xf32> to vector<64xf32>
          %parallel_loop3A_248 = vector.shape_cast %parallel_loop3A_243 : vector<64xf32> to vector<1x64xf32>
          tpu.vector_store %arg18[%parallel_loop3A_244, %parallel_loop3A_245], %parallel_loop3A_248 {strides = array<i32>} : memref<80x128xf32, #tpu.memory_space<vmem>>, vector<1x64xf32>,
        } {sc.loop_unroll_factor = 2 : i64, sc.parallel_access}
        "tpu.region"() ({
          %run_scoped3A = tpu.sem_alloc : memref<!tpu.dma_semaphore, #tpu.memory_space<semaphore_mem>>
          %dma_start3A_164 = arith.constant 0 : i32
          %dma_start3A_165 = arith.constant 0 : i32
          %dma_start3A_166 = tpu.memref_slice %arg21[%dma_start3A_164, %dma_start3A_165] : memref<10000x128xf32, #tpu.memory_space<vmem_shared>> -> memref<10000x128xf32, #tpu.memory_space<vmem_shared>>
          tpu.enqueue_indirect_dma source(%arg18 : memref<80x128xf32, #tpu.memory_space<vmem>>) target(%dma_start3A_166 : memref<10000x128xf32, #tpu.memory_space<vmem_shared>>) offsets(%arg14 : memref<80xi32, #tpu.memory_space<vmem>>) semaphore(%run_scoped3A : memref<!tpu.dma_semaphore, #tpu.memory_space<semaphore_mem>>) {add = true}
          %dma_wait3A_167 = arith.constant 0 : i32
          %dma_wait3A_168 = arith.constant 0 : i32
          %dma_wait3A_169 = tpu.memref_slice %arg21[%dma_wait3A_167, %dma_wait3A_168] : memref<10000x128xf32, #tpu.memory_space<vmem_shared>> -> memref<10000x128xf32, #tpu.memory_space<vmem_shared>>
          tpu.wait_indirect_dma semaphore(%run_scoped3A : memref<!tpu.dma_semaphore, #tpu.memory_space<semaphore_mem>>) src(%arg18 : memref<80x128xf32, #tpu.memory_space<vmem>>) dst(%dma_wait3A_169 : memref<10000x128xf32, #tpu.memory_space<vmem_shared>>)
          tpu.yield
        }) : () -> ()
        %add3A_151 = arith.constant 2 : i32
        %add3A_152 = arith.addi %scan3A_111, %add3A_151 : i32
        %lt3A = arith.constant 75 : i32
        %lt3A_153 = arith.cmpi slt, %add3A_152, %lt3A : i32
        %convert_element_type3A_154 = arith.extui %lt3A_153 : i1 to i32
        %cond3A_155 = arith.constant 0 : i32
        %cond3A_156 = arith.cmpi ne, %convert_element_type3A_154, %cond3A_155 : i32
        scf.if %cond3A_156 {
          %add3A_164 = arith.constant 2 : i32
          %add3A_165 = arith.addi %scan3A_111, %add3A_164 : i32
          %mul3A_166 = arith.constant 75 : i32
          %mul3A_167 = arith.muli %add3A, %mul3A_166 : i32
          %add3A_168 = arith.addi %mul3A_167, %add3A_165 : i32
          %mul3A_169 = arith.constant 80 : i32
          %mul3A_170 = arith.muli %add3A_168, %mul3A_169 : i32
          %add3A_171 = arith.constant 0 : i32
          %add3A_172 = arith.addi %add3A_171, %mul3A_170 : i32
          %dma_wait3A_173 = tpu.memref_slice %arg2[%add3A_172] : memref<320000xi32, #tpu.memory_space<hbm>> -> memref<80xi32, #tpu.memory_space<hbm>>
          %dma_wait3A_174 = tpu.memref_slice %arg2[%add3A_172] : memref<320000xi32, #tpu.memory_space<hbm>> -> memref<80xi32, #tpu.memory_space<hbm>>
          tpu.wait_dma2 semaphore(%arg25 : memref<!tpu.dma_semaphore, #tpu.memory_space<semaphore_mem>>) src(%dma_wait3A_174 : memref<80xi32, #tpu.memory_space<hbm>>) dst(%arg12 : memref<80xi32, #tpu.memory_space<vmem>>)
          %dma_wait3A_175 = tpu.memref_slice %arg3[%add3A_172] : memref<320000xi32, #tpu.memory_space<hbm>> -> memref<80xi32, #tpu.memory_space<hbm>>
          %dma_wait3A_176 = tpu.memref_slice %arg3[%add3A_172] : memref<320000xi32, #tpu.memory_space<hbm>> -> memref<80xi32, #tpu.memory_space<hbm>>
          tpu.wait_dma2 semaphore(%arg25 : memref<!tpu.dma_semaphore, #tpu.memory_space<semaphore_mem>>) src(%dma_wait3A_176 : memref<80xi32, #tpu.memory_space<hbm>>) dst(%arg16 : memref<80xi32, #tpu.memory_space<vmem>>)
          %add3A_177 = arith.constant 2 : i32
          %add3A_178 = arith.addi %scan3A_111, %add3A_177 : i32
          %dma_start3A_179 = arith.constant 0 : i32
          %dma_start3A_180 = arith.constant 0 : i32
          %dma_start3A_181 = tpu.memref_slice %arg5[%dma_start3A_179, %dma_start3A_180] : memref<10000x128xf32, #tpu.memory_space<hbm>> -> memref<10000x128xf32, #tpu.memory_space<hbm>>
          tpu.enqueue_indirect_dma source(%dma_start3A_181 : memref<10000x128xf32, #tpu.memory_space<hbm>>) target(%arg18 : memref<80x128xf32, #tpu.memory_space<vmem>>) offsets(%arg12 : memref<80xi32, #tpu.memory_space<vmem>>) semaphore(%arg27 : memref<!tpu.dma_semaphore, #tpu.memory_space<semaphore_mem>>)
          %mul3A_182 = arith.constant 40 : i32
          %mul3A_183 = arith.muli %add3A_178, %mul3A_182 : i32
          %add3A_184 = arith.addi %mul3A_2, %mul3A_183 : i32
          %dma_start3A_185 = arith.constant 0 : i32
          %dma_start3A_186 = tpu.memref_slice %arg4[%add3A_184, %dma_start3A_185] : memref<96000x128xi32, #tpu.memory_space<hbm>> -> memref<40x128xi32, #tpu.memory_space<hbm>>
          %dma_start3A_187 = arith.constant 0 : i32
          %dma_start3A_188 = tpu.memref_slice %arg4[%add3A_184, %dma_start3A_187] : memref<96000x128xi32, #tpu.memory_space<hbm>> -> memref<40x128xi32, #tpu.memory_space<hbm>>
          tpu.enqueue_dma source(%dma_start3A_188 : memref<40x128xi32, #tpu.memory_space<hbm>>) target(%arg20 : memref<40x128xi32, #tpu.memory_space<vmem>>) target_semaphore(%arg29 : memref<!tpu.dma_semaphore, #tpu.memory_space<semaphore_mem>>)
        } else {
        }
        %add3A_157 = arith.constant 4 : i32
        %add3A_158 = arith.addi %scan3A_111, %add3A_157 : i32
        %lt3A_159 = arith.constant 75 : i32
        %lt3A_160 = arith.cmpi slt, %add3A_158, %lt3A_159 : i32
        %convert_element_type3A_161 = arith.extui %lt3A_160 : i1 to i32
        %cond3A_162 = arith.constant 0 : i32
        %cond3A_163 = arith.cmpi ne, %convert_element_type3A_161, %cond3A_162 : i32
        scf.if %cond3A_163 {
          %add3A_164 = arith.constant 4 : i32
          %add3A_165 = arith.addi %scan3A_111, %add3A_164 : i32
          %mul3A_166 = arith.constant 75 : i32
          %mul3A_167 = arith.muli %add3A, %mul3A_166 : i32
          %add3A_168 = arith.addi %mul3A_167, %add3A_165 : i32
          %mul3A_169 = arith.constant 80 : i32
          %mul3A_170 = arith.muli %add3A_168, %mul3A_169 : i32
          %add3A_171 = arith.constant 0 : i32
          %add3A_172 = arith.addi %add3A_171, %mul3A_170 : i32
          %dma_start3A_173 = tpu.memref_slice %arg2[%add3A_172] : memref<320000xi32, #tpu.memory_space<hbm>> -> memref<80xi32, #tpu.memory_space<hbm>>
          %dma_start3A_174 = tpu.memref_slice %arg2[%add3A_172] : memref<320000xi32, #tpu.memory_space<hbm>> -> memref<80xi32, #tpu.memory_space<hbm>>
          tpu.enqueue_dma source(%dma_start3A_174 : memref<80xi32, #tpu.memory_space<hbm>>) target(%arg10 : memref<80xi32, #tpu.memory_space<vmem>>) target_semaphore(%arg23 : memref<!tpu.dma_semaphore, #tpu.memory_space<semaphore_mem>>)
          %dma_start3A_175 = tpu.memref_slice %arg3[%add3A_172] : memref<320000xi32, #tpu.memory_space<hbm>> -> memref<80xi32, #tpu.memory_space<hbm>>
          %dma_start3A_176 = tpu.memref_slice %arg3[%add3A_172] : memref<320000xi32, #tpu.memory_space<hbm>> -> memref<80xi32, #tpu.memory_space<hbm>>
          tpu.enqueue_dma source(%dma_start3A_176 : memref<80xi32, #tpu.memory_space<hbm>>) target(%arg14 : memref<80xi32, #tpu.memory_space<vmem>>) target_semaphore(%arg23 : memref<!tpu.dma_semaphore, #tpu.memory_space<semaphore_mem>>)
        } else {
        }
      } else {
      }
      %rem3A_132 = arith.constant 4 : i32
      %rem3A_133 = arith.remsi %scan3A_111, %rem3A_132 : i32
      %eq3A_134 = arith.constant 3 : i32
      %eq3A_135 = arith.cmpi eq, %rem3A_133, %eq3A_134 : i32
      %convert_element_type3A_136 = arith.extui %eq3A_135 : i1 to i32
      %cond3A_137 = arith.constant 0 : i32
      %cond3A_138 = arith.cmpi ne, %convert_element_type3A_136, %cond3A_137 : i32
      scf.if %cond3A_138 {
        %dma_wait3A_139 = arith.constant 0 : i32
        %dma_wait3A_140 = arith.constant 0 : i32
        %dma_wait3A_141 = tpu.memref_slice %arg5[%dma_wait3A_139, %dma_wait3A_140] : memref<10000x128xf32, #tpu.memory_space<hbm>> -> memref<10000x128xf32, #tpu.memory_space<hbm>>
        tpu.wait_indirect_dma semaphore(%arg27 : memref<!tpu.dma_semaphore, #tpu.memory_space<semaphore_mem>>) src(%dma_wait3A_141 : memref<10000x128xf32, #tpu.memory_space<hbm>>) dst(%arg18 : memref<80x128xf32, #tpu.memory_space<vmem>>)
        %mul3A_142 = arith.constant 40 : i32
        %mul3A_143 = arith.muli %scan3A_111, %mul3A_142 : i32
        %add3A_144 = arith.addi %mul3A_2, %mul3A_143 : i32
        %dma_wait3A_145 = arith.constant 0 : i32
        %dma_wait3A_146 = tpu.memref_slice %arg4[%add3A_144, %dma_wait3A_145] : memref<96000x128xi32, #tpu.memory_space<hbm>> -> memref<40x128xi32, #tpu.memory_space<hbm>>
        %dma_wait3A_147 = arith.constant 0 : i32
        %dma_wait3A_148 = tpu.memref_slice %arg4[%add3A_144, %dma_wait3A_147] : memref<96000x128xi32, #tpu.memory_space<hbm>> -> memref<40x128xi32, #tpu.memory_space<hbm>>
        tpu.wait_dma2 semaphore(%arg29 : memref<!tpu.dma_semaphore, #tpu.memory_space<semaphore_mem>>) src(%dma_wait3A_148 : memref<40x128xi32, #tpu.memory_space<hbm>>) dst(%arg20 : memref<40x128xi32, #tpu.memory_space<vmem>>)
        %parallel_loop3A = arith.constant 0 : i32
        %parallel_loop3A_149 = arith.constant 40 : i32
        %parallel_loop3A_150 = arith.constant 1 : i32
        scf.for %parallel_loop3A_164 = %parallel_loop3A to %parallel_loop3A_149 step %parallel_loop3A_150  : i32 {
          %parallel_loop3A_165 = arith.constant 2 : i32
          %parallel_loop3A_166 = arith.muli %parallel_loop3A_164, %parallel_loop3A_165 : i32
          %parallel_loop3A_167 = arith.constant 0 : i32
          %parallel_loop3A_168 = arith.addi %parallel_loop3A_166, %parallel_loop3A_167 : i32
          %parallel_loop3A_169 = arith.constant 0 : i32
          %parallel_loop3A_170 = tpu.memref_bitcast %arg20 : memref<40x128xi32, #tpu.memory_space<vmem>> -> memref<80x128xbf16, #tpu.memory_space<vmem>>
          %parallel_loop3A_171 = tpu.memref_reshape %parallel_loop3A_170 : memref<80x128xbf16, #tpu.memory_space<vmem>> -> memref<40x2x128xbf16, #tpu.memory_space<vmem>>
          %parallel_loop3A_172 = arith.index_cast %parallel_loop3A_164 : i32 to index
          %parallel_loop3A_173 = arith.index_cast %parallel_loop3A_169 : i32 to index
          %parallel_loop3A_174 = arith.constant 0 : index
          %parallel_loop3A_175 = tpu.vector_load %parallel_loop3A_171[%parallel_loop3A_172, %parallel_loop3A_173, %parallel_loop3A_174] {strides = array<i32>} : memref<40x2x128xbf16, #tpu.memory_space<vmem>>, vector<1x1x64xbf16>,
          %parallel_loop3A_176 = vector.shape_cast %parallel_loop3A_175 : vector<1x1x64xbf16> to vector<64xbf16>
          %parallel_loop3A_177 = arith.extf %parallel_loop3A_176 : vector<64xbf16> to vector<64xf32>
          %parallel_loop3A_178 = arith.index_cast %parallel_loop3A_168 : i32 to index
          %parallel_loop3A_179 = arith.constant 0 : index
          %parallel_loop3A_180 = tpu.vector_load %arg18[%parallel_loop3A_178, %parallel_loop3A_179] {strides = array<i32>} : memref<80x128xf32, #tpu.memory_space<vmem>>, vector<1x64xf32>,
          %parallel_loop3A_181 = vector.shape_cast %parallel_loop3A_180 : vector<1x64xf32> to vector<64xf32>
          %parallel_loop3A_182 = arith.mulf %parallel_loop3A_181, %parallel_loop3A_177 : vector<64xf32>
          %parallel_loop3A_183 = arith.index_cast %parallel_loop3A_168 : i32 to index
          %parallel_loop3A_184 = arith.constant 0 : index
          %parallel_loop3A_185 = tpu.vector_load %arg18[%parallel_loop3A_183, %parallel_loop3A_184] {strides = array<i32>} : memref<80x128xf32, #tpu.memory_space<vmem>>, vector<1x64xf32>,
          %parallel_loop3A_186 = vector.shape_cast %parallel_loop3A_185 : vector<1x64xf32> to vector<64xf32>
          %parallel_loop3A_187 = vector.shape_cast %parallel_loop3A_182 : vector<64xf32> to vector<1x64xf32>
          tpu.vector_store %arg18[%parallel_loop3A_183, %parallel_loop3A_184], %parallel_loop3A_187 {strides = array<i32>} : memref<80x128xf32, #tpu.memory_space<vmem>>, vector<1x64xf32>,
          %parallel_loop3A_188 = arith.constant 0 : i32
          %parallel_loop3A_189 = tpu.memref_bitcast %arg20 : memref<40x128xi32, #tpu.memory_space<vmem>> -> memref<80x128xbf16, #tpu.memory_space<vmem>>
          %parallel_loop3A_190 = tpu.memref_reshape %parallel_loop3A_189 : memref<80x128xbf16, #tpu.memory_space<vmem>> -> memref<40x2x128xbf16, #tpu.memory_space<vmem>>
          %parallel_loop3A_191 = arith.index_cast %parallel_loop3A_164 : i32 to index
          %parallel_loop3A_192 = arith.index_cast %parallel_loop3A_188 : i32 to index
          %parallel_loop3A_193 = arith.constant 64 : index
          %parallel_loop3A_194 = tpu.vector_load %parallel_loop3A_190[%parallel_loop3A_191, %parallel_loop3A_192, %parallel_loop3A_193] {strides = array<i32>} : memref<40x2x128xbf16, #tpu.memory_space<vmem>>, vector<1x1x64xbf16>,
          %parallel_loop3A_195 = vector.shape_cast %parallel_loop3A_194 : vector<1x1x64xbf16> to vector<64xbf16>
          %parallel_loop3A_196 = arith.extf %parallel_loop3A_195 : vector<64xbf16> to vector<64xf32>
          %parallel_loop3A_197 = arith.index_cast %parallel_loop3A_168 : i32 to index
          %parallel_loop3A_198 = arith.constant 64 : index
          %parallel_loop3A_199 = tpu.vector_load %arg18[%parallel_loop3A_197, %parallel_loop3A_198] {strides = array<i32>} : memref<80x128xf32, #tpu.memory_space<vmem>>, vector<1x64xf32>,
          %parallel_loop3A_200 = vector.shape_cast %parallel_loop3A_199 : vector<1x64xf32> to vector<64xf32>
          %parallel_loop3A_201 = arith.mulf %parallel_loop3A_200, %parallel_loop3A_196 : vector<64xf32>
          %parallel_loop3A_202 = arith.index_cast %parallel_loop3A_168 : i32 to index
          %parallel_loop3A_203 = arith.constant 64 : index
          %parallel_loop3A_204 = tpu.vector_load %arg18[%parallel_loop3A_202, %parallel_loop3A_203] {strides = array<i32>} : memref<80x128xf32, #tpu.memory_space<vmem>>, vector<1x64xf32>,
          %parallel_loop3A_205 = vector.shape_cast %parallel_loop3A_204 : vector<1x64xf32> to vector<64xf32>
          %parallel_loop3A_206 = vector.shape_cast %parallel_loop3A_201 : vector<64xf32> to vector<1x64xf32>
          tpu.vector_store %arg18[%parallel_loop3A_202, %parallel_loop3A_203], %parallel_loop3A_206 {strides = array<i32>} : memref<80x128xf32, #tpu.memory_space<vmem>>, vector<1x64xf32>,
          %parallel_loop3A_207 = arith.constant 2 : i32
          %parallel_loop3A_208 = arith.muli %parallel_loop3A_164, %parallel_loop3A_207 : i32
          %parallel_loop3A_209 = arith.constant 1 : i32
          %parallel_loop3A_210 = arith.addi %parallel_loop3A_208, %parallel_loop3A_209 : i32
          %parallel_loop3A_211 = arith.constant 1 : i32
          %parallel_loop3A_212 = tpu.memref_bitcast %arg20 : memref<40x128xi32, #tpu.memory_space<vmem>> -> memref<80x128xbf16, #tpu.memory_space<vmem>>
          %parallel_loop3A_213 = tpu.memref_reshape %parallel_loop3A_212 : memref<80x128xbf16, #tpu.memory_space<vmem>> -> memref<40x2x128xbf16, #tpu.memory_space<vmem>>
          %parallel_loop3A_214 = arith.index_cast %parallel_loop3A_164 : i32 to index
          %parallel_loop3A_215 = arith.index_cast %parallel_loop3A_211 : i32 to index
          %parallel_loop3A_216 = arith.constant 0 : index
          %parallel_loop3A_217 = tpu.vector_load %parallel_loop3A_213[%parallel_loop3A_214, %parallel_loop3A_215, %parallel_loop3A_216] {strides = array<i32>} : memref<40x2x128xbf16, #tpu.memory_space<vmem>>, vector<1x1x64xbf16>,
          %parallel_loop3A_218 = vector.shape_cast %parallel_loop3A_217 : vector<1x1x64xbf16> to vector<64xbf16>
          %parallel_loop3A_219 = arith.extf %parallel_loop3A_218 : vector<64xbf16> to vector<64xf32>
          %parallel_loop3A_220 = arith.index_cast %parallel_loop3A_210 : i32 to index
          %parallel_loop3A_221 = arith.constant 0 : index
          %parallel_loop3A_222 = tpu.vector_load %arg18[%parallel_loop3A_220, %parallel_loop3A_221] {strides = array<i32>} : memref<80x128xf32, #tpu.memory_space<vmem>>, vector<1x64xf32>,
          %parallel_loop3A_223 = vector.shape_cast %parallel_loop3A_222 : vector<1x64xf32> to vector<64xf32>
          %parallel_loop3A_224 = arith.mulf %parallel_loop3A_223, %parallel_loop3A_219 : vector<64xf32>
          %parallel_loop3A_225 = arith.index_cast %parallel_loop3A_210 : i32 to index
          %parallel_loop3A_226 = arith.constant 0 : index
          %parallel_loop3A_227 = tpu.vector_load %arg18[%parallel_loop3A_225, %parallel_loop3A_226] {strides = array<i32>} : memref<80x128xf32, #tpu.memory_space<vmem>>, vector<1x64xf32>,
          %parallel_loop3A_228 = vector.shape_cast %parallel_loop3A_227 : vector<1x64xf32> to vector<64xf32>
          %parallel_loop3A_229 = vector.shape_cast %parallel_loop3A_224 : vector<64xf32> to vector<1x64xf32>
          tpu.vector_store %arg18[%parallel_loop3A_225, %parallel_loop3A_226], %parallel_loop3A_229 {strides = array<i32>} : memref<80x128xf32, #tpu.memory_space<vmem>>, vector<1x64xf32>,
          %parallel_loop3A_230 = arith.constant 1 : i32
          %parallel_loop3A_231 = tpu.memref_bitcast %arg20 : memref<40x128xi32, #tpu.memory_space<vmem>> -> memref<80x128xbf16, #tpu.memory_space<vmem>>
          %parallel_loop3A_232 = tpu.memref_reshape %parallel_loop3A_231 : memref<80x128xbf16, #tpu.memory_space<vmem>> -> memref<40x2x128xbf16, #tpu.memory_space<vmem>>
          %parallel_loop3A_233 = arith.index_cast %parallel_loop3A_164 : i32 to index
          %parallel_loop3A_234 = arith.index_cast %parallel_loop3A_230 : i32 to index
          %parallel_loop3A_235 = arith.constant 64 : index
          %parallel_loop3A_236 = tpu.vector_load %parallel_loop3A_232[%parallel_loop3A_233, %parallel_loop3A_234, %parallel_loop3A_235] {strides = array<i32>} : memref<40x2x128xbf16, #tpu.memory_space<vmem>>, vector<1x1x64xbf16>,
          %parallel_loop3A_237 = vector.shape_cast %parallel_loop3A_236 : vector<1x1x64xbf16> to vector<64xbf16>
          %parallel_loop3A_238 = arith.extf %parallel_loop3A_237 : vector<64xbf16> to vector<64xf32>
          %parallel_loop3A_239 = arith.index_cast %parallel_loop3A_210 : i32 to index
          %parallel_loop3A_240 = arith.constant 64 : index
          %parallel_loop3A_241 = tpu.vector_load %arg18[%parallel_loop3A_239, %parallel_loop3A_240] {strides = array<i32>} : memref<80x128xf32, #tpu.memory_space<vmem>>, vector<1x64xf32>,
          %parallel_loop3A_242 = vector.shape_cast %parallel_loop3A_241 : vector<1x64xf32> to vector<64xf32>
          %parallel_loop3A_243 = arith.mulf %parallel_loop3A_242, %parallel_loop3A_238 : vector<64xf32>
          %parallel_loop3A_244 = arith.index_cast %parallel_loop3A_210 : i32 to index
          %parallel_loop3A_245 = arith.constant 64 : index
          %parallel_loop3A_246 = tpu.vector_load %arg18[%parallel_loop3A_244, %parallel_loop3A_245] {strides = array<i32>} : memref<80x128xf32, #tpu.memory_space<vmem>>, vector<1x64xf32>,
          %parallel_loop3A_247 = vector.shape_cast %parallel_loop3A_246 : vector<1x64xf32> to vector<64xf32>
          %parallel_loop3A_248 = vector.shape_cast %parallel_loop3A_243 : vector<64xf32> to vector<1x64xf32>
          tpu.vector_store %arg18[%parallel_loop3A_244, %parallel_loop3A_245], %parallel_loop3A_248 {strides = array<i32>} : memref<80x128xf32, #tpu.memory_space<vmem>>, vector<1x64xf32>,
        } {sc.loop_unroll_factor = 2 : i64, sc.parallel_access}
        "tpu.region"() ({
          %run_scoped3A = tpu.sem_alloc : memref<!tpu.dma_semaphore, #tpu.memory_space<semaphore_mem>>
          %dma_start3A_164 = arith.constant 0 : i32
          %dma_start3A_165 = arith.constant 0 : i32
          %dma_start3A_166 = tpu.memref_slice %arg21[%dma_start3A_164, %dma_start3A_165] : memref<10000x128xf32, #tpu.memory_space<vmem_shared>> -> memref<10000x128xf32, #tpu.memory_space<vmem_shared>>
          tpu.enqueue_indirect_dma source(%arg18 : memref<80x128xf32, #tpu.memory_space<vmem>>) target(%dma_start3A_166 : memref<10000x128xf32, #tpu.memory_space<vmem_shared>>) offsets(%arg16 : memref<80xi32, #tpu.memory_space<vmem>>) semaphore(%run_scoped3A : memref<!tpu.dma_semaphore, #tpu.memory_space<semaphore_mem>>) {add = true}
          %dma_wait3A_167 = arith.constant 0 : i32
          %dma_wait3A_168 = arith.constant 0 : i32
          %dma_wait3A_169 = tpu.memref_slice %arg21[%dma_wait3A_167, %dma_wait3A_168] : memref<10000x128xf32, #tpu.memory_space<vmem_shared>> -> memref<10000x128xf32, #tpu.memory_space<vmem_shared>>
          tpu.wait_indirect_dma semaphore(%run_scoped3A : memref<!tpu.dma_semaphore, #tpu.memory_space<semaphore_mem>>) src(%arg18 : memref<80x128xf32, #tpu.memory_space<vmem>>) dst(%dma_wait3A_169 : memref<10000x128xf32, #tpu.memory_space<vmem_shared>>)
          tpu.yield
        }) : () -> ()
        %add3A_151 = arith.constant 2 : i32
        %add3A_152 = arith.addi %scan3A_111, %add3A_151 : i32
        %lt3A = arith.constant 75 : i32
        %lt3A_153 = arith.cmpi slt, %add3A_152, %lt3A : i32
        %convert_element_type3A_154 = arith.extui %lt3A_153 : i1 to i32
        %cond3A_155 = arith.constant 0 : i32
        %cond3A_156 = arith.cmpi ne, %convert_element_type3A_154, %cond3A_155 : i32
        scf.if %cond3A_156 {
          %add3A_164 = arith.constant 2 : i32
          %add3A_165 = arith.addi %scan3A_111, %add3A_164 : i32
          %mul3A_166 = arith.constant 75 : i32
          %mul3A_167 = arith.muli %add3A, %mul3A_166 : i32
          %add3A_168 = arith.addi %mul3A_167, %add3A_165 : i32
          %mul3A_169 = arith.constant 80 : i32
          %mul3A_170 = arith.muli %add3A_168, %mul3A_169 : i32
          %add3A_171 = arith.constant 0 : i32
          %add3A_172 = arith.addi %add3A_171, %mul3A_170 : i32
          %dma_wait3A_173 = tpu.memref_slice %arg2[%add3A_172] : memref<320000xi32, #tpu.memory_space<hbm>> -> memref<80xi32, #tpu.memory_space<hbm>>
          %dma_wait3A_174 = tpu.memref_slice %arg2[%add3A_172] : memref<320000xi32, #tpu.memory_space<hbm>> -> memref<80xi32, #tpu.memory_space<hbm>>
          tpu.wait_dma2 semaphore(%arg23 : memref<!tpu.dma_semaphore, #tpu.memory_space<semaphore_mem>>) src(%dma_wait3A_174 : memref<80xi32, #tpu.memory_space<hbm>>) dst(%arg10 : memref<80xi32, #tpu.memory_space<vmem>>)
          %dma_wait3A_175 = tpu.memref_slice %arg3[%add3A_172] : memref<320000xi32, #tpu.memory_space<hbm>> -> memref<80xi32, #tpu.memory_space<hbm>>
          %dma_wait3A_176 = tpu.memref_slice %arg3[%add3A_172] : memref<320000xi32, #tpu.memory_space<hbm>> -> memref<80xi32, #tpu.memory_space<hbm>>
          tpu.wait_dma2 semaphore(%arg23 : memref<!tpu.dma_semaphore, #tpu.memory_space<semaphore_mem>>) src(%dma_wait3A_176 : memref<80xi32, #tpu.memory_space<hbm>>) dst(%arg14 : memref<80xi32, #tpu.memory_space<vmem>>)
          %add3A_177 = arith.constant 2 : i32
          %add3A_178 = arith.addi %scan3A_111, %add3A_177 : i32
          %dma_start3A_179 = arith.constant 0 : i32
          %dma_start3A_180 = arith.constant 0 : i32
          %dma_start3A_181 = tpu.memref_slice %arg5[%dma_start3A_179, %dma_start3A_180] : memref<10000x128xf32, #tpu.memory_space<hbm>> -> memref<10000x128xf32, #tpu.memory_space<hbm>>
          tpu.enqueue_indirect_dma source(%dma_start3A_181 : memref<10000x128xf32, #tpu.memory_space<hbm>>) target(%arg18 : memref<80x128xf32, #tpu.memory_space<vmem>>) offsets(%arg10 : memref<80xi32, #tpu.memory_space<vmem>>) semaphore(%arg27 : memref<!tpu.dma_semaphore, #tpu.memory_space<semaphore_mem>>)
          %mul3A_182 = arith.constant 40 : i32
          %mul3A_183 = arith.muli %add3A_178, %mul3A_182 : i32
          %add3A_184 = arith.addi %mul3A_2, %mul3A_183 : i32
          %dma_start3A_185 = arith.constant 0 : i32
          %dma_start3A_186 = tpu.memref_slice %arg4[%add3A_184, %dma_start3A_185] : memref<96000x128xi32, #tpu.memory_space<hbm>> -> memref<40x128xi32, #tpu.memory_space<hbm>>
          %dma_start3A_187 = arith.constant 0 : i32
          %dma_start3A_188 = tpu.memref_slice %arg4[%add3A_184, %dma_start3A_187] : memref<96000x128xi32, #tpu.memory_space<hbm>> -> memref<40x128xi32, #tpu.memory_space<hbm>>
          tpu.enqueue_dma source(%dma_start3A_188 : memref<40x128xi32, #tpu.memory_space<hbm>>) target(%arg20 : memref<40x128xi32, #tpu.memory_space<vmem>>) target_semaphore(%arg29 : memref<!tpu.dma_semaphore, #tpu.memory_space<semaphore_mem>>)
        } else {
        }
        %add3A_157 = arith.constant 4 : i32
        %add3A_158 = arith.addi %scan3A_111, %add3A_157 : i32
        %lt3A_159 = arith.constant 75 : i32
        %lt3A_160 = arith.cmpi slt, %add3A_158, %lt3A_159 : i32
        %convert_element_type3A_161 = arith.extui %lt3A_160 : i1 to i32
        %cond3A_162 = arith.constant 0 : i32
        %cond3A_163 = arith.cmpi ne, %convert_element_type3A_161, %cond3A_162 : i32
        scf.if %cond3A_163 {
          %add3A_164 = arith.constant 4 : i32
          %add3A_165 = arith.addi %scan3A_111, %add3A_164 : i32
          %mul3A_166 = arith.constant 75 : i32
          %mul3A_167 = arith.muli %add3A, %mul3A_166 : i32
          %add3A_168 = arith.addi %mul3A_167, %add3A_165 : i32
          %mul3A_169 = arith.constant 80 : i32
          %mul3A_170 = arith.muli %add3A_168, %mul3A_169 : i32
          %add3A_171 = arith.constant 0 : i32
          %add3A_172 = arith.addi %add3A_171, %mul3A_170 : i32
          %dma_start3A_173 = tpu.memref_slice %arg2[%add3A_172] : memref<320000xi32, #tpu.memory_space<hbm>> -> memref<80xi32, #tpu.memory_space<hbm>>
          %dma_start3A_174 = tpu.memref_slice %arg2[%add3A_172] : memref<320000xi32, #tpu.memory_space<hbm>> -> memref<80xi32, #tpu.memory_space<hbm>>
          tpu.enqueue_dma source(%dma_start3A_174 : memref<80xi32, #tpu.memory_space<hbm>>) target(%arg12 : memref<80xi32, #tpu.memory_space<vmem>>) target_semaphore(%arg25 : memref<!tpu.dma_semaphore, #tpu.memory_space<semaphore_mem>>)
          %dma_start3A_175 = tpu.memref_slice %arg3[%add3A_172] : memref<320000xi32, #tpu.memory_space<hbm>> -> memref<80xi32, #tpu.memory_space<hbm>>
          %dma_start3A_176 = tpu.memref_slice %arg3[%add3A_172] : memref<320000xi32, #tpu.memory_space<hbm>> -> memref<80xi32, #tpu.memory_space<hbm>>
          tpu.enqueue_dma source(%dma_start3A_176 : memref<80xi32, #tpu.memory_space<hbm>>) target(%arg16 : memref<80xi32, #tpu.memory_space<vmem>>) target_semaphore(%arg25 : memref<!tpu.dma_semaphore, #tpu.memory_space<semaphore_mem>>)
        } else {
        }
      } else {
      }
    }
    %scan3A_99 = arith.constant 75 : i32
    %barrier3A_100 = arith.constant 0 : index
    tpu.barrier barrier_id(%barrier3A_100)
    %eq3A_101 = arith.constant 0 : i32
    %eq3A_102 = arith.cmpi eq, %arg0, %eq3A_101 : i32
    %convert_element_type3A_103 = arith.extui %eq3A_102 : i1 to i32
    %cond3A_104 = arith.constant 0 : i32
    %cond3A_105 = arith.cmpi ne, %convert_element_type3A_103, %cond3A_104 : i32
    scf.if %cond3A_105 {
      %mul3A_111 = arith.constant 624 : i32
      %mul3A_112 = arith.muli %arg1, %mul3A_111 : i32
      %mul3A_113 = arith.constant 624 : i32
      %mul3A_114 = arith.muli %arg1, %mul3A_113 : i32
      "tpu.region"() ({
        %run_scoped3A = tpu.sem_alloc : memref<!tpu.dma_semaphore, #tpu.memory_space<semaphore_mem>>
        %dma_start3A_120 = arith.constant 0 : i32
        %dma_start3A_121 = tpu.memref_slice %arg7[%mul3A_114, %dma_start3A_120] : memref<10000x128xf32, #tpu.memory_space<hbm>> -> memref<624x128xf32, #tpu.memory_space<hbm>>
        %dma_start3A_122 = arith.constant 0 : i32
        %dma_start3A_123 = tpu.memref_slice %arg21[%mul3A_112, %dma_start3A_122] : memref<10000x128xf32, #tpu.memory_space<vmem_shared>> -> memref<624x128xf32, #tpu.memory_space<vmem_shared>>
        tpu.enqueue_dma source(%dma_start3A_123 : memref<624x128xf32, #tpu.memory_space<vmem_shared>>) target(%dma_start3A_121 : memref<624x128xf32, #tpu.memory_space<hbm>>) target_semaphore(%run_scoped3A : memref<!tpu.dma_semaphore, #tpu.memory_space<semaphore_mem>>)
        %dma_wait3A_124 = arith.constant 0 : i32
        %dma_wait3A_125 = tpu.memref_slice %arg7[%mul3A_114, %dma_wait3A_124] : memref<10000x128xf32, #tpu.memory_space<hbm>> -> memref<624x128xf32, #tpu.memory_space<hbm>>
        %dma_wait3A_126 = arith.constant 0 : i32
        %dma_wait3A_127 = tpu.memref_slice %arg21[%mul3A_112, %dma_wait3A_126] : memref<10000x128xf32, #tpu.memory_space<vmem_shared>> -> memref<624x128xf32, #tpu.memory_space<vmem_shared>>
        tpu.wait_dma2 semaphore(%run_scoped3A : memref<!tpu.dma_semaphore, #tpu.memory_space<semaphore_mem>>) src(%dma_wait3A_127 : memref<624x128xf32, #tpu.memory_space<vmem_shared>>) dst(%dma_wait3A_125 : memref<624x128xf32, #tpu.memory_space<hbm>>)
        tpu.yield
      }) : () -> ()
      %eq3A_115 = arith.constant 0 : i32
      %eq3A_116 = arith.cmpi eq, %arg1, %eq3A_115 : i32
      %convert_element_type3A_117 = arith.extui %eq3A_116 : i1 to i32
      %cond3A_118 = arith.constant 0 : i32
      %cond3A_119 = arith.cmpi ne, %convert_element_type3A_117, %cond3A_118 : i32
      scf.if %cond3A_119 {
        "tpu.region"() ({
          %run_scoped3A = tpu.sem_alloc : memref<!tpu.dma_semaphore, #tpu.memory_space<semaphore_mem>>
          %dma_start3A_120 = arith.constant 9984 : i32
          %dma_start3A_121 = arith.constant 0 : i32
          %dma_start3A_122 = tpu.memref_slice %arg7[%dma_start3A_120, %dma_start3A_121] : memref<10000x128xf32, #tpu.memory_space<hbm>> -> memref<16x128xf32, #tpu.memory_space<hbm>>
          %dma_start3A_123 = arith.constant 9984 : i32
          %dma_start3A_124 = arith.constant 0 : i32
          %dma_start3A_125 = tpu.memref_slice %arg21[%dma_start3A_123, %dma_start3A_124] : memref<10000x128xf32, #tpu.memory_space<vmem_shared>> -> memref<16x128xf32, #tpu.memory_space<vmem_shared>>
          tpu.enqueue_dma source(%dma_start3A_125 : memref<16x128xf32, #tpu.memory_space<vmem_shared>>) target(%dma_start3A_122 : memref<16x128xf32, #tpu.memory_space<hbm>>) target_semaphore(%run_scoped3A : memref<!tpu.dma_semaphore, #tpu.memory_space<semaphore_mem>>)
          %dma_wait3A_126 = arith.constant 9984 : i32
          %dma_wait3A_127 = arith.constant 0 : i32
          %dma_wait3A_128 = tpu.memref_slice %arg7[%dma_wait3A_126, %dma_wait3A_127] : memref<10000x128xf32, #tpu.memory_space<hbm>> -> memref<16x128xf32, #tpu.memory_space<hbm>>
          %dma_wait3A_129 = arith.constant 9984 : i32
          %dma_wait3A_130 = arith.constant 0 : i32
          %dma_wait3A_131 = tpu.memref_slice %arg21[%dma_wait3A_129, %dma_wait3A_130] : memref<10000x128xf32, #tpu.memory_space<vmem_shared>> -> memref<16x128xf32, #tpu.memory_space<vmem_shared>>
          tpu.wait_dma2 semaphore(%run_scoped3A : memref<!tpu.dma_semaphore, #tpu.memory_space<semaphore_mem>>) src(%dma_wait3A_131 : memref<16x128xf32, #tpu.memory_space<vmem_shared>>) dst(%dma_wait3A_128 : memref<16x128xf32, #tpu.memory_space<hbm>>)
          tpu.yield
        }) : () -> ()
      } else {
      }
    } else {
    }
    %eq3A_106 = arith.constant 1 : i32
    %eq3A_107 = arith.cmpi eq, %arg0, %eq3A_106 : i32
    %convert_element_type3A_108 = arith.extui %eq3A_107 : i1 to i32
    %cond3A_109 = arith.constant 0 : i32
    %cond3A_110 = arith.cmpi ne, %convert_element_type3A_108, %cond3A_109 : i32
    scf.if %cond3A_110 {
      %mul3A_111 = arith.constant 624 : i32
      %mul3A_112 = arith.muli %arg1, %mul3A_111 : i32
      %mul3A_113 = arith.constant 624 : i32
      %mul3A_114 = arith.muli %arg1, %mul3A_113 : i32
      "tpu.region"() ({
        %run_scoped3A = tpu.sem_alloc : memref<!tpu.dma_semaphore, #tpu.memory_space<semaphore_mem>>
        %dma_start3A_120 = arith.constant 0 : i32
        %dma_start3A_121 = tpu.memref_slice %arg8[%mul3A_114, %dma_start3A_120] : memref<10000x128xf32, #tpu.memory_space<hbm>> -> memref<624x128xf32, #tpu.memory_space<hbm>>
        %dma_start3A_122 = arith.constant 0 : i32
        %dma_start3A_123 = tpu.memref_slice %arg21[%mul3A_112, %dma_start3A_122] : memref<10000x128xf32, #tpu.memory_space<vmem_shared>> -> memref<624x128xf32, #tpu.memory_space<vmem_shared>>
        tpu.enqueue_dma source(%dma_start3A_123 : memref<624x128xf32, #tpu.memory_space<vmem_shared>>) target(%dma_start3A_121 : memref<624x128xf32, #tpu.memory_space<hbm>>) target_semaphore(%run_scoped3A : memref<!tpu.dma_semaphore, #tpu.memory_space<semaphore_mem>>)
        %dma_wait3A_124 = arith.constant 0 : i32
        %dma_wait3A_125 = tpu.memref_slice %arg8[%mul3A_114, %dma_wait3A_124] : memref<10000x128xf32, #tpu.memory_space<hbm>> -> memref<624x128xf32, #tpu.memory_space<hbm>>
        %dma_wait3A_126 = arith.constant 0 : i32
        %dma_wait3A_127 = tpu.memref_slice %arg21[%mul3A_112, %dma_wait3A_126] : memref<10000x128xf32, #tpu.memory_space<vmem_shared>> -> memref<624x128xf32, #tpu.memory_space<vmem_shared>>
        tpu.wait_dma2 semaphore(%run_scoped3A : memref<!tpu.dma_semaphore, #tpu.memory_space<semaphore_mem>>) src(%dma_wait3A_127 : memref<624x128xf32, #tpu.memory_space<vmem_shared>>) dst(%dma_wait3A_125 : memref<624x128xf32, #tpu.memory_space<hbm>>)
        tpu.yield
      }) : () -> ()
      %eq3A_115 = arith.constant 0 : i32
      %eq3A_116 = arith.cmpi eq, %arg1, %eq3A_115 : i32
      %convert_element_type3A_117 = arith.extui %eq3A_116 : i1 to i32
      %cond3A_118 = arith.constant 0 : i32
      %cond3A_119 = arith.cmpi ne, %convert_element_type3A_117, %cond3A_118 : i32
      scf.if %cond3A_119 {
        "tpu.region"() ({
          %run_scoped3A = tpu.sem_alloc : memref<!tpu.dma_semaphore, #tpu.memory_space<semaphore_mem>>
          %dma_start3A_120 = arith.constant 9984 : i32
          %dma_start3A_121 = arith.constant 0 : i32
          %dma_start3A_122 = tpu.memref_slice %arg8[%dma_start3A_120, %dma_start3A_121] : memref<10000x128xf32, #tpu.memory_space<hbm>> -> memref<16x128xf32, #tpu.memory_space<hbm>>
          %dma_start3A_123 = arith.constant 9984 : i32
          %dma_start3A_124 = arith.constant 0 : i32
          %dma_start3A_125 = tpu.memref_slice %arg21[%dma_start3A_123, %dma_start3A_124] : memref<10000x128xf32, #tpu.memory_space<vmem_shared>> -> memref<16x128xf32, #tpu.memory_space<vmem_shared>>
          tpu.enqueue_dma source(%dma_start3A_125 : memref<16x128xf32, #tpu.memory_space<vmem_shared>>) target(%dma_start3A_122 : memref<16x128xf32, #tpu.memory_space<hbm>>) target_semaphore(%run_scoped3A : memref<!tpu.dma_semaphore, #tpu.memory_space<semaphore_mem>>)
          %dma_wait3A_126 = arith.constant 9984 : i32
          %dma_wait3A_127 = arith.constant 0 : i32
          %dma_wait3A_128 = tpu.memref_slice %arg8[%dma_wait3A_126, %dma_wait3A_127] : memref<10000x128xf32, #tpu.memory_space<hbm>> -> memref<16x128xf32, #tpu.memory_space<hbm>>
          %dma_wait3A_129 = arith.constant 9984 : i32
          %dma_wait3A_130 = arith.constant 0 : i32
          %dma_wait3A_131 = tpu.memref_slice %arg21[%dma_wait3A_129, %dma_wait3A_130] : memref<10000x128xf32, #tpu.memory_space<vmem_shared>> -> memref<16x128xf32, #tpu.memory_space<vmem_shared>>
          tpu.wait_dma2 semaphore(%run_scoped3A : memref<!tpu.dma_semaphore, #tpu.memory_space<semaphore_mem>>) src(%dma_wait3A_131 : memref<16x128xf32, #tpu.memory_space<vmem_shared>>) dst(%dma_wait3A_128 : memref<16x128xf32, #tpu.memory_space<hbm>>)
          tpu.yield
        }) : () -> ()
      } else {
      }
    } else {
    }
    return
  }
}

module attributes {stable_mosaic.version = 14 : i64} {
  func.func @body(%arg0: i32, %arg1: memref<16x16000xf32, #tpu.memory_space<vmem>>, %arg2: memref<1x16000xf32, #tpu.memory_space<vmem>>, %arg3: memref<16x64xf32, #tpu.memory_space<vmem>>, %arg4: memref<64x64xf32, #tpu.memory_space<vmem>>, %arg5: memref<64x128xf32, #tpu.memory_space<vmem>>, %arg6: memref<8000x128xi32, #tpu.memory_space<vmem>>) attributes {dimension_semantics = [#tpu.dimension_semantics<arbitrary>], iteration_bounds = array<i64: 12>, scalar_prefetch = 0 : i64, scratch_operands = 0 : i64, tpu.core_type = #tpu.core_type<tc>, window_params = [{transform_indices = @transform_0, window_bounds = array<i64: 16, 16000>}, {transform_indices = @transform_1, window_bounds = array<i64: 1, 16000>}, {pipeline_mode = #tpu.pipeline_mode<synchronous>, transform_indices = @transform_2, window_bounds = array<i64: 16, 64>}, {pipeline_mode = #tpu.pipeline_mode<synchronous>, transform_indices = @transform_3, window_bounds = array<i64: 64, 64>}, {pipeline_mode = #tpu.pipeline_mode<synchronous>, transform_indices = @transform_4, window_bounds = array<i64: 64, 128>}, {transform_indices = @transform_5, window_bounds = array<i64: 8000, 128>}]} {
    %get3A = arith.constant 0 : index
    %get3A_0 = arith.constant 0 : index
    %get3A_1 = vector.load %arg1[%get3A, %get3A_0] : memref<16x16000xf32, #tpu.memory_space<vmem>>, vector<16x16000xf32>
    %get3A_2 = arith.constant 0 : index
    %get3A_3 = arith.constant 0 : index
    %get3A_4 = vector.load %arg3[%get3A_2, %get3A_3] : memref<16x64xf32, #tpu.memory_space<vmem>>, vector<16x64xf32>
    %mul3A = arith.constant 2.500000e-01 : f32
    %mul3A_5 = vector.broadcast %mul3A : f32 to vector<16x64xf32>
    %mul3A_6 = arith.mulf %get3A_4, %mul3A_5 : vector<16x64xf32>
    %dot_general3A = arith.constant dense<0.000000e+00> : vector<64x16000xf32>
    %dot_general3A_7 = tpu.matmul %mul3A_6, %get3A_1, %dot_general3A {dimension_numbers = #tpu.dot_dimension_numbers<[0], [0], [1], [1], [0, 1, 1, 1], [], []>, transpose_lhs_hint = false} : vector<16x64xf32>, vector<16x16000xf32>, vector<64x16000xf32> -> vector<64x16000xf32>
    %logistic3A = arith.negf %dot_general3A_7 : vector<64x16000xf32>
    %logistic3A_8 = math.exp %logistic3A : vector<64x16000xf32>
    %logistic3A_9 = arith.constant 1.000000e+00 : f32
    %logistic3A_10 = vector.broadcast %logistic3A_9 : f32 to vector<64x16000xf32>
    %logistic3A_11 = arith.addf %logistic3A_10, %logistic3A_8 : vector<64x16000xf32>
    %logistic3A_12 = arith.divf %logistic3A_10, %logistic3A_11 : vector<64x16000xf32>
    %mul3A_13 = arith.mulf %dot_general3A_7, %logistic3A_12 : vector<64x16000xf32>
    %mul3A_14 = arith.constant 1.679000e+00 : f32
    %mul3A_15 = vector.broadcast %mul3A_14 : f32 to vector<64x16000xf32>
    %mul3A_16 = arith.mulf %mul3A_13, %mul3A_15 : vector<64x16000xf32>
    %get3A_17 = arith.constant 0 : index
    %get3A_18 = arith.constant 0 : index
    %get3A_19 = vector.load %arg4[%get3A_17, %get3A_18] : memref<64x64xf32, #tpu.memory_space<vmem>>, vector<64x64xf32>
    %mul3A_20 = arith.constant 1.250000e-01 : f32
    %mul3A_21 = vector.broadcast %mul3A_20 : f32 to vector<64x64xf32>
    %mul3A_22 = arith.mulf %get3A_19, %mul3A_21 : vector<64x64xf32>
    %dot_general3A_23 = arith.constant dense<0.000000e+00> : vector<64x16000xf32>
    %dot_general3A_24 = tpu.matmul %mul3A_22, %mul3A_16, %dot_general3A_23 {dimension_numbers = #tpu.dot_dimension_numbers<[0], [0], [1], [1], [0, 1, 1, 1], [], []>, transpose_lhs_hint = false} : vector<64x64xf32>, vector<64x16000xf32>, vector<64x16000xf32> -> vector<64x16000xf32>
    %logistic3A_25 = arith.negf %dot_general3A_24 : vector<64x16000xf32>
    %logistic3A_26 = math.exp %logistic3A_25 : vector<64x16000xf32>
    %logistic3A_27 = arith.constant 1.000000e+00 : f32
    %logistic3A_28 = vector.broadcast %logistic3A_27 : f32 to vector<64x16000xf32>
    %logistic3A_29 = arith.addf %logistic3A_28, %logistic3A_26 : vector<64x16000xf32>
    %logistic3A_30 = arith.divf %logistic3A_28, %logistic3A_29 : vector<64x16000xf32>
    %mul3A_31 = arith.mulf %dot_general3A_24, %logistic3A_30 : vector<64x16000xf32>
    %mul3A_32 = arith.constant 1.679000e+00 : f32
    %mul3A_33 = vector.broadcast %mul3A_32 : f32 to vector<64x16000xf32>
    %mul3A_34 = arith.mulf %mul3A_31, %mul3A_33 : vector<64x16000xf32>
    %get3A_35 = arith.constant 0 : index
    %get3A_36 = arith.constant 0 : index
    %get3A_37 = vector.load %arg2[%get3A_35, %get3A_36] : memref<1x16000xf32, #tpu.memory_space<vmem>>, vector<1x16000xf32>
    %mul3A_38 = vector.broadcast %get3A_37 : vector<1x16000xf32> to vector<64x16000xf32>
    %mul3A_39 = arith.mulf %mul3A_34, %mul3A_38 : vector<64x16000xf32>
    %get3A_40 = arith.constant 0 : index
    %get3A_41 = arith.constant 0 : index
    %get3A_42 = vector.load %arg5[%get3A_40, %get3A_41] : memref<64x128xf32, #tpu.memory_space<vmem>>, vector<64x128xf32>
    %dot_general3A_43 = arith.constant dense<0.000000e+00> : vector<16000x128xf32>
    %dot_general3A_44 = tpu.matmul %mul3A_39, %get3A_42, %dot_general3A_43 {dimension_numbers = #tpu.dot_dimension_numbers<[0], [0], [1], [1], [0, 1, 1, 1], [], []>, transpose_lhs_hint = false} : vector<64x16000xf32>, vector<64x128xf32>, vector<16000x128xf32> -> vector<16000x128xf32>
    %convert_element_type3A = arith.truncf %dot_general3A_44 : vector<16000x128xf32> to vector<16000x128xbf16>
    %bitcast3A = tpu.bitcast %convert_element_type3A : vector<16000x128xbf16> -> vector<8000x128xi32>
    %swap3A = arith.constant 0 : index
    %swap3A_45 = arith.constant 0 : index
    %swap3A_46 = vector.load %arg6[%swap3A, %swap3A_45] : memref<8000x128xi32, #tpu.memory_space<vmem>>, vector<8000x128xi32>
    tpu.vector_store %arg6[%swap3A, %swap3A_45], %bitcast3A {strides = array<i32>} : memref<8000x128xi32, #tpu.memory_space<vmem>>, vector<8000x128xi32>,
    return
  }
  func.func @transform_0(%arg0: i32) -> (i32, i32) {
    %add3A = arith.constant 0 : i32
    %add3A_0 = arith.addi %arg0, %add3A : i32
    %c0_i32 = arith.constant 0 : i32
    %c0_i32_1 = arith.constant 0 : i32
    return %c0_i32, %add3A_0 : i32, i32
  }
  func.func @transform_1(%arg0: i32) -> (i32, i32) {
    %add3A = arith.constant 0 : i32
    %add3A_0 = arith.addi %arg0, %add3A : i32
    %c0_i32 = arith.constant 0 : i32
    %c0_i32_1 = arith.constant 0 : i32
    return %c0_i32, %add3A_0 : i32, i32
  }
  func.func @transform_2(%arg0: i32) -> (i32, i32) {
    %c0_i32 = arith.constant 0 : i32
    %c0_i32_0 = arith.constant 0 : i32
    %c0_i32_1 = arith.constant 0 : i32
    return %c0_i32, %c0_i32_0 : i32, i32
  }
  func.func @transform_3(%arg0: i32) -> (i32, i32) {
    %c0_i32 = arith.constant 0 : i32
    %c0_i32_0 = arith.constant 0 : i32
    %c0_i32_1 = arith.constant 0 : i32
    return %c0_i32, %c0_i32_0 : i32, i32
  }
  func.func @transform_4(%arg0: i32) -> (i32, i32) {
    %c0_i32 = arith.constant 0 : i32
    %c0_i32_0 = arith.constant 0 : i32
    %c0_i32_1 = arith.constant 0 : i32
    return %c0_i32, %c0_i32_0 : i32, i32
  }
  func.func @transform_5(%arg0: i32) -> (i32, i32) {
    %c0_i32 = arith.constant 0 : i32
    %c0_i32_0 = arith.constant 0 : i32
    return %arg0, %c0_i32 : i32, i32
  }
}

module attributes {stable_mosaic.version = 14 : i64} {
  func.func @body(%arg0: i32, %arg1: memref<2000x128xf32, #tpu.memory_space<vmem>>, %arg2: memref<2000x128xf32, #tpu.memory_space<vmem>>, %arg3: memref<2000x128xf32, #tpu.memory_space<vmem>>, %arg4: memref<2000x128xf32, #tpu.memory_space<vmem>>, %arg5: memref<2000x128xf32, #tpu.memory_space<vmem>>, %arg6: memref<128x128xf32, #tpu.memory_space<vmem>>, %arg7: memref<2000x128xf32, #tpu.memory_space<vmem>>) attributes {dimension_semantics = [#tpu.dimension_semantics<arbitrary>], iteration_bounds = array<i64: 5>, scalar_prefetch = 0 : i64, scratch_operands = 0 : i64, tpu.core_type = #tpu.core_type<tc>, window_params = [{transform_indices = @transform_0, window_bounds = array<i64: 2000, 128>}, {transform_indices = @transform_1, window_bounds = array<i64: 2000, 128>}, {transform_indices = @transform_2, window_bounds = array<i64: 2000, 128>}, {transform_indices = @transform_3, window_bounds = array<i64: 2000, 128>}, {transform_indices = @transform_4, window_bounds = array<i64: 2000, 128>}, {pipeline_mode = #tpu.pipeline_mode<synchronous>, transform_indices = @transform_5, window_bounds = array<i64: 128, 128>}, {transform_indices = @transform_6, window_bounds = array<i64: 2000, 128>}]} {
    %get3A = arith.constant 0 : index
    %get3A_0 = arith.constant 0 : index
    %get3A_1 = vector.load %arg5[%get3A, %get3A_0] : memref<2000x128xf32, #tpu.memory_space<vmem>>, vector<2000x128xf32>
    %get3A_2 = arith.constant 0 : index
    %get3A_3 = arith.constant 0 : index
    %get3A_4 = vector.load %arg6[%get3A_2, %get3A_3] : memref<128x128xf32, #tpu.memory_space<vmem>>, vector<128x128xf32>
    %mul3A = arith.constant 0.0883883461 : f32
    %mul3A_5 = vector.broadcast %mul3A : f32 to vector<128x128xf32>
    %mul3A_6 = arith.mulf %get3A_4, %mul3A_5 : vector<128x128xf32>
    %dot_general3A = arith.constant dense<0.000000e+00> : vector<2000x128xf32>
    %dot_general3A_7 = tpu.matmul %get3A_1, %mul3A_6, %dot_general3A {dimension_numbers = #tpu.dot_dimension_numbers<[1], [0], [0], [1], [0, 0, 1, 1], [], []>, transpose_lhs_hint = false} : vector<2000x128xf32>, vector<128x128xf32>, vector<2000x128xf32> -> vector<2000x128xf32>
    %get3A_8 = arith.constant 0 : index
    %get3A_9 = arith.constant 0 : index
    %get3A_10 = vector.load %arg1[%get3A_8, %get3A_9] : memref<2000x128xf32, #tpu.memory_space<vmem>>, vector<2000x128xf32>
    %add3A = arith.addf %dot_general3A_7, %get3A_10 : vector<2000x128xf32>
    %get3A_11 = arith.constant 0 : index
    %get3A_12 = arith.constant 0 : index
    %get3A_13 = vector.load %arg2[%get3A_11, %get3A_12] : memref<2000x128xf32, #tpu.memory_space<vmem>>, vector<2000x128xf32>
    %add3A_14 = arith.addf %add3A, %get3A_13 : vector<2000x128xf32>
    %get3A_15 = arith.constant 0 : index
    %get3A_16 = arith.constant 0 : index
    %get3A_17 = vector.load %arg3[%get3A_15, %get3A_16] : memref<2000x128xf32, #tpu.memory_space<vmem>>, vector<2000x128xf32>
    %add3A_18 = arith.addf %add3A_14, %get3A_17 : vector<2000x128xf32>
    %get3A_19 = arith.constant 0 : index
    %get3A_20 = arith.constant 0 : index
    %get3A_21 = vector.load %arg4[%get3A_19, %get3A_20] : memref<2000x128xf32, #tpu.memory_space<vmem>>, vector<2000x128xf32>
    %add3A_22 = arith.addf %add3A_18, %get3A_21 : vector<2000x128xf32>
    %swap3A = arith.constant 0 : index
    %swap3A_23 = arith.constant 0 : index
    %swap3A_24 = vector.load %arg7[%swap3A, %swap3A_23] : memref<2000x128xf32, #tpu.memory_space<vmem>>, vector<2000x128xf32>
    tpu.vector_store %arg7[%swap3A, %swap3A_23], %add3A_22 {strides = array<i32>} : memref<2000x128xf32, #tpu.memory_space<vmem>>, vector<2000x128xf32>,
    return
  }
  func.func @transform_0(%arg0: i32) -> (i32, i32) {
    %c0_i32 = arith.constant 0 : i32
    %c0_i32_0 = arith.constant 0 : i32
    return %arg0, %c0_i32 : i32, i32
  }
  func.func @transform_1(%arg0: i32) -> (i32, i32) {
    %c0_i32 = arith.constant 0 : i32
    %c0_i32_0 = arith.constant 0 : i32
    return %arg0, %c0_i32 : i32, i32
  }
  func.func @transform_2(%arg0: i32) -> (i32, i32) {
    %c0_i32 = arith.constant 0 : i32
    %c0_i32_0 = arith.constant 0 : i32
    return %arg0, %c0_i32 : i32, i32
  }
  func.func @transform_3(%arg0: i32) -> (i32, i32) {
    %c0_i32 = arith.constant 0 : i32
    %c0_i32_0 = arith.constant 0 : i32
    return %arg0, %c0_i32 : i32, i32
  }
  func.func @transform_4(%arg0: i32) -> (i32, i32) {
    %c0_i32 = arith.constant 0 : i32
    %c0_i32_0 = arith.constant 0 : i32
    return %arg0, %c0_i32 : i32, i32
  }
  func.func @transform_5(%arg0: i32) -> (i32, i32) {
    %c0_i32 = arith.constant 0 : i32
    %c0_i32_0 = arith.constant 0 : i32
    %c0_i32_1 = arith.constant 0 : i32
    return %c0_i32, %c0_i32_0 : i32, i32
  }
  func.func @transform_6(%arg0: i32) -> (i32, i32) {
    %c0_i32 = arith.constant 0 : i32
    %c0_i32_0 = arith.constant 0 : i32
    return %arg0, %c0_i32 : i32, i32
  }
}

module attributes {stable_mosaic.version = 14 : i64} {
  func.func @body(%arg0: i32, %arg1: memref<16x16000xf32, #tpu.memory_space<vmem>>, %arg2: memref<1x16000xf32, #tpu.memory_space<vmem>>, %arg3: memref<16x64xf32, #tpu.memory_space<vmem>>, %arg4: memref<64x64xf32, #tpu.memory_space<vmem>>, %arg5: memref<64x128xf32, #tpu.memory_space<vmem>>, %arg6: memref<8000x128xi32, #tpu.memory_space<vmem>>) attributes {dimension_semantics = [#tpu.dimension_semantics<arbitrary>], iteration_bounds = array<i64: 8>, scalar_prefetch = 0 : i64, scratch_operands = 0 : i64, tpu.core_type = #tpu.core_type<tc>, window_params = [{transform_indices = @transform_0, window_bounds = array<i64: 16, 16000>}, {transform_indices = @transform_1, window_bounds = array<i64: 1, 16000>}, {pipeline_mode = #tpu.pipeline_mode<synchronous>, transform_indices = @transform_2, window_bounds = array<i64: 16, 64>}, {pipeline_mode = #tpu.pipeline_mode<synchronous>, transform_indices = @transform_3, window_bounds = array<i64: 64, 64>}, {pipeline_mode = #tpu.pipeline_mode<synchronous>, transform_indices = @transform_4, window_bounds = array<i64: 64, 128>}, {transform_indices = @transform_5, window_bounds = array<i64: 8000, 128>}]} {
    %get3A = arith.constant 0 : index
    %get3A_0 = arith.constant 0 : index
    %get3A_1 = vector.load %arg1[%get3A, %get3A_0] : memref<16x16000xf32, #tpu.memory_space<vmem>>, vector<16x16000xf32>
    %get3A_2 = arith.constant 0 : index
    %get3A_3 = arith.constant 0 : index
    %get3A_4 = vector.load %arg3[%get3A_2, %get3A_3] : memref<16x64xf32, #tpu.memory_space<vmem>>, vector<16x64xf32>
    %mul3A = arith.constant 2.500000e-01 : f32
    %mul3A_5 = vector.broadcast %mul3A : f32 to vector<16x64xf32>
    %mul3A_6 = arith.mulf %get3A_4, %mul3A_5 : vector<16x64xf32>
    %dot_general3A = arith.constant dense<0.000000e+00> : vector<64x16000xf32>
    %dot_general3A_7 = tpu.matmul %mul3A_6, %get3A_1, %dot_general3A {dimension_numbers = #tpu.dot_dimension_numbers<[0], [0], [1], [1], [0, 1, 1, 1], [], []>, transpose_lhs_hint = false} : vector<16x64xf32>, vector<16x16000xf32>, vector<64x16000xf32> -> vector<64x16000xf32>
    %logistic3A = arith.negf %dot_general3A_7 : vector<64x16000xf32>
    %logistic3A_8 = math.exp %logistic3A : vector<64x16000xf32>
    %logistic3A_9 = arith.constant 1.000000e+00 : f32
    %logistic3A_10 = vector.broadcast %logistic3A_9 : f32 to vector<64x16000xf32>
    %logistic3A_11 = arith.addf %logistic3A_10, %logistic3A_8 : vector<64x16000xf32>
    %logistic3A_12 = arith.divf %logistic3A_10, %logistic3A_11 : vector<64x16000xf32>
    %mul3A_13 = arith.mulf %dot_general3A_7, %logistic3A_12 : vector<64x16000xf32>
    %mul3A_14 = arith.constant 1.679000e+00 : f32
    %mul3A_15 = vector.broadcast %mul3A_14 : f32 to vector<64x16000xf32>
    %mul3A_16 = arith.mulf %mul3A_13, %mul3A_15 : vector<64x16000xf32>
    %get3A_17 = arith.constant 0 : index
    %get3A_18 = arith.constant 0 : index
    %get3A_19 = vector.load %arg4[%get3A_17, %get3A_18] : memref<64x64xf32, #tpu.memory_space<vmem>>, vector<64x64xf32>
    %mul3A_20 = arith.constant 1.250000e-01 : f32
    %mul3A_21 = vector.broadcast %mul3A_20 : f32 to vector<64x64xf32>
    %mul3A_22 = arith.mulf %get3A_19, %mul3A_21 : vector<64x64xf32>
    %dot_general3A_23 = arith.constant dense<0.000000e+00> : vector<64x16000xf32>
    %dot_general3A_24 = tpu.matmul %mul3A_22, %mul3A_16, %dot_general3A_23 {dimension_numbers = #tpu.dot_dimension_numbers<[0], [0], [1], [1], [0, 1, 1, 1], [], []>, transpose_lhs_hint = false} : vector<64x64xf32>, vector<64x16000xf32>, vector<64x16000xf32> -> vector<64x16000xf32>
    %logistic3A_25 = arith.negf %dot_general3A_24 : vector<64x16000xf32>
    %logistic3A_26 = math.exp %logistic3A_25 : vector<64x16000xf32>
    %logistic3A_27 = arith.constant 1.000000e+00 : f32
    %logistic3A_28 = vector.broadcast %logistic3A_27 : f32 to vector<64x16000xf32>
    %logistic3A_29 = arith.addf %logistic3A_28, %logistic3A_26 : vector<64x16000xf32>
    %logistic3A_30 = arith.divf %logistic3A_28, %logistic3A_29 : vector<64x16000xf32>
    %mul3A_31 = arith.mulf %dot_general3A_24, %logistic3A_30 : vector<64x16000xf32>
    %mul3A_32 = arith.constant 1.679000e+00 : f32
    %mul3A_33 = vector.broadcast %mul3A_32 : f32 to vector<64x16000xf32>
    %mul3A_34 = arith.mulf %mul3A_31, %mul3A_33 : vector<64x16000xf32>
    %get3A_35 = arith.constant 0 : index
    %get3A_36 = arith.constant 0 : index
    %get3A_37 = vector.load %arg2[%get3A_35, %get3A_36] : memref<1x16000xf32, #tpu.memory_space<vmem>>, vector<1x16000xf32>
    %mul3A_38 = vector.broadcast %get3A_37 : vector<1x16000xf32> to vector<64x16000xf32>
    %mul3A_39 = arith.mulf %mul3A_34, %mul3A_38 : vector<64x16000xf32>
    %get3A_40 = arith.constant 0 : index
    %get3A_41 = arith.constant 0 : index
    %get3A_42 = vector.load %arg5[%get3A_40, %get3A_41] : memref<64x128xf32, #tpu.memory_space<vmem>>, vector<64x128xf32>
    %dot_general3A_43 = arith.constant dense<0.000000e+00> : vector<16000x128xf32>
    %dot_general3A_44 = tpu.matmul %mul3A_39, %get3A_42, %dot_general3A_43 {dimension_numbers = #tpu.dot_dimension_numbers<[0], [0], [1], [1], [0, 1, 1, 1], [], []>, transpose_lhs_hint = false} : vector<64x16000xf32>, vector<64x128xf32>, vector<16000x128xf32> -> vector<16000x128xf32>
    %convert_element_type3A = arith.truncf %dot_general3A_44 : vector<16000x128xf32> to vector<16000x128xbf16>
    %bitcast3A = tpu.bitcast %convert_element_type3A : vector<16000x128xbf16> -> vector<8000x128xi32>
    %swap3A = arith.constant 0 : index
    %swap3A_45 = arith.constant 0 : index
    %swap3A_46 = vector.load %arg6[%swap3A, %swap3A_45] : memref<8000x128xi32, #tpu.memory_space<vmem>>, vector<8000x128xi32>
    tpu.vector_store %arg6[%swap3A, %swap3A_45], %bitcast3A {strides = array<i32>} : memref<8000x128xi32, #tpu.memory_space<vmem>>, vector<8000x128xi32>,
    return
  }
  func.func @transform_0(%arg0: i32) -> (i32, i32) {
    %add3A = arith.constant 12 : i32
    %add3A_0 = arith.addi %arg0, %add3A : i32
    %c0_i32 = arith.constant 0 : i32
    %c0_i32_1 = arith.constant 0 : i32
    return %c0_i32, %add3A_0 : i32, i32
  }
  func.func @transform_1(%arg0: i32) -> (i32, i32) {
    %add3A = arith.constant 12 : i32
    %add3A_0 = arith.addi %arg0, %add3A : i32
    %c0_i32 = arith.constant 0 : i32
    %c0_i32_1 = arith.constant 0 : i32
    return %c0_i32, %add3A_0 : i32, i32
  }
  func.func @transform_2(%arg0: i32) -> (i32, i32) {
    %c0_i32 = arith.constant 0 : i32
    %c0_i32_0 = arith.constant 0 : i32
    %c0_i32_1 = arith.constant 0 : i32
    return %c0_i32, %c0_i32_0 : i32, i32
  }
  func.func @transform_3(%arg0: i32) -> (i32, i32) {
    %c0_i32 = arith.constant 0 : i32
    %c0_i32_0 = arith.constant 0 : i32
    %c0_i32_1 = arith.constant 0 : i32
    return %c0_i32, %c0_i32_0 : i32, i32
  }
  func.func @transform_4(%arg0: i32) -> (i32, i32) {
    %c0_i32 = arith.constant 0 : i32
    %c0_i32_0 = arith.constant 0 : i32
    %c0_i32_1 = arith.constant 0 : i32
    return %c0_i32, %c0_i32_0 : i32, i32
  }
  func.func @transform_5(%arg0: i32) -> (i32, i32) {
    %c0_i32 = arith.constant 0 : i32
    %c0_i32_0 = arith.constant 0 : i32
    return %arg0, %c0_i32 : i32, i32
  }
}

</mosaic_0001>

<sc_bundles>
// kernel: kernel.10.cloned.1.call-start
scs
__scs_entry_jumppad:
0x0: {  	(pc) =	sbr.rel $0x88, $3  }
0x1: {  	(tag) =	ssettag $0x0;
	lr =	simm.s32 $0x1  }
0x2: {  	[smem:$0x3F99] =	sst lr;
	_ =	strace $0xD0000000  }
0x3: {  	_ = 	snop  }
0x4: {  	_ = 	snop  }
0x5: {  	_ = 	snop  }
0x6: {  	_ = 	snop  }
0x7: {  	_ = 	snop  }
__scs_overlays_trampoline_lowered:
0x8: {  	[smem:$0x3FA8] =	sst s0  }
0x9: {  	[smem:$0x3FA9] =	sst s1  }
0xa: {  	[smem:$0x3FAA] =	sst s2  }
0xb: {  	[smem:$0x3FAB] =	sst s3  }
0xc: {  	[smem:$0x3FAC] =	sst s4  }
0xd: {  	[smem:$0x3FAD] =	sst s5  }
0xe: {  	[smem:$0x3FAE] =	sst s6  }
0xf: {  	[smem:$0x3FAF] =	sst s7  }
0x10: {  	[smem:$0x3FB0] =	sst s8  }
0x11: {  	[smem:$0x3FB1] =	sst s9;
	s0 =	simm.s32 @!p0 $0x0  }
0x12: {  	s1 =	sld [smem:$0x3F97];
	s0 =	simm.s32 @p0 $0x1  }
0x13: {  	[smem:$0x3FB2] =	sst s0;
	s0 =	simm.s32 @!p1 $0x0  }
0x14: {  	s2 =	sld [smem:$0x3F96];
	s0 =	simm.s32 @p1 $0x1  }
0x15: {  	[smem:$0x3FB3] =	sst s0;
	s0 =	simm.s32 @!p2 $0x0  }
0x16: {  	s3 =	sld [smem:$0x3FDB];
	s0 =	simm.s32 @p2 $0x1  }
0x17: {  	s4 =	simm.s32 $0x1BF5;
	[smem:$0x3FB5] =	sst s0  }
0x18: {  	s0 =	sld [smem:$0x3F98];
	_ =	swait.ge [sflag:s4], $0x0  }
0x19: {  	s7 =	sld [smem:$0x3F99]  }
0x1a: {  	s8 =	sadd.s32 $0xFFFFE003, lr  }
0x1b: {  	s9 =	sadd.s32 $0xFFFFFEF7, lr;
	s5 =	simm.s32 $0xFFFFFFFF;
	p2 =	slt.u32 s8, $0xFFFFF086  }
0x1c: {  	p1 =	slt.u32 s9, $0xF7A;
	s5 =	simm.s32 @!p2 $0x0  }
0x1d: {  	s5 =	simm.s32 @p1 $0x1;
	p0 =	seq.s32 s7, s2  }
0x1e: {  	s7 =	smul.u32 @!p0 $0xF7A, s2;
	p2 =	seq.s32 @!p0 s5, $0x0  }
0x1f: {  	s9 =	smul.u32 $0xF7A, s1;
	s8 =	simm.s32 @!p0 $0x1BF5;
	p2 =	por !p2, p0  }
0x20: {  	[sflag:s8] =	ssyncset.s32 @!p0 $0xFFFFF086;
	s6 =	sadd.s32 @!p0 s3, s7;
	s7 =	simm.s32 @!p0 $0x108  }
0x21: {  	s3 =	sadd.s32 s3, s9;
	s6 =	sadd.s32 @!p0 $0x88, s6;
	s7 =	simm.s32 @p2 $0x1082  }
0x22: {  	[simem:s7], [sflag:s8] =	dma.local @!p0 [hbm:s6], $0xF7A  }
0x23: {  	s9 =	sor.u32 $0xD0000000, s2;
	s6 =	simm.s32 $0x108;
	_ =	swait.ge @!p0 [sflag:s8], $0x0  }
0x24: {  	s3 =	sadd.s32 $0x88, s3;
	s6 =	simm.s32 @!p1 $0x1082;
	[sflag:s4] =	ssyncset.s32 $0xFFFFF086  }
0x25: {  	[simem:s6], [sflag:s4] =	dma.local [hbm:s3], $0xF7A  }
0x26: {  	[smem:$0x3F99] =	sst s1;
	(tag) =	ssettag s2;
	_ =	strace s9  }
0x27: {  	s1 =	sld [smem:$0x3FA9]  }
0x28: {  	s2 =	sld [smem:$0x3FAA]  }
0x29: {  	s4 =	sld [smem:$0x3FAC]  }
0x2a: {  	p0 =	seq.s32 s5, $0x0;
	s5 =	sld [smem:$0x3FAD]  }
0x2b: {  	s6 =	sld [smem:$0x3FAE]  }
0x2c: {  	s7 =	sld [smem:$0x3FAF]  }
0x2d: {  	s3 =	simm.s32 $0x108;
	s8 =	sld [smem:$0x3FB0]  }
0x2e: {  	s3 =	simm.s32 @!p0 $0x1082;
	s9 =	sld [smem:$0x3FB1]  }
0x2f: {  	lr =	sadd.s32 s0, s3;
	s0 =	sld [smem:$0x3FA8]  }
0x30: {  	s3 =	sld [smem:$0x3FAB]  }
0x31: {  	[smem:$0x3FB4] =	sst s10  }
0x32: {  	s10 =	sld [smem:$0x3FB2];
	_ =	sdelay $0x3  }
0x33: {  	p0 =	seq.s32 s10, $0x1;
	s10 =	sld [smem:$0x3FB4];
	_ =	sdelay $0x3  }
0x34: {  	[smem:$0x3FB4] =	sst s10  }
0x35: {  	s10 =	sld [smem:$0x3FB3];
	_ =	sdelay $0x3  }
0x36: {  	p1 =	seq.s32 s10, $0x1;
	s10 =	sld [smem:$0x3FB4];
	_ =	sdelay $0x3  }
0x37: {  	[smem:$0x3FB4] =	sst s10  }
0x38: {  	s10 =	sld [smem:$0x3FB5]  }
0x39: {  	_ = 	snop;
	(pc) =	sbr.ind lr, $3  }
0x3a: {  	_ = 	snop  }
0x3b: {  	_ = 	snop  }
0x3c: {  	p2 =	seq.s32 s10, $0x1;
	s10 =	sld [smem:$0x3FB4]  }
0x3d: {  	_ =	shalt  }
0x3e: {  	_ =	shalt  }
0x3f: {  	_ =	shalt  }
0x40: {  	_ =	shalt  }
0x41: {  	_ =	shalt  }
0x42: {  	_ =	shalt  }
0x43: {  	_ =	shalt  }
0x44: {  	_ =	shalt  }
0x45: {  	_ =	shalt  }
0x46: {  	_ =	shalt  }
0x47: {  	_ =	shalt  }
0x48: {  	_ =	shalt  }
0x49: {  	_ =	shalt  }
0x4a: {  	_ =	shalt  }
0x4b: {  	_ =	shalt  }
0x4c: {  	_ =	shalt  }
0x4d: {  	_ =	shalt  }
0x4e: {  	_ =	shalt  }
0x4f: {  	_ =	shalt  }
0x50: {  	_ =	shalt  }
0x51: {  	_ =	shalt  }
0x52: {  	_ =	shalt  }
0x53: {  	_ =	shalt  }
0x54: {  	_ =	shalt  }
0x55: {  	_ =	shalt  }
0x56: {  	_ =	shalt  }
0x57: {  	_ =	shalt  }
0x58: {  	_ =	shalt  }
0x59: {  	_ =	shalt  }
0x5a: {  	_ =	shalt  }
0x5b: {  	_ =	shalt  }
0x5c: {  	_ =	shalt  }
0x5d: {  	_ =	shalt  }
0x5e: {  	_ =	shalt  }
0x5f: {  	_ =	shalt  }
0x60: {  	_ =	shalt  }
0x61: {  	_ =	shalt  }
0x62: {  	_ =	shalt  }
0x63: {  	_ =	shalt  }
0x64: {  	_ =	shalt  }
0x65: {  	_ =	shalt  }
0x66: {  	_ =	shalt  }
0x67: {  	_ =	shalt  }
0x68: {  	_ =	shalt  }
0x69: {  	_ =	shalt  }
0x6a: {  	_ =	shalt  }
0x6b: {  	_ =	shalt  }
0x6c: {  	_ =	shalt  }
0x6d: {  	_ =	shalt  }
0x6e: {  	_ =	shalt  }
0x6f: {  	_ =	shalt  }
0x70: {  	_ =	shalt  }
0x71: {  	_ =	shalt  }
0x72: {  	_ =	shalt  }
0x73: {  	_ =	shalt  }
0x74: {  	_ =	shalt  }
0x75: {  	_ =	shalt  }
0x76: {  	_ =	shalt  }
0x77: {  	_ =	shalt  }
0x78: {  	_ =	shalt  }
0x79: {  	_ =	shalt  }
0x7a: {  	_ =	shalt  }
0x7b: {  	_ =	shalt  }
0x7c: {  	_ =	shalt  }
0x7d: {  	_ =	shalt  }
0x7e: {  	_ =	shalt  }
0x7f: {  	_ =	shalt  }
0x80: {  	_ =	shalt  }
0x81: {  	_ =	shalt  }
0x82: {  	_ =	shalt  }
0x83: {  	_ =	shalt  }
0x84: {  	_ =	shalt  }
0x85: {  	_ =	shalt  }
0x86: {  	_ =	shalt  }
0x87: {  	_ =	shalt  }
.Lfunc_end0:
.L_simem_size_0:
called_computation.1_lowered:
.L_overlay_start_0:
0x88: {  	s2 =	sld [smem:$0x3FD9]  }
0x89: {  	s3 =	sld [smem:$0x3FFE];
	_ =	sdelay $0x1  }
0x8a: {  	s1 =	srdreg.scid  }
0x8b: {  	s0 =	sand.u32 $0x1, s1  }
0x8c: {  	s17 =	sshll.u32 s0, $0xA;
	s2 =	sadd.s32 s3, s2  }
0x8d: {  	s2 =	sadd.s32 s2, s17  }
0x8e: {  	[smem:$0x3FC0] =	sst s2  }
0x8f: {  	_ = 	snop  }
0x90: {  	s18 =	sld [smem:$0x3FC8]  }
0x91: {  	s4 =	sld [smem:$0x3FD0];
	(tm) =	ssettm $0x1  }
0x92: {  	s19 =	sld [smem:$0x3FFB];
	_ =	sdelay $0x3  }
0x93: {  	_ =	strace s19  }
0x94: {  	s2 =	sld [smem:$0x3FFC];
	_ =	sdelay $0x3  }
0x95: {  	_ =	strace s2  }
0x96: {  	s2 =	sld [smem:$0x3FFD];
	_ =	sdelay $0x3  }
0x97: {  	_ =	strace s2  }
0x98: {  	_ =	strace $0x8FFFFFFF  }
0x99: {  	s20 =	sld [smem:$0x3FDB];
	_ =	sdelay $0x1  }
0x9a: {  	s5 =	simm.s32 $_scs_section_size  }
0x9b: {  	s6 =	simm.s32 $_size__tile_overlayer_lowered;
	s7 =	simm.s32 $_tile_overlayer_lowered  }
0x9c: {  	s8 =	simm.s32 $0x1BFF;
	s21 =	sshll.u32 s7, $0x1;
	s5 =	sadd.s32 s5, s20  }
0x9d: {  	s22 =	simm.s32 $0x0;
	s6 =	sshll.u32 s6, $0x1;
	s7 =	sadd.s32 s21, s5  }
0x9e: {  	[timem:s22], [sflag:s8] =	dma.local [hbm:s7], s6  }
0x9f: {  	_ =	swait.ge [sflag:s8], s6  }
0xa0: {  	s6 =	ssub.s32 $0x0, s6;
	[sflag:s8] =	ssyncset.done $0x0  }
0xa1: {  	[sflag:s8] =	ssyncadd.s32 s6;
	_ =	sdelay $0x1  }
0xa2: {  	s23 =	simm.s32 $0x1B8B  }
0xa3: {  	_ =	swait.ge [sflag:s23], $0x1  }
0xa4: {  	[sflag:s23] =	ssyncset.done $0x0  }
0xa5: {  	[sflag:s23] =	ssyncadd.s32 $0xFFFFFFFF  }
0xa6: {  	s6 =	sld [smem:$0x0]  }
0xa7: {  	s7 =	sand.u32 $0xFFFFFFFE, s1  }
0xa8: {  	p0 =	sne.s32 s1, s7  }
0xa9: {  	s7 =	sshll.u32 @p0 s7, $0xE  }
0xaa: {  	s7 =	sadd.s32 @p0 $0x11B8D, s7;
	s8 =	sshll.u32 @p0 s6, $0x11  }
0xab: {  	s7 =	sor.u32 @p0 s8, s7  }
0xac: {  	[sflag:s7] =	ssyncadd.remote.s32 @p0 $0x1;
	_ =	sdelay $0x1  }
0xad: {  	s7 =	simm.s32 @p0 $0x1B8D  }
0xae: {  	_ =	swait.eq @p0 [sflag:s7], $0x1  }
0xaf: {  	[sflag:s7] =	ssyncadd.s32 @p0 $0xFFFFFFFF  }
0xb0: {  	s8 =	sshll.u32 @!p0 s1, $0xE  }
0xb1: {  	s8 =	sor.u32 @!p0 $0x4000, s8;
	s7 =	simm.s32 @!p0 $0x1B8D  }
0xb2: {  	s6 =	sshll.u32 @!p0 s6, $0x11;
	s8 =	sadd.s32 @!p0 $0x11B8D, s8;
	_ =	swait.eq @!p0 [sflag:s7], $0x1  }
0xb3: {  	s6 =	sor.u32 @!p0 s6, s8;
	[sflag:s7] =	ssyncadd.s32 @!p0 $0xFFFFFFFF  }
0xb4: {  	s25 =	simm.s32 $0x1B8E;
	s24 =	sld [smem:$0x3FFE];
	[sflag:s6] =	ssyncadd.remote.s32 @!p0 $0x1  }
0xb5: {  	s26 =	simm.s32 $execute0_lowered;
	[smem:$0x3FD2] =	sst s25  }
0xb6: {  	s7 =	sshll.u32 s26, $0x1;
	_ =	strace $0x80000049;
	[dreg:$0x1] =	wrdreg $0xFFFFFFFF  }
0xb7: {  	s28 =	simm.s32 $_size_execute0_lowered;
	s5 =	sadd.s32 s5, s7;
	[dreg:$0x0] =	wrdreg $0x0  }
0xb8: {  	s7 =	sshll.u32 s28, $0x1;
	[dreg:$0x2] =	wrdreg s5  }
0xb9: {  	[dreg:$0x3] =	wrdreg s7  }
0xba: {  	[dreg:$0x4] =	wrdreg $0xC0  }
0xbb: {  	_ =	task [dreg:s22], $0x5FFFF  }
0xbc: {  	[dreg:$0x1] =	wrdreg $0xFFFFFFFF  }
0xbd: {  	[dreg:$0x0] =	wrdreg $0x60  }
0xbe: {  	[dreg:$0x2] =	wrdreg s24  }
0xbf: {  	[dreg:$0x3] =	wrdreg s18  }
0xc0: {  	[dreg:$0x4] =	wrdreg s4  }
0xc1: {  	[dreg:$0x5] =	wrdreg $0x7C000  }
0xc2: {  	[dreg:$0x6] =	wrdreg $0xA  }
0xc3: {  	_ =	task.clear_ibuf [dreg:s22], $0x7FFFF;
	_ =	strace $0x90000049  }
0xc4: {  	s29 =	simm.s32 $0xA;
	_ =	strace $0x8000004B  }
0xc5: {  	_ =	swait.ge [sflag:s29], $0x1  }
0xc6: {  	[sflag:s29] =	ssyncadd.s32 $0xFFFFFFFF  }
0xc7: {  	_ =	strace $0x9000004B  }
0xc8: {  	_ =	sfence  }
0xc9: {  	s30 =	sld [smem:$0x0];
	_ =	sdelay $0x2  }
0xca: {  	s31 =	sshll.u32 s1, $0xD;
	s1 =	sshrl.u32 s1, $0x2  }
0xcb: {  	s4 =	sand.u32 $0x4000, s31;
	s1 =	sadd.s32 s1, s30  }
0xcc: {  	s0 =	sor.u32 s4, s0;
	s1 =	sshll.u32 s1, $0x11  }
0xcd: {  	s0 =	sor.u32 s1, s0  }
0xce: {  	s0 =	sadd.s32 $0x8F2B, s0  }
0xcf: {  	[sflag:s0] =	ssyncadd.remote.s32 $0x1  }
0xd0: {  	_ =	sfence.sel $0xFFFF  }
0xd1: {  	[dreg:$0x0] =	wrdreg $0xFFFFFFFF;
	(pc) =	sbr.abs _section_cstart, $3  }
0xd2: {  	[dreg:$0x1] =	wrdreg $0xFFFFFFFF  }
0xd3: {  	_ =	task.clear_ibuf [dreg:s22], $0x2FFFF;
	_ =	strace $0x9FFFFFFF  }
0xd4: {  	(tm) =	ssettm $0x7FFFFFFF  }
0xd5: {  	_ =	shalt  }
tec
execute0_lowered:
.L_overlay_start_1:
0x0: {  	(tag) =	ssettag $0x1  }
0x1: {  	s0 =	rddreg [dreg:$0x0]  }
0x2: {  	s1 =	rddreg [dreg:$0x1]  }
0x3: {  	s16 =	rddreg [dreg:$0x2]  }
0x4: {  	s3 =	rddreg [dreg:$0x3];
	s4 =	simm.s32 $0x0;
	s2 =	srdreg.scid  }
0x5: {  	s8 =	stileid.u32;
	s29 =	simm.s32 $0x9;
	s30 =	simm.s32 $0x200  }
0x6: {  	s31 =	simm.s32 $0x400;
	[smem:$0x7FF] =	sst s4;
	s5 =	sadd.s32 $0xB800, s0  }
0x7: {  	s6 =	sadd.s32 $0x1A00, s0;
	s7 =	sadd.s32 $0x1DD200, s0;
	s11 =	smul.u32 $0x4E000, s8  }
0x8: {  	s2 =	sand.u32 $0x1, s2;
	s12 =	sadd.s32 $0x18C600, s0;
	s17 =	sadd.s32 $0x2D7200, s0  }
0x9: {  	s26 =	sshll.u32 s8, $0x6;
	p0 =	sne.s32 s8, $0x0;
	s9 =	sshll.u32 s2, $0x4  }
0xa: {  	p2 =	seq.s32 s8, $0x0;
	s9 =	sor.u32 s8, s9;
	s8 =	smul.u32 $0x2700, s8  }
0xb: {  	_ =	strace $0x8000004A;
	s10 =	ssub.s32 $0x2, s2;
	s13 =	smul.u32 $0xFA0, s9  }
0xc: {  	[dreg:$0x5] =	wrdreg s12;
	p1 =	seq.s32 s2, $0x1;
	s25 =	smul.u32 $0x7D0, s9  }
0xd: {  	[dreg:$0x6] =	wrdreg s17;
	s24 =	sshrl.u32 s10, $0x1;
	s18 =	smul.u32 $0x32, s9  }
0xe: {  	s11 =	sshrl.u32 s11, $0x2;
	s0 =	ssub.s32 s10, s24;
	s21 =	smul.u32 $0x3E800, s9  }
0xf: {  	s11 =	sadd.s32 s11, s3;
	s9 =	smul.u32 $0x7D00, s9;
	s10 =	simm.s32 $0x2  }
0x10: {  	[dreg:$0x7] =	wrdreg s11;
	s11 =	sor.u32 $0x1C09, s26;
	s26 =	sadd.s32 s17, s8  }
0x11: {  	s0 =	smax.u32 s0, $0x1;
	s17 =	simm.s32 $0x0;
	s13 =	sshrl.u32 s13, $0x3  }
0x12: {  	s23 =	sshrl.u32 s21, $0x3;
	s9 =	sadd.s32 s7, s9;
	[dreg:$0x13] =	wrdreg s26  }
0x13: {  	[dreg:$0x14] =	wrdreg s0;
	s0 =	simm.s32 $0x280;
	s28 =	sadd.s32 $0x5DC0, s13  }
0x14: {  	s19 =	sadd.s32 $0x5DD4, s13;
	[dreg:$0x10] =	wrdreg s9;
	s14 =	sadd.s32 s5, s28  }
0x15: {  	s2 =	sadd.s32 s7, s23;
	s12 =	sadd.s32 s6, s28;
	[dreg:$0x8] =	wrdreg s14  }
0x16: {  	s23 =	sadd.s32 $0x4, s18;
	s20 =	sadd.s32 s5, s19;
	[dreg:$0x9] =	wrdreg s12  }
0x17: {  	s9 =	simm.s32 $0x50;
	s2 =	sadd.s32 $0x280, s2;
	[dreg:$0xc] =	wrdreg s20  }
0x18: {  	s28 =	sadd.s32 $0x138000, s3;
	s14 =	sadd.s32 $0x5DCA, s13;
	[dreg:$0x11] =	wrdreg s2  }
0x19: {  	s13 =	sadd.s32 $0x5DDE, s13;
	[dreg:$0x15] =	wrdreg s28;
	s15 =	sadd.s32 s5, s14  }
0x1a: {  	s2 =	simm.s32 $0x300;
	s12 =	sadd.s32 s6, s14;
	[dreg:$0xa] =	wrdreg s15  }
0x1b: {  	s22 =	sadd.s32 s5, s13;
	s24 =	sadd.s32 s6, s13;
	[dreg:$0xb] =	wrdreg s12  }
.Ltmp0:
0x1c: {  	s13 =	simm.s32 $0x5;
	[dreg:$0xe] =	wrdreg s22;
	(pc) =	sbr.rel .LBB2_1-.Ltmp0, $4  }
0x1d: {  	s14 =	simm.s32 $0x7;
	s15 =	sadd.s32 s6, s19;
	[dreg:$0xf] =	wrdreg s24  }
0x1e: {  	s22 =	sadd.s32 $0x50, s25;
	s25 =	sadd.s32 s16, s8;
	s24 =	simm.s32 $0x380  }
0x1f: {  	s12 =	simm.s32 $0x2C00;
	s16 =	simm.s32 $0x8;
	[dreg:$0xd] =	wrdreg s15  }
0x20: {  	[dreg:$0x12] =	wrdreg s25;
	s25 =	simm.s32 $0x1;
	s15 =	simm.s32 $0x6  }
.LBB2_21:
0x21: {  	s18 =	rddreg [dreg:$0x15]  }
0x22: {  	s8 =	sadd.s32 $0x27000, s8;
	s18 =	sshrl.u32 s18, $0x3  }
0x23: {  	[hbm:s8], [sflag:s11] =	dma.local [spmem:s18], $0x100  }
0x24: {  	_ =	swait.ge [sflag:s29], $0x100  }
0x25: {  	[sflag:s29] =	ssyncset.done $0x0  }
0x26: {  	[sflag:s29] =	ssyncadd.s32 $0xFFFFFF00  }
.LBB2_22:
0x27: {  	s17 =	sadd.s32 $0x1, s17;
	s8 =	rddreg [dreg:$0x14]  }
0x28: {  	p3 =	sne.s32 s17, s8  }
.Ltmp1:
0x29: {  	_ = 	snop;
	(pc) =	sbr.rel @!p3 .LBB2_23-.Ltmp1, $1  }
0x2a: {  	_ =	sdelay $0x3  }
.LBB2_1:
0x2b: {  	s8 =	rddreg [dreg:$0x7]  }
0x2c: {  	s19 =	rddreg [dreg:$0x5];
	s18 =	sshrl.u32 s8, $0x3  }
0x2d: {  	[spmem:s18], [sflag:s11] =	dma.local [hbm:s19], $0x2700  }
0x2e: {  	_ =	swait.ge [sflag:s29], $0x2700  }
0x2f: {  	[sflag:s29] =	ssyncset.done $0x0;
	s8 =	rddreg [dreg:$0x15]  }
0x30: {  	[sflag:s29] =	ssyncadd.s32 $0xFFFFD900;
	s8 =	sshrl.u32 @!p0 s8, $0x3  }
0x31: {  	[spmem:s8], [sflag:s11] =	dma.local @!p0 [hbm:s19], $0x100  }
0x32: {  	s8 =	simm.s32 @!p0 $0x9  }
0x33: {  	_ =	swait.ge @!p0 [sflag:s8], $0x100  }
0x34: {  	[sflag:s8] =	ssyncset.done @!p0 $0x0  }
0x35: {  	[sflag:s8] =	ssyncadd.s32 @!p0 $0xFFFFFF00  }
0x36: {  	[bflag:$0x0] =	sbarrier.arrive $0xFFFF  }
0x37: {  	s19 =	rddreg [dreg:$0x8]  }
0x38: {  	[tilespmem:s4], [sflag:$0x1] =	stream.linear.gather [hbm4b:s19+s4], $0x50, $0x38;
	[tilespmem:$0x1B480] =	vst v63  }
0x39: {  	s20 =	rddreg [dreg:$0x9]  }
0x3a: {  	[tilespmem:s30], [sflag:$0x1] =	stream.linear.gather [hbm4b:s20+s4], $0x50, $0x38;
	[tilespmem:$0x1B480] =	vst v63  }
0x3b: {  	s21 =	rddreg [dreg:$0xa];
	s19 =	simm.s32 $0x80  }
0x3c: {  	[tilespmem:s19], [sflag:$0x2] =	stream.linear.gather [hbm4b:s21+s4], $0x50, $0x38;
	[tilespmem:$0x1B480] =	vst v63  }
0x3d: {  	s26 =	rddreg [dreg:$0xb]  }
0x3e: {  	[tilespmem:s0], [sflag:$0x2] =	stream.linear.gather [hbm4b:s26+s4], $0x50, $0x38;
	[tilespmem:$0x1B480] =	vst v63  }
0x3f: {  	s28 =	rddreg [dreg:$0xc];
	s20 =	simm.s32 $0x100  }
0x40: {  	[tilespmem:s20], [sflag:$0x3] =	stream.linear.gather [hbm4b:s28+s4], $0x50, $0x38;
	[tilespmem:$0x1B480] =	vst v63  }
0x41: {  	s20 =	rddreg [dreg:$0xd]  }
0x42: {  	[tilespmem:s2], [sflag:$0x3] =	stream.linear.gather [hbm4b:s20+s4], $0x50, $0x38;
	[tilespmem:$0x1B480] =	vst v63  }
0x43: {  	s21 =	rddreg [dreg:$0xe];
	s26 =	simm.s32 $0x180  }
0x44: {  	[tilespmem:s26], [sflag:$0x4] =	stream.linear.gather [hbm4b:s21+s4], $0x50, $0x38;
	[tilespmem:$0x1B480] =	vst v63  }
0x45: {  	s28 =	rddreg [dreg:$0xf]  }
0x46: {  	[tilespmem:s24], [sflag:$0x4] =	stream.linear.gather [hbm4b:s28+s4], $0x50, $0x38;
	[tilespmem:$0x1B480] =	vst v63  }
0x47: {  	_ =	swait.ge [sflag:s25], $0x50  }
0x48: {  	[sflag:s25] =	ssyncset.done $0x0  }
0x49: {  	[sflag:s25] =	ssyncadd.s32 $0xFFFFFFB0  }
0x4a: {  	_ =	swait.ge [sflag:s25], $0x50  }
0x4b: {  	[sflag:s25] =	ssyncset.done $0x0  }
0x4c: {  	[sflag:s25] =	ssyncadd.s32 $0xFFFFFFB0  }
0x4d: {  	[tilespmem:s31], [sflag:$0x5] =	stream.indirect.gather [hbm4b:s1+s9], $0x80, s4, s9, $0xb8;
	[tilespmem:$0x1B480] =	vst v63  }
0x4e: {  	s21 =	simm.s32 $0x5400;
	s20 =	rddreg [dreg:$0x10]  }
0x4f: {  	[tilespmem:s21], [sflag:$0x7] =	stream.linear.gather [hbm4b:s20+s4], $0x1400, $0x38;
	[tilespmem:$0x1B480] =	vst v63  }
0x50: {  	_ =	swait.ge [sflag:s10], $0x50  }
0x51: {  	[sflag:s10] =	ssyncset.done $0x0  }
0x52: {  	[sflag:s10] =	ssyncadd.s32 $0xFFFFFFB0  }
0x53: {  	_ =	swait.ge [sflag:s10], $0x50  }
.Ltmp2:
0x54: {  	[sflag:s10] =	ssyncset.done $0x0;
	(pc) =	sbr.rel .LBB2_2-.Ltmp2, $4  }
0x55: {  	[sflag:s10] =	ssyncadd.s32 $0xFFFFFFB0  }
0x56: {  	[tilespmem:s12], [sflag:$0x6] =	stream.indirect.gather [hbm4b:s1+s9], $0x80, s19, s9, $0xb8;
	[tilespmem:$0x1B480] =	vst v63  }
0x57: {  	s28 =	simm.s32 $0x6800;
	s26 =	rddreg [dreg:$0x11];
	s19 =	simm.s32 $0x0  }
0x58: {  	[tilespmem:s28], [sflag:$0x8] =	stream.linear.gather [hbm4b:s26+s4], $0x1400, $0x38;
	[tilespmem:$0x1B480] =	vst v63  }
.LBB2_16:
0x59: {  	v4 =	vmul.f32 v4, v18;
	[tilespmem:s21+$0xFFFFFF80] =	vst v16  }
0x5a: {  	v5 =	vmul.f32 v5, v15;
	[tilespmem:s21+$0xFFFFFF90] =	vst v17;
	v44 =	vld [tilespmem:s26+$0x40]  }
0x5b: {  	v45 =	vld [tilespmem:s26+$0x50];
	[tilespmem:s21+$0xFFFFFFA0] =	vst v4  }
0x5c: {  	[tilespmem:s21+$0xFFFFFFB0] =	vst v5  }
0x5d: {  	v46 =	vld [tilespmem:s26+$0xFFFFFFC0]  }
0x5e: {  	v16 =	vld [tilespmem:s26+$0xFFFFFFD0]  }
0x5f: {  	v17 =	vld [tilespmem:s26+$0xFFFFFFE0]  }
0x60: {  	v47 =	vld [tilespmem:s26+$0xFFFFFFF0];
	v5 =	vperm.xlane.i2c.b16 v45;
	v4 =	vperm.xlane.i2c.b16 v44  }
0x61: {  	v1 =	vmul.f32 v1, v13  }
0x62: {  	v48 =	vunpack.c.u.bf16.f32 v14;
	v0 =	vmul.f32 v0, v10;
	v4 =	vcombine.high v4, v5  }
0x63: {  	v15 =	vperm.xlane.i2c.b16 v46;
	v16 =	vperm.xlane.i2c.b16 v16  }
0x64: {  	v49 =	vunpack.c.l.bf16.f32 v14;
	v50 =	vmul.f32 v11, v48;
	v53 =	vperm.xlane.i2c.b16 v17  }
0x65: {  	[tilespmem:s20+$0xFFFFFFE0] =	vst v1;
	v13 =	vperm.xlane.i2c.b16 v47;
	v52 =	vunpack.c.l.bf16.f32 v4;
	v51 =	vcombine.high v15, v16  }
0x66: {  	[tilespmem:s20+$0xFFFFFFF0] =	vst v0;
	v5 =	vmul.f32 v12, v49;
	v4 =	vunpack.c.u.bf16.f32 v4  }
0x67: {  	[tilespmem:s21+$0xF0] =	vst v50;
	v56 =	vcombine.high v53, v13;
	v54 =	vmul.f32 v6, v52;
	v55 =	vunpack.c.l.bf16.f32 v51  }
0x68: {  	[tilespmem:s21+$0xE0] =	vst v5;
	v4 =	vmul.f32 v7, v4;
	v57 =	vunpack.c.u.bf16.f32 v51  }
0x69: {  	v59 =	vunpack.c.l.bf16.f32 v56;
	[tilespmem:s21+$0xC0] =	vst v54;
	v58 =	vmul.f32 v2, v55  }
0x6a: {  	v61 =	vunpack.c.u.bf16.f32 v56;
	[tilespmem:s21+$0xD0] =	vst v4;
	v60 =	vmul.f32 v3, v57  }
0x6b: {  	v62 =	vmul.f32 v8, v59;
	[tilespmem:s21+$0xFFFFFFC0] =	vst v58  }
0x6c: {  	v63 =	vmul.f32 v9, v61;
	[tilespmem:s21+$0xFFFFFFD0] =	vst v60  }
0x6d: {  	[tilespmem:s21+$0xFFFFFFE0] =	vst v62  }
0x6e: {  	[tilespmem:s21+$0xFFFFFFF0] =	vst v63  }
0x6f: {  	[spmem:s3] =	stream.indirect.scatter.add.f32 [tilespmem:s12], [sflag:$0x9], $0x80, s24, s9, $0xb8;
	[tilespmem:$0x1B480] =	vst v63  }
0x70: {  	_ =	swait.ge [sflag:s29], $0x2800  }
0x71: {  	p3 =	sgt.u32 s19, $0x2F;
	[sflag:s29] =	ssyncset.done $0x0  }
0x72: {  	s8 =	simm.s32 @!p3 $0x2;
	[sflag:s29] =	ssyncadd.s32 $0xFFFFD800  }
0x73: {  	_ =	swait.ge @!p3 [sflag:s8], $0x50  }
0x74: {  	[sflag:s8] =	ssyncset.done @!p3 $0x0  }
0x75: {  	[sflag:s8] =	ssyncadd.s32 @!p3 $0xFFFFFFB0  }
0x76: {  	p4 =	sgt.u32 @!p3 s19, $0x2D;
	_ =	swait.ge @!p3 [sflag:s8], $0x50  }
0x77: {  	s20 =	simm.s32 @!p3 $0x80;
	s26 =	smul.u32 @!p3 $0x28, s19;
	[sflag:s8] =	ssyncset.done @!p3 $0x0  }
0x78: {  	s21 =	simm.s32 @!p3 $0x2C00;
	[sflag:s8] =	ssyncadd.s32 @!p3 $0xFFFFFFB0;
	s8 =	simm.s32 @!p3 $0x50  }
0x79: {  	[tilespmem:s21], [sflag:$0x6] =	stream.indirect.gather @!p3 [hbm4b:s1+s8], $0x80, s20, s8, $0xb8;
	[tilespmem:$0x1B480] =	vst v63  }
0x7a: {  	p4 =	por p4, p3;
	s8 =	sadd.s32 @!p3 s26, s22  }
0x7b: {  	s20 =	sadd.s32 @!p4 s19, s23;
	s21 =	simm.s32 @!p3 $0x0;
	s8 =	sshll.u32 @!p3 s8, $0x4  }
0x7c: {  	s26 =	simm.s32 @!p3 $0x6800;
	s20 =	smul.u32 @!p4 $0x50, s20;
	s8 =	sadd.s32 @!p3 s7, s8  }
0x7d: {  	[tilespmem:s26], [sflag:$0x8] =	stream.linear.gather @!p3 [hbm4b:s8+s21], $0x1400, $0x38;
	[tilespmem:$0x1B480] =	vst v63  }
0x7e: {  	s8 =	sshrl.u32 @!p4 s20, $0x3  }
0x7f: {  	s8 =	sadd.s32 @!p4 $0x5DC0, s8  }
0x80: {  	s21 =	simm.s32 @!p4 $0x0;
	s26 =	simm.s32 @!p4 $0x180;
	s20 =	sadd.s32 @!p4 s5, s8  }
0x81: {  	[tilespmem:s26], [sflag:$0x4] =	stream.linear.gather @!p4 [hbm4b:s20+s21], $0x50, $0x38;
	[tilespmem:$0x1B480] =	vst v63  }
0x82: {  	s8 =	sadd.s32 @!p4 s6, s8;
	s20 =	simm.s32 @!p4 $0x380  }
0x83: {  	[tilespmem:s20], [sflag:$0x4] =	stream.linear.gather @!p4 [hbm4b:s8+s21], $0x50, $0x38;
	[tilespmem:$0x1B480] =	vst v63  }
.LBB2_17:
0x84: {  	s19 =	sadd.s32 $0x1, s19  }
0x85: {  	p3 =	sne.s32 s19, $0x32  }
.Ltmp3:
0x86: {  	_ = 	snop;
	(pc) =	sbr.rel @!p3 .LBB2_18-.Ltmp3, $1  }
0x87: {  	_ =	sdelay $0x3  }
.LBB2_2:
0x88: {  	s8 =	sand.u32 $0x3, s19  }
0x89: {  	p3 =	sgt.s32 s8, $0x1  }
.Ltmp4:
0x8a: {  	_ = 	snop;
	(pc) =	sbr.rel @p3 .LBB2_13-.Ltmp4, $1  }
0x8b: {  	_ =	sdelay $0x3  }
0x8c: {  	p3 =	seq.s32 s8, $0x0  }
.Ltmp5:
0x8d: {  	_ = 	snop;
	(pc) =	sbr.rel @!p3 .LBB2_10-.Ltmp5, $1  }
0x8e: {  	_ =	sdelay $0x3  }
0x8f: {  	_ =	swait.ge [sflag:s13], $0x2800  }
0x90: {  	[sflag:s13] =	ssyncset.done $0x0  }
0x91: {  	[sflag:s13] =	ssyncadd.s32 $0xFFFFD800  }
0x92: {  	_ =	swait.ge [sflag:s14], $0x1400  }
0x93: {  	[sflag:s14] =	ssyncset.done $0x0  }
0x94: {  	s28 =	simm.s32 $0x5480;
	[sflag:s14] =	ssyncadd.s32 $0xFFFFEC00  }
0x95: {  	v0 =	vld [tilespmem:s28+$0x0]  }
0x96: {  	v1 =	vld [tilespmem:s28+$0x10]  }
0x97: {  	v2 =	vld [tilespmem:s28+$0x30]  }
0x98: {  	v3 =	vld [tilespmem:s28+$0x20]  }
0x99: {  	v4 =	vld [tilespmem:s28+$0xFFFFFF90]  }
0x9a: {  	s20 =	simm.s32 $0x500;
	v5 =	vld [tilespmem:s28+$0xFFFFFFA0]  }
0x9b: {  	v6 =	vld [tilespmem:s20+$0x0]  }
0x9c: {  	v7 =	vld [tilespmem:s20+$0x20]  }
0x9d: {  	v8 =	vld [tilespmem:s20+$0x30]  }
0x9e: {  	v9 =	vld [tilespmem:s28+$0xFFFFFFB0]  }
0x9f: {  	v10 =	vld [tilespmem:s28+$0xFFFFFF80]  }
0xa0: {  	v13 =	vld [tilespmem:s20+$0xFFFFFF50]  }
0xa1: {  	s26 =	simm.s32 $0x5580;
	v14 =	vld [tilespmem:s20+$0xFFFFFF60]  }
0xa2: {  	v18 =	vld [tilespmem:s26+$0x0]  }
0xa3: {  	v19 =	vld [tilespmem:s26+$0x10]  }
0xa4: {  	v20 =	vld [tilespmem:s26+$0x30]  }
0xa5: {  	v21 =	vld [tilespmem:s26+$0x20]  }
0xa6: {  	v22 =	vld [tilespmem:s26+$0xFFFFFF90]  }
0xa7: {  	s21 =	simm.s32 $0x700;
	v23 =	vld [tilespmem:s26+$0xFFFFFFA0]  }
0xa8: {  	v24 =	vld [tilespmem:s21+$0x0]  }
0xa9: {  	v58 =	vld [tilespmem:s21+$0x10]  }
0xaa: {  	v25 =	vld [tilespmem:s21+$0x20]  }
0xab: {  	v26 =	vld [tilespmem:s21+$0x30]  }
0xac: {  	v27 =	vld [tilespmem:s26+$0xFFFFFFB0]  }
0xad: {  	v28 =	vld [tilespmem:s26+$0xFFFFFF80]  }
0xae: {  	v59 =	vld [tilespmem:s21+$0xFFFFFF00]  }
0xaf: {  	v60 =	vld [tilespmem:s21+$0xFFFFFF10]  }
0xb0: {  	v62 =	vld [tilespmem:s21+$0xFFFFFF30]  }
0xb1: {  	v63 =	vld [tilespmem:s21+$0xFFFFFF40]  }
0xb2: {  	v38 =	vld [tilespmem:s21+$0xFFFFFF50]  }
0xb3: {  	v31 =	vld [tilespmem:s21+$0xFFFFFF60]  }
0xb4: {  	v41 =	vld [tilespmem:s21+$0x40]  }
0xb5: {  	v43 =	vld [tilespmem:s21+$0x50]  }
0xb6: {  	v44 =	vld [tilespmem:s21+$0x60];
	v1 =	vperm.xlane.i2c.b16 v1;
	v0 =	vperm.xlane.i2c.b16 v0  }
0xb7: {  	v46 =	vld [tilespmem:s21+$0x70];
	v2 =	vperm.xlane.i2c.b16 v2;
	v19 =	vperm.xlane.i2c.b16 v19  }
0xb8: {  	v51 =	vld [tilespmem:s21+$0xFFFFFF80];
	v18 =	vperm.xlane.i2c.b16 v18;
	v20 =	vperm.xlane.i2c.b16 v20  }
0xb9: {  	v54 =	vld [tilespmem:s21+$0x80];
	v0 =	vcombine.low v0, v1;
	v1 =	vperm.xlane.i2c.b16 v3  }
0xba: {  	v3 =	vld [tilespmem:s20+$0x10];
	v18 =	vcombine.low v18, v19;
	v19 =	vperm.xlane.i2c.b16 v21  }
0xbb: {  	v55 =	vld [tilespmem:s21+$0x90];
	v1 =	vcombine.low v1, v2;
	v2 =	vunpack.c.l.bf16.f32 v0  }
0xbc: {  	v56 =	vld [tilespmem:s21+$0xA0];
	v19 =	vcombine.low v19, v20;
	v20 =	vunpack.c.l.bf16.f32 v18  }
0xbd: {  	v57 =	vld [tilespmem:s21+$0xB0];
	v0 =	vunpack.c.u.bf16.f32 v0;
	v2 =	vmul.f32 v6, v2  }
0xbe: {  	v11 =	vunpack.c.l.bf16.f32 v1;
	v6 =	vld [tilespmem:s20+$0xFFFFFF00];
	v20 =	vmul.f32 v24, v20  }
0xbf: {  	v18 =	vunpack.c.u.bf16.f32 v18;
	v1 =	vunpack.c.u.bf16.f32 v1;
	v0 =	vmul.f32 v3, v0;
	v3 =	vld [tilespmem:s20+$0xFFFFFF10];
	[tilespmem:s20+$0x0] =	vst v2  }
0xc0: {  	v4 =	vperm.xlane.i2c.b16 v4;
	v7 =	vmul.f32 v7, v11;
	v2 =	vld [tilespmem:s20+$0xFFFFFF20];
	[tilespmem:s21+$0x0] =	vst v20  }
0xc1: {  	v29 =	vunpack.c.l.bf16.f32 v19;
	v18 =	vmul.f32 v58, v18;
	v1 =	vmul.f32 v8, v1;
	v8 =	vld [tilespmem:s20+$0xFFFFFF30];
	[tilespmem:s20+$0x10] =	vst v0  }
0xc2: {  	v20 =	vld [tilespmem:s21+$0xFFFFFF20];
	v0 =	vperm.xlane.i2c.b16 v5;
	v5 =	vperm.xlane.i2c.b16 v9;
	[tilespmem:s20+$0x20] =	vst v7  }
0xc3: {  	v61 =	vperm.xlane.i2c.b16 v27;
	v19 =	vunpack.c.u.bf16.f32 v19;
	v25 =	vmul.f32 v25, v29;
	v7 =	vld [tilespmem:s20+$0xFFFFFF40];
	[tilespmem:s20+$0x30] =	vst v1  }
0xc4: {  	[tilespmem:s21+$0x10] =	vst v18;
	v18 =	vperm.xlane.i2c.b16 v23;
	v0 =	vcombine.low v0, v5;
	v5 =	vld [tilespmem:s28+$0x40]  }
0xc5: {  	v19 =	vmul.f32 v26, v19;
	v1 =	vperm.xlane.i2c.b16 v10;
	v9 =	vld [tilespmem:s28+$0x50]  }
0xc6: {  	v22 =	vperm.xlane.i2c.b16 v22;
	[tilespmem:s21+$0x20] =	vst v25;
	v18 =	vcombine.low v18, v61;
	v10 =	vld [tilespmem:s28+$0x70]  }
0xc7: {  	[tilespmem:s21+$0x30] =	vst v19;
	v19 =	vperm.xlane.i2c.b16 v28;
	v11 =	vld [tilespmem:s28+$0x60];
	v1 =	vcombine.low v1, v4  }
0xc8: {  	v33 =	vld [tilespmem:s26+$0x40];
	v35 =	vunpack.c.l.bf16.f32 v18;
	v4 =	vunpack.c.l.bf16.f32 v0  }
0xc9: {  	v34 =	vld [tilespmem:s26+$0x50];
	v19 =	vcombine.low v19, v22;
	v0 =	vunpack.c.u.bf16.f32 v0;
	v12 =	vunpack.c.l.bf16.f32 v1  }
0xca: {  	v36 =	vld [tilespmem:s26+$0x70];
	v20 =	vmul.f32 v20, v35;
	v2 =	vmul.f32 v2, v4  }
0xcb: {  	v37 =	vld [tilespmem:s26+$0x60];
	v1 =	vunpack.c.u.bf16.f32 v1;
	v0 =	vmul.f32 v8, v0;
	v4 =	vmul.f32 v6, v12  }
0xcc: {  	v8 =	vld [tilespmem:s20+$0x40];
	v6 =	vperm.xlane.i2c.b16 v9;
	v5 =	vperm.xlane.i2c.b16 v5;
	[tilespmem:s21+$0xFFFFFF20] =	vst v20  }
0xcd: {  	v18 =	vunpack.c.u.bf16.f32 v18;
	v1 =	vmul.f32 v3, v1;
	v3 =	vperm.xlane.i2c.b16 v10;
	v20 =	vld [tilespmem:s21+$0xFFFFFF70];
	[tilespmem:s20+$0xFFFFFF20] =	vst v2  }
0xce: {  	v30 =	vunpack.c.l.bf16.f32 v19;
	[tilespmem:s20+$0xFFFFFF00] =	vst v4;
	v4 =	vcombine.low v5, v6;
	v5 =	vperm.xlane.i2c.b16 v11;
	v6 =	vld [tilespmem:s20+$0x50]  }
0xcf: {  	v19 =	vunpack.c.u.bf16.f32 v19;
	v18 =	vmul.f32 v62, v18;
	[tilespmem:s20+$0xFFFFFF10] =	vst v1;
	v1 =	vld [tilespmem:s20+$0x60]  }
0xd0: {  	v24 =	vmul.f32 v59, v30;
	[tilespmem:s20+$0xFFFFFF30] =	vst v0;
	v0 =	vcombine.low v5, v3;
	v3 =	vunpack.c.l.bf16.f32 v4;
	v5 =	vld [tilespmem:s20+$0x70]  }
0xd1: {  	v19 =	vmul.f32 v60, v19;
	[tilespmem:s21+$0xFFFFFF30] =	vst v18;
	v9 =	vld [tilespmem:s28+$0xFFFFFFC0];
	v4 =	vunpack.c.u.bf16.f32 v4  }
0xd2: {  	[tilespmem:s21+$0xFFFFFF00] =	vst v24;
	v10 =	vld [tilespmem:s28+$0xFFFFFFD0];
	v11 =	vunpack.c.l.bf16.f32 v0;
	v3 =	vmul.f32 v8, v3  }
0xd3: {  	v2 =	vld [tilespmem:s20+$0xFFFFFF70];
	[tilespmem:s21+$0xFFFFFF10] =	vst v19;
	v0 =	vunpack.c.u.bf16.f32 v0;
	v4 =	vmul.f32 v6, v4  }
0xd4: {  	v47 =	vld [tilespmem:s26+$0xFFFFFFD0];
	v1 =	vmul.f32 v1, v11;
	[tilespmem:s20+$0x40] =	vst v3  }
0xd5: {  	v3 =	vld [tilespmem:s28+$0xFFFFFFE0];
	v0 =	vmul.f32 v5, v0;
	[tilespmem:s20+$0x50] =	vst v4  }
0xd6: {  	v5 =	vld [tilespmem:s28+$0xFFFFFFF0];
	[tilespmem:s20+$0x60] =	vst v1  }
0xd7: {  	v49 =	vld [tilespmem:s26+$0xFFFFFFE0];
	v6 =	vperm.xlane.i2c.b16 v10;
	v1 =	vperm.xlane.i2c.b16 v9;
	[tilespmem:s20+$0x70] =	vst v0  }
0xd8: {  	v0 =	vld [tilespmem:s28+$0x0]  }
0xd9: {  	v1 =	vcombine.low v1, v6;
	v6 =	vld [tilespmem:s28+$0x10]  }
0xda: {  	v11 =	vld [tilespmem:s20+$0xFFFFFF90]  }
0xdb: {  	v8 =	vld [tilespmem:s28+$0x30];
	v3 =	vperm.xlane.i2c.b16 v3;
	v5 =	vperm.xlane.i2c.b16 v5  }
0xdc: {  	v12 =	vld [tilespmem:s28+$0x20]  }
0xdd: {  	v10 =	vld [tilespmem:s20+$0xFFFFFFA0];
	v9 =	vunpack.c.l.bf16.f32 v1;
	v1 =	vunpack.c.u.bf16.f32 v1;
	v3 =	vcombine.low v3, v5  }
0xde: {  	v4 =	vld [tilespmem:s20+$0xFFFFFF80];
	v6 =	vperm.xlane.i2c.b16 v6;
	v0 =	vperm.xlane.i2c.b16 v0  }
0xdf: {  	v7 =	vmul.f32 v7, v9;
	v5 =	vld [tilespmem:s20+$0xFFFFFFB0];
	v1 =	vmul.f32 v13, v1;
	v9 =	vunpack.c.l.bf16.f32 v3  }
0xe0: {  	v13 =	vld [tilespmem:s20+$0x80];
	v8 =	vperm.xlane.i2c.b16 v8;
	v3 =	vunpack.c.u.bf16.f32 v3;
	v0 =	vcombine.high v0, v6  }
0xe1: {  	[tilespmem:s20+$0xFFFFFF40] =	vst v7;
	v6 =	vperm.xlane.i2c.b16 v12;
	v12 =	vld [tilespmem:s20+$0x90];
	v7 =	vmul.f32 v14, v9  }
0xe2: {  	[tilespmem:s20+$0xFFFFFF50] =	vst v1;
	v9 =	vld [tilespmem:s20+$0xA0];
	v2 =	vmul.f32 v2, v3  }
0xe3: {  	v1 =	vcombine.high v6, v8;
	v3 =	vunpack.c.l.bf16.f32 v0;
	v6 =	vld [tilespmem:s20+$0xB0];
	[tilespmem:s20+$0xFFFFFF60] =	vst v7  }
0xe4: {  	v27 =	vperm.xlane.i2c.b16 v34;
	v8 =	vld [tilespmem:s20+$0xE0];
	[tilespmem:s20+$0xFFFFFF70] =	vst v2  }
0xe5: {  	v23 =	vperm.xlane.i2c.b16 v33;
	v3 =	vmul.f32 v13, v3;
	v13 =	vld [tilespmem:s28+$0xFFFFFF80]  }
0xe6: {  	v0 =	vunpack.c.u.bf16.f32 v0;
	v14 =	vld [tilespmem:s28+$0xFFFFFFA0]  }
0xe7: {  	v40 =	vperm.xlane.i2c.b16 v36;
	v23 =	vcombine.low v23, v27;
	v2 =	vunpack.c.l.bf16.f32 v1;
	v15 =	vld [tilespmem:s28+$0xFFFFFFB0]  }
0xe8: {  	v42 =	vperm.xlane.i2c.b16 v37;
	v1 =	vunpack.c.u.bf16.f32 v1;
	v0 =	vmul.f32 v12, v0;
	v12 =	vld [tilespmem:s28+$0xFFFFFF90]  }
0xe9: {  	v45 =	vunpack.c.l.bf16.f32 v23;
	v7 =	vld [tilespmem:s20+$0xFFFFFFD0];
	v2 =	vmul.f32 v9, v2;
	[tilespmem:s20+$0x80] =	vst v3  }
0xea: {  	v19 =	vcombine.low v42, v40;
	v3 =	vld [tilespmem:s20+$0xD0];
	v1 =	vmul.f32 v6, v1;
	[tilespmem:s20+$0x90] =	vst v0  }
0xeb: {  	v21 =	vmul.f32 v41, v45;
	v9 =	vld [tilespmem:s20+$0xF0];
	[tilespmem:s20+$0xA0] =	vst v2  }
0xec: {  	v27 =	vunpack.c.l.bf16.f32 v19;
	v6 =	vld [tilespmem:s20+$0xFFFFFFC0];
	[tilespmem:s20+$0xB0] =	vst v1;
	v14 =	vperm.xlane.i2c.b16 v14;
	v15 =	vperm.xlane.i2c.b16 v15  }
0xed: {  	v23 =	vunpack.c.u.bf16.f32 v23;
	v13 =	vperm.xlane.i2c.b16 v13;
	v16 =	vld [tilespmem:s28+$0x60];
	v12 =	vperm.xlane.i2c.b16 v12  }
0xee: {  	v19 =	vunpack.c.u.bf16.f32 v19;
	v24 =	vmul.f32 v44, v27;
	v17 =	vld [tilespmem:s28+$0x70];
	v14 =	vcombine.high v14, v15  }
0xef: {  	[tilespmem:s21+$0x40] =	vst v21;
	v15 =	vmul.f32 v43, v23;
	v12 =	vcombine.high v13, v12;
	v13 =	vld [tilespmem:s26+$0xFFFFFFC0]  }
0xf0: {  	v19 =	vmul.f32 v46, v19;
	[tilespmem:s21+$0x60] =	vst v24;
	v0 =	vld [tilespmem:s20+$0xFFFFFFF0];
	v50 =	vunpack.c.l.bf16.f32 v14  }
0xf1: {  	[tilespmem:s21+$0x50] =	vst v15;
	v15 =	vld [tilespmem:s26+$0xFFFFFFF0];
	v48 =	vunpack.c.l.bf16.f32 v12;
	v12 =	vunpack.c.u.bf16.f32 v12  }
0xf2: {  	[tilespmem:s21+$0x70] =	vst v19;
	v19 =	vperm.xlane.i2c.b16 v47;
	v18 =	vld [tilespmem:s28+$0x50];
	v10 =	vmul.f32 v10, v50  }
0xf3: {  	v52 =	vld [tilespmem:s26+$0x0];
	v17 =	vperm.xlane.i2c.b16 v17;
	v11 =	vmul.f32 v11, v12;
	v12 =	vunpack.c.u.bf16.f32 v14  }
0xf4: {  	v53 =	vld [tilespmem:s26+$0x20];
	v16 =	vperm.xlane.i2c.b16 v16;
	v13 =	vperm.xlane.i2c.b16 v13  }
0xf5: {  	v5 =	vmul.f32 v5, v12;
	v12 =	vld [tilespmem:s26+$0x10];
	[tilespmem:s20+$0xFFFFFF90] =	vst v11;
	v11 =	vperm.xlane.i2c.b16 v49  }
0xf6: {  	v15 =	vperm.xlane.i2c.b16 v15;
	v13 =	vcombine.low v13, v19;
	v19 =	vld [tilespmem:s26+$0x30]  }
0xf7: {  	v2 =	vld [tilespmem:s20+$0xC0];
	v18 =	vperm.xlane.i2c.b16 v18;
	v4 =	vmul.f32 v4, v48  }
0xf8: {  	v39 =	vld [tilespmem:s28+$0x40];
	[tilespmem:s20+$0xFFFFFFA0] =	vst v10;
	v16 =	vcombine.high v16, v17;
	v11 =	vcombine.low v11, v15;
	v10 =	vunpack.c.l.bf16.f32 v13  }
0xf9: {  	v1 =	vld [tilespmem:s20+$0xFFFFFFE0];
	v23 =	vperm.xlane.i2c.b16 v52;
	v21 =	vperm.xlane.i2c.b16 v53;
	v13 =	vunpack.c.u.bf16.f32 v13  }
0xfa: {  	v14 =	vld [tilespmem:s21+$0xFFFFFF90];
	[tilespmem:s20+$0xFFFFFF80] =	vst v4;
	v17 =	vunpack.c.l.bf16.f32 v11;
	v10 =	vmul.f32 v63, v10;
	v12 =	vperm.xlane.i2c.b16 v12  }
0xfb: {  	v4 =	vld [tilespmem:s21+$0xFFFFFFA0];
	[tilespmem:s20+$0xFFFFFFB0] =	vst v5;
	v11 =	vunpack.c.u.bf16.f32 v11;
	v13 =	vmul.f32 v38, v13;
	v19 =	vperm.xlane.i2c.b16 v19  }
0xfc: {  	v15 =	vld [tilespmem:s28+$0xFFFFFFC0];
	v17 =	vmul.f32 v31, v17;
	v12 =	vcombine.high v23, v12;
	[tilespmem:s21+$0xFFFFFF40] =	vst v10  }
0xfd: {  	v58 =	vperm.xlane.i2c.b16 v39;
	v5 =	vld [tilespmem:s21+$0xFFFFFFB0];
	v11 =	vmul.f32 v20, v11;
	v10 =	vunpack.c.u.bf16.f32 v16;
	[tilespmem:s21+$0xFFFFFF50] =	vst v13  }
0xfe: {  	v20 =	vld [tilespmem:s28+$0xFFFFFFD0];
	v19 =	vcombine.high v21, v19;
	[tilespmem:s21+$0xFFFFFF60] =	vst v17;
	v13 =	vunpack.c.l.bf16.f32 v12  }
0xff: {  	v18 =	vcombine.high v58, v18;
	[tilespmem:s21+$0xFFFFFF70] =	vst v11;
	v9 =	vmul.f32 v9, v10;
	v10 =	vunpack.c.u.bf16.f32 v12;
	v12 =	vld [tilespmem:s28+$0xFFFFFFE0]  }
0x100: {  	v16 =	vunpack.c.l.bf16.f32 v16;
	v59 =	vld [tilespmem:s26+$0xFFFFFF80];
	v17 =	vunpack.c.l.bf16.f32 v19;
	v11 =	vmul.f32 v54, v13  }
0x101: {  	v15 =	vperm.xlane.i2c.b16 v15;
	v60 =	vld [tilespmem:s26+$0xFFFFFF90];
	v19 =	vunpack.c.u.bf16.f32 v19;
	v10 =	vmul.f32 v55, v10;
	[tilespmem:s20+$0xF0] =	vst v9  }
0x102: {  	v16 =	vmul.f32 v8, v16;
	v13 =	vld [tilespmem:s28+$0xFFFFFFF0];
	v17 =	vmul.f32 v56, v17;
	[tilespmem:s21+$0x80] =	vst v11  }
0x103: {  	v8 =	vld [tilespmem:s26+$0xFFFFFFB0];
	v20 =	vperm.xlane.i2c.b16 v20;
	v19 =	vmul.f32 v57, v19;
	v11 =	vunpack.c.u.bf16.f32 v18;
	[tilespmem:s21+$0x90] =	vst v10  }
0x104: {  	v10 =	vld [tilespmem:s26+$0xFFFFFFA0];
	[tilespmem:s21+$0xA0] =	vst v17;
	v12 =	vperm.xlane.i2c.b16 v12  }
0x105: {  	v9 =	vld [tilespmem:s21+$0xFFFFFFF0];
	v18 =	vunpack.c.l.bf16.f32 v18;
	[tilespmem:s21+$0xB0] =	vst v19;
	v11 =	vmul.f32 v3, v11;
	v3 =	vcombine.high v15, v20  }
0x106: {  	v19 =	vperm.xlane.i2c.b16 v59;
	v15 =	vld [tilespmem:s26+$0x60];
	v20 =	vperm.xlane.i2c.b16 v60  }
0x107: {  	v17 =	vmul.f32 v2, v18;
	v61 =	vld [tilespmem:s26+$0x70];
	v13 =	vperm.xlane.i2c.b16 v13;
	v18 =	vunpack.c.u.bf16.f32 v3  }
0x108: {  	v2 =	vld [tilespmem:s21+$0xFFFFFFC0];
	v62 =	vunpack.c.l.bf16.f32 v3;
	v19 =	vcombine.high v19, v20;
	v20 =	vperm.xlane.i2c.b16 v8  }
0x109: {  	[tilespmem:s20+$0xE0] =	vst v16;
	v3 =	vld [tilespmem:s21+$0xFFFFFFD0];
	v12 =	vcombine.high v12, v13;
	v13 =	vperm.xlane.i2c.b16 v10  }
0x10a: {  	v8 =	vld [tilespmem:s21+$0xFFFFFFE0];
	[tilespmem:s20+$0xC0] =	vst v17;
	v16 =	vmul.f32 v6, v62;
	v18 =	vmul.f32 v7, v18  }
0x10b: {  	[tilespmem:s20+$0xD0] =	vst v11;
	v11 =	vld [tilespmem:s21+$0xF0];
	v10 =	vunpack.c.u.bf16.f32 v12;
	v17 =	vcombine.high v13, v20;
	v20 =	vunpack.c.l.bf16.f32 v19  }
0x10c: {  	v6 =	vld [tilespmem:s21+$0xC0];
	v19 =	vunpack.c.u.bf16.f32 v19;
	v21 =	vperm.xlane.i2c.b16 v61;
	v63 =	vperm.xlane.i2c.b16 v15;
	[tilespmem:s20+$0xFFFFFFC0] =	vst v16  }
0x10d: {  	v7 =	vld [tilespmem:s21+$0xD0];
	[tilespmem:s20+$0xFFFFFFD0] =	vst v18;
	v15 =	vunpack.c.u.bf16.f32 v17;
	v16 =	vmul.f32 v51, v20;
	v18 =	vunpack.c.l.bf16.f32 v17  }
0x10e: {  	s8 =	simm.s32 $0x5680;
	s28 =	simm.s32 $0x2;
	v13 =	vunpack.c.l.bf16.f32 v12;
	v12 =	vld [tilespmem:s21+$0xE0];
	v17 =	vmul.f32 v14, v19;
	v14 =	vcombine.high v63, v21  }
.LBB2_5:
0x10f: {  	v19 =	vld [tilespmem:s8+$0x0];
	v4 =	vmul.f32 v4, v18;
	v5 =	vmul.f32 v5, v15;
	[tilespmem:s21+$0xFFFFFF80] =	vst v16  }
0x110: {  	v13 =	vmul.f32 v1, v13;
	v1 =	vmovc v8;
	v15 =	vld [tilespmem:s8+$0x10];
	[tilespmem:s21+$0xFFFFFF90] =	vst v17;
	v16 =	vunpack.c.u.bf16.f32 v14;
	v14 =	vunpack.c.l.bf16.f32 v14  }
0x111: {  	v8 =	vld [tilespmem:s8+$0x20];
	[tilespmem:s21+$0xFFFFFFA0] =	vst v4;
	v4 =	vmul.f32 v0, v10;
	v0 =	vmov v9  }
0x112: {  	v9 =	vld [tilespmem:s8+$0x30];
	[tilespmem:s21+$0xFFFFFFB0] =	vst v5;
	v5 =	vmul.f32 v11, v16  }
0x113: {  	v10 =	vld [tilespmem:s26+$0x40];
	v11 =	vmul.f32 v12, v14;
	[tilespmem:s20+$0xFFFFFFE0] =	vst v13  }
0x114: {  	v12 =	vld [tilespmem:s26+$0x50];
	[tilespmem:s21+$0xF0] =	vst v5  }
0x115: {  	v5 =	vld [tilespmem:s8+$0xFFFFFF90];
	[tilespmem:s20+$0xFFFFFFF0] =	vst v4;
	s20 =	smov.u32 s21  }
0x116: {  	v14 =	vperm.xlane.i2c.b16 v19;
	v13 =	vperm.xlane.i2c.b16 v15;
	s21 =	sadd.s32 $0x200, s21;
	v4 =	vld [tilespmem:s8+$0xFFFFFFA0];
	[tilespmem:s20+$0xE0] =	vst v11  }
0x117: {  	v9 =	vperm.xlane.i2c.b16 v9;
	v11 =	vld [tilespmem:s21+$0x0]  }
0x118: {  	v8 =	vperm.xlane.i2c.b16 v8;
	v13 =	vcombine.low v14, v13;
	v14 =	vld [tilespmem:s21+$0x10]  }
0x119: {  	v10 =	vperm.xlane.i2c.b16 v10;
	v15 =	vld [tilespmem:s21+$0x20];
	v12 =	vperm.xlane.i2c.b16 v12  }
0x11a: {  	v8 =	vcombine.low v8, v9;
	v9 =	vunpack.c.l.bf16.f32 v13;
	v5 =	vperm.xlane.i2c.b16 v5;
	v16 =	vld [tilespmem:s21+$0x30]  }
0x11b: {  	v13 =	vunpack.c.u.bf16.f32 v13;
	v17 =	vld [tilespmem:s8+$0xFFFFFFB0];
	v4 =	vperm.xlane.i2c.b16 v4;
	v10 =	vcombine.high v10, v12  }
0x11c: {  	v18 =	vunpack.c.l.bf16.f32 v8;
	v12 =	vld [tilespmem:s8+$0xFFFFFF80];
	v9 =	vmul.f32 v11, v9  }
0x11d: {  	s28 =	sadd.s32 $0x2, s28;
	v8 =	vunpack.c.u.bf16.f32 v8;
	v11 =	vld [tilespmem:s21+$0xFFFFFF00];
	v13 =	vmul.f32 v14, v13;
	v14 =	vunpack.c.u.bf16.f32 v10  }
0x11e: {  	p3 =	slt.u32 s28, $0x26;
	v19 =	vld [tilespmem:s21+$0xFFFFFF10];
	v15 =	vmul.f32 v15, v18;
	[tilespmem:s21+$0x0] =	vst v9;
	v9 =	vunpack.c.l.bf16.f32 v10  }
0x11f: {  	v10 =	vld [tilespmem:s21+$0xFFFFFF20];
	v8 =	vmul.f32 v16, v8;
	[tilespmem:s21+$0x10] =	vst v13;
	v7 =	vmul.f32 v7, v14  }
0x120: {  	v13 =	vperm.xlane.i2c.b16 v17;
	v14 =	vld [tilespmem:s21+$0xFFFFFF30];
	[tilespmem:s21+$0x20] =	vst v15;
	v6 =	vmul.f32 v6, v9  }
0x121: {  	v9 =	vperm.xlane.i2c.b16 v12;
	v12 =	vld [tilespmem:s21+$0xFFFFFF40];
	[tilespmem:s21+$0x30] =	vst v8  }
0x122: {  	v4 =	vcombine.low v4, v13;
	v8 =	vld [tilespmem:s8+$0x40];
	[tilespmem:s20+$0xC0] =	vst v6  }
0x123: {  	v5 =	vcombine.low v9, v5;
	v6 =	vld [tilespmem:s8+$0x50];
	[tilespmem:s20+$0xD0] =	vst v7  }
0x124: {  	v7 =	vunpack.c.u.bf16.f32 v4;
	v4 =	vunpack.c.l.bf16.f32 v4;
	v9 =	vld [tilespmem:s8+$0x70]  }
0x125: {  	v13 =	vunpack.c.u.bf16.f32 v5;
	v5 =	vunpack.c.l.bf16.f32 v5;
	v15 =	vld [tilespmem:s8+$0x60]  }
0x126: {  	v4 =	vmul.f32 v10, v4;
	v7 =	vmul.f32 v14, v7;
	v10 =	vld [tilespmem:s21+$0xFFFFFF50]  }
0x127: {  	v5 =	vmul.f32 v11, v5;
	v11 =	vmul.f32 v19, v13;
	v13 =	vld [tilespmem:s21+$0xFFFFFF60]  }
0x128: {  	[tilespmem:s21+$0xFFFFFF20] =	vst v4;
	v14 =	vld [tilespmem:s21+$0xFFFFFF70];
	v4 =	vperm.xlane.i2c.b16 v6;
	v6 =	vperm.xlane.i2c.b16 v8  }
0x129: {  	[tilespmem:s21+$0xFFFFFF00] =	vst v5;
	v5 =	vperm.xlane.i2c.b16 v9;
	v8 =	vld [tilespmem:s21+$0x40]  }
0x12a: {  	[tilespmem:s21+$0xFFFFFF10] =	vst v11;
	v4 =	vcombine.low v6, v4;
	v6 =	vperm.xlane.i2c.b16 v15;
	v9 =	vld [tilespmem:s21+$0x50]  }
0x12b: {  	[tilespmem:s21+$0xFFFFFF30] =	vst v7;
	v7 =	vld [tilespmem:s21+$0x60]  }
0x12c: {  	v5 =	vcombine.low v6, v5;
	v6 =	vunpack.c.l.bf16.f32 v4;
	v11 =	vld [tilespmem:s21+$0x70]  }
0x12d: {  	v4 =	vunpack.c.u.bf16.f32 v4;
	v15 =	vld [tilespmem:s8+$0xFFFFFFC0]  }
0x12e: {  	v16 =	vld [tilespmem:s8+$0xFFFFFFD0];
	v17 =	vunpack.c.l.bf16.f32 v5;
	v6 =	vmul.f32 v8, v6  }
0x12f: {  	v5 =	vunpack.c.u.bf16.f32 v5;
	v8 =	vld [tilespmem:s8+$0xFFFFFFE0];
	v4 =	vmul.f32 v9, v4  }
0x130: {  	v9 =	vld [tilespmem:s8+$0xFFFFFFF0];
	v7 =	vmul.f32 v7, v17;
	[tilespmem:s21+$0x40] =	vst v6  }
0x131: {  	v17 =	vld [tilespmem:s21+$0xFFFFFF80];
	v5 =	vmul.f32 v11, v5;
	[tilespmem:s21+$0x50] =	vst v4  }
0x132: {  	v6 =	vperm.xlane.i2c.b16 v15;
	v19 =	vld [tilespmem:s21+$0xFFFFFF90];
	[tilespmem:s21+$0x60] =	vst v7  }
0x133: {  	v7 =	vperm.xlane.i2c.b16 v16;
	v4 =	vld [tilespmem:s21+$0xFFFFFFA0];
	[tilespmem:s21+$0x70] =	vst v5  }
0x134: {  	v5 =	vperm.xlane.i2c.b16 v8;
	v8 =	vld [tilespmem:s8+$0x0]  }
0x135: {  	v6 =	vcombine.low v6, v7;
	v7 =	vperm.xlane.i2c.b16 v9;
	v9 =	vld [tilespmem:s8+$0x10]  }
0x136: {  	v11 =	vld [tilespmem:s8+$0x30]  }
0x137: {  	v7 =	vcombine.low v5, v7;
	v15 =	vunpack.c.u.bf16.f32 v6;
	v6 =	vunpack.c.l.bf16.f32 v6;
	v16 =	vld [tilespmem:s8+$0x20]  }
0x138: {  	v5 =	vld [tilespmem:s21+$0xFFFFFFB0]  }
0x139: {  	v18 =	vunpack.c.u.bf16.f32 v7;
	v7 =	vunpack.c.l.bf16.f32 v7;
	v6 =	vmul.f32 v12, v6;
	v12 =	vld [tilespmem:s26+$0xFFFFFFC0]  }
0x13a: {  	v8 =	vperm.xlane.i2c.b16 v8;
	v9 =	vperm.xlane.i2c.b16 v9;
	v20 =	vld [tilespmem:s26+$0xFFFFFFD0]  }
0x13b: {  	v10 =	vmul.f32 v10, v15;
	[tilespmem:s21+$0xFFFFFF40] =	vst v6;
	v6 =	vperm.xlane.i2c.b16 v11;
	v11 =	vld [tilespmem:s21+$0x80]  }
0x13c: {  	v8 =	vcombine.high v8, v9;
	v9 =	vperm.xlane.i2c.b16 v16;
	v15 =	vld [tilespmem:s21+$0x90]  }
0x13d: {  	v7 =	vmul.f32 v13, v7;
	v13 =	vmul.f32 v14, v18;
	[tilespmem:s21+$0xFFFFFF50] =	vst v10;
	v10 =	vld [tilespmem:s21+$0xA0]  }
0x13e: {  	v6 =	vcombine.high v9, v6;
	v9 =	vunpack.c.l.bf16.f32 v8;
	v14 =	vld [tilespmem:s21+$0xB0];
	v12 =	vperm.xlane.i2c.b16 v12  }
0x13f: {  	[tilespmem:s21+$0xFFFFFF60] =	vst v7;
	v7 =	vunpack.c.u.bf16.f32 v8;
	v8 =	vld [tilespmem:s26+$0xFFFFFFE0];
	v16 =	vperm.xlane.i2c.b16 v20  }
0x140: {  	[tilespmem:s21+$0xFFFFFF70] =	vst v13;
	v13 =	vunpack.c.l.bf16.f32 v6;
	v9 =	vmul.f32 v11, v9;
	v11 =	vld [tilespmem:s26+$0xFFFFFFF0];
	s26 =	smov.u32 s8  }
0x141: {  	v6 =	vunpack.c.u.bf16.f32 v6;
	v18 =	vld [tilespmem:s8+$0xFFFFFF80];
	v7 =	vmul.f32 v15, v7;
	v12 =	vcombine.high v12, v16  }
0x142: {  	v15 =	vld [tilespmem:s8+$0xFFFFFF90];
	v10 =	vmul.f32 v10, v13;
	[tilespmem:s21+$0x80] =	vst v9  }
0x143: {  	v9 =	vld [tilespmem:s8+$0xFFFFFFA0];
	v6 =	vmul.f32 v14, v6;
	[tilespmem:s21+$0x90] =	vst v7;
	v7 =	vunpack.c.u.bf16.f32 v12;
	v12 =	vunpack.c.l.bf16.f32 v12  }
0x144: {  	v13 =	vld [tilespmem:s8+$0xFFFFFFB0];
	[tilespmem:s21+$0xA0] =	vst v10;
	v8 =	vperm.xlane.i2c.b16 v8  }
0x145: {  	[tilespmem:s21+$0xB0] =	vst v6;
	v6 =	vperm.xlane.i2c.b16 v11;
	v10 =	vmul.f32 v2, v12;
	v2 =	vld [tilespmem:s21+$0xFFFFFFC0]  }
0x146: {  	v7 =	vmul.f32 v3, v7;
	v11 =	vperm.xlane.i2c.b16 v18;
	v12 =	vld [tilespmem:s8+$0x60]  }
0x147: {  	v14 =	vperm.xlane.i2c.b16 v15;
	v15 =	vld [tilespmem:s8+$0x70];
	v6 =	vcombine.high v8, v6;
	[tilespmem:s20+$0xFFFFFFC0] =	vst v10  }
0x148: {  	v16 =	vperm.xlane.i2c.b16 v9;
	v3 =	vld [tilespmem:s21+$0xFFFFFFD0];
	[tilespmem:s20+$0xFFFFFFD0] =	vst v7  }
0x149: {  	v7 =	vcombine.high v11, v14;
	v11 =	vperm.xlane.i2c.b16 v13;
	v8 =	vld [tilespmem:s21+$0xFFFFFFE0];
	v10 =	vunpack.c.u.bf16.f32 v6  }
.Ltmp6:
0x14a: {  	v13 =	vunpack.c.l.bf16.f32 v6;
	v9 =	vld [tilespmem:s21+$0xFFFFFFF0];
	(pc) =	sbr.rel @p3 .LBB2_5-.Ltmp6, $4  }
0x14b: {  	v11 =	vcombine.high v16, v11;
	v14 =	vunpack.c.u.bf16.f32 v7;
	v16 =	vunpack.c.l.bf16.f32 v7;
	v6 =	vld [tilespmem:s21+$0xC0]  }
0x14c: {  	v12 =	vperm.xlane.i2c.b16 v12;
	v20 =	vperm.xlane.i2c.b16 v15;
	v7 =	vld [tilespmem:s21+$0xD0]  }
0x14d: {  	v15 =	vunpack.c.u.bf16.f32 v11;
	v18 =	vunpack.c.l.bf16.f32 v11;
	v16 =	vmul.f32 v17, v16;
	v11 =	vld [tilespmem:s21+$0xF0]  }
0x14e: {  	s8 =	sadd.s32 $0x100, s8;
	v17 =	vmul.f32 v19, v14;
	v14 =	vcombine.high v12, v20;
	v12 =	vld [tilespmem:s21+$0xE0]  }
0x14f: {  	v4 =	vmul.f32 v4, v18;
	[tilespmem:s21+$0xFFFFFF80] =	vst v16  }
0x150: {  	v5 =	vmul.f32 v5, v15;
	v44 =	vld [tilespmem:s26+$0x40];
	[tilespmem:s21+$0xFFFFFF90] =	vst v17  }
0x151: {  	v45 =	vld [tilespmem:s26+$0x50];
	[tilespmem:s21+$0xFFFFFFA0] =	vst v4  }
0x152: {  	[tilespmem:s21+$0xFFFFFFB0] =	vst v5  }
0x153: {  	v46 =	vld [tilespmem:s26+$0xFFFFFFC0]  }
0x154: {  	v16 =	vld [tilespmem:s26+$0xFFFFFFD0]  }
0x155: {  	v17 =	vld [tilespmem:s26+$0xFFFFFFE0]  }
0x156: {  	v47 =	vld [tilespmem:s26+$0xFFFFFFF0];
	v5 =	vperm.xlane.i2c.b16 v45;
	v4 =	vperm.xlane.i2c.b16 v44  }
0x157: {  	v1 =	vmul.f32 v1, v13  }
0x158: {  	v0 =	vmul.f32 v0, v10;
	v48 =	vunpack.c.u.bf16.f32 v14;
	v4 =	vcombine.high v4, v5  }
0x159: {  	v15 =	vperm.xlane.i2c.b16 v46;
	v16 =	vperm.xlane.i2c.b16 v16  }
0x15a: {  	v49 =	vunpack.c.l.bf16.f32 v14;
	v50 =	vmul.f32 v11, v48;
	v53 =	vperm.xlane.i2c.b16 v17  }
0x15b: {  	[tilespmem:s20+$0xFFFFFFE0] =	vst v1;
	v13 =	vperm.xlane.i2c.b16 v47;
	v52 =	vunpack.c.l.bf16.f32 v4;
	v51 =	vcombine.high v15, v16  }
0x15c: {  	[tilespmem:s20+$0xFFFFFFF0] =	vst v0;
	v5 =	vmul.f32 v12, v49;
	v4 =	vunpack.c.u.bf16.f32 v4  }
0x15d: {  	[tilespmem:s21+$0xF0] =	vst v50;
	v56 =	vcombine.high v53, v13;
	v54 =	vmul.f32 v6, v52;
	v55 =	vunpack.c.l.bf16.f32 v51  }
0x15e: {  	[tilespmem:s21+$0xE0] =	vst v5;
	v4 =	vmul.f32 v7, v4;
	v57 =	vunpack.c.u.bf16.f32 v51  }
0x15f: {  	v59 =	vunpack.c.l.bf16.f32 v56;
	[tilespmem:s21+$0xC0] =	vst v54;
	v58 =	vmul.f32 v2, v55  }
0x160: {  	v61 =	vunpack.c.u.bf16.f32 v56;
	[tilespmem:s21+$0xD0] =	vst v4;
	v60 =	vmul.f32 v3, v57  }
0x161: {  	v62 =	vmul.f32 v8, v59;
	[tilespmem:s21+$0xFFFFFFC0] =	vst v58  }
0x162: {  	v63 =	vmul.f32 v9, v61;
	[tilespmem:s21+$0xFFFFFFD0] =	vst v60  }
0x163: {  	[tilespmem:s21+$0xFFFFFFE0] =	vst v62  }
0x164: {  	[tilespmem:s21+$0xFFFFFFF0] =	vst v63  }
0x165: {  	[spmem:s3] =	stream.indirect.scatter.add.f32 [tilespmem:s31], [sflag:$0x9], $0x80, s30, s9, $0xb8;
	[tilespmem:$0x1B480] =	vst v63  }
0x166: {  	_ =	swait.ge [sflag:s29], $0x2800  }
0x167: {  	p3 =	sgt.u32 s19, $0x2F;
	[sflag:s29] =	ssyncset.done $0x0  }
0x168: {  	s8 =	simm.s32 @!p3 $0x3;
	[sflag:s29] =	ssyncadd.s32 $0xFFFFD800  }
0x169: {  	_ =	swait.ge @!p3 [sflag:s8], $0x50  }
0x16a: {  	[sflag:s8] =	ssyncset.done @!p3 $0x0  }
0x16b: {  	[sflag:s8] =	ssyncadd.s32 @!p3 $0xFFFFFFB0  }
0x16c: {  	p4 =	sgt.u32 @!p3 s19, $0x2D;
	_ =	swait.ge @!p3 [sflag:s8], $0x50  }
0x16d: {  	s20 =	simm.s32 @!p3 $0x100;
	s26 =	smul.u32 @!p3 $0x28, s19;
	[sflag:s8] =	ssyncset.done @!p3 $0x0  }
0x16e: {  	s21 =	simm.s32 @!p3 $0x400;
	[sflag:s8] =	ssyncadd.s32 @!p3 $0xFFFFFFB0;
	s8 =	simm.s32 @!p3 $0x50  }
0x16f: {  	[tilespmem:s21], [sflag:$0x5] =	stream.indirect.gather @!p3 [hbm4b:s1+s8], $0x80, s20, s8, $0xb8;
	[tilespmem:$0x1B480] =	vst v63  }
0x170: {  	p4 =	por p4, p3;
	s8 =	sadd.s32 @!p3 s26, s22  }
0x171: {  	s20 =	sadd.s32 @!p4 s19, s23;
	s21 =	simm.s32 @!p3 $0x0;
	s8 =	sshll.u32 @!p3 s8, $0x4  }
0x172: {  	s26 =	simm.s32 @!p3 $0x5400;
	s20 =	smul.u32 @!p4 $0x50, s20;
	s8 =	sadd.s32 @!p3 s7, s8  }
0x173: {  	[tilespmem:s26], [sflag:$0x7] =	stream.linear.gather @!p3 [hbm4b:s8+s21], $0x1400, $0x38;
	[tilespmem:$0x1B480] =	vst v63  }
0x174: {  	s8 =	sshrl.u32 @!p4 s20, $0x3  }
.Ltmp7:
0x175: {  	s8 =	sadd.s32 @!p4 $0x5DC0, s8;
	(pc) =	sbr.rel .LBB2_17-.Ltmp7, $4  }
0x176: {  	s21 =	simm.s32 @!p4 $0x0;
	s20 =	sadd.s32 @!p4 s5, s8  }
0x177: {  	[tilespmem:s21], [sflag:$0x1] =	stream.linear.gather @!p4 [hbm4b:s20+s21], $0x50, $0x38;
	[tilespmem:$0x1B480] =	vst v63  }
0x178: {  	s8 =	sadd.s32 @!p4 s6, s8;
	s20 =	simm.s32 @!p4 $0x200  }
0x179: {  	[tilespmem:s20], [sflag:$0x1] =	stream.linear.gather @!p4 [hbm4b:s8+s21], $0x50, $0x38;
	[tilespmem:$0x1B480] =	vst v63  }
.LBB2_13:
0x17a: {  	p3 =	seq.s32 s8, $0x2  }
.Ltmp8:
0x17b: {  	_ = 	snop;
	(pc) =	sbr.rel @!p3 .LBB2_14-.Ltmp8, $1  }
0x17c: {  	_ =	sdelay $0x3  }
0x17d: {  	_ =	swait.ge [sflag:s13], $0x2800  }
0x17e: {  	[sflag:s13] =	ssyncset.done $0x0  }
0x17f: {  	[sflag:s13] =	ssyncadd.s32 $0xFFFFD800  }
0x180: {  	_ =	swait.ge [sflag:s14], $0x1400  }
0x181: {  	[sflag:s14] =	ssyncset.done $0x0  }
0x182: {  	s28 =	simm.s32 $0x5480;
	[sflag:s14] =	ssyncadd.s32 $0xFFFFEC00  }
0x183: {  	v0 =	vld [tilespmem:s28+$0x0]  }
0x184: {  	v1 =	vld [tilespmem:s28+$0x10]  }
0x185: {  	v2 =	vld [tilespmem:s28+$0x30]  }
0x186: {  	v3 =	vld [tilespmem:s28+$0x20]  }
0x187: {  	v4 =	vld [tilespmem:s28+$0xFFFFFF90]  }
0x188: {  	s20 =	simm.s32 $0x500;
	v5 =	vld [tilespmem:s28+$0xFFFFFFA0]  }
0x189: {  	v6 =	vld [tilespmem:s20+$0x0]  }
0x18a: {  	v7 =	vld [tilespmem:s20+$0x20]  }
0x18b: {  	v8 =	vld [tilespmem:s20+$0x30]  }
0x18c: {  	v9 =	vld [tilespmem:s28+$0xFFFFFFB0]  }
0x18d: {  	v10 =	vld [tilespmem:s28+$0xFFFFFF80]  }
0x18e: {  	v13 =	vld [tilespmem:s20+$0xFFFFFF50]  }
0x18f: {  	s26 =	simm.s32 $0x5580;
	v14 =	vld [tilespmem:s20+$0xFFFFFF60]  }
0x190: {  	v18 =	vld [tilespmem:s26+$0x0]  }
0x191: {  	v19 =	vld [tilespmem:s26+$0x10]  }
0x192: {  	v20 =	vld [tilespmem:s26+$0x30]  }
0x193: {  	v21 =	vld [tilespmem:s26+$0x20]  }
0x194: {  	v22 =	vld [tilespmem:s26+$0xFFFFFF90]  }
0x195: {  	s21 =	simm.s32 $0x700;
	v23 =	vld [tilespmem:s26+$0xFFFFFFA0]  }
0x196: {  	v24 =	vld [tilespmem:s21+$0x0]  }
0x197: {  	v58 =	vld [tilespmem:s21+$0x10]  }
0x198: {  	v25 =	vld [tilespmem:s21+$0x20]  }
0x199: {  	v26 =	vld [tilespmem:s21+$0x30]  }
0x19a: {  	v27 =	vld [tilespmem:s26+$0xFFFFFFB0]  }
0x19b: {  	v28 =	vld [tilespmem:s26+$0xFFFFFF80]  }
0x19c: {  	v59 =	vld [tilespmem:s21+$0xFFFFFF00]  }
0x19d: {  	v60 =	vld [tilespmem:s21+$0xFFFFFF10]  }
0x19e: {  	v62 =	vld [tilespmem:s21+$0xFFFFFF30]  }
0x19f: {  	v63 =	vld [tilespmem:s21+$0xFFFFFF40]  }
0x1a0: {  	v38 =	vld [tilespmem:s21+$0xFFFFFF50]  }
0x1a1: {  	v31 =	vld [tilespmem:s21+$0xFFFFFF60]  }
0x1a2: {  	v41 =	vld [tilespmem:s21+$0x40]  }
0x1a3: {  	v43 =	vld [tilespmem:s21+$0x50]  }
0x1a4: {  	v44 =	vld [tilespmem:s21+$0x60];
	v1 =	vperm.xlane.i2c.b16 v1;
	v0 =	vperm.xlane.i2c.b16 v0  }
0x1a5: {  	v46 =	vld [tilespmem:s21+$0x70];
	v2 =	vperm.xlane.i2c.b16 v2;
	v19 =	vperm.xlane.i2c.b16 v19  }
0x1a6: {  	v51 =	vld [tilespmem:s21+$0xFFFFFF80];
	v18 =	vperm.xlane.i2c.b16 v18;
	v20 =	vperm.xlane.i2c.b16 v20  }
0x1a7: {  	v54 =	vld [tilespmem:s21+$0x80];
	v0 =	vcombine.low v0, v1;
	v1 =	vperm.xlane.i2c.b16 v3  }
0x1a8: {  	v3 =	vld [tilespmem:s20+$0x10];
	v18 =	vcombine.low v18, v19;
	v19 =	vperm.xlane.i2c.b16 v21  }
0x1a9: {  	v55 =	vld [tilespmem:s21+$0x90];
	v1 =	vcombine.low v1, v2;
	v2 =	vunpack.c.l.bf16.f32 v0  }
0x1aa: {  	v56 =	vld [tilespmem:s21+$0xA0];
	v19 =	vcombine.low v19, v20;
	v20 =	vunpack.c.l.bf16.f32 v18  }
0x1ab: {  	v57 =	vld [tilespmem:s21+$0xB0];
	v0 =	vunpack.c.u.bf16.f32 v0;
	v2 =	vmul.f32 v6, v2  }
0x1ac: {  	v11 =	vunpack.c.l.bf16.f32 v1;
	v6 =	vld [tilespmem:s20+$0xFFFFFF00];
	v20 =	vmul.f32 v24, v20  }
0x1ad: {  	v18 =	vunpack.c.u.bf16.f32 v18;
	v1 =	vunpack.c.u.bf16.f32 v1;
	v0 =	vmul.f32 v3, v0;
	v3 =	vld [tilespmem:s20+$0xFFFFFF10];
	[tilespmem:s20+$0x0] =	vst v2  }
0x1ae: {  	v4 =	vperm.xlane.i2c.b16 v4;
	v7 =	vmul.f32 v7, v11;
	v2 =	vld [tilespmem:s20+$0xFFFFFF20];
	[tilespmem:s21+$0x0] =	vst v20  }
0x1af: {  	v29 =	vunpack.c.l.bf16.f32 v19;
	v18 =	vmul.f32 v58, v18;
	v1 =	vmul.f32 v8, v1;
	v8 =	vld [tilespmem:s20+$0xFFFFFF30];
	[tilespmem:s20+$0x10] =	vst v0  }
0x1b0: {  	v20 =	vld [tilespmem:s21+$0xFFFFFF20];
	v0 =	vperm.xlane.i2c.b16 v5;
	v5 =	vperm.xlane.i2c.b16 v9;
	[tilespmem:s20+$0x20] =	vst v7  }
0x1b1: {  	v61 =	vperm.xlane.i2c.b16 v27;
	v19 =	vunpack.c.u.bf16.f32 v19;
	v25 =	vmul.f32 v25, v29;
	v7 =	vld [tilespmem:s20+$0xFFFFFF40];
	[tilespmem:s20+$0x30] =	vst v1  }
0x1b2: {  	[tilespmem:s21+$0x10] =	vst v18;
	v18 =	vperm.xlane.i2c.b16 v23;
	v0 =	vcombine.low v0, v5;
	v5 =	vld [tilespmem:s28+$0x40]  }
0x1b3: {  	v19 =	vmul.f32 v26, v19;
	v1 =	vperm.xlane.i2c.b16 v10;
	v9 =	vld [tilespmem:s28+$0x50]  }
0x1b4: {  	v22 =	vperm.xlane.i2c.b16 v22;
	[tilespmem:s21+$0x20] =	vst v25;
	v18 =	vcombine.low v18, v61;
	v10 =	vld [tilespmem:s28+$0x70]  }
0x1b5: {  	[tilespmem:s21+$0x30] =	vst v19;
	v19 =	vperm.xlane.i2c.b16 v28;
	v11 =	vld [tilespmem:s28+$0x60];
	v1 =	vcombine.low v1, v4  }
0x1b6: {  	v33 =	vld [tilespmem:s26+$0x40];
	v35 =	vunpack.c.l.bf16.f32 v18;
	v4 =	vunpack.c.l.bf16.f32 v0  }
0x1b7: {  	v34 =	vld [tilespmem:s26+$0x50];
	v19 =	vcombine.low v19, v22;
	v0 =	vunpack.c.u.bf16.f32 v0;
	v12 =	vunpack.c.l.bf16.f32 v1  }
0x1b8: {  	v36 =	vld [tilespmem:s26+$0x70];
	v20 =	vmul.f32 v20, v35;
	v2 =	vmul.f32 v2, v4  }
0x1b9: {  	v37 =	vld [tilespmem:s26+$0x60];
	v1 =	vunpack.c.u.bf16.f32 v1;
	v0 =	vmul.f32 v8, v0;
	v4 =	vmul.f32 v6, v12  }
0x1ba: {  	v8 =	vld [tilespmem:s20+$0x40];
	v6 =	vperm.xlane.i2c.b16 v9;
	v5 =	vperm.xlane.i2c.b16 v5;
	[tilespmem:s21+$0xFFFFFF20] =	vst v20  }
0x1bb: {  	v18 =	vunpack.c.u.bf16.f32 v18;
	v1 =	vmul.f32 v3, v1;
	v3 =	vperm.xlane.i2c.b16 v10;
	v20 =	vld [tilespmem:s21+$0xFFFFFF70];
	[tilespmem:s20+$0xFFFFFF20] =	vst v2  }
0x1bc: {  	v30 =	vunpack.c.l.bf16.f32 v19;
	[tilespmem:s20+$0xFFFFFF00] =	vst v4;
	v4 =	vcombine.low v5, v6;
	v5 =	vperm.xlane.i2c.b16 v11;
	v6 =	vld [tilespmem:s20+$0x50]  }
0x1bd: {  	v19 =	vunpack.c.u.bf16.f32 v19;
	v18 =	vmul.f32 v62, v18;
	[tilespmem:s20+$0xFFFFFF10] =	vst v1;
	v1 =	vld [tilespmem:s20+$0x60]  }
0x1be: {  	v24 =	vmul.f32 v59, v30;
	[tilespmem:s20+$0xFFFFFF30] =	vst v0;
	v0 =	vcombine.low v5, v3;
	v3 =	vunpack.c.l.bf16.f32 v4;
	v5 =	vld [tilespmem:s20+$0x70]  }
0x1bf: {  	v19 =	vmul.f32 v60, v19;
	[tilespmem:s21+$0xFFFFFF30] =	vst v18;
	v9 =	vld [tilespmem:s28+$0xFFFFFFC0];
	v4 =	vunpack.c.u.bf16.f32 v4  }
0x1c0: {  	[tilespmem:s21+$0xFFFFFF00] =	vst v24;
	v10 =	vld [tilespmem:s28+$0xFFFFFFD0];
	v11 =	vunpack.c.l.bf16.f32 v0;
	v3 =	vmul.f32 v8, v3  }
0x1c1: {  	v2 =	vld [tilespmem:s20+$0xFFFFFF70];
	[tilespmem:s21+$0xFFFFFF10] =	vst v19;
	v0 =	vunpack.c.u.bf16.f32 v0;
	v4 =	vmul.f32 v6, v4  }
0x1c2: {  	v47 =	vld [tilespmem:s26+$0xFFFFFFD0];
	v1 =	vmul.f32 v1, v11;
	[tilespmem:s20+$0x40] =	vst v3  }
0x1c3: {  	v3 =	vld [tilespmem:s28+$0xFFFFFFE0];
	v0 =	vmul.f32 v5, v0;
	[tilespmem:s20+$0x50] =	vst v4  }
0x1c4: {  	v5 =	vld [tilespmem:s28+$0xFFFFFFF0];
	[tilespmem:s20+$0x60] =	vst v1  }
0x1c5: {  	v49 =	vld [tilespmem:s26+$0xFFFFFFE0];
	v6 =	vperm.xlane.i2c.b16 v10;
	v1 =	vperm.xlane.i2c.b16 v9;
	[tilespmem:s20+$0x70] =	vst v0  }
0x1c6: {  	v0 =	vld [tilespmem:s28+$0x0]  }
0x1c7: {  	v1 =	vcombine.low v1, v6;
	v6 =	vld [tilespmem:s28+$0x10]  }
0x1c8: {  	v11 =	vld [tilespmem:s20+$0xFFFFFF90]  }
0x1c9: {  	v8 =	vld [tilespmem:s28+$0x30];
	v3 =	vperm.xlane.i2c.b16 v3;
	v5 =	vperm.xlane.i2c.b16 v5  }
0x1ca: {  	v12 =	vld [tilespmem:s28+$0x20]  }
0x1cb: {  	v10 =	vld [tilespmem:s20+$0xFFFFFFA0];
	v9 =	vunpack.c.l.bf16.f32 v1;
	v1 =	vunpack.c.u.bf16.f32 v1;
	v3 =	vcombine.low v3, v5  }
0x1cc: {  	v4 =	vld [tilespmem:s20+$0xFFFFFF80];
	v6 =	vperm.xlane.i2c.b16 v6;
	v0 =	vperm.xlane.i2c.b16 v0  }
0x1cd: {  	v7 =	vmul.f32 v7, v9;
	v5 =	vld [tilespmem:s20+$0xFFFFFFB0];
	v1 =	vmul.f32 v13, v1;
	v9 =	vunpack.c.l.bf16.f32 v3  }
0x1ce: {  	v13 =	vld [tilespmem:s20+$0x80];
	v8 =	vperm.xlane.i2c.b16 v8;
	v3 =	vunpack.c.u.bf16.f32 v3;
	v0 =	vcombine.high v0, v6  }
0x1cf: {  	[tilespmem:s20+$0xFFFFFF40] =	vst v7;
	v6 =	vperm.xlane.i2c.b16 v12;
	v12 =	vld [tilespmem:s20+$0x90];
	v7 =	vmul.f32 v14, v9  }
0x1d0: {  	[tilespmem:s20+$0xFFFFFF50] =	vst v1;
	v9 =	vld [tilespmem:s20+$0xA0];
	v2 =	vmul.f32 v2, v3  }
0x1d1: {  	v1 =	vcombine.high v6, v8;
	v3 =	vunpack.c.l.bf16.f32 v0;
	v6 =	vld [tilespmem:s20+$0xB0];
	[tilespmem:s20+$0xFFFFFF60] =	vst v7  }
0x1d2: {  	v27 =	vperm.xlane.i2c.b16 v34;
	v8 =	vld [tilespmem:s20+$0xE0];
	[tilespmem:s20+$0xFFFFFF70] =	vst v2  }
0x1d3: {  	v23 =	vperm.xlane.i2c.b16 v33;
	v3 =	vmul.f32 v13, v3;
	v13 =	vld [tilespmem:s28+$0xFFFFFF80]  }
0x1d4: {  	v0 =	vunpack.c.u.bf16.f32 v0;
	v14 =	vld [tilespmem:s28+$0xFFFFFFA0]  }
0x1d5: {  	v40 =	vperm.xlane.i2c.b16 v36;
	v23 =	vcombine.low v23, v27;
	v2 =	vunpack.c.l.bf16.f32 v1;
	v15 =	vld [tilespmem:s28+$0xFFFFFFB0]  }
0x1d6: {  	v42 =	vperm.xlane.i2c.b16 v37;
	v1 =	vunpack.c.u.bf16.f32 v1;
	v0 =	vmul.f32 v12, v0;
	v12 =	vld [tilespmem:s28+$0xFFFFFF90]  }
0x1d7: {  	v45 =	vunpack.c.l.bf16.f32 v23;
	v7 =	vld [tilespmem:s20+$0xFFFFFFD0];
	v2 =	vmul.f32 v9, v2;
	[tilespmem:s20+$0x80] =	vst v3  }
0x1d8: {  	v19 =	vcombine.low v42, v40;
	v3 =	vld [tilespmem:s20+$0xD0];
	v1 =	vmul.f32 v6, v1;
	[tilespmem:s20+$0x90] =	vst v0  }
0x1d9: {  	v21 =	vmul.f32 v41, v45;
	v9 =	vld [tilespmem:s20+$0xF0];
	[tilespmem:s20+$0xA0] =	vst v2  }
0x1da: {  	v27 =	vunpack.c.l.bf16.f32 v19;
	v6 =	vld [tilespmem:s20+$0xFFFFFFC0];
	[tilespmem:s20+$0xB0] =	vst v1;
	v14 =	vperm.xlane.i2c.b16 v14;
	v15 =	vperm.xlane.i2c.b16 v15  }
0x1db: {  	v23 =	vunpack.c.u.bf16.f32 v23;
	v13 =	vperm.xlane.i2c.b16 v13;
	v16 =	vld [tilespmem:s28+$0x60];
	v12 =	vperm.xlane.i2c.b16 v12  }
0x1dc: {  	v19 =	vunpack.c.u.bf16.f32 v19;
	v24 =	vmul.f32 v44, v27;
	v17 =	vld [tilespmem:s28+$0x70];
	v14 =	vcombine.high v14, v15  }
0x1dd: {  	[tilespmem:s21+$0x40] =	vst v21;
	v15 =	vmul.f32 v43, v23;
	v12 =	vcombine.high v13, v12;
	v13 =	vld [tilespmem:s26+$0xFFFFFFC0]  }
0x1de: {  	v19 =	vmul.f32 v46, v19;
	[tilespmem:s21+$0x60] =	vst v24;
	v0 =	vld [tilespmem:s20+$0xFFFFFFF0];
	v50 =	vunpack.c.l.bf16.f32 v14  }
0x1df: {  	[tilespmem:s21+$0x50] =	vst v15;
	v15 =	vld [tilespmem:s26+$0xFFFFFFF0];
	v48 =	vunpack.c.l.bf16.f32 v12;
	v12 =	vunpack.c.u.bf16.f32 v12  }
0x1e0: {  	[tilespmem:s21+$0x70] =	vst v19;
	v19 =	vperm.xlane.i2c.b16 v47;
	v18 =	vld [tilespmem:s28+$0x50];
	v10 =	vmul.f32 v10, v50  }
0x1e1: {  	v52 =	vld [tilespmem:s26+$0x0];
	v17 =	vperm.xlane.i2c.b16 v17;
	v11 =	vmul.f32 v11, v12;
	v12 =	vunpack.c.u.bf16.f32 v14  }
0x1e2: {  	v53 =	vld [tilespmem:s26+$0x20];
	v16 =	vperm.xlane.i2c.b16 v16;
	v13 =	vperm.xlane.i2c.b16 v13  }
0x1e3: {  	v5 =	vmul.f32 v5, v12;
	v12 =	vld [tilespmem:s26+$0x10];
	[tilespmem:s20+$0xFFFFFF90] =	vst v11;
	v11 =	vperm.xlane.i2c.b16 v49  }
0x1e4: {  	v15 =	vperm.xlane.i2c.b16 v15;
	v13 =	vcombine.low v13, v19;
	v19 =	vld [tilespmem:s26+$0x30]  }
0x1e5: {  	v2 =	vld [tilespmem:s20+$0xC0];
	v18 =	vperm.xlane.i2c.b16 v18;
	v4 =	vmul.f32 v4, v48  }
0x1e6: {  	v39 =	vld [tilespmem:s28+$0x40];
	[tilespmem:s20+$0xFFFFFFA0] =	vst v10;
	v16 =	vcombine.high v16, v17;
	v11 =	vcombine.low v11, v15;
	v10 =	vunpack.c.l.bf16.f32 v13  }
0x1e7: {  	v1 =	vld [tilespmem:s20+$0xFFFFFFE0];
	v23 =	vperm.xlane.i2c.b16 v52;
	v21 =	vperm.xlane.i2c.b16 v53;
	v13 =	vunpack.c.u.bf16.f32 v13  }
0x1e8: {  	v14 =	vld [tilespmem:s21+$0xFFFFFF90];
	[tilespmem:s20+$0xFFFFFF80] =	vst v4;
	v17 =	vunpack.c.l.bf16.f32 v11;
	v10 =	vmul.f32 v63, v10;
	v12 =	vperm.xlane.i2c.b16 v12  }
0x1e9: {  	v4 =	vld [tilespmem:s21+$0xFFFFFFA0];
	[tilespmem:s20+$0xFFFFFFB0] =	vst v5;
	v11 =	vunpack.c.u.bf16.f32 v11;
	v13 =	vmul.f32 v38, v13;
	v19 =	vperm.xlane.i2c.b16 v19  }
0x1ea: {  	v15 =	vld [tilespmem:s28+$0xFFFFFFC0];
	v17 =	vmul.f32 v31, v17;
	v12 =	vcombine.high v23, v12;
	[tilespmem:s21+$0xFFFFFF40] =	vst v10  }
0x1eb: {  	v58 =	vperm.xlane.i2c.b16 v39;
	v5 =	vld [tilespmem:s21+$0xFFFFFFB0];
	v11 =	vmul.f32 v20, v11;
	v10 =	vunpack.c.u.bf16.f32 v16;
	[tilespmem:s21+$0xFFFFFF50] =	vst v13  }
0x1ec: {  	v20 =	vld [tilespmem:s28+$0xFFFFFFD0];
	v19 =	vcombine.high v21, v19;
	[tilespmem:s21+$0xFFFFFF60] =	vst v17;
	v13 =	vunpack.c.l.bf16.f32 v12  }
0x1ed: {  	v18 =	vcombine.high v58, v18;
	[tilespmem:s21+$0xFFFFFF70] =	vst v11;
	v9 =	vmul.f32 v9, v10;
	v10 =	vunpack.c.u.bf16.f32 v12;
	v12 =	vld [tilespmem:s28+$0xFFFFFFE0]  }
0x1ee: {  	v16 =	vunpack.c.l.bf16.f32 v16;
	v59 =	vld [tilespmem:s26+$0xFFFFFF80];
	v17 =	vunpack.c.l.bf16.f32 v19;
	v11 =	vmul.f32 v54, v13  }
0x1ef: {  	v15 =	vperm.xlane.i2c.b16 v15;
	v60 =	vld [tilespmem:s26+$0xFFFFFF90];
	v19 =	vunpack.c.u.bf16.f32 v19;
	v10 =	vmul.f32 v55, v10;
	[tilespmem:s20+$0xF0] =	vst v9  }
0x1f0: {  	v16 =	vmul.f32 v8, v16;
	v13 =	vld [tilespmem:s28+$0xFFFFFFF0];
	v17 =	vmul.f32 v56, v17;
	[tilespmem:s21+$0x80] =	vst v11  }
0x1f1: {  	v8 =	vld [tilespmem:s26+$0xFFFFFFB0];
	v20 =	vperm.xlane.i2c.b16 v20;
	v19 =	vmul.f32 v57, v19;
	v11 =	vunpack.c.u.bf16.f32 v18;
	[tilespmem:s21+$0x90] =	vst v10  }
0x1f2: {  	v10 =	vld [tilespmem:s26+$0xFFFFFFA0];
	[tilespmem:s21+$0xA0] =	vst v17;
	v12 =	vperm.xlane.i2c.b16 v12  }
0x1f3: {  	v9 =	vld [tilespmem:s21+$0xFFFFFFF0];
	v18 =	vunpack.c.l.bf16.f32 v18;
	[tilespmem:s21+$0xB0] =	vst v19;
	v11 =	vmul.f32 v3, v11;
	v3 =	vcombine.high v15, v20  }
0x1f4: {  	v19 =	vperm.xlane.i2c.b16 v59;
	v15 =	vld [tilespmem:s26+$0x60];
	v20 =	vperm.xlane.i2c.b16 v60  }
0x1f5: {  	v17 =	vmul.f32 v2, v18;
	v61 =	vld [tilespmem:s26+$0x70];
	v13 =	vperm.xlane.i2c.b16 v13;
	v18 =	vunpack.c.u.bf16.f32 v3  }
0x1f6: {  	v2 =	vld [tilespmem:s21+$0xFFFFFFC0];
	v62 =	vunpack.c.l.bf16.f32 v3;
	v19 =	vcombine.high v19, v20;
	v20 =	vperm.xlane.i2c.b16 v8  }
0x1f7: {  	[tilespmem:s20+$0xE0] =	vst v16;
	v3 =	vld [tilespmem:s21+$0xFFFFFFD0];
	v12 =	vcombine.high v12, v13;
	v13 =	vperm.xlane.i2c.b16 v10  }
0x1f8: {  	v8 =	vld [tilespmem:s21+$0xFFFFFFE0];
	[tilespmem:s20+$0xC0] =	vst v17;
	v16 =	vmul.f32 v6, v62;
	v18 =	vmul.f32 v7, v18  }
0x1f9: {  	[tilespmem:s20+$0xD0] =	vst v11;
	v11 =	vld [tilespmem:s21+$0xF0];
	v10 =	vunpack.c.u.bf16.f32 v12;
	v17 =	vcombine.high v13, v20;
	v20 =	vunpack.c.l.bf16.f32 v19  }
0x1fa: {  	v6 =	vld [tilespmem:s21+$0xC0];
	v19 =	vunpack.c.u.bf16.f32 v19;
	v21 =	vperm.xlane.i2c.b16 v61;
	v63 =	vperm.xlane.i2c.b16 v15;
	[tilespmem:s20+$0xFFFFFFC0] =	vst v16  }
0x1fb: {  	v7 =	vld [tilespmem:s21+$0xD0];
	[tilespmem:s20+$0xFFFFFFD0] =	vst v18;
	v15 =	vunpack.c.u.bf16.f32 v17;
	v16 =	vmul.f32 v51, v20;
	v18 =	vunpack.c.l.bf16.f32 v17  }
0x1fc: {  	s8 =	simm.s32 $0x5680;
	s28 =	simm.s32 $0x2;
	v13 =	vunpack.c.l.bf16.f32 v12;
	v12 =	vld [tilespmem:s21+$0xE0];
	v17 =	vmul.f32 v14, v19;
	v14 =	vcombine.high v63, v21  }
.LBB2_8:
0x1fd: {  	v19 =	vld [tilespmem:s8+$0x0];
	v4 =	vmul.f32 v4, v18;
	v5 =	vmul.f32 v5, v15;
	[tilespmem:s21+$0xFFFFFF80] =	vst v16  }
0x1fe: {  	v13 =	vmul.f32 v1, v13;
	v1 =	vmovc v8;
	v15 =	vld [tilespmem:s8+$0x10];
	[tilespmem:s21+$0xFFFFFF90] =	vst v17;
	v16 =	vunpack.c.u.bf16.f32 v14;
	v14 =	vunpack.c.l.bf16.f32 v14  }
0x1ff: {  	v8 =	vld [tilespmem:s8+$0x20];
	[tilespmem:s21+$0xFFFFFFA0] =	vst v4;
	v4 =	vmul.f32 v0, v10;
	v0 =	vmov v9  }
0x200: {  	v9 =	vld [tilespmem:s8+$0x30];
	[tilespmem:s21+$0xFFFFFFB0] =	vst v5;
	v5 =	vmul.f32 v11, v16  }
0x201: {  	v10 =	vld [tilespmem:s26+$0x40];
	v11 =	vmul.f32 v12, v14;
	[tilespmem:s20+$0xFFFFFFE0] =	vst v13  }
0x202: {  	v12 =	vld [tilespmem:s26+$0x50];
	[tilespmem:s21+$0xF0] =	vst v5  }
0x203: {  	v5 =	vld [tilespmem:s8+$0xFFFFFF90];
	[tilespmem:s20+$0xFFFFFFF0] =	vst v4;
	s20 =	smov.u32 s21  }
0x204: {  	v14 =	vperm.xlane.i2c.b16 v19;
	v13 =	vperm.xlane.i2c.b16 v15;
	s21 =	sadd.s32 $0x200, s21;
	v4 =	vld [tilespmem:s8+$0xFFFFFFA0];
	[tilespmem:s20+$0xE0] =	vst v11  }
0x205: {  	v9 =	vperm.xlane.i2c.b16 v9;
	v11 =	vld [tilespmem:s21+$0x0]  }
0x206: {  	v8 =	vperm.xlane.i2c.b16 v8;
	v13 =	vcombine.low v14, v13;
	v14 =	vld [tilespmem:s21+$0x10]  }
0x207: {  	v10 =	vperm.xlane.i2c.b16 v10;
	v15 =	vld [tilespmem:s21+$0x20];
	v12 =	vperm.xlane.i2c.b16 v12  }
0x208: {  	v8 =	vcombine.low v8, v9;
	v9 =	vunpack.c.l.bf16.f32 v13;
	v5 =	vperm.xlane.i2c.b16 v5;
	v16 =	vld [tilespmem:s21+$0x30]  }
0x209: {  	v13 =	vunpack.c.u.bf16.f32 v13;
	v17 =	vld [tilespmem:s8+$0xFFFFFFB0];
	v4 =	vperm.xlane.i2c.b16 v4;
	v10 =	vcombine.high v10, v12  }
0x20a: {  	v18 =	vunpack.c.l.bf16.f32 v8;
	v12 =	vld [tilespmem:s8+$0xFFFFFF80];
	v9 =	vmul.f32 v11, v9  }
0x20b: {  	s28 =	sadd.s32 $0x2, s28;
	v8 =	vunpack.c.u.bf16.f32 v8;
	v11 =	vld [tilespmem:s21+$0xFFFFFF00];
	v13 =	vmul.f32 v14, v13;
	v14 =	vunpack.c.u.bf16.f32 v10  }
0x20c: {  	p3 =	slt.u32 s28, $0x26;
	v19 =	vld [tilespmem:s21+$0xFFFFFF10];
	v15 =	vmul.f32 v15, v18;
	[tilespmem:s21+$0x0] =	vst v9;
	v9 =	vunpack.c.l.bf16.f32 v10  }
0x20d: {  	v10 =	vld [tilespmem:s21+$0xFFFFFF20];
	v8 =	vmul.f32 v16, v8;
	[tilespmem:s21+$0x10] =	vst v13;
	v7 =	vmul.f32 v7, v14  }
0x20e: {  	v13 =	vperm.xlane.i2c.b16 v17;
	v14 =	vld [tilespmem:s21+$0xFFFFFF30];
	[tilespmem:s21+$0x20] =	vst v15;
	v6 =	vmul.f32 v6, v9  }
0x20f: {  	v9 =	vperm.xlane.i2c.b16 v12;
	v12 =	vld [tilespmem:s21+$0xFFFFFF40];
	[tilespmem:s21+$0x30] =	vst v8  }
0x210: {  	v4 =	vcombine.low v4, v13;
	v8 =	vld [tilespmem:s8+$0x40];
	[tilespmem:s20+$0xC0] =	vst v6  }
0x211: {  	v5 =	vcombine.low v9, v5;
	v6 =	vld [tilespmem:s8+$0x50];
	[tilespmem:s20+$0xD0] =	vst v7  }
0x212: {  	v7 =	vunpack.c.u.bf16.f32 v4;
	v4 =	vunpack.c.l.bf16.f32 v4;
	v9 =	vld [tilespmem:s8+$0x70]  }
0x213: {  	v13 =	vunpack.c.u.bf16.f32 v5;
	v5 =	vunpack.c.l.bf16.f32 v5;
	v15 =	vld [tilespmem:s8+$0x60]  }
0x214: {  	v4 =	vmul.f32 v10, v4;
	v7 =	vmul.f32 v14, v7;
	v10 =	vld [tilespmem:s21+$0xFFFFFF50]  }
0x215: {  	v5 =	vmul.f32 v11, v5;
	v11 =	vmul.f32 v19, v13;
	v13 =	vld [tilespmem:s21+$0xFFFFFF60]  }
0x216: {  	[tilespmem:s21+$0xFFFFFF20] =	vst v4;
	v14 =	vld [tilespmem:s21+$0xFFFFFF70];
	v4 =	vperm.xlane.i2c.b16 v6;
	v6 =	vperm.xlane.i2c.b16 v8  }
0x217: {  	[tilespmem:s21+$0xFFFFFF00] =	vst v5;
	v5 =	vperm.xlane.i2c.b16 v9;
	v8 =	vld [tilespmem:s21+$0x40]  }
0x218: {  	[tilespmem:s21+$0xFFFFFF10] =	vst v11;
	v4 =	vcombine.low v6, v4;
	v6 =	vperm.xlane.i2c.b16 v15;
	v9 =	vld [tilespmem:s21+$0x50]  }
0x219: {  	[tilespmem:s21+$0xFFFFFF30] =	vst v7;
	v7 =	vld [tilespmem:s21+$0x60]  }
0x21a: {  	v5 =	vcombine.low v6, v5;
	v6 =	vunpack.c.l.bf16.f32 v4;
	v11 =	vld [tilespmem:s21+$0x70]  }
0x21b: {  	v4 =	vunpack.c.u.bf16.f32 v4;
	v15 =	vld [tilespmem:s8+$0xFFFFFFC0]  }
0x21c: {  	v16 =	vld [tilespmem:s8+$0xFFFFFFD0];
	v17 =	vunpack.c.l.bf16.f32 v5;
	v6 =	vmul.f32 v8, v6  }
0x21d: {  	v5 =	vunpack.c.u.bf16.f32 v5;
	v8 =	vld [tilespmem:s8+$0xFFFFFFE0];
	v4 =	vmul.f32 v9, v4  }
0x21e: {  	v9 =	vld [tilespmem:s8+$0xFFFFFFF0];
	v7 =	vmul.f32 v7, v17;
	[tilespmem:s21+$0x40] =	vst v6  }
0x21f: {  	v17 =	vld [tilespmem:s21+$0xFFFFFF80];
	v5 =	vmul.f32 v11, v5;
	[tilespmem:s21+$0x50] =	vst v4  }
0x220: {  	v6 =	vperm.xlane.i2c.b16 v15;
	v19 =	vld [tilespmem:s21+$0xFFFFFF90];
	[tilespmem:s21+$0x60] =	vst v7  }
0x221: {  	v7 =	vperm.xlane.i2c.b16 v16;
	v4 =	vld [tilespmem:s21+$0xFFFFFFA0];
	[tilespmem:s21+$0x70] =	vst v5  }
0x222: {  	v5 =	vperm.xlane.i2c.b16 v8;
	v8 =	vld [tilespmem:s8+$0x0]  }
0x223: {  	v6 =	vcombine.low v6, v7;
	v7 =	vperm.xlane.i2c.b16 v9;
	v9 =	vld [tilespmem:s8+$0x10]  }
0x224: {  	v11 =	vld [tilespmem:s8+$0x30]  }
0x225: {  	v7 =	vcombine.low v5, v7;
	v15 =	vunpack.c.u.bf16.f32 v6;
	v6 =	vunpack.c.l.bf16.f32 v6;
	v16 =	vld [tilespmem:s8+$0x20]  }
0x226: {  	v5 =	vld [tilespmem:s21+$0xFFFFFFB0]  }
0x227: {  	v18 =	vunpack.c.u.bf16.f32 v7;
	v7 =	vunpack.c.l.bf16.f32 v7;
	v6 =	vmul.f32 v12, v6;
	v12 =	vld [tilespmem:s26+$0xFFFFFFC0]  }
0x228: {  	v8 =	vperm.xlane.i2c.b16 v8;
	v9 =	vperm.xlane.i2c.b16 v9;
	v20 =	vld [tilespmem:s26+$0xFFFFFFD0]  }
0x229: {  	v10 =	vmul.f32 v10, v15;
	[tilespmem:s21+$0xFFFFFF40] =	vst v6;
	v6 =	vperm.xlane.i2c.b16 v11;
	v11 =	vld [tilespmem:s21+$0x80]  }
0x22a: {  	v8 =	vcombine.high v8, v9;
	v9 =	vperm.xlane.i2c.b16 v16;
	v15 =	vld [tilespmem:s21+$0x90]  }
0x22b: {  	v7 =	vmul.f32 v13, v7;
	v13 =	vmul.f32 v14, v18;
	[tilespmem:s21+$0xFFFFFF50] =	vst v10;
	v10 =	vld [tilespmem:s21+$0xA0]  }
0x22c: {  	v6 =	vcombine.high v9, v6;
	v9 =	vunpack.c.l.bf16.f32 v8;
	v14 =	vld [tilespmem:s21+$0xB0];
	v12 =	vperm.xlane.i2c.b16 v12  }
0x22d: {  	[tilespmem:s21+$0xFFFFFF60] =	vst v7;
	v7 =	vunpack.c.u.bf16.f32 v8;
	v8 =	vld [tilespmem:s26+$0xFFFFFFE0];
	v16 =	vperm.xlane.i2c.b16 v20  }
0x22e: {  	[tilespmem:s21+$0xFFFFFF70] =	vst v13;
	v13 =	vunpack.c.l.bf16.f32 v6;
	v9 =	vmul.f32 v11, v9;
	v11 =	vld [tilespmem:s26+$0xFFFFFFF0];
	s26 =	smov.u32 s8  }
0x22f: {  	v6 =	vunpack.c.u.bf16.f32 v6;
	v18 =	vld [tilespmem:s8+$0xFFFFFF80];
	v7 =	vmul.f32 v15, v7;
	v12 =	vcombine.high v12, v16  }
0x230: {  	v15 =	vld [tilespmem:s8+$0xFFFFFF90];
	v10 =	vmul.f32 v10, v13;
	[tilespmem:s21+$0x80] =	vst v9  }
0x231: {  	v9 =	vld [tilespmem:s8+$0xFFFFFFA0];
	v6 =	vmul.f32 v14, v6;
	[tilespmem:s21+$0x90] =	vst v7;
	v7 =	vunpack.c.u.bf16.f32 v12;
	v12 =	vunpack.c.l.bf16.f32 v12  }
0x232: {  	v13 =	vld [tilespmem:s8+$0xFFFFFFB0];
	[tilespmem:s21+$0xA0] =	vst v10;
	v8 =	vperm.xlane.i2c.b16 v8  }
0x233: {  	[tilespmem:s21+$0xB0] =	vst v6;
	v6 =	vperm.xlane.i2c.b16 v11;
	v10 =	vmul.f32 v2, v12;
	v2 =	vld [tilespmem:s21+$0xFFFFFFC0]  }
0x234: {  	v7 =	vmul.f32 v3, v7;
	v11 =	vperm.xlane.i2c.b16 v18;
	v12 =	vld [tilespmem:s8+$0x60]  }
0x235: {  	v14 =	vperm.xlane.i2c.b16 v15;
	v15 =	vld [tilespmem:s8+$0x70];
	v6 =	vcombine.high v8, v6;
	[tilespmem:s20+$0xFFFFFFC0] =	vst v10  }
0x236: {  	v16 =	vperm.xlane.i2c.b16 v9;
	v3 =	vld [tilespmem:s21+$0xFFFFFFD0];
	[tilespmem:s20+$0xFFFFFFD0] =	vst v7  }
0x237: {  	v7 =	vcombine.high v11, v14;
	v11 =	vperm.xlane.i2c.b16 v13;
	v8 =	vld [tilespmem:s21+$0xFFFFFFE0];
	v10 =	vunpack.c.u.bf16.f32 v6  }
.Ltmp9:
0x238: {  	v13 =	vunpack.c.l.bf16.f32 v6;
	v9 =	vld [tilespmem:s21+$0xFFFFFFF0];
	(pc) =	sbr.rel @p3 .LBB2_8-.Ltmp9, $4  }
0x239: {  	v11 =	vcombine.high v16, v11;
	v14 =	vunpack.c.u.bf16.f32 v7;
	v16 =	vunpack.c.l.bf16.f32 v7;
	v6 =	vld [tilespmem:s21+$0xC0]  }
0x23a: {  	v12 =	vperm.xlane.i2c.b16 v12;
	v20 =	vperm.xlane.i2c.b16 v15;
	v7 =	vld [tilespmem:s21+$0xD0]  }
0x23b: {  	v15 =	vunpack.c.u.bf16.f32 v11;
	v18 =	vunpack.c.l.bf16.f32 v11;
	v16 =	vmul.f32 v17, v16;
	v11 =	vld [tilespmem:s21+$0xF0]  }
0x23c: {  	s8 =	sadd.s32 $0x100, s8;
	v17 =	vmul.f32 v19, v14;
	v14 =	vcombine.high v12, v20;
	v12 =	vld [tilespmem:s21+$0xE0]  }
0x23d: {  	v4 =	vmul.f32 v4, v18;
	[tilespmem:s21+$0xFFFFFF80] =	vst v16  }
0x23e: {  	v5 =	vmul.f32 v5, v15;
	v44 =	vld [tilespmem:s26+$0x40];
	[tilespmem:s21+$0xFFFFFF90] =	vst v17  }
0x23f: {  	v45 =	vld [tilespmem:s26+$0x50];
	[tilespmem:s21+$0xFFFFFFA0] =	vst v4  }
0x240: {  	[tilespmem:s21+$0xFFFFFFB0] =	vst v5  }
0x241: {  	v46 =	vld [tilespmem:s26+$0xFFFFFFC0]  }
0x242: {  	v16 =	vld [tilespmem:s26+$0xFFFFFFD0]  }
0x243: {  	v17 =	vld [tilespmem:s26+$0xFFFFFFE0]  }
0x244: {  	v47 =	vld [tilespmem:s26+$0xFFFFFFF0];
	v5 =	vperm.xlane.i2c.b16 v45;
	v4 =	vperm.xlane.i2c.b16 v44  }
0x245: {  	v1 =	vmul.f32 v1, v13  }
0x246: {  	v0 =	vmul.f32 v0, v10;
	v48 =	vunpack.c.u.bf16.f32 v14;
	v4 =	vcombine.high v4, v5  }
0x247: {  	v15 =	vperm.xlane.i2c.b16 v46;
	v16 =	vperm.xlane.i2c.b16 v16  }
0x248: {  	v49 =	vunpack.c.l.bf16.f32 v14;
	v50 =	vmul.f32 v11, v48;
	v53 =	vperm.xlane.i2c.b16 v17  }
0x249: {  	[tilespmem:s20+$0xFFFFFFE0] =	vst v1;
	v13 =	vperm.xlane.i2c.b16 v47;
	v52 =	vunpack.c.l.bf16.f32 v4;
	v51 =	vcombine.high v15, v16  }
0x24a: {  	[tilespmem:s20+$0xFFFFFFF0] =	vst v0;
	v5 =	vmul.f32 v12, v49;
	v4 =	vunpack.c.u.bf16.f32 v4  }
0x24b: {  	[tilespmem:s21+$0xF0] =	vst v50;
	v56 =	vcombine.high v53, v13;
	v54 =	vmul.f32 v6, v52;
	v55 =	vunpack.c.l.bf16.f32 v51  }
0x24c: {  	[tilespmem:s21+$0xE0] =	vst v5;
	v4 =	vmul.f32 v7, v4;
	v57 =	vunpack.c.u.bf16.f32 v51  }
0x24d: {  	v59 =	vunpack.c.l.bf16.f32 v56;
	[tilespmem:s21+$0xC0] =	vst v54;
	v58 =	vmul.f32 v2, v55  }
0x24e: {  	v61 =	vunpack.c.u.bf16.f32 v56;
	[tilespmem:s21+$0xD0] =	vst v4;
	v60 =	vmul.f32 v3, v57  }
0x24f: {  	v62 =	vmul.f32 v8, v59;
	[tilespmem:s21+$0xFFFFFFC0] =	vst v58  }
0x250: {  	v63 =	vmul.f32 v9, v61;
	[tilespmem:s21+$0xFFFFFFD0] =	vst v60  }
0x251: {  	[tilespmem:s21+$0xFFFFFFE0] =	vst v62  }
0x252: {  	[tilespmem:s21+$0xFFFFFFF0] =	vst v63  }
0x253: {  	[spmem:s3] =	stream.indirect.scatter.add.f32 [tilespmem:s31], [sflag:$0x9], $0x80, s2, s9, $0xb8;
	[tilespmem:$0x1B480] =	vst v63  }
0x254: {  	_ =	swait.ge [sflag:s29], $0x2800  }
0x255: {  	p3 =	sgt.u32 s19, $0x2F;
	[sflag:s29] =	ssyncset.done $0x0  }
0x256: {  	s8 =	simm.s32 @!p3 $0x1;
	[sflag:s29] =	ssyncadd.s32 $0xFFFFD800  }
0x257: {  	_ =	swait.ge @!p3 [sflag:s8], $0x50  }
0x258: {  	[sflag:s8] =	ssyncset.done @!p3 $0x0  }
0x259: {  	[sflag:s8] =	ssyncadd.s32 @!p3 $0xFFFFFFB0  }
0x25a: {  	_ =	swait.ge @!p3 [sflag:s8], $0x50  }
0x25b: {  	s20 =	simm.s32 @!p3 $0x0;
	[sflag:s8] =	ssyncset.done @!p3 $0x0  }
0x25c: {  	s21 =	simm.s32 @!p3 $0x400;
	[sflag:s8] =	ssyncadd.s32 @!p3 $0xFFFFFFB0;
	s8 =	simm.s32 @!p3 $0x50  }
0x25d: {  	[tilespmem:s21], [sflag:$0x5] =	stream.indirect.gather @!p3 [hbm4b:s1+s8], $0x80, s20, s8, $0xb8;
	[tilespmem:$0x1B480] =	vst v63  }
0x25e: {  	s8 =	smul.u32 @!p3 $0x28, s19  }
0x25f: {  	p4 =	sgt.u32 @!p3 s19, $0x2D  }
0x260: {  	p4 =	por p4, p3;
	s8 =	sadd.s32 @!p3 s8, s22  }
0x261: {  	s21 =	sadd.s32 @!p4 s19, s23;
	s8 =	sshll.u32 @!p3 s8, $0x4  }
0x262: {  	s26 =	simm.s32 @!p3 $0x5400;
	s21 =	smul.u32 @!p4 $0x50, s21;
	s8 =	sadd.s32 @!p3 s7, s8  }
0x263: {  	[tilespmem:s26], [sflag:$0x7] =	stream.linear.gather @!p3 [hbm4b:s8+s20], $0x1400, $0x38;
	[tilespmem:$0x1B480] =	vst v63  }
0x264: {  	s8 =	sshrl.u32 @!p4 s21, $0x3  }
.Ltmp10:
0x265: {  	s8 =	sadd.s32 @!p4 $0x5DC0, s8;
	(pc) =	sbr.rel .LBB2_17-.Ltmp10, $4  }
0x266: {  	s21 =	simm.s32 @!p4 $0x0;
	s26 =	simm.s32 @!p4 $0x100;
	s20 =	sadd.s32 @!p4 s5, s8  }
0x267: {  	[tilespmem:s26], [sflag:$0x3] =	stream.linear.gather @!p4 [hbm4b:s20+s21], $0x50, $0x38;
	[tilespmem:$0x1B480] =	vst v63  }
0x268: {  	s8 =	sadd.s32 @!p4 s6, s8;
	s20 =	simm.s32 @!p4 $0x300  }
0x269: {  	[tilespmem:s20], [sflag:$0x3] =	stream.linear.gather @!p4 [hbm4b:s8+s21], $0x50, $0x38;
	[tilespmem:$0x1B480] =	vst v63  }
.LBB2_10:
0x26a: {  	_ =	swait.ge [sflag:s15], $0x2800  }
0x26b: {  	[sflag:s15] =	ssyncset.done $0x0  }
0x26c: {  	[sflag:s15] =	ssyncadd.s32 $0xFFFFD800  }
0x26d: {  	_ =	swait.ge [sflag:s16], $0x1400  }
0x26e: {  	[sflag:s16] =	ssyncset.done $0x0  }
0x26f: {  	s28 =	simm.s32 $0x6880;
	[sflag:s16] =	ssyncadd.s32 $0xFFFFEC00  }
0x270: {  	v0 =	vld [tilespmem:s28+$0x0]  }
0x271: {  	v1 =	vld [tilespmem:s28+$0x10]  }
0x272: {  	v2 =	vld [tilespmem:s28+$0x30]  }
0x273: {  	v3 =	vld [tilespmem:s28+$0x20]  }
0x274: {  	v4 =	vld [tilespmem:s28+$0xFFFFFF90]  }
0x275: {  	s20 =	simm.s32 $0x2D00;
	v5 =	vld [tilespmem:s28+$0xFFFFFFA0]  }
0x276: {  	v6 =	vld [tilespmem:s20+$0x0]  }
0x277: {  	v7 =	vld [tilespmem:s20+$0x20]  }
0x278: {  	v8 =	vld [tilespmem:s20+$0x30]  }
0x279: {  	v9 =	vld [tilespmem:s28+$0xFFFFFFB0]  }
0x27a: {  	v10 =	vld [tilespmem:s28+$0xFFFFFF80]  }
0x27b: {  	v13 =	vld [tilespmem:s20+$0xFFFFFF50]  }
0x27c: {  	s26 =	simm.s32 $0x6980;
	v14 =	vld [tilespmem:s20+$0xFFFFFF60]  }
0x27d: {  	v18 =	vld [tilespmem:s26+$0x0]  }
0x27e: {  	v19 =	vld [tilespmem:s26+$0x10]  }
0x27f: {  	v20 =	vld [tilespmem:s26+$0x30]  }
0x280: {  	v21 =	vld [tilespmem:s26+$0x20]  }
0x281: {  	v22 =	vld [tilespmem:s26+$0xFFFFFF90]  }
0x282: {  	s21 =	simm.s32 $0x2F00;
	v23 =	vld [tilespmem:s26+$0xFFFFFFA0]  }
0x283: {  	v24 =	vld [tilespmem:s21+$0x0]  }
0x284: {  	v58 =	vld [tilespmem:s21+$0x10]  }
0x285: {  	v25 =	vld [tilespmem:s21+$0x20]  }
0x286: {  	v26 =	vld [tilespmem:s21+$0x30]  }
0x287: {  	v27 =	vld [tilespmem:s26+$0xFFFFFFB0]  }
0x288: {  	v28 =	vld [tilespmem:s26+$0xFFFFFF80]  }
0x289: {  	v59 =	vld [tilespmem:s21+$0xFFFFFF00]  }
0x28a: {  	v60 =	vld [tilespmem:s21+$0xFFFFFF10]  }
0x28b: {  	v62 =	vld [tilespmem:s21+$0xFFFFFF30]  }
0x28c: {  	v63 =	vld [tilespmem:s21+$0xFFFFFF40]  }
0x28d: {  	v38 =	vld [tilespmem:s21+$0xFFFFFF50]  }
0x28e: {  	v31 =	vld [tilespmem:s21+$0xFFFFFF60]  }
0x28f: {  	v41 =	vld [tilespmem:s21+$0x40]  }
0x290: {  	v43 =	vld [tilespmem:s21+$0x50]  }
0x291: {  	v44 =	vld [tilespmem:s21+$0x60];
	v1 =	vperm.xlane.i2c.b16 v1;
	v0 =	vperm.xlane.i2c.b16 v0  }
0x292: {  	v46 =	vld [tilespmem:s21+$0x70];
	v2 =	vperm.xlane.i2c.b16 v2;
	v19 =	vperm.xlane.i2c.b16 v19  }
0x293: {  	v51 =	vld [tilespmem:s21+$0xFFFFFF80];
	v18 =	vperm.xlane.i2c.b16 v18;
	v20 =	vperm.xlane.i2c.b16 v20  }
0x294: {  	v54 =	vld [tilespmem:s21+$0x80];
	v0 =	vcombine.low v0, v1;
	v1 =	vperm.xlane.i2c.b16 v3  }
0x295: {  	v3 =	vld [tilespmem:s20+$0x10];
	v18 =	vcombine.low v18, v19;
	v19 =	vperm.xlane.i2c.b16 v21  }
0x296: {  	v55 =	vld [tilespmem:s21+$0x90];
	v1 =	vcombine.low v1, v2;
	v2 =	vunpack.c.l.bf16.f32 v0  }
0x297: {  	v56 =	vld [tilespmem:s21+$0xA0];
	v19 =	vcombine.low v19, v20;
	v20 =	vunpack.c.l.bf16.f32 v18  }
0x298: {  	v57 =	vld [tilespmem:s21+$0xB0];
	v0 =	vunpack.c.u.bf16.f32 v0;
	v2 =	vmul.f32 v6, v2  }
0x299: {  	v11 =	vunpack.c.l.bf16.f32 v1;
	v6 =	vld [tilespmem:s20+$0xFFFFFF00];
	v20 =	vmul.f32 v24, v20  }
0x29a: {  	v18 =	vunpack.c.u.bf16.f32 v18;
	v1 =	vunpack.c.u.bf16.f32 v1;
	v0 =	vmul.f32 v3, v0;
	v3 =	vld [tilespmem:s20+$0xFFFFFF10];
	[tilespmem:s20+$0x0] =	vst v2  }
0x29b: {  	v4 =	vperm.xlane.i2c.b16 v4;
	v7 =	vmul.f32 v7, v11;
	v2 =	vld [tilespmem:s20+$0xFFFFFF20];
	[tilespmem:s21+$0x0] =	vst v20  }
0x29c: {  	v29 =	vunpack.c.l.bf16.f32 v19;
	v18 =	vmul.f32 v58, v18;
	v1 =	vmul.f32 v8, v1;
	v8 =	vld [tilespmem:s20+$0xFFFFFF30];
	[tilespmem:s20+$0x10] =	vst v0  }
0x29d: {  	v20 =	vld [tilespmem:s21+$0xFFFFFF20];
	v0 =	vperm.xlane.i2c.b16 v5;
	v5 =	vperm.xlane.i2c.b16 v9;
	[tilespmem:s20+$0x20] =	vst v7  }
0x29e: {  	v61 =	vperm.xlane.i2c.b16 v27;
	v19 =	vunpack.c.u.bf16.f32 v19;
	v25 =	vmul.f32 v25, v29;
	v7 =	vld [tilespmem:s20+$0xFFFFFF40];
	[tilespmem:s20+$0x30] =	vst v1  }
0x29f: {  	[tilespmem:s21+$0x10] =	vst v18;
	v18 =	vperm.xlane.i2c.b16 v23;
	v0 =	vcombine.low v0, v5;
	v5 =	vld [tilespmem:s28+$0x40]  }
0x2a0: {  	v19 =	vmul.f32 v26, v19;
	v1 =	vperm.xlane.i2c.b16 v10;
	v9 =	vld [tilespmem:s28+$0x50]  }
0x2a1: {  	v22 =	vperm.xlane.i2c.b16 v22;
	[tilespmem:s21+$0x20] =	vst v25;
	v18 =	vcombine.low v18, v61;
	v10 =	vld [tilespmem:s28+$0x70]  }
0x2a2: {  	[tilespmem:s21+$0x30] =	vst v19;
	v19 =	vperm.xlane.i2c.b16 v28;
	v11 =	vld [tilespmem:s28+$0x60];
	v1 =	vcombine.low v1, v4  }
0x2a3: {  	v33 =	vld [tilespmem:s26+$0x40];
	v35 =	vunpack.c.l.bf16.f32 v18;
	v4 =	vunpack.c.l.bf16.f32 v0  }
0x2a4: {  	v34 =	vld [tilespmem:s26+$0x50];
	v19 =	vcombine.low v19, v22;
	v0 =	vunpack.c.u.bf16.f32 v0;
	v12 =	vunpack.c.l.bf16.f32 v1  }
0x2a5: {  	v36 =	vld [tilespmem:s26+$0x70];
	v20 =	vmul.f32 v20, v35;
	v2 =	vmul.f32 v2, v4  }
0x2a6: {  	v37 =	vld [tilespmem:s26+$0x60];
	v1 =	vunpack.c.u.bf16.f32 v1;
	v0 =	vmul.f32 v8, v0;
	v4 =	vmul.f32 v6, v12  }
0x2a7: {  	v8 =	vld [tilespmem:s20+$0x40];
	v6 =	vperm.xlane.i2c.b16 v9;
	v5 =	vperm.xlane.i2c.b16 v5;
	[tilespmem:s21+$0xFFFFFF20] =	vst v20  }
0x2a8: {  	v18 =	vunpack.c.u.bf16.f32 v18;
	v1 =	vmul.f32 v3, v1;
	v3 =	vperm.xlane.i2c.b16 v10;
	v20 =	vld [tilespmem:s21+$0xFFFFFF70];
	[tilespmem:s20+$0xFFFFFF20] =	vst v2  }
0x2a9: {  	v30 =	vunpack.c.l.bf16.f32 v19;
	[tilespmem:s20+$0xFFFFFF00] =	vst v4;
	v4 =	vcombine.low v5, v6;
	v5 =	vperm.xlane.i2c.b16 v11;
	v6 =	vld [tilespmem:s20+$0x50]  }
0x2aa: {  	v19 =	vunpack.c.u.bf16.f32 v19;
	v18 =	vmul.f32 v62, v18;
	[tilespmem:s20+$0xFFFFFF10] =	vst v1;
	v1 =	vld [tilespmem:s20+$0x60]  }
0x2ab: {  	v24 =	vmul.f32 v59, v30;
	[tilespmem:s20+$0xFFFFFF30] =	vst v0;
	v0 =	vcombine.low v5, v3;
	v3 =	vunpack.c.l.bf16.f32 v4;
	v5 =	vld [tilespmem:s20+$0x70]  }
0x2ac: {  	v19 =	vmul.f32 v60, v19;
	[tilespmem:s21+$0xFFFFFF30] =	vst v18;
	v9 =	vld [tilespmem:s28+$0xFFFFFFC0];
	v4 =	vunpack.c.u.bf16.f32 v4  }
0x2ad: {  	[tilespmem:s21+$0xFFFFFF00] =	vst v24;
	v10 =	vld [tilespmem:s28+$0xFFFFFFD0];
	v11 =	vunpack.c.l.bf16.f32 v0;
	v3 =	vmul.f32 v8, v3  }
0x2ae: {  	v2 =	vld [tilespmem:s20+$0xFFFFFF70];
	[tilespmem:s21+$0xFFFFFF10] =	vst v19;
	v0 =	vunpack.c.u.bf16.f32 v0;
	v4 =	vmul.f32 v6, v4  }
0x2af: {  	v47 =	vld [tilespmem:s26+$0xFFFFFFD0];
	v1 =	vmul.f32 v1, v11;
	[tilespmem:s20+$0x40] =	vst v3  }
0x2b0: {  	v3 =	vld [tilespmem:s28+$0xFFFFFFE0];
	v0 =	vmul.f32 v5, v0;
	[tilespmem:s20+$0x50] =	vst v4  }
0x2b1: {  	v5 =	vld [tilespmem:s28+$0xFFFFFFF0];
	[tilespmem:s20+$0x60] =	vst v1  }
0x2b2: {  	v49 =	vld [tilespmem:s26+$0xFFFFFFE0];
	v6 =	vperm.xlane.i2c.b16 v10;
	v1 =	vperm.xlane.i2c.b16 v9;
	[tilespmem:s20+$0x70] =	vst v0  }
0x2b3: {  	v0 =	vld [tilespmem:s28+$0x0]  }
0x2b4: {  	v1 =	vcombine.low v1, v6;
	v6 =	vld [tilespmem:s28+$0x10]  }
0x2b5: {  	v11 =	vld [tilespmem:s20+$0xFFFFFF90]  }
0x2b6: {  	v8 =	vld [tilespmem:s28+$0x30];
	v3 =	vperm.xlane.i2c.b16 v3;
	v5 =	vperm.xlane.i2c.b16 v5  }
0x2b7: {  	v12 =	vld [tilespmem:s28+$0x20]  }
0x2b8: {  	v10 =	vld [tilespmem:s20+$0xFFFFFFA0];
	v9 =	vunpack.c.l.bf16.f32 v1;
	v1 =	vunpack.c.u.bf16.f32 v1;
	v3 =	vcombine.low v3, v5  }
0x2b9: {  	v4 =	vld [tilespmem:s20+$0xFFFFFF80];
	v6 =	vperm.xlane.i2c.b16 v6;
	v0 =	vperm.xlane.i2c.b16 v0  }
0x2ba: {  	v7 =	vmul.f32 v7, v9;
	v5 =	vld [tilespmem:s20+$0xFFFFFFB0];
	v1 =	vmul.f32 v13, v1;
	v9 =	vunpack.c.l.bf16.f32 v3  }
0x2bb: {  	v13 =	vld [tilespmem:s20+$0x80];
	v8 =	vperm.xlane.i2c.b16 v8;
	v3 =	vunpack.c.u.bf16.f32 v3;
	v0 =	vcombine.high v0, v6  }
0x2bc: {  	[tilespmem:s20+$0xFFFFFF40] =	vst v7;
	v6 =	vperm.xlane.i2c.b16 v12;
	v12 =	vld [tilespmem:s20+$0x90];
	v7 =	vmul.f32 v14, v9  }
0x2bd: {  	[tilespmem:s20+$0xFFFFFF50] =	vst v1;
	v9 =	vld [tilespmem:s20+$0xA0];
	v2 =	vmul.f32 v2, v3  }
0x2be: {  	v1 =	vcombine.high v6, v8;
	v3 =	vunpack.c.l.bf16.f32 v0;
	v6 =	vld [tilespmem:s20+$0xB0];
	[tilespmem:s20+$0xFFFFFF60] =	vst v7  }
0x2bf: {  	v27 =	vperm.xlane.i2c.b16 v34;
	v8 =	vld [tilespmem:s20+$0xE0];
	[tilespmem:s20+$0xFFFFFF70] =	vst v2  }
0x2c0: {  	v23 =	vperm.xlane.i2c.b16 v33;
	v3 =	vmul.f32 v13, v3;
	v13 =	vld [tilespmem:s28+$0xFFFFFF80]  }
0x2c1: {  	v0 =	vunpack.c.u.bf16.f32 v0;
	v14 =	vld [tilespmem:s28+$0xFFFFFFA0]  }
0x2c2: {  	v40 =	vperm.xlane.i2c.b16 v36;
	v23 =	vcombine.low v23, v27;
	v2 =	vunpack.c.l.bf16.f32 v1;
	v15 =	vld [tilespmem:s28+$0xFFFFFFB0]  }
0x2c3: {  	v42 =	vperm.xlane.i2c.b16 v37;
	v1 =	vunpack.c.u.bf16.f32 v1;
	v0 =	vmul.f32 v12, v0;
	v12 =	vld [tilespmem:s28+$0xFFFFFF90]  }
0x2c4: {  	v45 =	vunpack.c.l.bf16.f32 v23;
	v7 =	vld [tilespmem:s20+$0xFFFFFFD0];
	v2 =	vmul.f32 v9, v2;
	[tilespmem:s20+$0x80] =	vst v3  }
0x2c5: {  	v19 =	vcombine.low v42, v40;
	v3 =	vld [tilespmem:s20+$0xD0];
	v1 =	vmul.f32 v6, v1;
	[tilespmem:s20+$0x90] =	vst v0  }
0x2c6: {  	v21 =	vmul.f32 v41, v45;
	v9 =	vld [tilespmem:s20+$0xF0];
	[tilespmem:s20+$0xA0] =	vst v2  }
0x2c7: {  	v27 =	vunpack.c.l.bf16.f32 v19;
	v6 =	vld [tilespmem:s20+$0xFFFFFFC0];
	[tilespmem:s20+$0xB0] =	vst v1;
	v14 =	vperm.xlane.i2c.b16 v14;
	v15 =	vperm.xlane.i2c.b16 v15  }
0x2c8: {  	v23 =	vunpack.c.u.bf16.f32 v23;
	v13 =	vperm.xlane.i2c.b16 v13;
	v16 =	vld [tilespmem:s28+$0x60];
	v12 =	vperm.xlane.i2c.b16 v12  }
0x2c9: {  	v19 =	vunpack.c.u.bf16.f32 v19;
	v24 =	vmul.f32 v44, v27;
	v17 =	vld [tilespmem:s28+$0x70];
	v14 =	vcombine.high v14, v15  }
0x2ca: {  	[tilespmem:s21+$0x40] =	vst v21;
	v15 =	vmul.f32 v43, v23;
	v12 =	vcombine.high v13, v12;
	v13 =	vld [tilespmem:s26+$0xFFFFFFC0]  }
0x2cb: {  	v19 =	vmul.f32 v46, v19;
	[tilespmem:s21+$0x60] =	vst v24;
	v0 =	vld [tilespmem:s20+$0xFFFFFFF0];
	v50 =	vunpack.c.l.bf16.f32 v14  }
0x2cc: {  	[tilespmem:s21+$0x50] =	vst v15;
	v15 =	vld [tilespmem:s26+$0xFFFFFFF0];
	v48 =	vunpack.c.l.bf16.f32 v12;
	v12 =	vunpack.c.u.bf16.f32 v12  }
0x2cd: {  	[tilespmem:s21+$0x70] =	vst v19;
	v19 =	vperm.xlane.i2c.b16 v47;
	v18 =	vld [tilespmem:s28+$0x50];
	v10 =	vmul.f32 v10, v50  }
0x2ce: {  	v52 =	vld [tilespmem:s26+$0x0];
	v17 =	vperm.xlane.i2c.b16 v17;
	v11 =	vmul.f32 v11, v12;
	v12 =	vunpack.c.u.bf16.f32 v14  }
0x2cf: {  	v53 =	vld [tilespmem:s26+$0x20];
	v16 =	vperm.xlane.i2c.b16 v16;
	v13 =	vperm.xlane.i2c.b16 v13  }
0x2d0: {  	v5 =	vmul.f32 v5, v12;
	v12 =	vld [tilespmem:s26+$0x10];
	[tilespmem:s20+$0xFFFFFF90] =	vst v11;
	v11 =	vperm.xlane.i2c.b16 v49  }
0x2d1: {  	v15 =	vperm.xlane.i2c.b16 v15;
	v13 =	vcombine.low v13, v19;
	v19 =	vld [tilespmem:s26+$0x30]  }
0x2d2: {  	v2 =	vld [tilespmem:s20+$0xC0];
	v18 =	vperm.xlane.i2c.b16 v18;
	v4 =	vmul.f32 v4, v48  }
0x2d3: {  	v39 =	vld [tilespmem:s28+$0x40];
	[tilespmem:s20+$0xFFFFFFA0] =	vst v10;
	v16 =	vcombine.high v16, v17;
	v11 =	vcombine.low v11, v15;
	v10 =	vunpack.c.l.bf16.f32 v13  }
0x2d4: {  	v1 =	vld [tilespmem:s20+$0xFFFFFFE0];
	v23 =	vperm.xlane.i2c.b16 v52;
	v21 =	vperm.xlane.i2c.b16 v53;
	v13 =	vunpack.c.u.bf16.f32 v13  }
0x2d5: {  	v14 =	vld [tilespmem:s21+$0xFFFFFF90];
	[tilespmem:s20+$0xFFFFFF80] =	vst v4;
	v17 =	vunpack.c.l.bf16.f32 v11;
	v10 =	vmul.f32 v63, v10;
	v12 =	vperm.xlane.i2c.b16 v12  }
0x2d6: {  	v4 =	vld [tilespmem:s21+$0xFFFFFFA0];
	[tilespmem:s20+$0xFFFFFFB0] =	vst v5;
	v11 =	vunpack.c.u.bf16.f32 v11;
	v13 =	vmul.f32 v38, v13;
	v19 =	vperm.xlane.i2c.b16 v19  }
0x2d7: {  	v15 =	vld [tilespmem:s28+$0xFFFFFFC0];
	v17 =	vmul.f32 v31, v17;
	v12 =	vcombine.high v23, v12;
	[tilespmem:s21+$0xFFFFFF40] =	vst v10  }
0x2d8: {  	v58 =	vperm.xlane.i2c.b16 v39;
	v5 =	vld [tilespmem:s21+$0xFFFFFFB0];
	v11 =	vmul.f32 v20, v11;
	v10 =	vunpack.c.u.bf16.f32 v16;
	[tilespmem:s21+$0xFFFFFF50] =	vst v13  }
0x2d9: {  	v20 =	vld [tilespmem:s28+$0xFFFFFFD0];
	v19 =	vcombine.high v21, v19;
	[tilespmem:s21+$0xFFFFFF60] =	vst v17;
	v13 =	vunpack.c.l.bf16.f32 v12  }
0x2da: {  	v18 =	vcombine.high v58, v18;
	[tilespmem:s21+$0xFFFFFF70] =	vst v11;
	v9 =	vmul.f32 v9, v10;
	v10 =	vunpack.c.u.bf16.f32 v12;
	v12 =	vld [tilespmem:s28+$0xFFFFFFE0]  }
0x2db: {  	v16 =	vunpack.c.l.bf16.f32 v16;
	v59 =	vld [tilespmem:s26+$0xFFFFFF80];
	v17 =	vunpack.c.l.bf16.f32 v19;
	v11 =	vmul.f32 v54, v13  }
0x2dc: {  	v15 =	vperm.xlane.i2c.b16 v15;
	v60 =	vld [tilespmem:s26+$0xFFFFFF90];
	v19 =	vunpack.c.u.bf16.f32 v19;
	v10 =	vmul.f32 v55, v10;
	[tilespmem:s20+$0xF0] =	vst v9  }
0x2dd: {  	v16 =	vmul.f32 v8, v16;
	v13 =	vld [tilespmem:s28+$0xFFFFFFF0];
	v17 =	vmul.f32 v56, v17;
	[tilespmem:s21+$0x80] =	vst v11  }
0x2de: {  	v8 =	vld [tilespmem:s26+$0xFFFFFFB0];
	v20 =	vperm.xlane.i2c.b16 v20;
	v19 =	vmul.f32 v57, v19;
	v11 =	vunpack.c.u.bf16.f32 v18;
	[tilespmem:s21+$0x90] =	vst v10  }
0x2df: {  	v10 =	vld [tilespmem:s26+$0xFFFFFFA0];
	[tilespmem:s21+$0xA0] =	vst v17;
	v12 =	vperm.xlane.i2c.b16 v12  }
0x2e0: {  	v9 =	vld [tilespmem:s21+$0xFFFFFFF0];
	v18 =	vunpack.c.l.bf16.f32 v18;
	[tilespmem:s21+$0xB0] =	vst v19;
	v11 =	vmul.f32 v3, v11;
	v3 =	vcombine.high v15, v20  }
0x2e1: {  	v19 =	vperm.xlane.i2c.b16 v59;
	v15 =	vld [tilespmem:s26+$0x60];
	v20 =	vperm.xlane.i2c.b16 v60  }
0x2e2: {  	v17 =	vmul.f32 v2, v18;
	v61 =	vld [tilespmem:s26+$0x70];
	v13 =	vperm.xlane.i2c.b16 v13;
	v18 =	vunpack.c.u.bf16.f32 v3  }
0x2e3: {  	v2 =	vld [tilespmem:s21+$0xFFFFFFC0];
	v62 =	vunpack.c.l.bf16.f32 v3;
	v19 =	vcombine.high v19, v20;
	v20 =	vperm.xlane.i2c.b16 v8  }
0x2e4: {  	[tilespmem:s20+$0xE0] =	vst v16;
	v3 =	vld [tilespmem:s21+$0xFFFFFFD0];
	v12 =	vcombine.high v12, v13;
	v13 =	vperm.xlane.i2c.b16 v10  }
0x2e5: {  	v8 =	vld [tilespmem:s21+$0xFFFFFFE0];
	[tilespmem:s20+$0xC0] =	vst v17;
	v16 =	vmul.f32 v6, v62;
	v18 =	vmul.f32 v7, v18  }
0x2e6: {  	[tilespmem:s20+$0xD0] =	vst v11;
	v11 =	vld [tilespmem:s21+$0xF0];
	v10 =	vunpack.c.u.bf16.f32 v12;
	v17 =	vcombine.high v13, v20;
	v20 =	vunpack.c.l.bf16.f32 v19  }
0x2e7: {  	v6 =	vld [tilespmem:s21+$0xC0];
	v19 =	vunpack.c.u.bf16.f32 v19;
	v21 =	vperm.xlane.i2c.b16 v61;
	v63 =	vperm.xlane.i2c.b16 v15;
	[tilespmem:s20+$0xFFFFFFC0] =	vst v16  }
0x2e8: {  	v7 =	vld [tilespmem:s21+$0xD0];
	[tilespmem:s20+$0xFFFFFFD0] =	vst v18;
	v15 =	vunpack.c.u.bf16.f32 v17;
	v16 =	vmul.f32 v51, v20;
	v18 =	vunpack.c.l.bf16.f32 v17  }
0x2e9: {  	s8 =	simm.s32 $0x6A80;
	s28 =	simm.s32 $0x2;
	v13 =	vunpack.c.l.bf16.f32 v12;
	v12 =	vld [tilespmem:s21+$0xE0];
	v17 =	vmul.f32 v14, v19;
	v14 =	vcombine.high v63, v21  }
.LBB2_11:
0x2ea: {  	v19 =	vld [tilespmem:s8+$0x0];
	v4 =	vmul.f32 v4, v18;
	v5 =	vmul.f32 v5, v15;
	[tilespmem:s21+$0xFFFFFF80] =	vst v16  }
0x2eb: {  	v13 =	vmul.f32 v1, v13;
	v1 =	vmovc v8;
	v15 =	vld [tilespmem:s8+$0x10];
	[tilespmem:s21+$0xFFFFFF90] =	vst v17;
	v16 =	vunpack.c.u.bf16.f32 v14;
	v14 =	vunpack.c.l.bf16.f32 v14  }
0x2ec: {  	v8 =	vld [tilespmem:s8+$0x20];
	[tilespmem:s21+$0xFFFFFFA0] =	vst v4;
	v4 =	vmul.f32 v0, v10;
	v0 =	vmov v9  }
0x2ed: {  	v9 =	vld [tilespmem:s8+$0x30];
	[tilespmem:s21+$0xFFFFFFB0] =	vst v5;
	v5 =	vmul.f32 v11, v16  }
0x2ee: {  	v10 =	vld [tilespmem:s26+$0x40];
	v11 =	vmul.f32 v12, v14;
	[tilespmem:s20+$0xFFFFFFE0] =	vst v13  }
0x2ef: {  	v12 =	vld [tilespmem:s26+$0x50];
	[tilespmem:s21+$0xF0] =	vst v5  }
0x2f0: {  	v5 =	vld [tilespmem:s8+$0xFFFFFF90];
	[tilespmem:s20+$0xFFFFFFF0] =	vst v4;
	s20 =	smov.u32 s21  }
0x2f1: {  	v14 =	vperm.xlane.i2c.b16 v19;
	v13 =	vperm.xlane.i2c.b16 v15;
	s21 =	sadd.s32 $0x200, s21;
	v4 =	vld [tilespmem:s8+$0xFFFFFFA0];
	[tilespmem:s20+$0xE0] =	vst v11  }
0x2f2: {  	v9 =	vperm.xlane.i2c.b16 v9;
	v11 =	vld [tilespmem:s21+$0x0]  }
0x2f3: {  	v8 =	vperm.xlane.i2c.b16 v8;
	v13 =	vcombine.low v14, v13;
	v14 =	vld [tilespmem:s21+$0x10]  }
0x2f4: {  	v10 =	vperm.xlane.i2c.b16 v10;
	v15 =	vld [tilespmem:s21+$0x20];
	v12 =	vperm.xlane.i2c.b16 v12  }
0x2f5: {  	v8 =	vcombine.low v8, v9;
	v9 =	vunpack.c.l.bf16.f32 v13;
	v5 =	vperm.xlane.i2c.b16 v5;
	v16 =	vld [tilespmem:s21+$0x30]  }
0x2f6: {  	v13 =	vunpack.c.u.bf16.f32 v13;
	v17 =	vld [tilespmem:s8+$0xFFFFFFB0];
	v4 =	vperm.xlane.i2c.b16 v4;
	v10 =	vcombine.high v10, v12  }
0x2f7: {  	v18 =	vunpack.c.l.bf16.f32 v8;
	v12 =	vld [tilespmem:s8+$0xFFFFFF80];
	v9 =	vmul.f32 v11, v9  }
0x2f8: {  	s28 =	sadd.s32 $0x2, s28;
	v8 =	vunpack.c.u.bf16.f32 v8;
	v11 =	vld [tilespmem:s21+$0xFFFFFF00];
	v13 =	vmul.f32 v14, v13;
	v14 =	vunpack.c.u.bf16.f32 v10  }
0x2f9: {  	p3 =	slt.u32 s28, $0x26;
	v19 =	vld [tilespmem:s21+$0xFFFFFF10];
	v15 =	vmul.f32 v15, v18;
	[tilespmem:s21+$0x0] =	vst v9;
	v9 =	vunpack.c.l.bf16.f32 v10  }
0x2fa: {  	v10 =	vld [tilespmem:s21+$0xFFFFFF20];
	v8 =	vmul.f32 v16, v8;
	[tilespmem:s21+$0x10] =	vst v13;
	v7 =	vmul.f32 v7, v14  }
0x2fb: {  	v13 =	vperm.xlane.i2c.b16 v17;
	v14 =	vld [tilespmem:s21+$0xFFFFFF30];
	[tilespmem:s21+$0x20] =	vst v15;
	v6 =	vmul.f32 v6, v9  }
0x2fc: {  	v9 =	vperm.xlane.i2c.b16 v12;
	v12 =	vld [tilespmem:s21+$0xFFFFFF40];
	[tilespmem:s21+$0x30] =	vst v8  }
0x2fd: {  	v4 =	vcombine.low v4, v13;
	v8 =	vld [tilespmem:s8+$0x40];
	[tilespmem:s20+$0xC0] =	vst v6  }
0x2fe: {  	v5 =	vcombine.low v9, v5;
	v6 =	vld [tilespmem:s8+$0x50];
	[tilespmem:s20+$0xD0] =	vst v7  }
0x2ff: {  	v7 =	vunpack.c.u.bf16.f32 v4;
	v4 =	vunpack.c.l.bf16.f32 v4;
	v9 =	vld [tilespmem:s8+$0x70]  }
0x300: {  	v13 =	vunpack.c.u.bf16.f32 v5;
	v5 =	vunpack.c.l.bf16.f32 v5;
	v15 =	vld [tilespmem:s8+$0x60]  }
0x301: {  	v4 =	vmul.f32 v10, v4;
	v7 =	vmul.f32 v14, v7;
	v10 =	vld [tilespmem:s21+$0xFFFFFF50]  }
0x302: {  	v5 =	vmul.f32 v11, v5;
	v11 =	vmul.f32 v19, v13;
	v13 =	vld [tilespmem:s21+$0xFFFFFF60]  }
0x303: {  	[tilespmem:s21+$0xFFFFFF20] =	vst v4;
	v14 =	vld [tilespmem:s21+$0xFFFFFF70];
	v4 =	vperm.xlane.i2c.b16 v6;
	v6 =	vperm.xlane.i2c.b16 v8  }
0x304: {  	[tilespmem:s21+$0xFFFFFF00] =	vst v5;
	v5 =	vperm.xlane.i2c.b16 v9;
	v8 =	vld [tilespmem:s21+$0x40]  }
0x305: {  	[tilespmem:s21+$0xFFFFFF10] =	vst v11;
	v4 =	vcombine.low v6, v4;
	v6 =	vperm.xlane.i2c.b16 v15;
	v9 =	vld [tilespmem:s21+$0x50]  }
0x306: {  	[tilespmem:s21+$0xFFFFFF30] =	vst v7;
	v7 =	vld [tilespmem:s21+$0x60]  }
0x307: {  	v5 =	vcombine.low v6, v5;
	v6 =	vunpack.c.l.bf16.f32 v4;
	v11 =	vld [tilespmem:s21+$0x70]  }
0x308: {  	v4 =	vunpack.c.u.bf16.f32 v4;
	v15 =	vld [tilespmem:s8+$0xFFFFFFC0]  }
0x309: {  	v16 =	vld [tilespmem:s8+$0xFFFFFFD0];
	v17 =	vunpack.c.l.bf16.f32 v5;
	v6 =	vmul.f32 v8, v6  }
0x30a: {  	v5 =	vunpack.c.u.bf16.f32 v5;
	v8 =	vld [tilespmem:s8+$0xFFFFFFE0];
	v4 =	vmul.f32 v9, v4  }
0x30b: {  	v9 =	vld [tilespmem:s8+$0xFFFFFFF0];
	v7 =	vmul.f32 v7, v17;
	[tilespmem:s21+$0x40] =	vst v6  }
0x30c: {  	v17 =	vld [tilespmem:s21+$0xFFFFFF80];
	v5 =	vmul.f32 v11, v5;
	[tilespmem:s21+$0x50] =	vst v4  }
0x30d: {  	v6 =	vperm.xlane.i2c.b16 v15;
	v19 =	vld [tilespmem:s21+$0xFFFFFF90];
	[tilespmem:s21+$0x60] =	vst v7  }
0x30e: {  	v7 =	vperm.xlane.i2c.b16 v16;
	v4 =	vld [tilespmem:s21+$0xFFFFFFA0];
	[tilespmem:s21+$0x70] =	vst v5  }
0x30f: {  	v5 =	vperm.xlane.i2c.b16 v8;
	v8 =	vld [tilespmem:s8+$0x0]  }
0x310: {  	v6 =	vcombine.low v6, v7;
	v7 =	vperm.xlane.i2c.b16 v9;
	v9 =	vld [tilespmem:s8+$0x10]  }
0x311: {  	v11 =	vld [tilespmem:s8+$0x30]  }
0x312: {  	v7 =	vcombine.low v5, v7;
	v15 =	vunpack.c.u.bf16.f32 v6;
	v6 =	vunpack.c.l.bf16.f32 v6;
	v16 =	vld [tilespmem:s8+$0x20]  }
0x313: {  	v5 =	vld [tilespmem:s21+$0xFFFFFFB0]  }
0x314: {  	v18 =	vunpack.c.u.bf16.f32 v7;
	v7 =	vunpack.c.l.bf16.f32 v7;
	v6 =	vmul.f32 v12, v6;
	v12 =	vld [tilespmem:s26+$0xFFFFFFC0]  }
0x315: {  	v8 =	vperm.xlane.i2c.b16 v8;
	v9 =	vperm.xlane.i2c.b16 v9;
	v20 =	vld [tilespmem:s26+$0xFFFFFFD0]  }
0x316: {  	v10 =	vmul.f32 v10, v15;
	[tilespmem:s21+$0xFFFFFF40] =	vst v6;
	v6 =	vperm.xlane.i2c.b16 v11;
	v11 =	vld [tilespmem:s21+$0x80]  }
0x317: {  	v8 =	vcombine.high v8, v9;
	v9 =	vperm.xlane.i2c.b16 v16;
	v15 =	vld [tilespmem:s21+$0x90]  }
0x318: {  	v7 =	vmul.f32 v13, v7;
	v13 =	vmul.f32 v14, v18;
	[tilespmem:s21+$0xFFFFFF50] =	vst v10;
	v10 =	vld [tilespmem:s21+$0xA0]  }
0x319: {  	v6 =	vcombine.high v9, v6;
	v9 =	vunpack.c.l.bf16.f32 v8;
	v14 =	vld [tilespmem:s21+$0xB0];
	v12 =	vperm.xlane.i2c.b16 v12  }
0x31a: {  	[tilespmem:s21+$0xFFFFFF60] =	vst v7;
	v7 =	vunpack.c.u.bf16.f32 v8;
	v8 =	vld [tilespmem:s26+$0xFFFFFFE0];
	v16 =	vperm.xlane.i2c.b16 v20  }
0x31b: {  	[tilespmem:s21+$0xFFFFFF70] =	vst v13;
	v13 =	vunpack.c.l.bf16.f32 v6;
	v9 =	vmul.f32 v11, v9;
	v11 =	vld [tilespmem:s26+$0xFFFFFFF0];
	s26 =	smov.u32 s8  }
0x31c: {  	v6 =	vunpack.c.u.bf16.f32 v6;
	v18 =	vld [tilespmem:s8+$0xFFFFFF80];
	v7 =	vmul.f32 v15, v7;
	v12 =	vcombine.high v12, v16  }
0x31d: {  	v15 =	vld [tilespmem:s8+$0xFFFFFF90];
	v10 =	vmul.f32 v10, v13;
	[tilespmem:s21+$0x80] =	vst v9  }
0x31e: {  	v9 =	vld [tilespmem:s8+$0xFFFFFFA0];
	v6 =	vmul.f32 v14, v6;
	[tilespmem:s21+$0x90] =	vst v7;
	v7 =	vunpack.c.u.bf16.f32 v12;
	v12 =	vunpack.c.l.bf16.f32 v12  }
0x31f: {  	v13 =	vld [tilespmem:s8+$0xFFFFFFB0];
	[tilespmem:s21+$0xA0] =	vst v10;
	v8 =	vperm.xlane.i2c.b16 v8  }
0x320: {  	[tilespmem:s21+$0xB0] =	vst v6;
	v6 =	vperm.xlane.i2c.b16 v11;
	v10 =	vmul.f32 v2, v12;
	v2 =	vld [tilespmem:s21+$0xFFFFFFC0]  }
0x321: {  	v7 =	vmul.f32 v3, v7;
	v11 =	vperm.xlane.i2c.b16 v18;
	v12 =	vld [tilespmem:s8+$0x60]  }
0x322: {  	v14 =	vperm.xlane.i2c.b16 v15;
	v15 =	vld [tilespmem:s8+$0x70];
	v6 =	vcombine.high v8, v6;
	[tilespmem:s20+$0xFFFFFFC0] =	vst v10  }
0x323: {  	v16 =	vperm.xlane.i2c.b16 v9;
	v3 =	vld [tilespmem:s21+$0xFFFFFFD0];
	[tilespmem:s20+$0xFFFFFFD0] =	vst v7  }
0x324: {  	v7 =	vcombine.high v11, v14;
	v11 =	vperm.xlane.i2c.b16 v13;
	v8 =	vld [tilespmem:s21+$0xFFFFFFE0];
	v10 =	vunpack.c.u.bf16.f32 v6  }
.Ltmp11:
0x325: {  	v13 =	vunpack.c.l.bf16.f32 v6;
	v9 =	vld [tilespmem:s21+$0xFFFFFFF0];
	(pc) =	sbr.rel @p3 .LBB2_11-.Ltmp11, $4  }
0x326: {  	v11 =	vcombine.high v16, v11;
	v14 =	vunpack.c.u.bf16.f32 v7;
	v16 =	vunpack.c.l.bf16.f32 v7;
	v6 =	vld [tilespmem:s21+$0xC0]  }
0x327: {  	v12 =	vperm.xlane.i2c.b16 v12;
	v20 =	vperm.xlane.i2c.b16 v15;
	v7 =	vld [tilespmem:s21+$0xD0]  }
0x328: {  	v15 =	vunpack.c.u.bf16.f32 v11;
	v18 =	vunpack.c.l.bf16.f32 v11;
	v16 =	vmul.f32 v17, v16;
	v11 =	vld [tilespmem:s21+$0xF0]  }
0x329: {  	s8 =	sadd.s32 $0x100, s8;
	v17 =	vmul.f32 v19, v14;
	v14 =	vcombine.high v12, v20;
	v12 =	vld [tilespmem:s21+$0xE0]  }
0x32a: {  	v4 =	vmul.f32 v4, v18;
	[tilespmem:s21+$0xFFFFFF80] =	vst v16  }
0x32b: {  	v5 =	vmul.f32 v5, v15;
	v44 =	vld [tilespmem:s26+$0x40];
	[tilespmem:s21+$0xFFFFFF90] =	vst v17  }
0x32c: {  	v45 =	vld [tilespmem:s26+$0x50];
	[tilespmem:s21+$0xFFFFFFA0] =	vst v4  }
0x32d: {  	[tilespmem:s21+$0xFFFFFFB0] =	vst v5  }
0x32e: {  	v46 =	vld [tilespmem:s26+$0xFFFFFFC0]  }
0x32f: {  	v16 =	vld [tilespmem:s26+$0xFFFFFFD0]  }
0x330: {  	v17 =	vld [tilespmem:s26+$0xFFFFFFE0]  }
0x331: {  	v47 =	vld [tilespmem:s26+$0xFFFFFFF0];
	v5 =	vperm.xlane.i2c.b16 v45;
	v4 =	vperm.xlane.i2c.b16 v44  }
0x332: {  	v1 =	vmul.f32 v1, v13  }
0x333: {  	v0 =	vmul.f32 v0, v10;
	v48 =	vunpack.c.u.bf16.f32 v14;
	v4 =	vcombine.high v4, v5  }
0x334: {  	v15 =	vperm.xlane.i2c.b16 v46;
	v16 =	vperm.xlane.i2c.b16 v16  }
0x335: {  	v49 =	vunpack.c.l.bf16.f32 v14;
	v50 =	vmul.f32 v11, v48;
	v53 =	vperm.xlane.i2c.b16 v17  }
0x336: {  	[tilespmem:s20+$0xFFFFFFE0] =	vst v1;
	v13 =	vperm.xlane.i2c.b16 v47;
	v52 =	vunpack.c.l.bf16.f32 v4;
	v51 =	vcombine.high v15, v16  }
0x337: {  	[tilespmem:s20+$0xFFFFFFF0] =	vst v0;
	v5 =	vmul.f32 v12, v49;
	v4 =	vunpack.c.u.bf16.f32 v4  }
0x338: {  	[tilespmem:s21+$0xF0] =	vst v50;
	v56 =	vcombine.high v53, v13;
	v54 =	vmul.f32 v6, v52;
	v55 =	vunpack.c.l.bf16.f32 v51  }
0x339: {  	[tilespmem:s21+$0xE0] =	vst v5;
	v4 =	vmul.f32 v7, v4;
	v57 =	vunpack.c.u.bf16.f32 v51  }
0x33a: {  	v59 =	vunpack.c.l.bf16.f32 v56;
	[tilespmem:s21+$0xC0] =	vst v54;
	v58 =	vmul.f32 v2, v55  }
0x33b: {  	v61 =	vunpack.c.u.bf16.f32 v56;
	[tilespmem:s21+$0xD0] =	vst v4;
	v60 =	vmul.f32 v3, v57  }
0x33c: {  	v62 =	vmul.f32 v8, v59;
	[tilespmem:s21+$0xFFFFFFC0] =	vst v58  }
0x33d: {  	v63 =	vmul.f32 v9, v61;
	[tilespmem:s21+$0xFFFFFFD0] =	vst v60  }
0x33e: {  	[tilespmem:s21+$0xFFFFFFE0] =	vst v62  }
0x33f: {  	[tilespmem:s21+$0xFFFFFFF0] =	vst v63  }
0x340: {  	[spmem:s3] =	stream.indirect.scatter.add.f32 [tilespmem:s12], [sflag:$0x9], $0x80, s0, s9, $0xb8;
	[tilespmem:$0x1B480] =	vst v63  }
0x341: {  	_ =	swait.ge [sflag:s29], $0x2800  }
0x342: {  	p3 =	sgt.u32 s19, $0x2F;
	[sflag:s29] =	ssyncset.done $0x0  }
0x343: {  	s8 =	simm.s32 @!p3 $0x4;
	[sflag:s29] =	ssyncadd.s32 $0xFFFFD800  }
0x344: {  	_ =	swait.ge @!p3 [sflag:s8], $0x50  }
0x345: {  	[sflag:s8] =	ssyncset.done @!p3 $0x0  }
0x346: {  	[sflag:s8] =	ssyncadd.s32 @!p3 $0xFFFFFFB0  }
0x347: {  	p4 =	sgt.u32 @!p3 s19, $0x2D;
	_ =	swait.ge @!p3 [sflag:s8], $0x50  }
0x348: {  	s20 =	simm.s32 @!p3 $0x180;
	s26 =	smul.u32 @!p3 $0x28, s19;
	[sflag:s8] =	ssyncset.done @!p3 $0x0  }
0x349: {  	s21 =	simm.s32 @!p3 $0x2C00;
	[sflag:s8] =	ssyncadd.s32 @!p3 $0xFFFFFFB0;
	s8 =	simm.s32 @!p3 $0x50  }
0x34a: {  	[tilespmem:s21], [sflag:$0x6] =	stream.indirect.gather @!p3 [hbm4b:s1+s8], $0x80, s20, s8, $0xb8;
	[tilespmem:$0x1B480] =	vst v63  }
0x34b: {  	p4 =	por p4, p3;
	s8 =	sadd.s32 @!p3 s26, s22  }
0x34c: {  	s20 =	sadd.s32 @!p4 s19, s23;
	s21 =	simm.s32 @!p3 $0x0;
	s8 =	sshll.u32 @!p3 s8, $0x4  }
0x34d: {  	s26 =	simm.s32 @!p3 $0x6800;
	s20 =	smul.u32 @!p4 $0x50, s20;
	s8 =	sadd.s32 @!p3 s7, s8  }
0x34e: {  	[tilespmem:s26], [sflag:$0x8] =	stream.linear.gather @!p3 [hbm4b:s8+s21], $0x1400, $0x38;
	[tilespmem:$0x1B480] =	vst v63  }
0x34f: {  	s8 =	sshrl.u32 @!p4 s20, $0x3  }
.Ltmp12:
0x350: {  	s8 =	sadd.s32 @!p4 $0x5DC0, s8;
	(pc) =	sbr.rel .LBB2_17-.Ltmp12, $4  }
0x351: {  	s21 =	simm.s32 @!p4 $0x0;
	s26 =	simm.s32 @!p4 $0x80;
	s20 =	sadd.s32 @!p4 s5, s8  }
0x352: {  	[tilespmem:s26], [sflag:$0x2] =	stream.linear.gather @!p4 [hbm4b:s20+s21], $0x50, $0x38;
	[tilespmem:$0x1B480] =	vst v63  }
0x353: {  	s8 =	sadd.s32 @!p4 s6, s8;
	s20 =	simm.s32 @!p4 $0x280  }
0x354: {  	[tilespmem:s20], [sflag:$0x2] =	stream.linear.gather @!p4 [hbm4b:s8+s21], $0x50, $0x38;
	[tilespmem:$0x1B480] =	vst v63  }
.LBB2_14:
0x355: {  	_ =	swait.ge [sflag:s15], $0x2800  }
0x356: {  	[sflag:s15] =	ssyncset.done $0x0  }
0x357: {  	[sflag:s15] =	ssyncadd.s32 $0xFFFFD800  }
0x358: {  	_ =	swait.ge [sflag:s16], $0x1400  }
0x359: {  	[sflag:s16] =	ssyncset.done $0x0  }
0x35a: {  	s28 =	simm.s32 $0x6880;
	[sflag:s16] =	ssyncadd.s32 $0xFFFFEC00  }
0x35b: {  	v0 =	vld [tilespmem:s28+$0x0]  }
0x35c: {  	v1 =	vld [tilespmem:s28+$0x10]  }
0x35d: {  	v2 =	vld [tilespmem:s28+$0x30]  }
0x35e: {  	v3 =	vld [tilespmem:s28+$0x20]  }
0x35f: {  	v4 =	vld [tilespmem:s28+$0xFFFFFF90]  }
0x360: {  	s20 =	simm.s32 $0x2D00;
	v5 =	vld [tilespmem:s28+$0xFFFFFFA0]  }
0x361: {  	v6 =	vld [tilespmem:s20+$0x0]  }
0x362: {  	v7 =	vld [tilespmem:s20+$0x20]  }
0x363: {  	v8 =	vld [tilespmem:s20+$0x30]  }
0x364: {  	v9 =	vld [tilespmem:s28+$0xFFFFFFB0]  }
0x365: {  	v10 =	vld [tilespmem:s28+$0xFFFFFF80]  }
0x366: {  	v13 =	vld [tilespmem:s20+$0xFFFFFF50]  }
0x367: {  	s26 =	simm.s32 $0x6980;
	v14 =	vld [tilespmem:s20+$0xFFFFFF60]  }
0x368: {  	v18 =	vld [tilespmem:s26+$0x0]  }
0x369: {  	v19 =	vld [tilespmem:s26+$0x10]  }
0x36a: {  	v20 =	vld [tilespmem:s26+$0x30]  }
0x36b: {  	v21 =	vld [tilespmem:s26+$0x20]  }
0x36c: {  	v22 =	vld [tilespmem:s26+$0xFFFFFF90]  }
0x36d: {  	s21 =	simm.s32 $0x2F00;
	v23 =	vld [tilespmem:s26+$0xFFFFFFA0]  }
0x36e: {  	v24 =	vld [tilespmem:s21+$0x0]  }
0x36f: {  	v58 =	vld [tilespmem:s21+$0x10]  }
0x370: {  	v25 =	vld [tilespmem:s21+$0x20]  }
0x371: {  	v26 =	vld [tilespmem:s21+$0x30]  }
0x372: {  	v27 =	vld [tilespmem:s26+$0xFFFFFFB0]  }
0x373: {  	v28 =	vld [tilespmem:s26+$0xFFFFFF80]  }
0x374: {  	v59 =	vld [tilespmem:s21+$0xFFFFFF00]  }
0x375: {  	v60 =	vld [tilespmem:s21+$0xFFFFFF10]  }
0x376: {  	v62 =	vld [tilespmem:s21+$0xFFFFFF30]  }
0x377: {  	v63 =	vld [tilespmem:s21+$0xFFFFFF40]  }
0x378: {  	v38 =	vld [tilespmem:s21+$0xFFFFFF50]  }
0x379: {  	v31 =	vld [tilespmem:s21+$0xFFFFFF60]  }
0x37a: {  	v41 =	vld [tilespmem:s21+$0x40]  }
0x37b: {  	v43 =	vld [tilespmem:s21+$0x50]  }
0x37c: {  	v44 =	vld [tilespmem:s21+$0x60];
	v1 =	vperm.xlane.i2c.b16 v1;
	v0 =	vperm.xlane.i2c.b16 v0  }
0x37d: {  	v46 =	vld [tilespmem:s21+$0x70];
	v2 =	vperm.xlane.i2c.b16 v2;
	v19 =	vperm.xlane.i2c.b16 v19  }
0x37e: {  	v51 =	vld [tilespmem:s21+$0xFFFFFF80];
	v18 =	vperm.xlane.i2c.b16 v18;
	v20 =	vperm.xlane.i2c.b16 v20  }
0x37f: {  	v54 =	vld [tilespmem:s21+$0x80];
	v0 =	vcombine.low v0, v1;
	v1 =	vperm.xlane.i2c.b16 v3  }
0x380: {  	v3 =	vld [tilespmem:s20+$0x10];
	v18 =	vcombine.low v18, v19;
	v19 =	vperm.xlane.i2c.b16 v21  }
0x381: {  	v55 =	vld [tilespmem:s21+$0x90];
	v1 =	vcombine.low v1, v2;
	v2 =	vunpack.c.l.bf16.f32 v0  }
0x382: {  	v56 =	vld [tilespmem:s21+$0xA0];
	v19 =	vcombine.low v19, v20;
	v20 =	vunpack.c.l.bf16.f32 v18  }
0x383: {  	v57 =	vld [tilespmem:s21+$0xB0];
	v0 =	vunpack.c.u.bf16.f32 v0;
	v2 =	vmul.f32 v6, v2  }
0x384: {  	v11 =	vunpack.c.l.bf16.f32 v1;
	v6 =	vld [tilespmem:s20+$0xFFFFFF00];
	v20 =	vmul.f32 v24, v20  }
0x385: {  	v18 =	vunpack.c.u.bf16.f32 v18;
	v1 =	vunpack.c.u.bf16.f32 v1;
	v0 =	vmul.f32 v3, v0;
	v3 =	vld [tilespmem:s20+$0xFFFFFF10];
	[tilespmem:s20+$0x0] =	vst v2  }
0x386: {  	v4 =	vperm.xlane.i2c.b16 v4;
	v7 =	vmul.f32 v7, v11;
	v2 =	vld [tilespmem:s20+$0xFFFFFF20];
	[tilespmem:s21+$0x0] =	vst v20  }
0x387: {  	v29 =	vunpack.c.l.bf16.f32 v19;
	v18 =	vmul.f32 v58, v18;
	v1 =	vmul.f32 v8, v1;
	v8 =	vld [tilespmem:s20+$0xFFFFFF30];
	[tilespmem:s20+$0x10] =	vst v0  }
0x388: {  	v20 =	vld [tilespmem:s21+$0xFFFFFF20];
	v0 =	vperm.xlane.i2c.b16 v5;
	v5 =	vperm.xlane.i2c.b16 v9;
	[tilespmem:s20+$0x20] =	vst v7  }
0x389: {  	v61 =	vperm.xlane.i2c.b16 v27;
	v19 =	vunpack.c.u.bf16.f32 v19;
	v25 =	vmul.f32 v25, v29;
	v7 =	vld [tilespmem:s20+$0xFFFFFF40];
	[tilespmem:s20+$0x30] =	vst v1  }
0x38a: {  	[tilespmem:s21+$0x10] =	vst v18;
	v18 =	vperm.xlane.i2c.b16 v23;
	v0 =	vcombine.low v0, v5;
	v5 =	vld [tilespmem:s28+$0x40]  }
0x38b: {  	v19 =	vmul.f32 v26, v19;
	v1 =	vperm.xlane.i2c.b16 v10;
	v9 =	vld [tilespmem:s28+$0x50]  }
0x38c: {  	v22 =	vperm.xlane.i2c.b16 v22;
	[tilespmem:s21+$0x20] =	vst v25;
	v18 =	vcombine.low v18, v61;
	v10 =	vld [tilespmem:s28+$0x70]  }
0x38d: {  	[tilespmem:s21+$0x30] =	vst v19;
	v19 =	vperm.xlane.i2c.b16 v28;
	v11 =	vld [tilespmem:s28+$0x60];
	v1 =	vcombine.low v1, v4  }
0x38e: {  	v33 =	vld [tilespmem:s26+$0x40];
	v35 =	vunpack.c.l.bf16.f32 v18;
	v4 =	vunpack.c.l.bf16.f32 v0  }
0x38f: {  	v34 =	vld [tilespmem:s26+$0x50];
	v19 =	vcombine.low v19, v22;
	v0 =	vunpack.c.u.bf16.f32 v0;
	v12 =	vunpack.c.l.bf16.f32 v1  }
0x390: {  	v36 =	vld [tilespmem:s26+$0x70];
	v20 =	vmul.f32 v20, v35;
	v2 =	vmul.f32 v2, v4  }
0x391: {  	v37 =	vld [tilespmem:s26+$0x60];
	v1 =	vunpack.c.u.bf16.f32 v1;
	v0 =	vmul.f32 v8, v0;
	v4 =	vmul.f32 v6, v12  }
0x392: {  	v8 =	vld [tilespmem:s20+$0x40];
	v6 =	vperm.xlane.i2c.b16 v9;
	v5 =	vperm.xlane.i2c.b16 v5;
	[tilespmem:s21+$0xFFFFFF20] =	vst v20  }
0x393: {  	v18 =	vunpack.c.u.bf16.f32 v18;
	v1 =	vmul.f32 v3, v1;
	v3 =	vperm.xlane.i2c.b16 v10;
	v20 =	vld [tilespmem:s21+$0xFFFFFF70];
	[tilespmem:s20+$0xFFFFFF20] =	vst v2  }
0x394: {  	v30 =	vunpack.c.l.bf16.f32 v19;
	[tilespmem:s20+$0xFFFFFF00] =	vst v4;
	v4 =	vcombine.low v5, v6;
	v5 =	vperm.xlane.i2c.b16 v11;
	v6 =	vld [tilespmem:s20+$0x50]  }
0x395: {  	v19 =	vunpack.c.u.bf16.f32 v19;
	v18 =	vmul.f32 v62, v18;
	[tilespmem:s20+$0xFFFFFF10] =	vst v1;
	v1 =	vld [tilespmem:s20+$0x60]  }
0x396: {  	v24 =	vmul.f32 v59, v30;
	[tilespmem:s20+$0xFFFFFF30] =	vst v0;
	v0 =	vcombine.low v5, v3;
	v3 =	vunpack.c.l.bf16.f32 v4;
	v5 =	vld [tilespmem:s20+$0x70]  }
0x397: {  	v19 =	vmul.f32 v60, v19;
	[tilespmem:s21+$0xFFFFFF30] =	vst v18;
	v9 =	vld [tilespmem:s28+$0xFFFFFFC0];
	v4 =	vunpack.c.u.bf16.f32 v4  }
0x398: {  	[tilespmem:s21+$0xFFFFFF00] =	vst v24;
	v10 =	vld [tilespmem:s28+$0xFFFFFFD0];
	v11 =	vunpack.c.l.bf16.f32 v0;
	v3 =	vmul.f32 v8, v3  }
0x399: {  	v2 =	vld [tilespmem:s20+$0xFFFFFF70];
	[tilespmem:s21+$0xFFFFFF10] =	vst v19;
	v0 =	vunpack.c.u.bf16.f32 v0;
	v4 =	vmul.f32 v6, v4  }
0x39a: {  	v47 =	vld [tilespmem:s26+$0xFFFFFFD0];
	v1 =	vmul.f32 v1, v11;
	[tilespmem:s20+$0x40] =	vst v3  }
0x39b: {  	v3 =	vld [tilespmem:s28+$0xFFFFFFE0];
	v0 =	vmul.f32 v5, v0;
	[tilespmem:s20+$0x50] =	vst v4  }
0x39c: {  	v5 =	vld [tilespmem:s28+$0xFFFFFFF0];
	[tilespmem:s20+$0x60] =	vst v1  }
0x39d: {  	v49 =	vld [tilespmem:s26+$0xFFFFFFE0];
	v6 =	vperm.xlane.i2c.b16 v10;
	v1 =	vperm.xlane.i2c.b16 v9;
	[tilespmem:s20+$0x70] =	vst v0  }
0x39e: {  	v0 =	vld [tilespmem:s28+$0x0]  }
0x39f: {  	v1 =	vcombine.low v1, v6;
	v6 =	vld [tilespmem:s28+$0x10]  }
0x3a0: {  	v11 =	vld [tilespmem:s20+$0xFFFFFF90]  }
0x3a1: {  	v8 =	vld [tilespmem:s28+$0x30];
	v3 =	vperm.xlane.i2c.b16 v3;
	v5 =	vperm.xlane.i2c.b16 v5  }
0x3a2: {  	v12 =	vld [tilespmem:s28+$0x20]  }
0x3a3: {  	v10 =	vld [tilespmem:s20+$0xFFFFFFA0];
	v9 =	vunpack.c.l.bf16.f32 v1;
	v1 =	vunpack.c.u.bf16.f32 v1;
	v3 =	vcombine.low v3, v5  }
0x3a4: {  	v4 =	vld [tilespmem:s20+$0xFFFFFF80];
	v6 =	vperm.xlane.i2c.b16 v6;
	v0 =	vperm.xlane.i2c.b16 v0  }
0x3a5: {  	v7 =	vmul.f32 v7, v9;
	v5 =	vld [tilespmem:s20+$0xFFFFFFB0];
	v1 =	vmul.f32 v13, v1;
	v9 =	vunpack.c.l.bf16.f32 v3  }
0x3a6: {  	v13 =	vld [tilespmem:s20+$0x80];
	v8 =	vperm.xlane.i2c.b16 v8;
	v3 =	vunpack.c.u.bf16.f32 v3;
	v0 =	vcombine.high v0, v6  }
0x3a7: {  	[tilespmem:s20+$0xFFFFFF40] =	vst v7;
	v6 =	vperm.xlane.i2c.b16 v12;
	v12 =	vld [tilespmem:s20+$0x90];
	v7 =	vmul.f32 v14, v9  }
0x3a8: {  	[tilespmem:s20+$0xFFFFFF50] =	vst v1;
	v9 =	vld [tilespmem:s20+$0xA0];
	v2 =	vmul.f32 v2, v3  }
0x3a9: {  	v1 =	vcombine.high v6, v8;
	v3 =	vunpack.c.l.bf16.f32 v0;
	v6 =	vld [tilespmem:s20+$0xB0];
	[tilespmem:s20+$0xFFFFFF60] =	vst v7  }
0x3aa: {  	v27 =	vperm.xlane.i2c.b16 v34;
	v8 =	vld [tilespmem:s20+$0xE0];
	[tilespmem:s20+$0xFFFFFF70] =	vst v2  }
0x3ab: {  	v23 =	vperm.xlane.i2c.b16 v33;
	v3 =	vmul.f32 v13, v3;
	v13 =	vld [tilespmem:s28+$0xFFFFFF80]  }
0x3ac: {  	v0 =	vunpack.c.u.bf16.f32 v0;
	v14 =	vld [tilespmem:s28+$0xFFFFFFA0]  }
0x3ad: {  	v40 =	vperm.xlane.i2c.b16 v36;
	v23 =	vcombine.low v23, v27;
	v2 =	vunpack.c.l.bf16.f32 v1;
	v15 =	vld [tilespmem:s28+$0xFFFFFFB0]  }
0x3ae: {  	v42 =	vperm.xlane.i2c.b16 v37;
	v1 =	vunpack.c.u.bf16.f32 v1;
	v0 =	vmul.f32 v12, v0;
	v12 =	vld [tilespmem:s28+$0xFFFFFF90]  }
0x3af: {  	v45 =	vunpack.c.l.bf16.f32 v23;
	v7 =	vld [tilespmem:s20+$0xFFFFFFD0];
	v2 =	vmul.f32 v9, v2;
	[tilespmem:s20+$0x80] =	vst v3  }
0x3b0: {  	v19 =	vcombine.low v42, v40;
	v3 =	vld [tilespmem:s20+$0xD0];
	v1 =	vmul.f32 v6, v1;
	[tilespmem:s20+$0x90] =	vst v0  }
0x3b1: {  	v21 =	vmul.f32 v41, v45;
	v9 =	vld [tilespmem:s20+$0xF0];
	[tilespmem:s20+$0xA0] =	vst v2  }
0x3b2: {  	v27 =	vunpack.c.l.bf16.f32 v19;
	v6 =	vld [tilespmem:s20+$0xFFFFFFC0];
	[tilespmem:s20+$0xB0] =	vst v1;
	v14 =	vperm.xlane.i2c.b16 v14;
	v15 =	vperm.xlane.i2c.b16 v15  }
0x3b3: {  	v23 =	vunpack.c.u.bf16.f32 v23;
	v13 =	vperm.xlane.i2c.b16 v13;
	v16 =	vld [tilespmem:s28+$0x60];
	v12 =	vperm.xlane.i2c.b16 v12  }
0x3b4: {  	v19 =	vunpack.c.u.bf16.f32 v19;
	v24 =	vmul.f32 v44, v27;
	v17 =	vld [tilespmem:s28+$0x70];
	v14 =	vcombine.high v14, v15  }
0x3b5: {  	[tilespmem:s21+$0x40] =	vst v21;
	v15 =	vmul.f32 v43, v23;
	v12 =	vcombine.high v13, v12;
	v13 =	vld [tilespmem:s26+$0xFFFFFFC0]  }
0x3b6: {  	v19 =	vmul.f32 v46, v19;
	[tilespmem:s21+$0x60] =	vst v24;
	v0 =	vld [tilespmem:s20+$0xFFFFFFF0];
	v50 =	vunpack.c.l.bf16.f32 v14  }
0x3b7: {  	[tilespmem:s21+$0x50] =	vst v15;
	v15 =	vld [tilespmem:s26+$0xFFFFFFF0];
	v48 =	vunpack.c.l.bf16.f32 v12;
	v12 =	vunpack.c.u.bf16.f32 v12  }
0x3b8: {  	[tilespmem:s21+$0x70] =	vst v19;
	v19 =	vperm.xlane.i2c.b16 v47;
	v18 =	vld [tilespmem:s28+$0x50];
	v10 =	vmul.f32 v10, v50  }
0x3b9: {  	v52 =	vld [tilespmem:s26+$0x0];
	v17 =	vperm.xlane.i2c.b16 v17;
	v11 =	vmul.f32 v11, v12;
	v12 =	vunpack.c.u.bf16.f32 v14  }
0x3ba: {  	v53 =	vld [tilespmem:s26+$0x20];
	v16 =	vperm.xlane.i2c.b16 v16;
	v13 =	vperm.xlane.i2c.b16 v13  }
0x3bb: {  	v5 =	vmul.f32 v5, v12;
	v12 =	vld [tilespmem:s26+$0x10];
	[tilespmem:s20+$0xFFFFFF90] =	vst v11;
	v11 =	vperm.xlane.i2c.b16 v49  }
0x3bc: {  	v15 =	vperm.xlane.i2c.b16 v15;
	v13 =	vcombine.low v13, v19;
	v19 =	vld [tilespmem:s26+$0x30]  }
0x3bd: {  	v2 =	vld [tilespmem:s20+$0xC0];
	v18 =	vperm.xlane.i2c.b16 v18;
	v4 =	vmul.f32 v4, v48  }
0x3be: {  	v39 =	vld [tilespmem:s28+$0x40];
	[tilespmem:s20+$0xFFFFFFA0] =	vst v10;
	v16 =	vcombine.high v16, v17;
	v11 =	vcombine.low v11, v15;
	v10 =	vunpack.c.l.bf16.f32 v13  }
0x3bf: {  	v1 =	vld [tilespmem:s20+$0xFFFFFFE0];
	v23 =	vperm.xlane.i2c.b16 v52;
	v21 =	vperm.xlane.i2c.b16 v53;
	v13 =	vunpack.c.u.bf16.f32 v13  }
0x3c0: {  	v14 =	vld [tilespmem:s21+$0xFFFFFF90];
	[tilespmem:s20+$0xFFFFFF80] =	vst v4;
	v17 =	vunpack.c.l.bf16.f32 v11;
	v10 =	vmul.f32 v63, v10;
	v12 =	vperm.xlane.i2c.b16 v12  }
0x3c1: {  	v4 =	vld [tilespmem:s21+$0xFFFFFFA0];
	[tilespmem:s20+$0xFFFFFFB0] =	vst v5;
	v11 =	vunpack.c.u.bf16.f32 v11;
	v13 =	vmul.f32 v38, v13;
	v19 =	vperm.xlane.i2c.b16 v19  }
0x3c2: {  	v15 =	vld [tilespmem:s28+$0xFFFFFFC0];
	v17 =	vmul.f32 v31, v17;
	v12 =	vcombine.high v23, v12;
	[tilespmem:s21+$0xFFFFFF40] =	vst v10  }
0x3c3: {  	v58 =	vperm.xlane.i2c.b16 v39;
	v5 =	vld [tilespmem:s21+$0xFFFFFFB0];
	v11 =	vmul.f32 v20, v11;
	v10 =	vunpack.c.u.bf16.f32 v16;
	[tilespmem:s21+$0xFFFFFF50] =	vst v13  }
0x3c4: {  	v20 =	vld [tilespmem:s28+$0xFFFFFFD0];
	v19 =	vcombine.high v21, v19;
	[tilespmem:s21+$0xFFFFFF60] =	vst v17;
	v13 =	vunpack.c.l.bf16.f32 v12  }
0x3c5: {  	v18 =	vcombine.high v58, v18;
	[tilespmem:s21+$0xFFFFFF70] =	vst v11;
	v9 =	vmul.f32 v9, v10;
	v10 =	vunpack.c.u.bf16.f32 v12;
	v12 =	vld [tilespmem:s28+$0xFFFFFFE0]  }
0x3c6: {  	v16 =	vunpack.c.l.bf16.f32 v16;
	v59 =	vld [tilespmem:s26+$0xFFFFFF80];
	v17 =	vunpack.c.l.bf16.f32 v19;
	v11 =	vmul.f32 v54, v13  }
0x3c7: {  	v15 =	vperm.xlane.i2c.b16 v15;
	v60 =	vld [tilespmem:s26+$0xFFFFFF90];
	v19 =	vunpack.c.u.bf16.f32 v19;
	v10 =	vmul.f32 v55, v10;
	[tilespmem:s20+$0xF0] =	vst v9  }
0x3c8: {  	v16 =	vmul.f32 v8, v16;
	v13 =	vld [tilespmem:s28+$0xFFFFFFF0];
	v17 =	vmul.f32 v56, v17;
	[tilespmem:s21+$0x80] =	vst v11  }
0x3c9: {  	v8 =	vld [tilespmem:s26+$0xFFFFFFB0];
	v20 =	vperm.xlane.i2c.b16 v20;
	v19 =	vmul.f32 v57, v19;
	v11 =	vunpack.c.u.bf16.f32 v18;
	[tilespmem:s21+$0x90] =	vst v10  }
0x3ca: {  	v10 =	vld [tilespmem:s26+$0xFFFFFFA0];
	[tilespmem:s21+$0xA0] =	vst v17;
	v12 =	vperm.xlane.i2c.b16 v12  }
0x3cb: {  	v9 =	vld [tilespmem:s21+$0xFFFFFFF0];
	v18 =	vunpack.c.l.bf16.f32 v18;
	[tilespmem:s21+$0xB0] =	vst v19;
	v11 =	vmul.f32 v3, v11;
	v3 =	vcombine.high v15, v20  }
0x3cc: {  	v19 =	vperm.xlane.i2c.b16 v59;
	v15 =	vld [tilespmem:s26+$0x60];
	v20 =	vperm.xlane.i2c.b16 v60  }
0x3cd: {  	v17 =	vmul.f32 v2, v18;
	v61 =	vld [tilespmem:s26+$0x70];
	v13 =	vperm.xlane.i2c.b16 v13;
	v18 =	vunpack.c.u.bf16.f32 v3  }
0x3ce: {  	v2 =	vld [tilespmem:s21+$0xFFFFFFC0];
	v62 =	vunpack.c.l.bf16.f32 v3;
	v19 =	vcombine.high v19, v20;
	v20 =	vperm.xlane.i2c.b16 v8  }
0x3cf: {  	[tilespmem:s20+$0xE0] =	vst v16;
	v3 =	vld [tilespmem:s21+$0xFFFFFFD0];
	v12 =	vcombine.high v12, v13;
	v13 =	vperm.xlane.i2c.b16 v10  }
0x3d0: {  	v8 =	vld [tilespmem:s21+$0xFFFFFFE0];
	[tilespmem:s20+$0xC0] =	vst v17;
	v16 =	vmul.f32 v6, v62;
	v18 =	vmul.f32 v7, v18  }
0x3d1: {  	[tilespmem:s20+$0xD0] =	vst v11;
	v11 =	vld [tilespmem:s21+$0xF0];
	v10 =	vunpack.c.u.bf16.f32 v12;
	v17 =	vcombine.high v13, v20;
	v20 =	vunpack.c.l.bf16.f32 v19  }
0x3d2: {  	v6 =	vld [tilespmem:s21+$0xC0];
	v19 =	vunpack.c.u.bf16.f32 v19;
	v21 =	vperm.xlane.i2c.b16 v61;
	v63 =	vperm.xlane.i2c.b16 v15;
	[tilespmem:s20+$0xFFFFFFC0] =	vst v16  }
0x3d3: {  	v7 =	vld [tilespmem:s21+$0xD0];
	[tilespmem:s20+$0xFFFFFFD0] =	vst v18;
	v15 =	vunpack.c.u.bf16.f32 v17;
	v16 =	vmul.f32 v51, v20;
	v18 =	vunpack.c.l.bf16.f32 v17  }
0x3d4: {  	s8 =	simm.s32 $0x6A80;
	s28 =	simm.s32 $0x2;
	v13 =	vunpack.c.l.bf16.f32 v12;
	v12 =	vld [tilespmem:s21+$0xE0];
	v17 =	vmul.f32 v14, v19;
	v14 =	vcombine.high v63, v21  }
.LBB2_15:
0x3d5: {  	v19 =	vld [tilespmem:s8+$0x0];
	v4 =	vmul.f32 v4, v18;
	v5 =	vmul.f32 v5, v15;
	[tilespmem:s21+$0xFFFFFF80] =	vst v16  }
0x3d6: {  	v16 =	vunpack.c.u.bf16.f32 v14;
	v14 =	vunpack.c.l.bf16.f32 v14;
	v13 =	vmul.f32 v1, v13;
	v1 =	vmovc v8;
	v15 =	vld [tilespmem:s8+$0x10];
	[tilespmem:s21+$0xFFFFFF90] =	vst v17  }
0x3d7: {  	v8 =	vld [tilespmem:s8+$0x20];
	[tilespmem:s21+$0xFFFFFFA0] =	vst v4;
	v4 =	vmul.f32 v0, v10;
	v0 =	vmov v9  }
0x3d8: {  	v9 =	vld [tilespmem:s8+$0x30];
	[tilespmem:s21+$0xFFFFFFB0] =	vst v5;
	v5 =	vmul.f32 v11, v16  }
0x3d9: {  	v11 =	vmul.f32 v12, v14;
	v10 =	vld [tilespmem:s26+$0x40];
	[tilespmem:s20+$0xFFFFFFE0] =	vst v13  }
0x3da: {  	v12 =	vld [tilespmem:s26+$0x50];
	[tilespmem:s21+$0xF0] =	vst v5  }
0x3db: {  	v5 =	vld [tilespmem:s8+$0xFFFFFF90];
	[tilespmem:s20+$0xFFFFFFF0] =	vst v4;
	s20 =	smov.u32 s21  }
0x3dc: {  	v14 =	vperm.xlane.i2c.b16 v19;
	v13 =	vperm.xlane.i2c.b16 v15;
	s21 =	sadd.s32 $0x200, s21;
	v4 =	vld [tilespmem:s8+$0xFFFFFFA0];
	[tilespmem:s20+$0xE0] =	vst v11  }
0x3dd: {  	v9 =	vperm.xlane.i2c.b16 v9;
	v11 =	vld [tilespmem:s21+$0x0]  }
0x3de: {  	v8 =	vperm.xlane.i2c.b16 v8;
	v13 =	vcombine.low v14, v13;
	v14 =	vld [tilespmem:s21+$0x10]  }
0x3df: {  	v10 =	vperm.xlane.i2c.b16 v10;
	v15 =	vld [tilespmem:s21+$0x20];
	v12 =	vperm.xlane.i2c.b16 v12  }
0x3e0: {  	v8 =	vcombine.low v8, v9;
	v9 =	vunpack.c.l.bf16.f32 v13;
	v5 =	vperm.xlane.i2c.b16 v5;
	v16 =	vld [tilespmem:s21+$0x30]  }
0x3e1: {  	v13 =	vunpack.c.u.bf16.f32 v13;
	v17 =	vld [tilespmem:s8+$0xFFFFFFB0];
	v4 =	vperm.xlane.i2c.b16 v4;
	v10 =	vcombine.high v10, v12  }
0x3e2: {  	v18 =	vunpack.c.l.bf16.f32 v8;
	v12 =	vld [tilespmem:s8+$0xFFFFFF80];
	v9 =	vmul.f32 v11, v9  }
0x3e3: {  	s28 =	sadd.s32 $0x2, s28;
	v8 =	vunpack.c.u.bf16.f32 v8;
	v11 =	vld [tilespmem:s21+$0xFFFFFF00];
	v13 =	vmul.f32 v14, v13;
	v14 =	vunpack.c.u.bf16.f32 v10  }
0x3e4: {  	p3 =	slt.u32 s28, $0x26;
	v19 =	vld [tilespmem:s21+$0xFFFFFF10];
	v15 =	vmul.f32 v15, v18;
	[tilespmem:s21+$0x0] =	vst v9;
	v9 =	vunpack.c.l.bf16.f32 v10  }
0x3e5: {  	v10 =	vld [tilespmem:s21+$0xFFFFFF20];
	v8 =	vmul.f32 v16, v8;
	[tilespmem:s21+$0x10] =	vst v13;
	v7 =	vmul.f32 v7, v14  }
0x3e6: {  	v13 =	vperm.xlane.i2c.b16 v17;
	v14 =	vld [tilespmem:s21+$0xFFFFFF30];
	[tilespmem:s21+$0x20] =	vst v15;
	v6 =	vmul.f32 v6, v9  }
0x3e7: {  	v9 =	vperm.xlane.i2c.b16 v12;
	v12 =	vld [tilespmem:s21+$0xFFFFFF40];
	[tilespmem:s21+$0x30] =	vst v8  }
0x3e8: {  	v4 =	vcombine.low v4, v13;
	v8 =	vld [tilespmem:s8+$0x40];
	[tilespmem:s20+$0xC0] =	vst v6  }
0x3e9: {  	v5 =	vcombine.low v9, v5;
	v6 =	vld [tilespmem:s8+$0x50];
	[tilespmem:s20+$0xD0] =	vst v7  }
0x3ea: {  	v7 =	vunpack.c.u.bf16.f32 v4;
	v4 =	vunpack.c.l.bf16.f32 v4;
	v9 =	vld [tilespmem:s8+$0x70]  }
0x3eb: {  	v13 =	vunpack.c.u.bf16.f32 v5;
	v5 =	vunpack.c.l.bf16.f32 v5;
	v15 =	vld [tilespmem:s8+$0x60]  }
0x3ec: {  	v4 =	vmul.f32 v10, v4;
	v7 =	vmul.f32 v14, v7;
	v10 =	vld [tilespmem:s21+$0xFFFFFF50]  }
0x3ed: {  	v5 =	vmul.f32 v11, v5;
	v11 =	vmul.f32 v19, v13;
	v13 =	vld [tilespmem:s21+$0xFFFFFF60]  }
0x3ee: {  	[tilespmem:s21+$0xFFFFFF20] =	vst v4;
	v14 =	vld [tilespmem:s21+$0xFFFFFF70];
	v4 =	vperm.xlane.i2c.b16 v6;
	v6 =	vperm.xlane.i2c.b16 v8  }
0x3ef: {  	[tilespmem:s21+$0xFFFFFF00] =	vst v5;
	v5 =	vperm.xlane.i2c.b16 v9;
	v8 =	vld [tilespmem:s21+$0x40]  }
0x3f0: {  	[tilespmem:s21+$0xFFFFFF10] =	vst v11;
	v4 =	vcombine.low v6, v4;
	v6 =	vperm.xlane.i2c.b16 v15;
	v9 =	vld [tilespmem:s21+$0x50]  }
0x3f1: {  	[tilespmem:s21+$0xFFFFFF30] =	vst v7;
	v7 =	vld [tilespmem:s21+$0x60]  }
0x3f2: {  	v5 =	vcombine.low v6, v5;
	v6 =	vunpack.c.l.bf16.f32 v4;
	v11 =	vld [tilespmem:s21+$0x70]  }
0x3f3: {  	v4 =	vunpack.c.u.bf16.f32 v4;
	v15 =	vld [tilespmem:s8+$0xFFFFFFC0]  }
0x3f4: {  	v16 =	vld [tilespmem:s8+$0xFFFFFFD0];
	v17 =	vunpack.c.l.bf16.f32 v5;
	v6 =	vmul.f32 v8, v6  }
0x3f5: {  	v5 =	vunpack.c.u.bf16.f32 v5;
	v8 =	vld [tilespmem:s8+$0xFFFFFFE0];
	v4 =	vmul.f32 v9, v4  }
0x3f6: {  	v9 =	vld [tilespmem:s8+$0xFFFFFFF0];
	v7 =	vmul.f32 v7, v17;
	[tilespmem:s21+$0x40] =	vst v6  }
0x3f7: {  	v17 =	vld [tilespmem:s21+$0xFFFFFF80];
	v5 =	vmul.f32 v11, v5;
	[tilespmem:s21+$0x50] =	vst v4  }
0x3f8: {  	v6 =	vperm.xlane.i2c.b16 v15;
	v19 =	vld [tilespmem:s21+$0xFFFFFF90];
	[tilespmem:s21+$0x60] =	vst v7  }
0x3f9: {  	v7 =	vperm.xlane.i2c.b16 v16;
	v4 =	vld [tilespmem:s21+$0xFFFFFFA0];
	[tilespmem:s21+$0x70] =	vst v5  }
0x3fa: {  	v5 =	vperm.xlane.i2c.b16 v8;
	v8 =	vld [tilespmem:s8+$0x0]  }
0x3fb: {  	v6 =	vcombine.low v6, v7;
	v7 =	vperm.xlane.i2c.b16 v9;
	v9 =	vld [tilespmem:s8+$0x10]  }
0x3fc: {  	v11 =	vld [tilespmem:s8+$0x30]  }
0x3fd: {  	v7 =	vcombine.low v5, v7;
	v15 =	vunpack.c.u.bf16.f32 v6;
	v6 =	vunpack.c.l.bf16.f32 v6;
	v16 =	vld [tilespmem:s8+$0x20]  }
0x3fe: {  	v5 =	vld [tilespmem:s21+$0xFFFFFFB0]  }
0x3ff: {  	v18 =	vunpack.c.u.bf16.f32 v7;
	v7 =	vunpack.c.l.bf16.f32 v7;
	v6 =	vmul.f32 v12, v6;
	v12 =	vld [tilespmem:s26+$0xFFFFFFC0]  }
0x400: {  	v8 =	vperm.xlane.i2c.b16 v8;
	v9 =	vperm.xlane.i2c.b16 v9;
	v20 =	vld [tilespmem:s26+$0xFFFFFFD0]  }
0x401: {  	v10 =	vmul.f32 v10, v15;
	[tilespmem:s21+$0xFFFFFF40] =	vst v6;
	v6 =	vperm.xlane.i2c.b16 v11;
	v11 =	vld [tilespmem:s21+$0x80]  }
0x402: {  	v8 =	vcombine.high v8, v9;
	v9 =	vperm.xlane.i2c.b16 v16;
	v15 =	vld [tilespmem:s21+$0x90]  }
0x403: {  	v7 =	vmul.f32 v13, v7;
	v13 =	vmul.f32 v14, v18;
	[tilespmem:s21+$0xFFFFFF50] =	vst v10;
	v10 =	vld [tilespmem:s21+$0xA0]  }
0x404: {  	v6 =	vcombine.high v9, v6;
	v9 =	vunpack.c.l.bf16.f32 v8;
	v14 =	vld [tilespmem:s21+$0xB0];
	v12 =	vperm.xlane.i2c.b16 v12  }
0x405: {  	[tilespmem:s21+$0xFFFFFF60] =	vst v7;
	v7 =	vunpack.c.u.bf16.f32 v8;
	v8 =	vld [tilespmem:s26+$0xFFFFFFE0];
	v16 =	vperm.xlane.i2c.b16 v20  }
0x406: {  	[tilespmem:s21+$0xFFFFFF70] =	vst v13;
	v13 =	vunpack.c.l.bf16.f32 v6;
	v9 =	vmul.f32 v11, v9;
	v11 =	vld [tilespmem:s26+$0xFFFFFFF0];
	s26 =	smov.u32 s8  }
0x407: {  	v6 =	vunpack.c.u.bf16.f32 v6;
	v18 =	vld [tilespmem:s8+$0xFFFFFF80];
	v7 =	vmul.f32 v15, v7;
	v12 =	vcombine.high v12, v16  }
0x408: {  	v15 =	vld [tilespmem:s8+$0xFFFFFF90];
	v10 =	vmul.f32 v10, v13;
	[tilespmem:s21+$0x80] =	vst v9  }
0x409: {  	v9 =	vld [tilespmem:s8+$0xFFFFFFA0];
	v6 =	vmul.f32 v14, v6;
	[tilespmem:s21+$0x90] =	vst v7;
	v7 =	vunpack.c.u.bf16.f32 v12;
	v12 =	vunpack.c.l.bf16.f32 v12  }
0x40a: {  	v13 =	vld [tilespmem:s8+$0xFFFFFFB0];
	[tilespmem:s21+$0xA0] =	vst v10;
	v8 =	vperm.xlane.i2c.b16 v8  }
0x40b: {  	[tilespmem:s21+$0xB0] =	vst v6;
	v6 =	vperm.xlane.i2c.b16 v11;
	v10 =	vmul.f32 v2, v12;
	v2 =	vld [tilespmem:s21+$0xFFFFFFC0]  }
0x40c: {  	v7 =	vmul.f32 v3, v7;
	v11 =	vperm.xlane.i2c.b16 v18;
	v12 =	vld [tilespmem:s8+$0x60]  }
0x40d: {  	v14 =	vperm.xlane.i2c.b16 v15;
	v15 =	vld [tilespmem:s8+$0x70];
	v6 =	vcombine.high v8, v6;
	[tilespmem:s20+$0xFFFFFFC0] =	vst v10  }
0x40e: {  	v16 =	vperm.xlane.i2c.b16 v9;
	v3 =	vld [tilespmem:s21+$0xFFFFFFD0];
	[tilespmem:s20+$0xFFFFFFD0] =	vst v7  }
0x40f: {  	v7 =	vcombine.high v11, v14;
	v11 =	vperm.xlane.i2c.b16 v13;
	v8 =	vld [tilespmem:s21+$0xFFFFFFE0];
	v10 =	vunpack.c.u.bf16.f32 v6  }
.Ltmp13:
0x410: {  	v13 =	vunpack.c.l.bf16.f32 v6;
	v9 =	vld [tilespmem:s21+$0xFFFFFFF0];
	(pc) =	sbr.rel @p3 .LBB2_15-.Ltmp13, $4  }
0x411: {  	v11 =	vcombine.high v16, v11;
	v14 =	vunpack.c.u.bf16.f32 v7;
	v16 =	vunpack.c.l.bf16.f32 v7;
	v6 =	vld [tilespmem:s21+$0xC0]  }
0x412: {  	v12 =	vperm.xlane.i2c.b16 v12;
	v20 =	vperm.xlane.i2c.b16 v15;
	v7 =	vld [tilespmem:s21+$0xD0]  }
0x413: {  	v15 =	vunpack.c.u.bf16.f32 v11;
	v18 =	vunpack.c.l.bf16.f32 v11;
	v16 =	vmul.f32 v17, v16;
	v11 =	vld [tilespmem:s21+$0xF0]  }
0x414: {  	s8 =	sadd.s32 $0x100, s8;
	v17 =	vmul.f32 v19, v14;
	v14 =	vcombine.high v12, v20;
	v12 =	vld [tilespmem:s21+$0xE0]  }
.Ltmp14:
0x415: {  	_ = 	snop;
	(pc) =	sbr.rel .LBB2_16-.Ltmp14, $1  }
0x416: {  	_ =	sdelay $0x3  }
.LBB2_18:
.Ltmp15:
0x417: {  	(pc) =	sbr.rel @!p1 .LBB2_19-.Ltmp15, $2  }
0x418: {  	_ =	sdelay $0x1  }
0x419: {  	[bflag:$0x0] =	sbarrier.arrive $0xFFFF;
	_ =	sdelay $0x1  }
0x41a: {  	s8 =	rddreg [dreg:$0x13]  }
0x41b: {  	[hbm:s8], [sflag:s11] =	dma.local [spmem:s18], $0x2700  }
.Ltmp16:
0x41c: {  	_ = 	snop;
	(pc) =	sbr.rel @p0 .LBB2_22-.Ltmp16, $4  }
.Ltmp17:
0x41d: {  	_ = 	snop;
	(pc) =	sbr.rel @!p0 .LBB2_21-.Ltmp17, $4  }
0x41e: {  	_ =	swait.ge [sflag:s29], $0x2700  }
0x41f: {  	[sflag:s29] =	ssyncset.done $0x0  }
0x420: {  	s8 =	rddreg [dreg:$0x6];
	[sflag:s29] =	ssyncadd.s32 $0xFFFFD900  }
0x421: {  	_ = 	snop  }
.LBB2_19:
0x422: {  	s8 =	rddreg [dreg:$0x12]  }
0x423: {  	[hbm:s8], [sflag:s11] =	dma.local [spmem:s18], $0x2700  }
.Ltmp18:
0x424: {  	_ = 	snop;
	(pc) =	sbr.rel @!p2 .LBB2_22-.Ltmp18, $4  }
.Ltmp19:
0x425: {  	_ =	swait.ge [sflag:s29], $0x2700;
	(pc) =	sbr.rel @p2 .LBB2_21-.Ltmp19, $4  }
0x426: {  	[sflag:s29] =	ssyncset.done $0x0  }
0x427: {  	[sflag:s29] =	ssyncadd.s32 $0xFFFFD900  }
0x428: {  	s8 =	rddreg [dreg:$0x2]  }
0x429: {  	_ = 	snop  }
.LBB2_23:
0x42a: {  	_ =	sfence.sel $0x180000  }
0x42b: {  	[bflag:$0x0] =	sbarrier.arrive $0xFFFF  }
0x42c: {  	_ =	strace $0x9000004A  }
0x42d: {  	[bflag:$0x2] =	sbarrier.arrive $0xFFFF  }
0x42e: {  	s0 =	rddreg [dreg:$0x4]  }
0x42f: {  	s0 =	sadd.s32 @!p0 $0x100000, s0  }
0x430: {  	[sflag:s0] =	ssyncadd.tile.s32 @!p0 $0x1;
	_ =	shalt  }
.Lfunc_end2:
_tile_overlayer_lowered:
.L_overlay_start_2:
0x431: {  	(tag) =	ssettag $0x2  }
0x432: {  	s0 =	rddreg [dreg:$0x0];
	s2 =	stileid.u32  }
0x433: {  	s1 =	rddreg [dreg:$0x1];
	p0 =	sne.s32 s2, $0x0  }
0x434: {  	s3 =	rddreg [dreg:$0x2];
	[bflag:$0x3] =	sbarrier.arrive $0xFFFF;
	s2 =	simm.s32 @!p0 $0x1C09  }
0x435: {  	[timem:s3], [sflag:s2] =	dma.local @!p0 [hbm:s0], s1  }
0x436: {  	s0 =	simm.s32 @!p0 $0x9  }
0x437: {  	_ =	swait.ge @!p0 [sflag:s0], s1  }
0x438: {  	s1 =	ssub.s32 @!p0 $0x0, s1;
	[sflag:s0] =	ssyncset.done @!p0 $0x0  }
0x439: {  	[sflag:s0] =	ssyncadd.s32 @!p0 s1  }
0x43a: {  	[bflag:$0x3] =	sbarrier.arrive $0xFFFF  }
0x43b: {  	_ =	shalt  }

// kernel: kernel.7.cloned.1.call-start
scs
__scs_entry_jumppad:
0x0: {  	(pc) =	sbr.rel $0x88, $3  }
0x1: {  	(tag) =	ssettag $0x0;
	lr =	simm.s32 $0x1  }
0x2: {  	[smem:$0x3F99] =	sst lr;
	_ =	strace $0xD0000000  }
0x3: {  	_ = 	snop  }
0x4: {  	_ = 	snop  }
0x5: {  	_ = 	snop  }
0x6: {  	_ = 	snop  }
0x7: {  	_ = 	snop  }
__scs_overlays_trampoline_lowered:
0x8: {  	[smem:$0x3FA8] =	sst s0  }
0x9: {  	[smem:$0x3FA9] =	sst s1  }
0xa: {  	[smem:$0x3FAA] =	sst s2  }
0xb: {  	[smem:$0x3FAB] =	sst s3  }
0xc: {  	[smem:$0x3FAC] =	sst s4  }
0xd: {  	[smem:$0x3FAD] =	sst s5  }
0xe: {  	[smem:$0x3FAE] =	sst s6  }
0xf: {  	[smem:$0x3FAF] =	sst s7  }
0x10: {  	[smem:$0x3FB0] =	sst s8  }
0x11: {  	[smem:$0x3FB1] =	sst s9;
	s0 =	simm.s32 @!p0 $0x0  }
0x12: {  	s1 =	sld [smem:$0x3F97];
	s0 =	simm.s32 @p0 $0x1  }
0x13: {  	[smem:$0x3FB2] =	sst s0;
	s0 =	simm.s32 @!p1 $0x0  }
0x14: {  	s2 =	sld [smem:$0x3F96];
	s0 =	simm.s32 @p1 $0x1  }
0x15: {  	[smem:$0x3FB3] =	sst s0;
	s0 =	simm.s32 @!p2 $0x0  }
0x16: {  	s3 =	sld [smem:$0x3FDB];
	s0 =	simm.s32 @p2 $0x1  }
0x17: {  	s4 =	simm.s32 $0x1BF5;
	[smem:$0x3FB5] =	sst s0  }
0x18: {  	s0 =	sld [smem:$0x3F98];
	_ =	swait.ge [sflag:s4], $0x0  }
0x19: {  	s7 =	sld [smem:$0x3F99]  }
0x1a: {  	s8 =	sadd.s32 $0xFFFFE003, lr  }
0x1b: {  	s9 =	sadd.s32 $0xFFFFFEF7, lr;
	s5 =	simm.s32 $0xFFFFFFFF;
	p2 =	slt.u32 s8, $0xFFFFF086  }
0x1c: {  	p1 =	slt.u32 s9, $0xF7A;
	s5 =	simm.s32 @!p2 $0x0  }
0x1d: {  	s5 =	simm.s32 @p1 $0x1;
	p0 =	seq.s32 s7, s2  }
0x1e: {  	s7 =	smul.u32 @!p0 $0xF7A, s2;
	p2 =	seq.s32 @!p0 s5, $0x0  }
0x1f: {  	s9 =	smul.u32 $0xF7A, s1;
	s8 =	simm.s32 @!p0 $0x1BF5;
	p2 =	por !p2, p0  }
0x20: {  	[sflag:s8] =	ssyncset.s32 @!p0 $0xFFFFF086;
	s6 =	sadd.s32 @!p0 s3, s7;
	s7 =	simm.s32 @!p0 $0x108  }
0x21: {  	s3 =	sadd.s32 s3, s9;
	s6 =	sadd.s32 @!p0 $0x88, s6;
	s7 =	simm.s32 @p2 $0x1082  }
0x22: {  	[simem:s7], [sflag:s8] =	dma.local @!p0 [hbm:s6], $0xF7A  }
0x23: {  	s9 =	sor.u32 $0xD0000000, s2;
	s6 =	simm.s32 $0x108;
	_ =	swait.ge @!p0 [sflag:s8], $0x0  }
0x24: {  	s3 =	sadd.s32 $0x88, s3;
	s6 =	simm.s32 @!p1 $0x1082;
	[sflag:s4] =	ssyncset.s32 $0xFFFFF086  }
0x25: {  	[simem:s6], [sflag:s4] =	dma.local [hbm:s3], $0xF7A  }
0x26: {  	[smem:$0x3F99] =	sst s1;
	(tag) =	ssettag s2;
	_ =	strace s9  }
0x27: {  	s1 =	sld [smem:$0x3FA9]  }
0x28: {  	s2 =	sld [smem:$0x3FAA]  }
0x29: {  	s4 =	sld [smem:$0x3FAC]  }
0x2a: {  	p0 =	seq.s32 s5, $0x0;
	s5 =	sld [smem:$0x3FAD]  }
0x2b: {  	s6 =	sld [smem:$0x3FAE]  }
0x2c: {  	s7 =	sld [smem:$0x3FAF]  }
0x2d: {  	s3 =	simm.s32 $0x108;
	s8 =	sld [smem:$0x3FB0]  }
0x2e: {  	s3 =	simm.s32 @!p0 $0x1082;
	s9 =	sld [smem:$0x3FB1]  }
0x2f: {  	lr =	sadd.s32 s0, s3;
	s0 =	sld [smem:$0x3FA8]  }
0x30: {  	s3 =	sld [smem:$0x3FAB]  }
0x31: {  	[smem:$0x3FB4] =	sst s10  }
0x32: {  	s10 =	sld [smem:$0x3FB2];
	_ =	sdelay $0x3  }
0x33: {  	p0 =	seq.s32 s10, $0x1;
	s10 =	sld [smem:$0x3FB4];
	_ =	sdelay $0x3  }
0x34: {  	[smem:$0x3FB4] =	sst s10  }
0x35: {  	s10 =	sld [smem:$0x3FB3];
	_ =	sdelay $0x3  }
0x36: {  	p1 =	seq.s32 s10, $0x1;
	s10 =	sld [smem:$0x3FB4];
	_ =	sdelay $0x3  }
0x37: {  	[smem:$0x3FB4] =	sst s10  }
0x38: {  	s10 =	sld [smem:$0x3FB5]  }
0x39: {  	_ = 	snop;
	(pc) =	sbr.ind lr, $3  }
0x3a: {  	_ = 	snop  }
0x3b: {  	_ = 	snop  }
0x3c: {  	p2 =	seq.s32 s10, $0x1;
	s10 =	sld [smem:$0x3FB4]  }
0x3d: {  	_ =	shalt  }
0x3e: {  	_ =	shalt  }
0x3f: {  	_ =	shalt  }
0x40: {  	_ =	shalt  }
0x41: {  	_ =	shalt  }
0x42: {  	_ =	shalt  }
0x43: {  	_ =	shalt  }
0x44: {  	_ =	shalt  }
0x45: {  	_ =	shalt  }
0x46: {  	_ =	shalt  }
0x47: {  	_ =	shalt  }
0x48: {  	_ =	shalt  }
0x49: {  	_ =	shalt  }
0x4a: {  	_ =	shalt  }
0x4b: {  	_ =	shalt  }
0x4c: {  	_ =	shalt  }
0x4d: {  	_ =	shalt  }
0x4e: {  	_ =	shalt  }
0x4f: {  	_ =	shalt  }
0x50: {  	_ =	shalt  }
0x51: {  	_ =	shalt  }
0x52: {  	_ =	shalt  }
0x53: {  	_ =	shalt  }
0x54: {  	_ =	shalt  }
0x55: {  	_ =	shalt  }
0x56: {  	_ =	shalt  }
0x57: {  	_ =	shalt  }
0x58: {  	_ =	shalt  }
0x59: {  	_ =	shalt  }
0x5a: {  	_ =	shalt  }
0x5b: {  	_ =	shalt  }
0x5c: {  	_ =	shalt  }
0x5d: {  	_ =	shalt  }
0x5e: {  	_ =	shalt  }
0x5f: {  	_ =	shalt  }
0x60: {  	_ =	shalt  }
0x61: {  	_ =	shalt  }
0x62: {  	_ =	shalt  }
0x63: {  	_ =	shalt  }
0x64: {  	_ =	shalt  }
0x65: {  	_ =	shalt  }
0x66: {  	_ =	shalt  }
0x67: {  	_ =	shalt  }
0x68: {  	_ =	shalt  }
0x69: {  	_ =	shalt  }
0x6a: {  	_ =	shalt  }
0x6b: {  	_ =	shalt  }
0x6c: {  	_ =	shalt  }
0x6d: {  	_ =	shalt  }
0x6e: {  	_ =	shalt  }
0x6f: {  	_ =	shalt  }
0x70: {  	_ =	shalt  }
0x71: {  	_ =	shalt  }
0x72: {  	_ =	shalt  }
0x73: {  	_ =	shalt  }
0x74: {  	_ =	shalt  }
0x75: {  	_ =	shalt  }
0x76: {  	_ =	shalt  }
0x77: {  	_ =	shalt  }
0x78: {  	_ =	shalt  }
0x79: {  	_ =	shalt  }
0x7a: {  	_ =	shalt  }
0x7b: {  	_ =	shalt  }
0x7c: {  	_ =	shalt  }
0x7d: {  	_ =	shalt  }
0x7e: {  	_ =	shalt  }
0x7f: {  	_ =	shalt  }
0x80: {  	_ =	shalt  }
0x81: {  	_ =	shalt  }
0x82: {  	_ =	shalt  }
0x83: {  	_ =	shalt  }
0x84: {  	_ =	shalt  }
0x85: {  	_ =	shalt  }
0x86: {  	_ =	shalt  }
0x87: {  	_ =	shalt  }
.Lfunc_end0:
.L_simem_size_0:
called_computation_lowered:
.L_overlay_start_0:
0x88: {  	s2 =	sld [smem:$0x3FD9]  }
0x89: {  	s3 =	sld [smem:$0x3FFE];
	_ =	sdelay $0x1  }
0x8a: {  	s1 =	srdreg.scid  }
0x8b: {  	s0 =	sand.u32 $0x1, s1  }
0x8c: {  	s17 =	sshll.u32 s0, $0xA;
	s2 =	sadd.s32 s3, s2  }
0x8d: {  	s2 =	sadd.s32 s2, s17  }
0x8e: {  	[smem:$0x3FC0] =	sst s2  }
0x8f: {  	_ = 	snop  }
0x90: {  	s2 =	sld [smem:$0x3FC8];
	(tm) =	ssettm $0x1  }
0x91: {  	s18 =	sld [smem:$0x3FFB];
	_ =	sdelay $0x3  }
0x92: {  	_ =	strace s18  }
0x93: {  	s3 =	sld [smem:$0x3FFC];
	_ =	sdelay $0x3  }
0x94: {  	_ =	strace s3  }
0x95: {  	s3 =	sld [smem:$0x3FFD];
	_ =	sdelay $0x3  }
0x96: {  	_ =	strace s3  }
0x97: {  	_ =	strace $0x8FFFFFFF  }
0x98: {  	s19 =	sld [smem:$0x3FDB];
	_ =	sdelay $0x1  }
0x99: {  	s4 =	simm.s32 $_scs_section_size  }
0x9a: {  	s5 =	simm.s32 $_size__tile_overlayer_lowered;
	s6 =	simm.s32 $_tile_overlayer_lowered  }
0x9b: {  	s22 =	simm.s32 $0x1BFF;
	s21 =	sshll.u32 s6, $0x1;
	s3 =	sadd.s32 s4, s19  }
0x9c: {  	s7 =	simm.s32 $0x0;
	s20 =	sshll.u32 s5, $0x1;
	s5 =	sadd.s32 s21, s3  }
0x9d: {  	[timem:s7], [sflag:s22] =	dma.local [hbm:s5], s20  }
0x9e: {  	_ =	swait.ge [sflag:s22], s20  }
0x9f: {  	s4 =	ssub.s32 $0x0, s20;
	[sflag:s22] =	ssyncset.done $0x0  }
0xa0: {  	[sflag:s22] =	ssyncadd.s32 s4;
	_ =	sdelay $0x1  }
0xa1: {  	s23 =	simm.s32 $0x1B8B  }
0xa2: {  	_ =	swait.ge [sflag:s23], $0x1  }
0xa3: {  	[sflag:s23] =	ssyncset.done $0x0  }
0xa4: {  	s25 =	simm.s32 $0x1B8E;
	s24 =	sld [smem:$0x3FFE];
	[sflag:s23] =	ssyncadd.s32 $0xFFFFFFFF  }
0xa5: {  	s26 =	simm.s32 $execute0_lowered;
	[smem:$0x3FD2] =	sst s25  }
0xa6: {  	s5 =	sshll.u32 s26, $0x1;
	_ =	strace $0x80000046;
	[dreg:$0x1] =	wrdreg $0xFFFFFFFF  }
0xa7: {  	s28 =	simm.s32 $_size_execute0_lowered;
	s3 =	sadd.s32 s3, s5;
	[dreg:$0x0] =	wrdreg $0x0  }
0xa8: {  	s5 =	sshll.u32 s28, $0x1;
	[dreg:$0x2] =	wrdreg s3  }
0xa9: {  	[dreg:$0x3] =	wrdreg s5  }
0xaa: {  	[dreg:$0x4] =	wrdreg $0xC0  }
0xab: {  	_ =	task [dreg:s7], $0x5FFFF  }
0xac: {  	[dreg:$0x1] =	wrdreg $0xFFFFFFFF  }
0xad: {  	[dreg:$0x0] =	wrdreg $0x60  }
0xae: {  	[dreg:$0x2] =	wrdreg s24  }
0xaf: {  	[dreg:$0x3] =	wrdreg s2  }
0xb0: {  	[dreg:$0x4] =	wrdreg $0x7C000  }
0xb1: {  	[dreg:$0x5] =	wrdreg $0x9  }
0xb2: {  	_ =	task.clear_ibuf [dreg:s7], $0x6FFFF;
	_ =	strace $0x90000046  }
0xb3: {  	s29 =	simm.s32 $0x9;
	_ =	strace $0x80000048  }
0xb4: {  	_ =	swait.ge [sflag:s29], $0x1  }
0xb5: {  	[sflag:s29] =	ssyncadd.s32 $0xFFFFFFFF  }
0xb6: {  	_ =	strace $0x90000048  }
0xb7: {  	_ =	sfence  }
0xb8: {  	s30 =	sld [smem:$0x0];
	_ =	sdelay $0x2  }
0xb9: {  	s31 =	sshll.u32 s1, $0xD;
	s1 =	sshrl.u32 s1, $0x2  }
0xba: {  	s3 =	sand.u32 $0x4000, s31;
	s1 =	sadd.s32 s1, s30  }
0xbb: {  	s0 =	sor.u32 s3, s0;
	s1 =	sshll.u32 s1, $0x11  }
0xbc: {  	s0 =	sor.u32 s1, s0  }
0xbd: {  	s0 =	sadd.s32 $0x8F2B, s0  }
0xbe: {  	[sflag:s0] =	ssyncadd.remote.s32 $0x1  }
0xbf: {  	_ =	sfence.sel $0xFFFF  }
0xc0: {  	[dreg:$0x0] =	wrdreg $0xFFFFFFFF;
	(pc) =	sbr.abs _section_cstart, $3  }
0xc1: {  	[dreg:$0x1] =	wrdreg $0xFFFFFFFF  }
0xc2: {  	_ =	task.clear_ibuf [dreg:s7], $0x2FFFF;
	_ =	strace $0x9FFFFFFF  }
0xc3: {  	(tm) =	ssettm $0x7FFFFFFF  }
tec
execute0_lowered:
.L_overlay_start_1:
0x0: {  	(tag) =	ssettag $0x1  }
0x1: {  	s0 =	rddreg [dreg:$0x0]  }
0x2: {  	s1 =	rddreg [dreg:$0x1]  }
0x3: {  	s2 =	rddreg [dreg:$0x2];
	s3 =	simm.s32 $0x0  }
0x4: {  	s4 =	srdreg.scid;
	s8 =	stileid.u32;
	s29 =	simm.s32 $0x9  }
0x5: {  	s30 =	simm.s32 $0x200;
	s31 =	simm.s32 $0x400;
	[smem:$0x7FF] =	sst s3  }
0x6: {  	s7 =	sand.u32 $0x1, s4;
	s4 =	sadd.s32 $0xB800, s0;
	s5 =	sadd.s32 $0x1A00, s0  }
0x7: {  	s6 =	sadd.s32 $0x15600, s0;
	s10 =	sadd.s32 $0x18C600, s0;
	s13 =	smul.u32 $0x4E000, s8  }
0x8: {  	s26 =	sshll.u32 s8, $0x6;
	p0 =	sne.s32 s8, $0x0;
	s9 =	sshll.u32 s7, $0x4  }
0x9: {  	p2 =	seq.s32 s8, $0x0;
	s9 =	sor.u32 s8, s9;
	s8 =	smul.u32 $0x2700, s8  }
0xa: {  	s16 =	sadd.s32 $0x18EE00, s0;
	s17 =	sadd.s32 $0x1B6000, s0;
	s12 =	smul.u32 $0xBB8, s9  }
0xb: {  	_ =	strace $0x80000047;
	[dreg:$0x4] =	wrdreg s10;
	s24 =	smul.u32 $0x1770, s9  }
0xc: {  	s23 =	ssub.s32 $0x2, s7;
	[dreg:$0x5] =	wrdreg s16;
	s14 =	smul.u32 $0x2EE, s9  }
0xd: {  	p1 =	seq.s32 s7, $0x1;
	[dreg:$0x6] =	wrdreg s17;
	s19 =	smul.u32 $0x4B, s9  }
0xe: {  	s11 =	sshrl.u32 s23, $0x1;
	s25 =	sshrl.u32 s13, $0x2;
	s22 =	smul.u32 $0x5DC00, s9  }
0xf: {  	s0 =	ssub.s32 s23, s11;
	s11 =	sadd.s32 s25, s2;
	s9 =	smul.u32 $0xBB80, s9  }
0x10: {  	[dreg:$0x7] =	wrdreg s11;
	s11 =	sor.u32 $0x1C09, s26;
	s25 =	sadd.s32 s16, s8  }
0x11: {  	s26 =	sadd.s32 s17, s8;
	s0 =	smax.u32 s0, $0x1;
	s8 =	simm.s32 $0x1  }
0x12: {  	s16 =	simm.s32 $0x8;
	s17 =	simm.s32 $0x0;
	s10 =	sshrl.u32 s24, $0x3  }
0x13: {  	s28 =	sadd.s32 s4, s14;
	s15 =	sadd.s32 s5, s14;
	[dreg:$0x12] =	wrdreg s25  }
0x14: {  	s24 =	sshrl.u32 s22, $0x3;
	s9 =	sadd.s32 s6, s9;
	[dreg:$0x13] =	wrdreg s26  }
0x15: {  	s22 =	sadd.s32 $0x50, s12;
	[dreg:$0x14] =	wrdreg s0;
	s0 =	simm.s32 $0x280  }
0x16: {  	s25 =	simm.s32 $0x380;
	s12 =	simm.s32 $0x2C00;
	[dreg:$0x8] =	wrdreg s28  }
0x17: {  	s14 =	simm.s32 $0x7;
	[dreg:$0x9] =	wrdreg s15;
	s18 =	sadd.s32 $0xA, s10  }
0x18: {  	s20 =	sadd.s32 $0x14, s10;
	[dreg:$0x10] =	wrdreg s9;
	s28 =	sadd.s32 $0x138000, s2  }
0x19: {  	s10 =	sadd.s32 $0x1E, s10;
	s15 =	sadd.s32 s4, s18;
	[dreg:$0x15] =	wrdreg s28  }
0x1a: {  	s7 =	sadd.s32 s6, s24;
	s13 =	sadd.s32 s5, s18;
	[dreg:$0xa] =	wrdreg s15  }
0x1b: {  	s24 =	simm.s32 $0x300;
	s21 =	sadd.s32 s4, s20;
	[dreg:$0xb] =	wrdreg s13  }
.Ltmp0:
0x1c: {  	s23 =	sadd.s32 s4, s10;
	[dreg:$0xc] =	wrdreg s21;
	(pc) =	sbr.rel .LBB2_1-.Ltmp0, $4  }
0x1d: {  	s9 =	simm.s32 $0x50;
	s10 =	sadd.s32 s5, s10;
	[dreg:$0xe] =	wrdreg s23  }
0x1e: {  	s7 =	sadd.s32 $0x280, s7;
	s15 =	sadd.s32 s5, s20;
	[dreg:$0xf] =	wrdreg s10  }
0x1f: {  	[dreg:$0x11] =	wrdreg s7;
	s23 =	sadd.s32 $0x4, s19;
	s10 =	simm.s32 $0x2  }
0x20: {  	s13 =	simm.s32 $0x5;
	[dreg:$0xd] =	wrdreg s15;
	s15 =	simm.s32 $0x6  }
.LBB2_21:
0x21: {  	s18 =	rddreg [dreg:$0x15]  }
0x22: {  	s7 =	sadd.s32 $0x27000, s7;
	s18 =	sshrl.u32 s18, $0x3  }
0x23: {  	[hbm:s7], [sflag:s11] =	dma.local [spmem:s18], $0x100  }
0x24: {  	_ =	swait.ge [sflag:s29], $0x100  }
0x25: {  	[sflag:s29] =	ssyncset.done $0x0  }
0x26: {  	[sflag:s29] =	ssyncadd.s32 $0xFFFFFF00  }
.LBB2_22:
0x27: {  	s17 =	sadd.s32 $0x1, s17;
	s7 =	rddreg [dreg:$0x14]  }
0x28: {  	p3 =	sne.s32 s17, s7  }
.Ltmp1:
0x29: {  	_ = 	snop;
	(pc) =	sbr.rel @!p3 .LBB2_23-.Ltmp1, $1  }
0x2a: {  	_ =	sdelay $0x3  }
.LBB2_1:
0x2b: {  	s7 =	rddreg [dreg:$0x7]  }
0x2c: {  	s19 =	rddreg [dreg:$0x4];
	s18 =	sshrl.u32 s7, $0x3  }
0x2d: {  	[spmem:s18], [sflag:s11] =	dma.local [hbm:s19], $0x2700  }
0x2e: {  	_ =	swait.ge [sflag:s29], $0x2700  }
0x2f: {  	[sflag:s29] =	ssyncset.done $0x0;
	s7 =	rddreg [dreg:$0x15]  }
0x30: {  	[sflag:s29] =	ssyncadd.s32 $0xFFFFD900;
	s7 =	sshrl.u32 @!p0 s7, $0x3  }
0x31: {  	[spmem:s7], [sflag:s11] =	dma.local @!p0 [hbm:s19], $0x100  }
0x32: {  	s7 =	simm.s32 @!p0 $0x9  }
0x33: {  	_ =	swait.ge @!p0 [sflag:s7], $0x100  }
0x34: {  	[sflag:s7] =	ssyncset.done @!p0 $0x0  }
0x35: {  	[sflag:s7] =	ssyncadd.s32 @!p0 $0xFFFFFF00  }
0x36: {  	[bflag:$0x0] =	sbarrier.arrive $0xFFFF  }
0x37: {  	s19 =	rddreg [dreg:$0x8]  }
0x38: {  	[tilespmem:s3], [sflag:$0x1] =	stream.linear.gather [hbm4b:s19+s3], $0x50, $0x38;
	[tilespmem:$0x1B480] =	vst v63  }
0x39: {  	s20 =	rddreg [dreg:$0x9]  }
0x3a: {  	[tilespmem:s30], [sflag:$0x1] =	stream.linear.gather [hbm4b:s20+s3], $0x50, $0x38;
	[tilespmem:$0x1B480] =	vst v63  }
0x3b: {  	s21 =	rddreg [dreg:$0xa];
	s19 =	simm.s32 $0x80  }
0x3c: {  	[tilespmem:s19], [sflag:$0x2] =	stream.linear.gather [hbm4b:s21+s3], $0x50, $0x38;
	[tilespmem:$0x1B480] =	vst v63  }
0x3d: {  	s26 =	rddreg [dreg:$0xb]  }
0x3e: {  	[tilespmem:s0], [sflag:$0x2] =	stream.linear.gather [hbm4b:s26+s3], $0x50, $0x38;
	[tilespmem:$0x1B480] =	vst v63  }
0x3f: {  	s28 =	rddreg [dreg:$0xc];
	s20 =	simm.s32 $0x100  }
0x40: {  	[tilespmem:s20], [sflag:$0x3] =	stream.linear.gather [hbm4b:s28+s3], $0x50, $0x38;
	[tilespmem:$0x1B480] =	vst v63  }
0x41: {  	s20 =	rddreg [dreg:$0xd]  }
0x42: {  	[tilespmem:s24], [sflag:$0x3] =	stream.linear.gather [hbm4b:s20+s3], $0x50, $0x38;
	[tilespmem:$0x1B480] =	vst v63  }
0x43: {  	s21 =	rddreg [dreg:$0xe];
	s26 =	simm.s32 $0x180  }
0x44: {  	[tilespmem:s26], [sflag:$0x4] =	stream.linear.gather [hbm4b:s21+s3], $0x50, $0x38;
	[tilespmem:$0x1B480] =	vst v63  }
0x45: {  	s28 =	rddreg [dreg:$0xf]  }
0x46: {  	[tilespmem:s25], [sflag:$0x4] =	stream.linear.gather [hbm4b:s28+s3], $0x50, $0x38;
	[tilespmem:$0x1B480] =	vst v63  }
0x47: {  	_ =	swait.ge [sflag:s8], $0x50  }
0x48: {  	[sflag:s8] =	ssyncset.done $0x0  }
0x49: {  	[sflag:s8] =	ssyncadd.s32 $0xFFFFFFB0  }
0x4a: {  	_ =	swait.ge [sflag:s8], $0x50  }
0x4b: {  	[sflag:s8] =	ssyncset.done $0x0  }
0x4c: {  	[sflag:s8] =	ssyncadd.s32 $0xFFFFFFB0  }
0x4d: {  	[tilespmem:s31], [sflag:$0x5] =	stream.indirect.gather [hbm4b:s1+s9], $0x80, s3, s9, $0xb8;
	[tilespmem:$0x1B480] =	vst v63  }
0x4e: {  	s21 =	simm.s32 $0x5400;
	s20 =	rddreg [dreg:$0x10]  }
0x4f: {  	[tilespmem:s21], [sflag:$0x7] =	stream.linear.gather [hbm4b:s20+s3], $0x1400, $0x38;
	[tilespmem:$0x1B480] =	vst v63  }
0x50: {  	_ =	swait.ge [sflag:s10], $0x50  }
0x51: {  	[sflag:s10] =	ssyncset.done $0x0  }
0x52: {  	[sflag:s10] =	ssyncadd.s32 $0xFFFFFFB0  }
0x53: {  	_ =	swait.ge [sflag:s10], $0x50  }
.Ltmp2:
0x54: {  	[sflag:s10] =	ssyncset.done $0x0;
	(pc) =	sbr.rel .LBB2_2-.Ltmp2, $4  }
0x55: {  	[sflag:s10] =	ssyncadd.s32 $0xFFFFFFB0  }
0x56: {  	[tilespmem:s12], [sflag:$0x6] =	stream.indirect.gather [hbm4b:s1+s9], $0x80, s19, s9, $0xb8;
	[tilespmem:$0x1B480] =	vst v63  }
0x57: {  	s28 =	simm.s32 $0x6800;
	s26 =	rddreg [dreg:$0x11];
	s19 =	simm.s32 $0x0  }
0x58: {  	[tilespmem:s28], [sflag:$0x8] =	stream.linear.gather [hbm4b:s26+s3], $0x1400, $0x38;
	[tilespmem:$0x1B480] =	vst v63  }
.LBB2_16:
0x59: {  	v4 =	vmul.f32 v4, v18;
	[tilespmem:s21+$0xFFFFFF80] =	vst v16  }
0x5a: {  	v5 =	vmul.f32 v5, v15;
	[tilespmem:s21+$0xFFFFFF90] =	vst v17;
	v44 =	vld [tilespmem:s26+$0x40]  }
0x5b: {  	v45 =	vld [tilespmem:s26+$0x50];
	[tilespmem:s21+$0xFFFFFFA0] =	vst v4  }
0x5c: {  	[tilespmem:s21+$0xFFFFFFB0] =	vst v5  }
0x5d: {  	v46 =	vld [tilespmem:s26+$0xFFFFFFC0]  }
0x5e: {  	v16 =	vld [tilespmem:s26+$0xFFFFFFD0]  }
0x5f: {  	v17 =	vld [tilespmem:s26+$0xFFFFFFE0]  }
0x60: {  	v47 =	vld [tilespmem:s26+$0xFFFFFFF0];
	v5 =	vperm.xlane.i2c.b16 v45;
	v4 =	vperm.xlane.i2c.b16 v44  }
0x61: {  	v1 =	vmul.f32 v1, v13  }
0x62: {  	v48 =	vunpack.c.u.bf16.f32 v14;
	v0 =	vmul.f32 v0, v10;
	v4 =	vcombine.high v4, v5  }
0x63: {  	v15 =	vperm.xlane.i2c.b16 v46;
	v16 =	vperm.xlane.i2c.b16 v16  }
0x64: {  	v49 =	vunpack.c.l.bf16.f32 v14;
	v50 =	vmul.f32 v11, v48;
	v53 =	vperm.xlane.i2c.b16 v17  }
0x65: {  	[tilespmem:s20+$0xFFFFFFE0] =	vst v1;
	v13 =	vperm.xlane.i2c.b16 v47;
	v52 =	vunpack.c.l.bf16.f32 v4;
	v51 =	vcombine.high v15, v16  }
0x66: {  	[tilespmem:s20+$0xFFFFFFF0] =	vst v0;
	v5 =	vmul.f32 v12, v49;
	v4 =	vunpack.c.u.bf16.f32 v4  }
0x67: {  	[tilespmem:s21+$0xF0] =	vst v50;
	v56 =	vcombine.high v53, v13;
	v54 =	vmul.f32 v6, v52;
	v55 =	vunpack.c.l.bf16.f32 v51  }
0x68: {  	[tilespmem:s21+$0xE0] =	vst v5;
	v4 =	vmul.f32 v7, v4;
	v57 =	vunpack.c.u.bf16.f32 v51  }
0x69: {  	v59 =	vunpack.c.l.bf16.f32 v56;
	[tilespmem:s21+$0xC0] =	vst v54;
	v58 =	vmul.f32 v2, v55  }
0x6a: {  	v61 =	vunpack.c.u.bf16.f32 v56;
	[tilespmem:s21+$0xD0] =	vst v4;
	v60 =	vmul.f32 v3, v57  }
0x6b: {  	v62 =	vmul.f32 v8, v59;
	[tilespmem:s21+$0xFFFFFFC0] =	vst v58  }
0x6c: {  	v63 =	vmul.f32 v9, v61;
	[tilespmem:s21+$0xFFFFFFD0] =	vst v60  }
0x6d: {  	[tilespmem:s21+$0xFFFFFFE0] =	vst v62  }
0x6e: {  	[tilespmem:s21+$0xFFFFFFF0] =	vst v63  }
0x6f: {  	[spmem:s2] =	stream.indirect.scatter.add.f32 [tilespmem:s12], [sflag:$0x9], $0x80, s25, s9, $0xb8;
	[tilespmem:$0x1B480] =	vst v63  }
0x70: {  	_ =	swait.ge [sflag:s29], $0x2800  }
0x71: {  	p3 =	sgt.u32 s19, $0x48;
	[sflag:s29] =	ssyncset.done $0x0  }
0x72: {  	s7 =	simm.s32 @!p3 $0x2;
	[sflag:s29] =	ssyncadd.s32 $0xFFFFD800  }
0x73: {  	_ =	swait.ge @!p3 [sflag:s7], $0x50  }
0x74: {  	[sflag:s7] =	ssyncset.done @!p3 $0x0  }
0x75: {  	[sflag:s7] =	ssyncadd.s32 @!p3 $0xFFFFFFB0  }
0x76: {  	p4 =	sgt.u32 @!p3 s19, $0x46;
	_ =	swait.ge @!p3 [sflag:s7], $0x50  }
0x77: {  	s20 =	simm.s32 @!p3 $0x80;
	s26 =	smul.u32 @!p3 $0x28, s19;
	[sflag:s7] =	ssyncset.done @!p3 $0x0  }
0x78: {  	s21 =	simm.s32 @!p3 $0x2C00;
	[sflag:s7] =	ssyncadd.s32 @!p3 $0xFFFFFFB0;
	s7 =	simm.s32 @!p3 $0x50  }
0x79: {  	[tilespmem:s21], [sflag:$0x6] =	stream.indirect.gather @!p3 [hbm4b:s1+s7], $0x80, s20, s7, $0xb8;
	[tilespmem:$0x1B480] =	vst v63  }
0x7a: {  	p4 =	por p4, p3;
	s7 =	sadd.s32 @!p3 s26, s22  }
0x7b: {  	s20 =	sadd.s32 @!p4 s19, s23;
	s21 =	simm.s32 @!p3 $0x0;
	s7 =	sshll.u32 @!p3 s7, $0x4  }
0x7c: {  	s26 =	simm.s32 @!p3 $0x6800;
	s20 =	smul.u32 @!p4 $0xA, s20;
	s7 =	sadd.s32 @!p3 s6, s7  }
0x7d: {  	[tilespmem:s26], [sflag:$0x8] =	stream.linear.gather @!p3 [hbm4b:s7+s21], $0x1400, $0x38;
	[tilespmem:$0x1B480] =	vst v63  }
0x7e: {  	s7 =	sadd.s32 @!p4 s4, s20;
	s21 =	simm.s32 @!p4 $0x0;
	s26 =	simm.s32 @!p4 $0x180  }
0x7f: {  	[tilespmem:s26], [sflag:$0x4] =	stream.linear.gather @!p4 [hbm4b:s7+s21], $0x50, $0x38;
	[tilespmem:$0x1B480] =	vst v63  }
0x80: {  	s7 =	sadd.s32 @!p4 s5, s20;
	s20 =	simm.s32 @!p4 $0x380  }
0x81: {  	[tilespmem:s20], [sflag:$0x4] =	stream.linear.gather @!p4 [hbm4b:s7+s21], $0x50, $0x38;
	[tilespmem:$0x1B480] =	vst v63  }
.LBB2_17:
0x82: {  	s19 =	sadd.s32 $0x1, s19  }
0x83: {  	p3 =	sne.s32 s19, $0x4B  }
.Ltmp3:
0x84: {  	_ = 	snop;
	(pc) =	sbr.rel @!p3 .LBB2_18-.Ltmp3, $1  }
0x85: {  	_ =	sdelay $0x3  }
.LBB2_2:
0x86: {  	s7 =	sand.u32 $0x3, s19  }
0x87: {  	p3 =	sgt.s32 s7, $0x1  }
.Ltmp4:
0x88: {  	_ = 	snop;
	(pc) =	sbr.rel @p3 .LBB2_13-.Ltmp4, $1  }
0x89: {  	_ =	sdelay $0x3  }
0x8a: {  	p3 =	seq.s32 s7, $0x0  }
.Ltmp5:
0x8b: {  	_ = 	snop;
	(pc) =	sbr.rel @!p3 .LBB2_10-.Ltmp5, $1  }
0x8c: {  	_ =	sdelay $0x3  }
0x8d: {  	_ =	swait.ge [sflag:s13], $0x2800  }
0x8e: {  	[sflag:s13] =	ssyncset.done $0x0  }
0x8f: {  	[sflag:s13] =	ssyncadd.s32 $0xFFFFD800  }
0x90: {  	_ =	swait.ge [sflag:s14], $0x1400  }
0x91: {  	[sflag:s14] =	ssyncset.done $0x0  }
0x92: {  	s28 =	simm.s32 $0x5480;
	[sflag:s14] =	ssyncadd.s32 $0xFFFFEC00  }
0x93: {  	v0 =	vld [tilespmem:s28+$0x0]  }
0x94: {  	v1 =	vld [tilespmem:s28+$0x10]  }
0x95: {  	v2 =	vld [tilespmem:s28+$0x30]  }
0x96: {  	v3 =	vld [tilespmem:s28+$0x20]  }
0x97: {  	v4 =	vld [tilespmem:s28+$0xFFFFFF90]  }
0x98: {  	s20 =	simm.s32 $0x500;
	v5 =	vld [tilespmem:s28+$0xFFFFFFA0]  }
0x99: {  	v6 =	vld [tilespmem:s20+$0x0]  }
0x9a: {  	v7 =	vld [tilespmem:s20+$0x20]  }
0x9b: {  	v8 =	vld [tilespmem:s20+$0x30]  }
0x9c: {  	v9 =	vld [tilespmem:s28+$0xFFFFFFB0]  }
0x9d: {  	v10 =	vld [tilespmem:s28+$0xFFFFFF80]  }
0x9e: {  	v13 =	vld [tilespmem:s20+$0xFFFFFF50]  }
0x9f: {  	s26 =	simm.s32 $0x5580;
	v14 =	vld [tilespmem:s20+$0xFFFFFF60]  }
0xa0: {  	v18 =	vld [tilespmem:s26+$0x0]  }
0xa1: {  	v19 =	vld [tilespmem:s26+$0x10]  }
0xa2: {  	v20 =	vld [tilespmem:s26+$0x30]  }
0xa3: {  	v21 =	vld [tilespmem:s26+$0x20]  }
0xa4: {  	v22 =	vld [tilespmem:s26+$0xFFFFFF90]  }
0xa5: {  	s21 =	simm.s32 $0x700;
	v23 =	vld [tilespmem:s26+$0xFFFFFFA0]  }
0xa6: {  	v24 =	vld [tilespmem:s21+$0x0]  }
0xa7: {  	v58 =	vld [tilespmem:s21+$0x10]  }
0xa8: {  	v25 =	vld [tilespmem:s21+$0x20]  }
0xa9: {  	v26 =	vld [tilespmem:s21+$0x30]  }
0xaa: {  	v27 =	vld [tilespmem:s26+$0xFFFFFFB0]  }
0xab: {  	v28 =	vld [tilespmem:s26+$0xFFFFFF80]  }
0xac: {  	v59 =	vld [tilespmem:s21+$0xFFFFFF00]  }
0xad: {  	v60 =	vld [tilespmem:s21+$0xFFFFFF10]  }
0xae: {  	v62 =	vld [tilespmem:s21+$0xFFFFFF30]  }
0xaf: {  	v63 =	vld [tilespmem:s21+$0xFFFFFF40]  }
0xb0: {  	v38 =	vld [tilespmem:s21+$0xFFFFFF50]  }
0xb1: {  	v31 =	vld [tilespmem:s21+$0xFFFFFF60]  }
0xb2: {  	v41 =	vld [tilespmem:s21+$0x40]  }
0xb3: {  	v43 =	vld [tilespmem:s21+$0x50]  }
0xb4: {  	v44 =	vld [tilespmem:s21+$0x60];
	v1 =	vperm.xlane.i2c.b16 v1;
	v0 =	vperm.xlane.i2c.b16 v0  }
0xb5: {  	v46 =	vld [tilespmem:s21+$0x70];
	v2 =	vperm.xlane.i2c.b16 v2;
	v19 =	vperm.xlane.i2c.b16 v19  }
0xb6: {  	v51 =	vld [tilespmem:s21+$0xFFFFFF80];
	v18 =	vperm.xlane.i2c.b16 v18;
	v20 =	vperm.xlane.i2c.b16 v20  }
0xb7: {  	v54 =	vld [tilespmem:s21+$0x80];
	v0 =	vcombine.low v0, v1;
	v1 =	vperm.xlane.i2c.b16 v3  }
0xb8: {  	v3 =	vld [tilespmem:s20+$0x10];
	v18 =	vcombine.low v18, v19;
	v19 =	vperm.xlane.i2c.b16 v21  }
0xb9: {  	v55 =	vld [tilespmem:s21+$0x90];
	v1 =	vcombine.low v1, v2;
	v2 =	vunpack.c.l.bf16.f32 v0  }
0xba: {  	v56 =	vld [tilespmem:s21+$0xA0];
	v19 =	vcombine.low v19, v20;
	v20 =	vunpack.c.l.bf16.f32 v18  }
0xbb: {  	v57 =	vld [tilespmem:s21+$0xB0];
	v0 =	vunpack.c.u.bf16.f32 v0;
	v2 =	vmul.f32 v6, v2  }
0xbc: {  	v11 =	vunpack.c.l.bf16.f32 v1;
	v6 =	vld [tilespmem:s20+$0xFFFFFF00];
	v20 =	vmul.f32 v24, v20  }
0xbd: {  	v18 =	vunpack.c.u.bf16.f32 v18;
	v1 =	vunpack.c.u.bf16.f32 v1;
	v0 =	vmul.f32 v3, v0;
	v3 =	vld [tilespmem:s20+$0xFFFFFF10];
	[tilespmem:s20+$0x0] =	vst v2  }
0xbe: {  	v4 =	vperm.xlane.i2c.b16 v4;
	v7 =	vmul.f32 v7, v11;
	v2 =	vld [tilespmem:s20+$0xFFFFFF20];
	[tilespmem:s21+$0x0] =	vst v20  }
0xbf: {  	v29 =	vunpack.c.l.bf16.f32 v19;
	v18 =	vmul.f32 v58, v18;
	v1 =	vmul.f32 v8, v1;
	v8 =	vld [tilespmem:s20+$0xFFFFFF30];
	[tilespmem:s20+$0x10] =	vst v0  }
0xc0: {  	v20 =	vld [tilespmem:s21+$0xFFFFFF20];
	v0 =	vperm.xlane.i2c.b16 v5;
	v5 =	vperm.xlane.i2c.b16 v9;
	[tilespmem:s20+$0x20] =	vst v7  }
0xc1: {  	v61 =	vperm.xlane.i2c.b16 v27;
	v19 =	vunpack.c.u.bf16.f32 v19;
	v25 =	vmul.f32 v25, v29;
	v7 =	vld [tilespmem:s20+$0xFFFFFF40];
	[tilespmem:s20+$0x30] =	vst v1  }
0xc2: {  	[tilespmem:s21+$0x10] =	vst v18;
	v18 =	vperm.xlane.i2c.b16 v23;
	v0 =	vcombine.low v0, v5;
	v5 =	vld [tilespmem:s28+$0x40]  }
0xc3: {  	v19 =	vmul.f32 v26, v19;
	v1 =	vperm.xlane.i2c.b16 v10;
	v9 =	vld [tilespmem:s28+$0x50]  }
0xc4: {  	v22 =	vperm.xlane.i2c.b16 v22;
	[tilespmem:s21+$0x20] =	vst v25;
	v18 =	vcombine.low v18, v61;
	v10 =	vld [tilespmem:s28+$0x70]  }
0xc5: {  	[tilespmem:s21+$0x30] =	vst v19;
	v19 =	vperm.xlane.i2c.b16 v28;
	v11 =	vld [tilespmem:s28+$0x60];
	v1 =	vcombine.low v1, v4  }
0xc6: {  	v33 =	vld [tilespmem:s26+$0x40];
	v35 =	vunpack.c.l.bf16.f32 v18;
	v4 =	vunpack.c.l.bf16.f32 v0  }
0xc7: {  	v34 =	vld [tilespmem:s26+$0x50];
	v19 =	vcombine.low v19, v22;
	v0 =	vunpack.c.u.bf16.f32 v0;
	v12 =	vunpack.c.l.bf16.f32 v1  }
0xc8: {  	v36 =	vld [tilespmem:s26+$0x70];
	v20 =	vmul.f32 v20, v35;
	v2 =	vmul.f32 v2, v4  }
0xc9: {  	v37 =	vld [tilespmem:s26+$0x60];
	v1 =	vunpack.c.u.bf16.f32 v1;
	v0 =	vmul.f32 v8, v0;
	v4 =	vmul.f32 v6, v12  }
0xca: {  	v8 =	vld [tilespmem:s20+$0x40];
	v6 =	vperm.xlane.i2c.b16 v9;
	v5 =	vperm.xlane.i2c.b16 v5;
	[tilespmem:s21+$0xFFFFFF20] =	vst v20  }
0xcb: {  	v18 =	vunpack.c.u.bf16.f32 v18;
	v1 =	vmul.f32 v3, v1;
	v3 =	vperm.xlane.i2c.b16 v10;
	v20 =	vld [tilespmem:s21+$0xFFFFFF70];
	[tilespmem:s20+$0xFFFFFF20] =	vst v2  }
0xcc: {  	v30 =	vunpack.c.l.bf16.f32 v19;
	[tilespmem:s20+$0xFFFFFF00] =	vst v4;
	v4 =	vcombine.low v5, v6;
	v5 =	vperm.xlane.i2c.b16 v11;
	v6 =	vld [tilespmem:s20+$0x50]  }
0xcd: {  	v19 =	vunpack.c.u.bf16.f32 v19;
	v18 =	vmul.f32 v62, v18;
	[tilespmem:s20+$0xFFFFFF10] =	vst v1;
	v1 =	vld [tilespmem:s20+$0x60]  }
0xce: {  	v24 =	vmul.f32 v59, v30;
	[tilespmem:s20+$0xFFFFFF30] =	vst v0;
	v0 =	vcombine.low v5, v3;
	v3 =	vunpack.c.l.bf16.f32 v4;
	v5 =	vld [tilespmem:s20+$0x70]  }
0xcf: {  	v19 =	vmul.f32 v60, v19;
	[tilespmem:s21+$0xFFFFFF30] =	vst v18;
	v9 =	vld [tilespmem:s28+$0xFFFFFFC0];
	v4 =	vunpack.c.u.bf16.f32 v4  }
0xd0: {  	[tilespmem:s21+$0xFFFFFF00] =	vst v24;
	v10 =	vld [tilespmem:s28+$0xFFFFFFD0];
	v11 =	vunpack.c.l.bf16.f32 v0;
	v3 =	vmul.f32 v8, v3  }
0xd1: {  	v2 =	vld [tilespmem:s20+$0xFFFFFF70];
	[tilespmem:s21+$0xFFFFFF10] =	vst v19;
	v0 =	vunpack.c.u.bf16.f32 v0;
	v4 =	vmul.f32 v6, v4  }
0xd2: {  	v47 =	vld [tilespmem:s26+$0xFFFFFFD0];
	v1 =	vmul.f32 v1, v11;
	[tilespmem:s20+$0x40] =	vst v3  }
0xd3: {  	v3 =	vld [tilespmem:s28+$0xFFFFFFE0];
	v0 =	vmul.f32 v5, v0;
	[tilespmem:s20+$0x50] =	vst v4  }
0xd4: {  	v5 =	vld [tilespmem:s28+$0xFFFFFFF0];
	[tilespmem:s20+$0x60] =	vst v1  }
0xd5: {  	v49 =	vld [tilespmem:s26+$0xFFFFFFE0];
	v6 =	vperm.xlane.i2c.b16 v10;
	v1 =	vperm.xlane.i2c.b16 v9;
	[tilespmem:s20+$0x70] =	vst v0  }
0xd6: {  	v0 =	vld [tilespmem:s28+$0x0]  }
0xd7: {  	v1 =	vcombine.low v1, v6;
	v6 =	vld [tilespmem:s28+$0x10]  }
0xd8: {  	v11 =	vld [tilespmem:s20+$0xFFFFFF90]  }
0xd9: {  	v8 =	vld [tilespmem:s28+$0x30];
	v3 =	vperm.xlane.i2c.b16 v3;
	v5 =	vperm.xlane.i2c.b16 v5  }
0xda: {  	v12 =	vld [tilespmem:s28+$0x20]  }
0xdb: {  	v10 =	vld [tilespmem:s20+$0xFFFFFFA0];
	v9 =	vunpack.c.l.bf16.f32 v1;
	v1 =	vunpack.c.u.bf16.f32 v1;
	v3 =	vcombine.low v3, v5  }
0xdc: {  	v4 =	vld [tilespmem:s20+$0xFFFFFF80];
	v6 =	vperm.xlane.i2c.b16 v6;
	v0 =	vperm.xlane.i2c.b16 v0  }
0xdd: {  	v7 =	vmul.f32 v7, v9;
	v5 =	vld [tilespmem:s20+$0xFFFFFFB0];
	v1 =	vmul.f32 v13, v1;
	v9 =	vunpack.c.l.bf16.f32 v3  }
0xde: {  	v13 =	vld [tilespmem:s20+$0x80];
	v8 =	vperm.xlane.i2c.b16 v8;
	v3 =	vunpack.c.u.bf16.f32 v3;
	v0 =	vcombine.high v0, v6  }
0xdf: {  	[tilespmem:s20+$0xFFFFFF40] =	vst v7;
	v6 =	vperm.xlane.i2c.b16 v12;
	v12 =	vld [tilespmem:s20+$0x90];
	v7 =	vmul.f32 v14, v9  }
0xe0: {  	[tilespmem:s20+$0xFFFFFF50] =	vst v1;
	v9 =	vld [tilespmem:s20+$0xA0];
	v2 =	vmul.f32 v2, v3  }
0xe1: {  	v1 =	vcombine.high v6, v8;
	v3 =	vunpack.c.l.bf16.f32 v0;
	v6 =	vld [tilespmem:s20+$0xB0];
	[tilespmem:s20+$0xFFFFFF60] =	vst v7  }
0xe2: {  	v27 =	vperm.xlane.i2c.b16 v34;
	v8 =	vld [tilespmem:s20+$0xE0];
	[tilespmem:s20+$0xFFFFFF70] =	vst v2  }
0xe3: {  	v23 =	vperm.xlane.i2c.b16 v33;
	v3 =	vmul.f32 v13, v3;
	v13 =	vld [tilespmem:s28+$0xFFFFFF80]  }
0xe4: {  	v0 =	vunpack.c.u.bf16.f32 v0;
	v14 =	vld [tilespmem:s28+$0xFFFFFFA0]  }
0xe5: {  	v40 =	vperm.xlane.i2c.b16 v36;
	v23 =	vcombine.low v23, v27;
	v2 =	vunpack.c.l.bf16.f32 v1;
	v15 =	vld [tilespmem:s28+$0xFFFFFFB0]  }
0xe6: {  	v42 =	vperm.xlane.i2c.b16 v37;
	v1 =	vunpack.c.u.bf16.f32 v1;
	v0 =	vmul.f32 v12, v0;
	v12 =	vld [tilespmem:s28+$0xFFFFFF90]  }
0xe7: {  	v45 =	vunpack.c.l.bf16.f32 v23;
	v7 =	vld [tilespmem:s20+$0xFFFFFFD0];
	v2 =	vmul.f32 v9, v2;
	[tilespmem:s20+$0x80] =	vst v3  }
0xe8: {  	v19 =	vcombine.low v42, v40;
	v3 =	vld [tilespmem:s20+$0xD0];
	v1 =	vmul.f32 v6, v1;
	[tilespmem:s20+$0x90] =	vst v0  }
0xe9: {  	v21 =	vmul.f32 v41, v45;
	v9 =	vld [tilespmem:s20+$0xF0];
	[tilespmem:s20+$0xA0] =	vst v2  }
0xea: {  	v27 =	vunpack.c.l.bf16.f32 v19;
	v6 =	vld [tilespmem:s20+$0xFFFFFFC0];
	[tilespmem:s20+$0xB0] =	vst v1;
	v14 =	vperm.xlane.i2c.b16 v14;
	v15 =	vperm.xlane.i2c.b16 v15  }
0xeb: {  	v23 =	vunpack.c.u.bf16.f32 v23;
	v13 =	vperm.xlane.i2c.b16 v13;
	v16 =	vld [tilespmem:s28+$0x60];
	v12 =	vperm.xlane.i2c.b16 v12  }
0xec: {  	v19 =	vunpack.c.u.bf16.f32 v19;
	v24 =	vmul.f32 v44, v27;
	v17 =	vld [tilespmem:s28+$0x70];
	v14 =	vcombine.high v14, v15  }
0xed: {  	[tilespmem:s21+$0x40] =	vst v21;
	v15 =	vmul.f32 v43, v23;
	v12 =	vcombine.high v13, v12;
	v13 =	vld [tilespmem:s26+$0xFFFFFFC0]  }
0xee: {  	v19 =	vmul.f32 v46, v19;
	[tilespmem:s21+$0x60] =	vst v24;
	v0 =	vld [tilespmem:s20+$0xFFFFFFF0];
	v50 =	vunpack.c.l.bf16.f32 v14  }
0xef: {  	[tilespmem:s21+$0x50] =	vst v15;
	v15 =	vld [tilespmem:s26+$0xFFFFFFF0];
	v48 =	vunpack.c.l.bf16.f32 v12;
	v12 =	vunpack.c.u.bf16.f32 v12  }
0xf0: {  	[tilespmem:s21+$0x70] =	vst v19;
	v19 =	vperm.xlane.i2c.b16 v47;
	v18 =	vld [tilespmem:s28+$0x50];
	v10 =	vmul.f32 v10, v50  }
0xf1: {  	v52 =	vld [tilespmem:s26+$0x0];
	v17 =	vperm.xlane.i2c.b16 v17;
	v11 =	vmul.f32 v11, v12;
	v12 =	vunpack.c.u.bf16.f32 v14  }
0xf2: {  	v53 =	vld [tilespmem:s26+$0x20];
	v16 =	vperm.xlane.i2c.b16 v16;
	v13 =	vperm.xlane.i2c.b16 v13  }
0xf3: {  	v5 =	vmul.f32 v5, v12;
	v12 =	vld [tilespmem:s26+$0x10];
	[tilespmem:s20+$0xFFFFFF90] =	vst v11;
	v11 =	vperm.xlane.i2c.b16 v49  }
0xf4: {  	v15 =	vperm.xlane.i2c.b16 v15;
	v13 =	vcombine.low v13, v19;
	v19 =	vld [tilespmem:s26+$0x30]  }
0xf5: {  	v2 =	vld [tilespmem:s20+$0xC0];
	v18 =	vperm.xlane.i2c.b16 v18;
	v4 =	vmul.f32 v4, v48  }
0xf6: {  	v39 =	vld [tilespmem:s28+$0x40];
	[tilespmem:s20+$0xFFFFFFA0] =	vst v10;
	v16 =	vcombine.high v16, v17;
	v11 =	vcombine.low v11, v15;
	v10 =	vunpack.c.l.bf16.f32 v13  }
0xf7: {  	v1 =	vld [tilespmem:s20+$0xFFFFFFE0];
	v23 =	vperm.xlane.i2c.b16 v52;
	v21 =	vperm.xlane.i2c.b16 v53;
	v13 =	vunpack.c.u.bf16.f32 v13  }
0xf8: {  	v14 =	vld [tilespmem:s21+$0xFFFFFF90];
	[tilespmem:s20+$0xFFFFFF80] =	vst v4;
	v17 =	vunpack.c.l.bf16.f32 v11;
	v10 =	vmul.f32 v63, v10;
	v12 =	vperm.xlane.i2c.b16 v12  }
0xf9: {  	v4 =	vld [tilespmem:s21+$0xFFFFFFA0];
	[tilespmem:s20+$0xFFFFFFB0] =	vst v5;
	v11 =	vunpack.c.u.bf16.f32 v11;
	v13 =	vmul.f32 v38, v13;
	v19 =	vperm.xlane.i2c.b16 v19  }
0xfa: {  	v15 =	vld [tilespmem:s28+$0xFFFFFFC0];
	v17 =	vmul.f32 v31, v17;
	v12 =	vcombine.high v23, v12;
	[tilespmem:s21+$0xFFFFFF40] =	vst v10  }
0xfb: {  	v58 =	vperm.xlane.i2c.b16 v39;
	v5 =	vld [tilespmem:s21+$0xFFFFFFB0];
	v11 =	vmul.f32 v20, v11;
	v10 =	vunpack.c.u.bf16.f32 v16;
	[tilespmem:s21+$0xFFFFFF50] =	vst v13  }
0xfc: {  	v20 =	vld [tilespmem:s28+$0xFFFFFFD0];
	v19 =	vcombine.high v21, v19;
	[tilespmem:s21+$0xFFFFFF60] =	vst v17;
	v13 =	vunpack.c.l.bf16.f32 v12  }
0xfd: {  	v18 =	vcombine.high v58, v18;
	[tilespmem:s21+$0xFFFFFF70] =	vst v11;
	v9 =	vmul.f32 v9, v10;
	v10 =	vunpack.c.u.bf16.f32 v12;
	v12 =	vld [tilespmem:s28+$0xFFFFFFE0]  }
0xfe: {  	v16 =	vunpack.c.l.bf16.f32 v16;
	v59 =	vld [tilespmem:s26+$0xFFFFFF80];
	v17 =	vunpack.c.l.bf16.f32 v19;
	v11 =	vmul.f32 v54, v13  }
0xff: {  	v15 =	vperm.xlane.i2c.b16 v15;
	v60 =	vld [tilespmem:s26+$0xFFFFFF90];
	v19 =	vunpack.c.u.bf16.f32 v19;
	v10 =	vmul.f32 v55, v10;
	[tilespmem:s20+$0xF0] =	vst v9  }
0x100: {  	v16 =	vmul.f32 v8, v16;
	v13 =	vld [tilespmem:s28+$0xFFFFFFF0];
	v17 =	vmul.f32 v56, v17;
	[tilespmem:s21+$0x80] =	vst v11  }
0x101: {  	v8 =	vld [tilespmem:s26+$0xFFFFFFB0];
	v20 =	vperm.xlane.i2c.b16 v20;
	v19 =	vmul.f32 v57, v19;
	v11 =	vunpack.c.u.bf16.f32 v18;
	[tilespmem:s21+$0x90] =	vst v10  }
0x102: {  	v10 =	vld [tilespmem:s26+$0xFFFFFFA0];
	[tilespmem:s21+$0xA0] =	vst v17;
	v12 =	vperm.xlane.i2c.b16 v12  }
0x103: {  	v9 =	vld [tilespmem:s21+$0xFFFFFFF0];
	v18 =	vunpack.c.l.bf16.f32 v18;
	[tilespmem:s21+$0xB0] =	vst v19;
	v11 =	vmul.f32 v3, v11;
	v3 =	vcombine.high v15, v20  }
0x104: {  	v19 =	vperm.xlane.i2c.b16 v59;
	v15 =	vld [tilespmem:s26+$0x60];
	v20 =	vperm.xlane.i2c.b16 v60  }
0x105: {  	v17 =	vmul.f32 v2, v18;
	v61 =	vld [tilespmem:s26+$0x70];
	v13 =	vperm.xlane.i2c.b16 v13;
	v18 =	vunpack.c.u.bf16.f32 v3  }
0x106: {  	v2 =	vld [tilespmem:s21+$0xFFFFFFC0];
	v62 =	vunpack.c.l.bf16.f32 v3;
	v19 =	vcombine.high v19, v20;
	v20 =	vperm.xlane.i2c.b16 v8  }
0x107: {  	[tilespmem:s20+$0xE0] =	vst v16;
	v3 =	vld [tilespmem:s21+$0xFFFFFFD0];
	v12 =	vcombine.high v12, v13;
	v13 =	vperm.xlane.i2c.b16 v10  }
0x108: {  	v8 =	vld [tilespmem:s21+$0xFFFFFFE0];
	[tilespmem:s20+$0xC0] =	vst v17;
	v16 =	vmul.f32 v6, v62;
	v18 =	vmul.f32 v7, v18  }
0x109: {  	[tilespmem:s20+$0xD0] =	vst v11;
	v11 =	vld [tilespmem:s21+$0xF0];
	v10 =	vunpack.c.u.bf16.f32 v12;
	v17 =	vcombine.high v13, v20;
	v20 =	vunpack.c.l.bf16.f32 v19  }
0x10a: {  	v6 =	vld [tilespmem:s21+$0xC0];
	v19 =	vunpack.c.u.bf16.f32 v19;
	v21 =	vperm.xlane.i2c.b16 v61;
	v63 =	vperm.xlane.i2c.b16 v15;
	[tilespmem:s20+$0xFFFFFFC0] =	vst v16  }
0x10b: {  	v7 =	vld [tilespmem:s21+$0xD0];
	[tilespmem:s20+$0xFFFFFFD0] =	vst v18;
	v15 =	vunpack.c.u.bf16.f32 v17;
	v16 =	vmul.f32 v51, v20;
	v18 =	vunpack.c.l.bf16.f32 v17  }
0x10c: {  	s7 =	simm.s32 $0x5680;
	s28 =	simm.s32 $0x2;
	v13 =	vunpack.c.l.bf16.f32 v12;
	v12 =	vld [tilespmem:s21+$0xE0];
	v17 =	vmul.f32 v14, v19;
	v14 =	vcombine.high v63, v21  }
.LBB2_5:
0x10d: {  	v19 =	vld [tilespmem:s7+$0x0];
	v4 =	vmul.f32 v4, v18;
	v5 =	vmul.f32 v5, v15;
	[tilespmem:s21+$0xFFFFFF80] =	vst v16  }
0x10e: {  	v13 =	vmul.f32 v1, v13;
	v1 =	vmovc v8;
	v15 =	vld [tilespmem:s7+$0x10];
	[tilespmem:s21+$0xFFFFFF90] =	vst v17;
	v16 =	vunpack.c.u.bf16.f32 v14;
	v14 =	vunpack.c.l.bf16.f32 v14  }
0x10f: {  	v8 =	vld [tilespmem:s7+$0x20];
	[tilespmem:s21+$0xFFFFFFA0] =	vst v4;
	v4 =	vmul.f32 v0, v10;
	v0 =	vmov v9  }
0x110: {  	v9 =	vld [tilespmem:s7+$0x30];
	[tilespmem:s21+$0xFFFFFFB0] =	vst v5;
	v5 =	vmul.f32 v11, v16  }
0x111: {  	v10 =	vld [tilespmem:s26+$0x40];
	v11 =	vmul.f32 v12, v14;
	[tilespmem:s20+$0xFFFFFFE0] =	vst v13  }
0x112: {  	v12 =	vld [tilespmem:s26+$0x50];
	[tilespmem:s21+$0xF0] =	vst v5  }
0x113: {  	v5 =	vld [tilespmem:s7+$0xFFFFFF90];
	[tilespmem:s20+$0xFFFFFFF0] =	vst v4;
	s20 =	smov.u32 s21  }
0x114: {  	v14 =	vperm.xlane.i2c.b16 v19;
	v13 =	vperm.xlane.i2c.b16 v15;
	s21 =	sadd.s32 $0x200, s21;
	v4 =	vld [tilespmem:s7+$0xFFFFFFA0];
	[tilespmem:s20+$0xE0] =	vst v11  }
0x115: {  	v9 =	vperm.xlane.i2c.b16 v9;
	v11 =	vld [tilespmem:s21+$0x0]  }
0x116: {  	v8 =	vperm.xlane.i2c.b16 v8;
	v13 =	vcombine.low v14, v13;
	v14 =	vld [tilespmem:s21+$0x10]  }
0x117: {  	v10 =	vperm.xlane.i2c.b16 v10;
	v15 =	vld [tilespmem:s21+$0x20];
	v12 =	vperm.xlane.i2c.b16 v12  }
0x118: {  	v8 =	vcombine.low v8, v9;
	v9 =	vunpack.c.l.bf16.f32 v13;
	v5 =	vperm.xlane.i2c.b16 v5;
	v16 =	vld [tilespmem:s21+$0x30]  }
0x119: {  	v13 =	vunpack.c.u.bf16.f32 v13;
	v17 =	vld [tilespmem:s7+$0xFFFFFFB0];
	v4 =	vperm.xlane.i2c.b16 v4;
	v10 =	vcombine.high v10, v12  }
0x11a: {  	v18 =	vunpack.c.l.bf16.f32 v8;
	v12 =	vld [tilespmem:s7+$0xFFFFFF80];
	v9 =	vmul.f32 v11, v9  }
0x11b: {  	s28 =	sadd.s32 $0x2, s28;
	v8 =	vunpack.c.u.bf16.f32 v8;
	v11 =	vld [tilespmem:s21+$0xFFFFFF00];
	v13 =	vmul.f32 v14, v13;
	v14 =	vunpack.c.u.bf16.f32 v10  }
0x11c: {  	p3 =	slt.u32 s28, $0x26;
	v19 =	vld [tilespmem:s21+$0xFFFFFF10];
	v15 =	vmul.f32 v15, v18;
	[tilespmem:s21+$0x0] =	vst v9;
	v9 =	vunpack.c.l.bf16.f32 v10  }
0x11d: {  	v10 =	vld [tilespmem:s21+$0xFFFFFF20];
	v8 =	vmul.f32 v16, v8;
	[tilespmem:s21+$0x10] =	vst v13;
	v7 =	vmul.f32 v7, v14  }
0x11e: {  	v13 =	vperm.xlane.i2c.b16 v17;
	v14 =	vld [tilespmem:s21+$0xFFFFFF30];
	[tilespmem:s21+$0x20] =	vst v15;
	v6 =	vmul.f32 v6, v9  }
0x11f: {  	v9 =	vperm.xlane.i2c.b16 v12;
	v12 =	vld [tilespmem:s21+$0xFFFFFF40];
	[tilespmem:s21+$0x30] =	vst v8  }
0x120: {  	v4 =	vcombine.low v4, v13;
	v8 =	vld [tilespmem:s7+$0x40];
	[tilespmem:s20+$0xC0] =	vst v6  }
0x121: {  	v5 =	vcombine.low v9, v5;
	v6 =	vld [tilespmem:s7+$0x50];
	[tilespmem:s20+$0xD0] =	vst v7  }
0x122: {  	v7 =	vunpack.c.u.bf16.f32 v4;
	v4 =	vunpack.c.l.bf16.f32 v4;
	v9 =	vld [tilespmem:s7+$0x70]  }
0x123: {  	v13 =	vunpack.c.u.bf16.f32 v5;
	v5 =	vunpack.c.l.bf16.f32 v5;
	v15 =	vld [tilespmem:s7+$0x60]  }
0x124: {  	v4 =	vmul.f32 v10, v4;
	v7 =	vmul.f32 v14, v7;
	v10 =	vld [tilespmem:s21+$0xFFFFFF50]  }
0x125: {  	v5 =	vmul.f32 v11, v5;
	v11 =	vmul.f32 v19, v13;
	v13 =	vld [tilespmem:s21+$0xFFFFFF60]  }
0x126: {  	[tilespmem:s21+$0xFFFFFF20] =	vst v4;
	v14 =	vld [tilespmem:s21+$0xFFFFFF70];
	v4 =	vperm.xlane.i2c.b16 v6;
	v6 =	vperm.xlane.i2c.b16 v8  }
0x127: {  	[tilespmem:s21+$0xFFFFFF00] =	vst v5;
	v5 =	vperm.xlane.i2c.b16 v9;
	v8 =	vld [tilespmem:s21+$0x40]  }
0x128: {  	[tilespmem:s21+$0xFFFFFF10] =	vst v11;
	v4 =	vcombine.low v6, v4;
	v6 =	vperm.xlane.i2c.b16 v15;
	v9 =	vld [tilespmem:s21+$0x50]  }
0x129: {  	[tilespmem:s21+$0xFFFFFF30] =	vst v7;
	v7 =	vld [tilespmem:s21+$0x60]  }
0x12a: {  	v5 =	vcombine.low v6, v5;
	v6 =	vunpack.c.l.bf16.f32 v4;
	v11 =	vld [tilespmem:s21+$0x70]  }
0x12b: {  	v4 =	vunpack.c.u.bf16.f32 v4;
	v15 =	vld [tilespmem:s7+$0xFFFFFFC0]  }
0x12c: {  	v16 =	vld [tilespmem:s7+$0xFFFFFFD0];
	v17 =	vunpack.c.l.bf16.f32 v5;
	v6 =	vmul.f32 v8, v6  }
0x12d: {  	v5 =	vunpack.c.u.bf16.f32 v5;
	v8 =	vld [tilespmem:s7+$0xFFFFFFE0];
	v4 =	vmul.f32 v9, v4  }
0x12e: {  	v9 =	vld [tilespmem:s7+$0xFFFFFFF0];
	v7 =	vmul.f32 v7, v17;
	[tilespmem:s21+$0x40] =	vst v6  }
0x12f: {  	v17 =	vld [tilespmem:s21+$0xFFFFFF80];
	v5 =	vmul.f32 v11, v5;
	[tilespmem:s21+$0x50] =	vst v4  }
0x130: {  	v6 =	vperm.xlane.i2c.b16 v15;
	v19 =	vld [tilespmem:s21+$0xFFFFFF90];
	[tilespmem:s21+$0x60] =	vst v7  }
0x131: {  	v7 =	vperm.xlane.i2c.b16 v16;
	v4 =	vld [tilespmem:s21+$0xFFFFFFA0];
	[tilespmem:s21+$0x70] =	vst v5  }
0x132: {  	v5 =	vperm.xlane.i2c.b16 v8;
	v8 =	vld [tilespmem:s7+$0x0]  }
0x133: {  	v6 =	vcombine.low v6, v7;
	v7 =	vperm.xlane.i2c.b16 v9;
	v9 =	vld [tilespmem:s7+$0x10]  }
0x134: {  	v11 =	vld [tilespmem:s7+$0x30]  }
0x135: {  	v7 =	vcombine.low v5, v7;
	v15 =	vunpack.c.u.bf16.f32 v6;
	v6 =	vunpack.c.l.bf16.f32 v6;
	v16 =	vld [tilespmem:s7+$0x20]  }
0x136: {  	v5 =	vld [tilespmem:s21+$0xFFFFFFB0]  }
0x137: {  	v18 =	vunpack.c.u.bf16.f32 v7;
	v7 =	vunpack.c.l.bf16.f32 v7;
	v6 =	vmul.f32 v12, v6;
	v12 =	vld [tilespmem:s26+$0xFFFFFFC0]  }
0x138: {  	v8 =	vperm.xlane.i2c.b16 v8;
	v9 =	vperm.xlane.i2c.b16 v9;
	v20 =	vld [tilespmem:s26+$0xFFFFFFD0]  }
0x139: {  	v10 =	vmul.f32 v10, v15;
	[tilespmem:s21+$0xFFFFFF40] =	vst v6;
	v6 =	vperm.xlane.i2c.b16 v11;
	v11 =	vld [tilespmem:s21+$0x80]  }
0x13a: {  	v8 =	vcombine.high v8, v9;
	v9 =	vperm.xlane.i2c.b16 v16;
	v15 =	vld [tilespmem:s21+$0x90]  }
0x13b: {  	v7 =	vmul.f32 v13, v7;
	v13 =	vmul.f32 v14, v18;
	[tilespmem:s21+$0xFFFFFF50] =	vst v10;
	v10 =	vld [tilespmem:s21+$0xA0]  }
0x13c: {  	v6 =	vcombine.high v9, v6;
	v9 =	vunpack.c.l.bf16.f32 v8;
	v14 =	vld [tilespmem:s21+$0xB0];
	v12 =	vperm.xlane.i2c.b16 v12  }
0x13d: {  	[tilespmem:s21+$0xFFFFFF60] =	vst v7;
	v7 =	vunpack.c.u.bf16.f32 v8;
	v8 =	vld [tilespmem:s26+$0xFFFFFFE0];
	v16 =	vperm.xlane.i2c.b16 v20  }
0x13e: {  	[tilespmem:s21+$0xFFFFFF70] =	vst v13;
	v13 =	vunpack.c.l.bf16.f32 v6;
	v9 =	vmul.f32 v11, v9;
	v11 =	vld [tilespmem:s26+$0xFFFFFFF0];
	s26 =	smov.u32 s7  }
0x13f: {  	v6 =	vunpack.c.u.bf16.f32 v6;
	v18 =	vld [tilespmem:s7+$0xFFFFFF80];
	v7 =	vmul.f32 v15, v7;
	v12 =	vcombine.high v12, v16  }
0x140: {  	v15 =	vld [tilespmem:s7+$0xFFFFFF90];
	v10 =	vmul.f32 v10, v13;
	[tilespmem:s21+$0x80] =	vst v9  }
0x141: {  	v9 =	vld [tilespmem:s7+$0xFFFFFFA0];
	v6 =	vmul.f32 v14, v6;
	[tilespmem:s21+$0x90] =	vst v7;
	v7 =	vunpack.c.u.bf16.f32 v12;
	v12 =	vunpack.c.l.bf16.f32 v12  }
0x142: {  	v13 =	vld [tilespmem:s7+$0xFFFFFFB0];
	[tilespmem:s21+$0xA0] =	vst v10;
	v8 =	vperm.xlane.i2c.b16 v8  }
0x143: {  	[tilespmem:s21+$0xB0] =	vst v6;
	v6 =	vperm.xlane.i2c.b16 v11;
	v10 =	vmul.f32 v2, v12;
	v2 =	vld [tilespmem:s21+$0xFFFFFFC0]  }
0x144: {  	v7 =	vmul.f32 v3, v7;
	v11 =	vperm.xlane.i2c.b16 v18;
	v12 =	vld [tilespmem:s7+$0x60]  }
0x145: {  	v14 =	vperm.xlane.i2c.b16 v15;
	v15 =	vld [tilespmem:s7+$0x70];
	v6 =	vcombine.high v8, v6;
	[tilespmem:s20+$0xFFFFFFC0] =	vst v10  }
0x146: {  	v16 =	vperm.xlane.i2c.b16 v9;
	v3 =	vld [tilespmem:s21+$0xFFFFFFD0];
	[tilespmem:s20+$0xFFFFFFD0] =	vst v7  }
0x147: {  	v7 =	vcombine.high v11, v14;
	v11 =	vperm.xlane.i2c.b16 v13;
	v8 =	vld [tilespmem:s21+$0xFFFFFFE0];
	v10 =	vunpack.c.u.bf16.f32 v6  }
.Ltmp6:
0x148: {  	v13 =	vunpack.c.l.bf16.f32 v6;
	v9 =	vld [tilespmem:s21+$0xFFFFFFF0];
	(pc) =	sbr.rel @p3 .LBB2_5-.Ltmp6, $4  }
0x149: {  	v11 =	vcombine.high v16, v11;
	v14 =	vunpack.c.u.bf16.f32 v7;
	v16 =	vunpack.c.l.bf16.f32 v7;
	v6 =	vld [tilespmem:s21+$0xC0]  }
0x14a: {  	v12 =	vperm.xlane.i2c.b16 v12;
	v20 =	vperm.xlane.i2c.b16 v15;
	v7 =	vld [tilespmem:s21+$0xD0]  }
0x14b: {  	v15 =	vunpack.c.u.bf16.f32 v11;
	v18 =	vunpack.c.l.bf16.f32 v11;
	v16 =	vmul.f32 v17, v16;
	v11 =	vld [tilespmem:s21+$0xF0]  }
0x14c: {  	s7 =	sadd.s32 $0x100, s7;
	v17 =	vmul.f32 v19, v14;
	v14 =	vcombine.high v12, v20;
	v12 =	vld [tilespmem:s21+$0xE0]  }
0x14d: {  	v4 =	vmul.f32 v4, v18;
	[tilespmem:s21+$0xFFFFFF80] =	vst v16  }
0x14e: {  	v5 =	vmul.f32 v5, v15;
	v44 =	vld [tilespmem:s26+$0x40];
	[tilespmem:s21+$0xFFFFFF90] =	vst v17  }
0x14f: {  	v45 =	vld [tilespmem:s26+$0x50];
	[tilespmem:s21+$0xFFFFFFA0] =	vst v4  }
0x150: {  	[tilespmem:s21+$0xFFFFFFB0] =	vst v5  }
0x151: {  	v46 =	vld [tilespmem:s26+$0xFFFFFFC0]  }
0x152: {  	v16 =	vld [tilespmem:s26+$0xFFFFFFD0]  }
0x153: {  	v17 =	vld [tilespmem:s26+$0xFFFFFFE0]  }
0x154: {  	v47 =	vld [tilespmem:s26+$0xFFFFFFF0];
	v5 =	vperm.xlane.i2c.b16 v45;
	v4 =	vperm.xlane.i2c.b16 v44  }
0x155: {  	v1 =	vmul.f32 v1, v13  }
0x156: {  	v0 =	vmul.f32 v0, v10;
	v48 =	vunpack.c.u.bf16.f32 v14;
	v4 =	vcombine.high v4, v5  }
0x157: {  	v15 =	vperm.xlane.i2c.b16 v46;
	v16 =	vperm.xlane.i2c.b16 v16  }
0x158: {  	v49 =	vunpack.c.l.bf16.f32 v14;
	v50 =	vmul.f32 v11, v48;
	v53 =	vperm.xlane.i2c.b16 v17  }
0x159: {  	[tilespmem:s20+$0xFFFFFFE0] =	vst v1;
	v13 =	vperm.xlane.i2c.b16 v47;
	v52 =	vunpack.c.l.bf16.f32 v4;
	v51 =	vcombine.high v15, v16  }
0x15a: {  	[tilespmem:s20+$0xFFFFFFF0] =	vst v0;
	v5 =	vmul.f32 v12, v49;
	v4 =	vunpack.c.u.bf16.f32 v4  }
0x15b: {  	[tilespmem:s21+$0xF0] =	vst v50;
	v56 =	vcombine.high v53, v13;
	v54 =	vmul.f32 v6, v52;
	v55 =	vunpack.c.l.bf16.f32 v51  }
0x15c: {  	[tilespmem:s21+$0xE0] =	vst v5;
	v4 =	vmul.f32 v7, v4;
	v57 =	vunpack.c.u.bf16.f32 v51  }
0x15d: {  	v59 =	vunpack.c.l.bf16.f32 v56;
	[tilespmem:s21+$0xC0] =	vst v54;
	v58 =	vmul.f32 v2, v55  }
0x15e: {  	v61 =	vunpack.c.u.bf16.f32 v56;
	[tilespmem:s21+$0xD0] =	vst v4;
	v60 =	vmul.f32 v3, v57  }
0x15f: {  	v62 =	vmul.f32 v8, v59;
	[tilespmem:s21+$0xFFFFFFC0] =	vst v58  }
0x160: {  	v63 =	vmul.f32 v9, v61;
	[tilespmem:s21+$0xFFFFFFD0] =	vst v60  }
0x161: {  	[tilespmem:s21+$0xFFFFFFE0] =	vst v62  }
0x162: {  	[tilespmem:s21+$0xFFFFFFF0] =	vst v63  }
0x163: {  	[spmem:s2] =	stream.indirect.scatter.add.f32 [tilespmem:s31], [sflag:$0x9], $0x80, s30, s9, $0xb8;
	[tilespmem:$0x1B480] =	vst v63  }
0x164: {  	_ =	swait.ge [sflag:s29], $0x2800  }
0x165: {  	p3 =	sgt.u32 s19, $0x48;
	[sflag:s29] =	ssyncset.done $0x0  }
0x166: {  	s7 =	simm.s32 @!p3 $0x3;
	[sflag:s29] =	ssyncadd.s32 $0xFFFFD800  }
0x167: {  	_ =	swait.ge @!p3 [sflag:s7], $0x50  }
0x168: {  	[sflag:s7] =	ssyncset.done @!p3 $0x0  }
0x169: {  	[sflag:s7] =	ssyncadd.s32 @!p3 $0xFFFFFFB0  }
0x16a: {  	p4 =	sgt.u32 @!p3 s19, $0x46;
	_ =	swait.ge @!p3 [sflag:s7], $0x50  }
0x16b: {  	s20 =	simm.s32 @!p3 $0x100;
	s26 =	smul.u32 @!p3 $0x28, s19;
	[sflag:s7] =	ssyncset.done @!p3 $0x0  }
0x16c: {  	s21 =	simm.s32 @!p3 $0x400;
	[sflag:s7] =	ssyncadd.s32 @!p3 $0xFFFFFFB0;
	s7 =	simm.s32 @!p3 $0x50  }
0x16d: {  	[tilespmem:s21], [sflag:$0x5] =	stream.indirect.gather @!p3 [hbm4b:s1+s7], $0x80, s20, s7, $0xb8;
	[tilespmem:$0x1B480] =	vst v63  }
0x16e: {  	p4 =	por p4, p3;
	s7 =	sadd.s32 @!p3 s26, s22  }
0x16f: {  	s20 =	sadd.s32 @!p4 s19, s23;
	s21 =	simm.s32 @!p3 $0x0;
	s7 =	sshll.u32 @!p3 s7, $0x4  }
0x170: {  	s26 =	simm.s32 @!p3 $0x5400;
	s20 =	smul.u32 @!p4 $0xA, s20;
	s7 =	sadd.s32 @!p3 s6, s7  }
0x171: {  	[tilespmem:s26], [sflag:$0x7] =	stream.linear.gather @!p3 [hbm4b:s7+s21], $0x1400, $0x38;
	[tilespmem:$0x1B480] =	vst v63  }
.Ltmp7:
0x172: {  	_ = 	snop;
	(pc) =	sbr.rel .LBB2_17-.Ltmp7, $4  }
0x173: {  	s7 =	sadd.s32 @!p4 s4, s20;
	s21 =	simm.s32 @!p4 $0x0  }
0x174: {  	[tilespmem:s21], [sflag:$0x1] =	stream.linear.gather @!p4 [hbm4b:s7+s21], $0x50, $0x38;
	[tilespmem:$0x1B480] =	vst v63  }
0x175: {  	s7 =	sadd.s32 @!p4 s5, s20;
	s20 =	simm.s32 @!p4 $0x200  }
0x176: {  	[tilespmem:s20], [sflag:$0x1] =	stream.linear.gather @!p4 [hbm4b:s7+s21], $0x50, $0x38;
	[tilespmem:$0x1B480] =	vst v63  }
.LBB2_13:
0x177: {  	p3 =	seq.s32 s7, $0x2  }
.Ltmp8:
0x178: {  	_ = 	snop;
	(pc) =	sbr.rel @!p3 .LBB2_14-.Ltmp8, $1  }
0x179: {  	_ =	sdelay $0x3  }
0x17a: {  	_ =	swait.ge [sflag:s13], $0x2800  }
0x17b: {  	[sflag:s13] =	ssyncset.done $0x0  }
0x17c: {  	[sflag:s13] =	ssyncadd.s32 $0xFFFFD800  }
0x17d: {  	_ =	swait.ge [sflag:s14], $0x1400  }
0x17e: {  	[sflag:s14] =	ssyncset.done $0x0  }
0x17f: {  	s28 =	simm.s32 $0x5480;
	[sflag:s14] =	ssyncadd.s32 $0xFFFFEC00  }
0x180: {  	v0 =	vld [tilespmem:s28+$0x0]  }
0x181: {  	v1 =	vld [tilespmem:s28+$0x10]  }
0x182: {  	v2 =	vld [tilespmem:s28+$0x30]  }
0x183: {  	v3 =	vld [tilespmem:s28+$0x20]  }
0x184: {  	v4 =	vld [tilespmem:s28+$0xFFFFFF90]  }
0x185: {  	s20 =	simm.s32 $0x500;
	v5 =	vld [tilespmem:s28+$0xFFFFFFA0]  }
0x186: {  	v6 =	vld [tilespmem:s20+$0x0]  }
0x187: {  	v7 =	vld [tilespmem:s20+$0x20]  }
0x188: {  	v8 =	vld [tilespmem:s20+$0x30]  }
0x189: {  	v9 =	vld [tilespmem:s28+$0xFFFFFFB0]  }
0x18a: {  	v10 =	vld [tilespmem:s28+$0xFFFFFF80]  }
0x18b: {  	v13 =	vld [tilespmem:s20+$0xFFFFFF50]  }
0x18c: {  	s26 =	simm.s32 $0x5580;
	v14 =	vld [tilespmem:s20+$0xFFFFFF60]  }
0x18d: {  	v18 =	vld [tilespmem:s26+$0x0]  }
0x18e: {  	v19 =	vld [tilespmem:s26+$0x10]  }
0x18f: {  	v20 =	vld [tilespmem:s26+$0x30]  }
0x190: {  	v21 =	vld [tilespmem:s26+$0x20]  }
0x191: {  	v22 =	vld [tilespmem:s26+$0xFFFFFF90]  }
0x192: {  	s21 =	simm.s32 $0x700;
	v23 =	vld [tilespmem:s26+$0xFFFFFFA0]  }
0x193: {  	v24 =	vld [tilespmem:s21+$0x0]  }
0x194: {  	v58 =	vld [tilespmem:s21+$0x10]  }
0x195: {  	v25 =	vld [tilespmem:s21+$0x20]  }
0x196: {  	v26 =	vld [tilespmem:s21+$0x30]  }
0x197: {  	v27 =	vld [tilespmem:s26+$0xFFFFFFB0]  }
0x198: {  	v28 =	vld [tilespmem:s26+$0xFFFFFF80]  }
0x199: {  	v59 =	vld [tilespmem:s21+$0xFFFFFF00]  }
0x19a: {  	v60 =	vld [tilespmem:s21+$0xFFFFFF10]  }
0x19b: {  	v62 =	vld [tilespmem:s21+$0xFFFFFF30]  }
0x19c: {  	v63 =	vld [tilespmem:s21+$0xFFFFFF40]  }
0x19d: {  	v38 =	vld [tilespmem:s21+$0xFFFFFF50]  }
0x19e: {  	v31 =	vld [tilespmem:s21+$0xFFFFFF60]  }
0x19f: {  	v41 =	vld [tilespmem:s21+$0x40]  }
0x1a0: {  	v43 =	vld [tilespmem:s21+$0x50]  }
0x1a1: {  	v44 =	vld [tilespmem:s21+$0x60];
	v1 =	vperm.xlane.i2c.b16 v1;
	v0 =	vperm.xlane.i2c.b16 v0  }
0x1a2: {  	v46 =	vld [tilespmem:s21+$0x70];
	v2 =	vperm.xlane.i2c.b16 v2;
	v19 =	vperm.xlane.i2c.b16 v19  }
0x1a3: {  	v51 =	vld [tilespmem:s21+$0xFFFFFF80];
	v18 =	vperm.xlane.i2c.b16 v18;
	v20 =	vperm.xlane.i2c.b16 v20  }
0x1a4: {  	v54 =	vld [tilespmem:s21+$0x80];
	v0 =	vcombine.low v0, v1;
	v1 =	vperm.xlane.i2c.b16 v3  }
0x1a5: {  	v3 =	vld [tilespmem:s20+$0x10];
	v18 =	vcombine.low v18, v19;
	v19 =	vperm.xlane.i2c.b16 v21  }
0x1a6: {  	v55 =	vld [tilespmem:s21+$0x90];
	v1 =	vcombine.low v1, v2;
	v2 =	vunpack.c.l.bf16.f32 v0  }
0x1a7: {  	v56 =	vld [tilespmem:s21+$0xA0];
	v19 =	vcombine.low v19, v20;
	v20 =	vunpack.c.l.bf16.f32 v18  }
0x1a8: {  	v57 =	vld [tilespmem:s21+$0xB0];
	v0 =	vunpack.c.u.bf16.f32 v0;
	v2 =	vmul.f32 v6, v2  }
0x1a9: {  	v11 =	vunpack.c.l.bf16.f32 v1;
	v6 =	vld [tilespmem:s20+$0xFFFFFF00];
	v20 =	vmul.f32 v24, v20  }
0x1aa: {  	v18 =	vunpack.c.u.bf16.f32 v18;
	v1 =	vunpack.c.u.bf16.f32 v1;
	v0 =	vmul.f32 v3, v0;
	v3 =	vld [tilespmem:s20+$0xFFFFFF10];
	[tilespmem:s20+$0x0] =	vst v2  }
0x1ab: {  	v4 =	vperm.xlane.i2c.b16 v4;
	v7 =	vmul.f32 v7, v11;
	v2 =	vld [tilespmem:s20+$0xFFFFFF20];
	[tilespmem:s21+$0x0] =	vst v20  }
0x1ac: {  	v29 =	vunpack.c.l.bf16.f32 v19;
	v18 =	vmul.f32 v58, v18;
	v1 =	vmul.f32 v8, v1;
	v8 =	vld [tilespmem:s20+$0xFFFFFF30];
	[tilespmem:s20+$0x10] =	vst v0  }
0x1ad: {  	v20 =	vld [tilespmem:s21+$0xFFFFFF20];
	v0 =	vperm.xlane.i2c.b16 v5;
	v5 =	vperm.xlane.i2c.b16 v9;
	[tilespmem:s20+$0x20] =	vst v7  }
0x1ae: {  	v61 =	vperm.xlane.i2c.b16 v27;
	v19 =	vunpack.c.u.bf16.f32 v19;
	v25 =	vmul.f32 v25, v29;
	v7 =	vld [tilespmem:s20+$0xFFFFFF40];
	[tilespmem:s20+$0x30] =	vst v1  }
0x1af: {  	[tilespmem:s21+$0x10] =	vst v18;
	v18 =	vperm.xlane.i2c.b16 v23;
	v0 =	vcombine.low v0, v5;
	v5 =	vld [tilespmem:s28+$0x40]  }
0x1b0: {  	v19 =	vmul.f32 v26, v19;
	v1 =	vperm.xlane.i2c.b16 v10;
	v9 =	vld [tilespmem:s28+$0x50]  }
0x1b1: {  	v22 =	vperm.xlane.i2c.b16 v22;
	[tilespmem:s21+$0x20] =	vst v25;
	v18 =	vcombine.low v18, v61;
	v10 =	vld [tilespmem:s28+$0x70]  }
0x1b2: {  	[tilespmem:s21+$0x30] =	vst v19;
	v19 =	vperm.xlane.i2c.b16 v28;
	v11 =	vld [tilespmem:s28+$0x60];
	v1 =	vcombine.low v1, v4  }
0x1b3: {  	v33 =	vld [tilespmem:s26+$0x40];
	v35 =	vunpack.c.l.bf16.f32 v18;
	v4 =	vunpack.c.l.bf16.f32 v0  }
0x1b4: {  	v34 =	vld [tilespmem:s26+$0x50];
	v19 =	vcombine.low v19, v22;
	v0 =	vunpack.c.u.bf16.f32 v0;
	v12 =	vunpack.c.l.bf16.f32 v1  }
0x1b5: {  	v36 =	vld [tilespmem:s26+$0x70];
	v20 =	vmul.f32 v20, v35;
	v2 =	vmul.f32 v2, v4  }
0x1b6: {  	v37 =	vld [tilespmem:s26+$0x60];
	v1 =	vunpack.c.u.bf16.f32 v1;
	v0 =	vmul.f32 v8, v0;
	v4 =	vmul.f32 v6, v12  }
0x1b7: {  	v8 =	vld [tilespmem:s20+$0x40];
	v6 =	vperm.xlane.i2c.b16 v9;
	v5 =	vperm.xlane.i2c.b16 v5;
	[tilespmem:s21+$0xFFFFFF20] =	vst v20  }
0x1b8: {  	v18 =	vunpack.c.u.bf16.f32 v18;
	v1 =	vmul.f32 v3, v1;
	v3 =	vperm.xlane.i2c.b16 v10;
	v20 =	vld [tilespmem:s21+$0xFFFFFF70];
	[tilespmem:s20+$0xFFFFFF20] =	vst v2  }
0x1b9: {  	v30 =	vunpack.c.l.bf16.f32 v19;
	[tilespmem:s20+$0xFFFFFF00] =	vst v4;
	v4 =	vcombine.low v5, v6;
	v5 =	vperm.xlane.i2c.b16 v11;
	v6 =	vld [tilespmem:s20+$0x50]  }
0x1ba: {  	v19 =	vunpack.c.u.bf16.f32 v19;
	v18 =	vmul.f32 v62, v18;
	[tilespmem:s20+$0xFFFFFF10] =	vst v1;
	v1 =	vld [tilespmem:s20+$0x60]  }
0x1bb: {  	v24 =	vmul.f32 v59, v30;
	[tilespmem:s20+$0xFFFFFF30] =	vst v0;
	v0 =	vcombine.low v5, v3;
	v3 =	vunpack.c.l.bf16.f32 v4;
	v5 =	vld [tilespmem:s20+$0x70]  }
0x1bc: {  	v19 =	vmul.f32 v60, v19;
	[tilespmem:s21+$0xFFFFFF30] =	vst v18;
	v9 =	vld [tilespmem:s28+$0xFFFFFFC0];
	v4 =	vunpack.c.u.bf16.f32 v4  }
0x1bd: {  	[tilespmem:s21+$0xFFFFFF00] =	vst v24;
	v10 =	vld [tilespmem:s28+$0xFFFFFFD0];
	v11 =	vunpack.c.l.bf16.f32 v0;
	v3 =	vmul.f32 v8, v3  }
0x1be: {  	v2 =	vld [tilespmem:s20+$0xFFFFFF70];
	[tilespmem:s21+$0xFFFFFF10] =	vst v19;
	v0 =	vunpack.c.u.bf16.f32 v0;
	v4 =	vmul.f32 v6, v4  }
0x1bf: {  	v47 =	vld [tilespmem:s26+$0xFFFFFFD0];
	v1 =	vmul.f32 v1, v11;
	[tilespmem:s20+$0x40] =	vst v3  }
0x1c0: {  	v3 =	vld [tilespmem:s28+$0xFFFFFFE0];
	v0 =	vmul.f32 v5, v0;
	[tilespmem:s20+$0x50] =	vst v4  }
0x1c1: {  	v5 =	vld [tilespmem:s28+$0xFFFFFFF0];
	[tilespmem:s20+$0x60] =	vst v1  }
0x1c2: {  	v49 =	vld [tilespmem:s26+$0xFFFFFFE0];
	v6 =	vperm.xlane.i2c.b16 v10;
	v1 =	vperm.xlane.i2c.b16 v9;
	[tilespmem:s20+$0x70] =	vst v0  }
0x1c3: {  	v0 =	vld [tilespmem:s28+$0x0]  }
0x1c4: {  	v1 =	vcombine.low v1, v6;
	v6 =	vld [tilespmem:s28+$0x10]  }
0x1c5: {  	v11 =	vld [tilespmem:s20+$0xFFFFFF90]  }
0x1c6: {  	v8 =	vld [tilespmem:s28+$0x30];
	v3 =	vperm.xlane.i2c.b16 v3;
	v5 =	vperm.xlane.i2c.b16 v5  }
0x1c7: {  	v12 =	vld [tilespmem:s28+$0x20]  }
0x1c8: {  	v10 =	vld [tilespmem:s20+$0xFFFFFFA0];
	v9 =	vunpack.c.l.bf16.f32 v1;
	v1 =	vunpack.c.u.bf16.f32 v1;
	v3 =	vcombine.low v3, v5  }
0x1c9: {  	v4 =	vld [tilespmem:s20+$0xFFFFFF80];
	v6 =	vperm.xlane.i2c.b16 v6;
	v0 =	vperm.xlane.i2c.b16 v0  }
0x1ca: {  	v7 =	vmul.f32 v7, v9;
	v5 =	vld [tilespmem:s20+$0xFFFFFFB0];
	v1 =	vmul.f32 v13, v1;
	v9 =	vunpack.c.l.bf16.f32 v3  }
0x1cb: {  	v13 =	vld [tilespmem:s20+$0x80];
	v8 =	vperm.xlane.i2c.b16 v8;
	v3 =	vunpack.c.u.bf16.f32 v3;
	v0 =	vcombine.high v0, v6  }
0x1cc: {  	[tilespmem:s20+$0xFFFFFF40] =	vst v7;
	v6 =	vperm.xlane.i2c.b16 v12;
	v12 =	vld [tilespmem:s20+$0x90];
	v7 =	vmul.f32 v14, v9  }
0x1cd: {  	[tilespmem:s20+$0xFFFFFF50] =	vst v1;
	v9 =	vld [tilespmem:s20+$0xA0];
	v2 =	vmul.f32 v2, v3  }
0x1ce: {  	v1 =	vcombine.high v6, v8;
	v3 =	vunpack.c.l.bf16.f32 v0;
	v6 =	vld [tilespmem:s20+$0xB0];
	[tilespmem:s20+$0xFFFFFF60] =	vst v7  }
0x1cf: {  	v27 =	vperm.xlane.i2c.b16 v34;
	v8 =	vld [tilespmem:s20+$0xE0];
	[tilespmem:s20+$0xFFFFFF70] =	vst v2  }
0x1d0: {  	v23 =	vperm.xlane.i2c.b16 v33;
	v3 =	vmul.f32 v13, v3;
	v13 =	vld [tilespmem:s28+$0xFFFFFF80]  }
0x1d1: {  	v0 =	vunpack.c.u.bf16.f32 v0;
	v14 =	vld [tilespmem:s28+$0xFFFFFFA0]  }
0x1d2: {  	v40 =	vperm.xlane.i2c.b16 v36;
	v23 =	vcombine.low v23, v27;
	v2 =	vunpack.c.l.bf16.f32 v1;
	v15 =	vld [tilespmem:s28+$0xFFFFFFB0]  }
0x1d3: {  	v42 =	vperm.xlane.i2c.b16 v37;
	v1 =	vunpack.c.u.bf16.f32 v1;
	v0 =	vmul.f32 v12, v0;
	v12 =	vld [tilespmem:s28+$0xFFFFFF90]  }
0x1d4: {  	v45 =	vunpack.c.l.bf16.f32 v23;
	v7 =	vld [tilespmem:s20+$0xFFFFFFD0];
	v2 =	vmul.f32 v9, v2;
	[tilespmem:s20+$0x80] =	vst v3  }
0x1d5: {  	v19 =	vcombine.low v42, v40;
	v3 =	vld [tilespmem:s20+$0xD0];
	v1 =	vmul.f32 v6, v1;
	[tilespmem:s20+$0x90] =	vst v0  }
0x1d6: {  	v21 =	vmul.f32 v41, v45;
	v9 =	vld [tilespmem:s20+$0xF0];
	[tilespmem:s20+$0xA0] =	vst v2  }
0x1d7: {  	v27 =	vunpack.c.l.bf16.f32 v19;
	v6 =	vld [tilespmem:s20+$0xFFFFFFC0];
	[tilespmem:s20+$0xB0] =	vst v1;
	v14 =	vperm.xlane.i2c.b16 v14;
	v15 =	vperm.xlane.i2c.b16 v15  }
0x1d8: {  	v23 =	vunpack.c.u.bf16.f32 v23;
	v13 =	vperm.xlane.i2c.b16 v13;
	v16 =	vld [tilespmem:s28+$0x60];
	v12 =	vperm.xlane.i2c.b16 v12  }
0x1d9: {  	v19 =	vunpack.c.u.bf16.f32 v19;
	v24 =	vmul.f32 v44, v27;
	v17 =	vld [tilespmem:s28+$0x70];
	v14 =	vcombine.high v14, v15  }
0x1da: {  	[tilespmem:s21+$0x40] =	vst v21;
	v15 =	vmul.f32 v43, v23;
	v12 =	vcombine.high v13, v12;
	v13 =	vld [tilespmem:s26+$0xFFFFFFC0]  }
0x1db: {  	v19 =	vmul.f32 v46, v19;
	[tilespmem:s21+$0x60] =	vst v24;
	v0 =	vld [tilespmem:s20+$0xFFFFFFF0];
	v50 =	vunpack.c.l.bf16.f32 v14  }
0x1dc: {  	[tilespmem:s21+$0x50] =	vst v15;
	v15 =	vld [tilespmem:s26+$0xFFFFFFF0];
	v48 =	vunpack.c.l.bf16.f32 v12;
	v12 =	vunpack.c.u.bf16.f32 v12  }
0x1dd: {  	[tilespmem:s21+$0x70] =	vst v19;
	v19 =	vperm.xlane.i2c.b16 v47;
	v18 =	vld [tilespmem:s28+$0x50];
	v10 =	vmul.f32 v10, v50  }
0x1de: {  	v52 =	vld [tilespmem:s26+$0x0];
	v17 =	vperm.xlane.i2c.b16 v17;
	v11 =	vmul.f32 v11, v12;
	v12 =	vunpack.c.u.bf16.f32 v14  }
0x1df: {  	v53 =	vld [tilespmem:s26+$0x20];
	v16 =	vperm.xlane.i2c.b16 v16;
	v13 =	vperm.xlane.i2c.b16 v13  }
0x1e0: {  	v5 =	vmul.f32 v5, v12;
	v12 =	vld [tilespmem:s26+$0x10];
	[tilespmem:s20+$0xFFFFFF90] =	vst v11;
	v11 =	vperm.xlane.i2c.b16 v49  }
0x1e1: {  	v15 =	vperm.xlane.i2c.b16 v15;
	v13 =	vcombine.low v13, v19;
	v19 =	vld [tilespmem:s26+$0x30]  }
0x1e2: {  	v2 =	vld [tilespmem:s20+$0xC0];
	v18 =	vperm.xlane.i2c.b16 v18;
	v4 =	vmul.f32 v4, v48  }
0x1e3: {  	v39 =	vld [tilespmem:s28+$0x40];
	[tilespmem:s20+$0xFFFFFFA0] =	vst v10;
	v16 =	vcombine.high v16, v17;
	v11 =	vcombine.low v11, v15;
	v10 =	vunpack.c.l.bf16.f32 v13  }
0x1e4: {  	v1 =	vld [tilespmem:s20+$0xFFFFFFE0];
	v23 =	vperm.xlane.i2c.b16 v52;
	v21 =	vperm.xlane.i2c.b16 v53;
	v13 =	vunpack.c.u.bf16.f32 v13  }
0x1e5: {  	v14 =	vld [tilespmem:s21+$0xFFFFFF90];
	[tilespmem:s20+$0xFFFFFF80] =	vst v4;
	v17 =	vunpack.c.l.bf16.f32 v11;
	v10 =	vmul.f32 v63, v10;
	v12 =	vperm.xlane.i2c.b16 v12  }
0x1e6: {  	v4 =	vld [tilespmem:s21+$0xFFFFFFA0];
	[tilespmem:s20+$0xFFFFFFB0] =	vst v5;
	v11 =	vunpack.c.u.bf16.f32 v11;
	v13 =	vmul.f32 v38, v13;
	v19 =	vperm.xlane.i2c.b16 v19  }
0x1e7: {  	v15 =	vld [tilespmem:s28+$0xFFFFFFC0];
	v17 =	vmul.f32 v31, v17;
	v12 =	vcombine.high v23, v12;
	[tilespmem:s21+$0xFFFFFF40] =	vst v10  }
0x1e8: {  	v58 =	vperm.xlane.i2c.b16 v39;
	v5 =	vld [tilespmem:s21+$0xFFFFFFB0];
	v11 =	vmul.f32 v20, v11;
	v10 =	vunpack.c.u.bf16.f32 v16;
	[tilespmem:s21+$0xFFFFFF50] =	vst v13  }
0x1e9: {  	v20 =	vld [tilespmem:s28+$0xFFFFFFD0];
	v19 =	vcombine.high v21, v19;
	[tilespmem:s21+$0xFFFFFF60] =	vst v17;
	v13 =	vunpack.c.l.bf16.f32 v12  }
0x1ea: {  	v18 =	vcombine.high v58, v18;
	[tilespmem:s21+$0xFFFFFF70] =	vst v11;
	v9 =	vmul.f32 v9, v10;
	v10 =	vunpack.c.u.bf16.f32 v12;
	v12 =	vld [tilespmem:s28+$0xFFFFFFE0]  }
0x1eb: {  	v16 =	vunpack.c.l.bf16.f32 v16;
	v59 =	vld [tilespmem:s26+$0xFFFFFF80];
	v17 =	vunpack.c.l.bf16.f32 v19;
	v11 =	vmul.f32 v54, v13  }
0x1ec: {  	v15 =	vperm.xlane.i2c.b16 v15;
	v60 =	vld [tilespmem:s26+$0xFFFFFF90];
	v19 =	vunpack.c.u.bf16.f32 v19;
	v10 =	vmul.f32 v55, v10;
	[tilespmem:s20+$0xF0] =	vst v9  }
0x1ed: {  	v16 =	vmul.f32 v8, v16;
	v13 =	vld [tilespmem:s28+$0xFFFFFFF0];
	v17 =	vmul.f32 v56, v17;
	[tilespmem:s21+$0x80] =	vst v11  }
0x1ee: {  	v8 =	vld [tilespmem:s26+$0xFFFFFFB0];
	v20 =	vperm.xlane.i2c.b16 v20;
	v19 =	vmul.f32 v57, v19;
	v11 =	vunpack.c.u.bf16.f32 v18;
	[tilespmem:s21+$0x90] =	vst v10  }
0x1ef: {  	v10 =	vld [tilespmem:s26+$0xFFFFFFA0];
	[tilespmem:s21+$0xA0] =	vst v17;
	v12 =	vperm.xlane.i2c.b16 v12  }
0x1f0: {  	v9 =	vld [tilespmem:s21+$0xFFFFFFF0];
	v18 =	vunpack.c.l.bf16.f32 v18;
	[tilespmem:s21+$0xB0] =	vst v19;
	v11 =	vmul.f32 v3, v11;
	v3 =	vcombine.high v15, v20  }
0x1f1: {  	v19 =	vperm.xlane.i2c.b16 v59;
	v15 =	vld [tilespmem:s26+$0x60];
	v20 =	vperm.xlane.i2c.b16 v60  }
0x1f2: {  	v17 =	vmul.f32 v2, v18;
	v61 =	vld [tilespmem:s26+$0x70];
	v13 =	vperm.xlane.i2c.b16 v13;
	v18 =	vunpack.c.u.bf16.f32 v3  }
0x1f3: {  	v2 =	vld [tilespmem:s21+$0xFFFFFFC0];
	v62 =	vunpack.c.l.bf16.f32 v3;
	v19 =	vcombine.high v19, v20;
	v20 =	vperm.xlane.i2c.b16 v8  }
0x1f4: {  	[tilespmem:s20+$0xE0] =	vst v16;
	v3 =	vld [tilespmem:s21+$0xFFFFFFD0];
	v12 =	vcombine.high v12, v13;
	v13 =	vperm.xlane.i2c.b16 v10  }
0x1f5: {  	v8 =	vld [tilespmem:s21+$0xFFFFFFE0];
	[tilespmem:s20+$0xC0] =	vst v17;
	v16 =	vmul.f32 v6, v62;
	v18 =	vmul.f32 v7, v18  }
0x1f6: {  	[tilespmem:s20+$0xD0] =	vst v11;
	v11 =	vld [tilespmem:s21+$0xF0];
	v10 =	vunpack.c.u.bf16.f32 v12;
	v17 =	vcombine.high v13, v20;
	v20 =	vunpack.c.l.bf16.f32 v19  }
0x1f7: {  	v6 =	vld [tilespmem:s21+$0xC0];
	v19 =	vunpack.c.u.bf16.f32 v19;
	v21 =	vperm.xlane.i2c.b16 v61;
	v63 =	vperm.xlane.i2c.b16 v15;
	[tilespmem:s20+$0xFFFFFFC0] =	vst v16  }
0x1f8: {  	v7 =	vld [tilespmem:s21+$0xD0];
	[tilespmem:s20+$0xFFFFFFD0] =	vst v18;
	v15 =	vunpack.c.u.bf16.f32 v17;
	v16 =	vmul.f32 v51, v20;
	v18 =	vunpack.c.l.bf16.f32 v17  }
0x1f9: {  	s7 =	simm.s32 $0x5680;
	s28 =	simm.s32 $0x2;
	v13 =	vunpack.c.l.bf16.f32 v12;
	v12 =	vld [tilespmem:s21+$0xE0];
	v17 =	vmul.f32 v14, v19;
	v14 =	vcombine.high v63, v21  }
.LBB2_8:
0x1fa: {  	v19 =	vld [tilespmem:s7+$0x0];
	v4 =	vmul.f32 v4, v18;
	v5 =	vmul.f32 v5, v15;
	[tilespmem:s21+$0xFFFFFF80] =	vst v16  }
0x1fb: {  	v13 =	vmul.f32 v1, v13;
	v1 =	vmovc v8;
	v15 =	vld [tilespmem:s7+$0x10];
	[tilespmem:s21+$0xFFFFFF90] =	vst v17;
	v16 =	vunpack.c.u.bf16.f32 v14;
	v14 =	vunpack.c.l.bf16.f32 v14  }
0x1fc: {  	v8 =	vld [tilespmem:s7+$0x20];
	[tilespmem:s21+$0xFFFFFFA0] =	vst v4;
	v4 =	vmul.f32 v0, v10;
	v0 =	vmov v9  }
0x1fd: {  	v9 =	vld [tilespmem:s7+$0x30];
	[tilespmem:s21+$0xFFFFFFB0] =	vst v5;
	v5 =	vmul.f32 v11, v16  }
0x1fe: {  	v10 =	vld [tilespmem:s26+$0x40];
	v11 =	vmul.f32 v12, v14;
	[tilespmem:s20+$0xFFFFFFE0] =	vst v13  }
0x1ff: {  	v12 =	vld [tilespmem:s26+$0x50];
	[tilespmem:s21+$0xF0] =	vst v5  }
0x200: {  	v5 =	vld [tilespmem:s7+$0xFFFFFF90];
	[tilespmem:s20+$0xFFFFFFF0] =	vst v4;
	s20 =	smov.u32 s21  }
0x201: {  	v14 =	vperm.xlane.i2c.b16 v19;
	v13 =	vperm.xlane.i2c.b16 v15;
	s21 =	sadd.s32 $0x200, s21;
	v4 =	vld [tilespmem:s7+$0xFFFFFFA0];
	[tilespmem:s20+$0xE0] =	vst v11  }
0x202: {  	v9 =	vperm.xlane.i2c.b16 v9;
	v11 =	vld [tilespmem:s21+$0x0]  }
0x203: {  	v8 =	vperm.xlane.i2c.b16 v8;
	v13 =	vcombine.low v14, v13;
	v14 =	vld [tilespmem:s21+$0x10]  }
0x204: {  	v10 =	vperm.xlane.i2c.b16 v10;
	v15 =	vld [tilespmem:s21+$0x20];
	v12 =	vperm.xlane.i2c.b16 v12  }
0x205: {  	v8 =	vcombine.low v8, v9;
	v9 =	vunpack.c.l.bf16.f32 v13;
	v5 =	vperm.xlane.i2c.b16 v5;
	v16 =	vld [tilespmem:s21+$0x30]  }
0x206: {  	v13 =	vunpack.c.u.bf16.f32 v13;
	v17 =	vld [tilespmem:s7+$0xFFFFFFB0];
	v4 =	vperm.xlane.i2c.b16 v4;
	v10 =	vcombine.high v10, v12  }
0x207: {  	v18 =	vunpack.c.l.bf16.f32 v8;
	v12 =	vld [tilespmem:s7+$0xFFFFFF80];
	v9 =	vmul.f32 v11, v9  }
0x208: {  	s28 =	sadd.s32 $0x2, s28;
	v8 =	vunpack.c.u.bf16.f32 v8;
	v11 =	vld [tilespmem:s21+$0xFFFFFF00];
	v13 =	vmul.f32 v14, v13;
	v14 =	vunpack.c.u.bf16.f32 v10  }
0x209: {  	p3 =	slt.u32 s28, $0x26;
	v19 =	vld [tilespmem:s21+$0xFFFFFF10];
	v15 =	vmul.f32 v15, v18;
	[tilespmem:s21+$0x0] =	vst v9;
	v9 =	vunpack.c.l.bf16.f32 v10  }
0x20a: {  	v10 =	vld [tilespmem:s21+$0xFFFFFF20];
	v8 =	vmul.f32 v16, v8;
	[tilespmem:s21+$0x10] =	vst v13;
	v7 =	vmul.f32 v7, v14  }
0x20b: {  	v13 =	vperm.xlane.i2c.b16 v17;
	v14 =	vld [tilespmem:s21+$0xFFFFFF30];
	[tilespmem:s21+$0x20] =	vst v15;
	v6 =	vmul.f32 v6, v9  }
0x20c: {  	v9 =	vperm.xlane.i2c.b16 v12;
	v12 =	vld [tilespmem:s21+$0xFFFFFF40];
	[tilespmem:s21+$0x30] =	vst v8  }
0x20d: {  	v4 =	vcombine.low v4, v13;
	v8 =	vld [tilespmem:s7+$0x40];
	[tilespmem:s20+$0xC0] =	vst v6  }
0x20e: {  	v5 =	vcombine.low v9, v5;
	v6 =	vld [tilespmem:s7+$0x50];
	[tilespmem:s20+$0xD0] =	vst v7  }
0x20f: {  	v7 =	vunpack.c.u.bf16.f32 v4;
	v4 =	vunpack.c.l.bf16.f32 v4;
	v9 =	vld [tilespmem:s7+$0x70]  }
0x210: {  	v13 =	vunpack.c.u.bf16.f32 v5;
	v5 =	vunpack.c.l.bf16.f32 v5;
	v15 =	vld [tilespmem:s7+$0x60]  }
0x211: {  	v4 =	vmul.f32 v10, v4;
	v7 =	vmul.f32 v14, v7;
	v10 =	vld [tilespmem:s21+$0xFFFFFF50]  }
0x212: {  	v5 =	vmul.f32 v11, v5;
	v11 =	vmul.f32 v19, v13;
	v13 =	vld [tilespmem:s21+$0xFFFFFF60]  }
0x213: {  	[tilespmem:s21+$0xFFFFFF20] =	vst v4;
	v14 =	vld [tilespmem:s21+$0xFFFFFF70];
	v4 =	vperm.xlane.i2c.b16 v6;
	v6 =	vperm.xlane.i2c.b16 v8  }
0x214: {  	[tilespmem:s21+$0xFFFFFF00] =	vst v5;
	v5 =	vperm.xlane.i2c.b16 v9;
	v8 =	vld [tilespmem:s21+$0x40]  }
0x215: {  	[tilespmem:s21+$0xFFFFFF10] =	vst v11;
	v4 =	vcombine.low v6, v4;
	v6 =	vperm.xlane.i2c.b16 v15;
	v9 =	vld [tilespmem:s21+$0x50]  }
0x216: {  	[tilespmem:s21+$0xFFFFFF30] =	vst v7;
	v7 =	vld [tilespmem:s21+$0x60]  }
0x217: {  	v5 =	vcombine.low v6, v5;
	v6 =	vunpack.c.l.bf16.f32 v4;
	v11 =	vld [tilespmem:s21+$0x70]  }
0x218: {  	v4 =	vunpack.c.u.bf16.f32 v4;
	v15 =	vld [tilespmem:s7+$0xFFFFFFC0]  }
0x219: {  	v16 =	vld [tilespmem:s7+$0xFFFFFFD0];
	v17 =	vunpack.c.l.bf16.f32 v5;
	v6 =	vmul.f32 v8, v6  }
0x21a: {  	v5 =	vunpack.c.u.bf16.f32 v5;
	v8 =	vld [tilespmem:s7+$0xFFFFFFE0];
	v4 =	vmul.f32 v9, v4  }
0x21b: {  	v9 =	vld [tilespmem:s7+$0xFFFFFFF0];
	v7 =	vmul.f32 v7, v17;
	[tilespmem:s21+$0x40] =	vst v6  }
0x21c: {  	v17 =	vld [tilespmem:s21+$0xFFFFFF80];
	v5 =	vmul.f32 v11, v5;
	[tilespmem:s21+$0x50] =	vst v4  }
0x21d: {  	v6 =	vperm.xlane.i2c.b16 v15;
	v19 =	vld [tilespmem:s21+$0xFFFFFF90];
	[tilespmem:s21+$0x60] =	vst v7  }
0x21e: {  	v7 =	vperm.xlane.i2c.b16 v16;
	v4 =	vld [tilespmem:s21+$0xFFFFFFA0];
	[tilespmem:s21+$0x70] =	vst v5  }
0x21f: {  	v5 =	vperm.xlane.i2c.b16 v8;
	v8 =	vld [tilespmem:s7+$0x0]  }
0x220: {  	v6 =	vcombine.low v6, v7;
	v7 =	vperm.xlane.i2c.b16 v9;
	v9 =	vld [tilespmem:s7+$0x10]  }
0x221: {  	v11 =	vld [tilespmem:s7+$0x30]  }
0x222: {  	v7 =	vcombine.low v5, v7;
	v15 =	vunpack.c.u.bf16.f32 v6;
	v6 =	vunpack.c.l.bf16.f32 v6;
	v16 =	vld [tilespmem:s7+$0x20]  }
0x223: {  	v5 =	vld [tilespmem:s21+$0xFFFFFFB0]  }
0x224: {  	v18 =	vunpack.c.u.bf16.f32 v7;
	v7 =	vunpack.c.l.bf16.f32 v7;
	v6 =	vmul.f32 v12, v6;
	v12 =	vld [tilespmem:s26+$0xFFFFFFC0]  }
0x225: {  	v8 =	vperm.xlane.i2c.b16 v8;
	v9 =	vperm.xlane.i2c.b16 v9;
	v20 =	vld [tilespmem:s26+$0xFFFFFFD0]  }
0x226: {  	v10 =	vmul.f32 v10, v15;
	[tilespmem:s21+$0xFFFFFF40] =	vst v6;
	v6 =	vperm.xlane.i2c.b16 v11;
	v11 =	vld [tilespmem:s21+$0x80]  }
0x227: {  	v8 =	vcombine.high v8, v9;
	v9 =	vperm.xlane.i2c.b16 v16;
	v15 =	vld [tilespmem:s21+$0x90]  }
0x228: {  	v7 =	vmul.f32 v13, v7;
	v13 =	vmul.f32 v14, v18;
	[tilespmem:s21+$0xFFFFFF50] =	vst v10;
	v10 =	vld [tilespmem:s21+$0xA0]  }
0x229: {  	v6 =	vcombine.high v9, v6;
	v9 =	vunpack.c.l.bf16.f32 v8;
	v14 =	vld [tilespmem:s21+$0xB0];
	v12 =	vperm.xlane.i2c.b16 v12  }
0x22a: {  	[tilespmem:s21+$0xFFFFFF60] =	vst v7;
	v7 =	vunpack.c.u.bf16.f32 v8;
	v8 =	vld [tilespmem:s26+$0xFFFFFFE0];
	v16 =	vperm.xlane.i2c.b16 v20  }
0x22b: {  	[tilespmem:s21+$0xFFFFFF70] =	vst v13;
	v13 =	vunpack.c.l.bf16.f32 v6;
	v9 =	vmul.f32 v11, v9;
	v11 =	vld [tilespmem:s26+$0xFFFFFFF0];
	s26 =	smov.u32 s7  }
0x22c: {  	v6 =	vunpack.c.u.bf16.f32 v6;
	v18 =	vld [tilespmem:s7+$0xFFFFFF80];
	v7 =	vmul.f32 v15, v7;
	v12 =	vcombine.high v12, v16  }
0x22d: {  	v15 =	vld [tilespmem:s7+$0xFFFFFF90];
	v10 =	vmul.f32 v10, v13;
	[tilespmem:s21+$0x80] =	vst v9  }
0x22e: {  	v9 =	vld [tilespmem:s7+$0xFFFFFFA0];
	v6 =	vmul.f32 v14, v6;
	[tilespmem:s21+$0x90] =	vst v7;
	v7 =	vunpack.c.u.bf16.f32 v12;
	v12 =	vunpack.c.l.bf16.f32 v12  }
0x22f: {  	v13 =	vld [tilespmem:s7+$0xFFFFFFB0];
	[tilespmem:s21+$0xA0] =	vst v10;
	v8 =	vperm.xlane.i2c.b16 v8  }
0x230: {  	[tilespmem:s21+$0xB0] =	vst v6;
	v6 =	vperm.xlane.i2c.b16 v11;
	v10 =	vmul.f32 v2, v12;
	v2 =	vld [tilespmem:s21+$0xFFFFFFC0]  }
0x231: {  	v7 =	vmul.f32 v3, v7;
	v11 =	vperm.xlane.i2c.b16 v18;
	v12 =	vld [tilespmem:s7+$0x60]  }
0x232: {  	v14 =	vperm.xlane.i2c.b16 v15;
	v15 =	vld [tilespmem:s7+$0x70];
	v6 =	vcombine.high v8, v6;
	[tilespmem:s20+$0xFFFFFFC0] =	vst v10  }
0x233: {  	v16 =	vperm.xlane.i2c.b16 v9;
	v3 =	vld [tilespmem:s21+$0xFFFFFFD0];
	[tilespmem:s20+$0xFFFFFFD0] =	vst v7  }
0x234: {  	v7 =	vcombine.high v11, v14;
	v11 =	vperm.xlane.i2c.b16 v13;
	v8 =	vld [tilespmem:s21+$0xFFFFFFE0];
	v10 =	vunpack.c.u.bf16.f32 v6  }
.Ltmp9:
0x235: {  	v13 =	vunpack.c.l.bf16.f32 v6;
	v9 =	vld [tilespmem:s21+$0xFFFFFFF0];
	(pc) =	sbr.rel @p3 .LBB2_8-.Ltmp9, $4  }
0x236: {  	v11 =	vcombine.high v16, v11;
	v14 =	vunpack.c.u.bf16.f32 v7;
	v16 =	vunpack.c.l.bf16.f32 v7;
	v6 =	vld [tilespmem:s21+$0xC0]  }
0x237: {  	v12 =	vperm.xlane.i2c.b16 v12;
	v20 =	vperm.xlane.i2c.b16 v15;
	v7 =	vld [tilespmem:s21+$0xD0]  }
0x238: {  	v15 =	vunpack.c.u.bf16.f32 v11;
	v18 =	vunpack.c.l.bf16.f32 v11;
	v16 =	vmul.f32 v17, v16;
	v11 =	vld [tilespmem:s21+$0xF0]  }
0x239: {  	s7 =	sadd.s32 $0x100, s7;
	v17 =	vmul.f32 v19, v14;
	v14 =	vcombine.high v12, v20;
	v12 =	vld [tilespmem:s21+$0xE0]  }
0x23a: {  	v4 =	vmul.f32 v4, v18;
	[tilespmem:s21+$0xFFFFFF80] =	vst v16  }
0x23b: {  	v5 =	vmul.f32 v5, v15;
	v44 =	vld [tilespmem:s26+$0x40];
	[tilespmem:s21+$0xFFFFFF90] =	vst v17  }
0x23c: {  	v45 =	vld [tilespmem:s26+$0x50];
	[tilespmem:s21+$0xFFFFFFA0] =	vst v4  }
0x23d: {  	[tilespmem:s21+$0xFFFFFFB0] =	vst v5  }
0x23e: {  	v46 =	vld [tilespmem:s26+$0xFFFFFFC0]  }
0x23f: {  	v16 =	vld [tilespmem:s26+$0xFFFFFFD0]  }
0x240: {  	v17 =	vld [tilespmem:s26+$0xFFFFFFE0]  }
0x241: {  	v47 =	vld [tilespmem:s26+$0xFFFFFFF0];
	v5 =	vperm.xlane.i2c.b16 v45;
	v4 =	vperm.xlane.i2c.b16 v44  }
0x242: {  	v1 =	vmul.f32 v1, v13  }
0x243: {  	v0 =	vmul.f32 v0, v10;
	v48 =	vunpack.c.u.bf16.f32 v14;
	v4 =	vcombine.high v4, v5  }
0x244: {  	v15 =	vperm.xlane.i2c.b16 v46;
	v16 =	vperm.xlane.i2c.b16 v16  }
0x245: {  	v49 =	vunpack.c.l.bf16.f32 v14;
	v50 =	vmul.f32 v11, v48;
	v53 =	vperm.xlane.i2c.b16 v17  }
0x246: {  	[tilespmem:s20+$0xFFFFFFE0] =	vst v1;
	v13 =	vperm.xlane.i2c.b16 v47;
	v52 =	vunpack.c.l.bf16.f32 v4;
	v51 =	vcombine.high v15, v16  }
0x247: {  	[tilespmem:s20+$0xFFFFFFF0] =	vst v0;
	v5 =	vmul.f32 v12, v49;
	v4 =	vunpack.c.u.bf16.f32 v4  }
0x248: {  	[tilespmem:s21+$0xF0] =	vst v50;
	v56 =	vcombine.high v53, v13;
	v54 =	vmul.f32 v6, v52;
	v55 =	vunpack.c.l.bf16.f32 v51  }
0x249: {  	[tilespmem:s21+$0xE0] =	vst v5;
	v4 =	vmul.f32 v7, v4;
	v57 =	vunpack.c.u.bf16.f32 v51  }
0x24a: {  	v59 =	vunpack.c.l.bf16.f32 v56;
	[tilespmem:s21+$0xC0] =	vst v54;
	v58 =	vmul.f32 v2, v55  }
0x24b: {  	v61 =	vunpack.c.u.bf16.f32 v56;
	[tilespmem:s21+$0xD0] =	vst v4;
	v60 =	vmul.f32 v3, v57  }
0x24c: {  	v62 =	vmul.f32 v8, v59;
	[tilespmem:s21+$0xFFFFFFC0] =	vst v58  }
0x24d: {  	v63 =	vmul.f32 v9, v61;
	[tilespmem:s21+$0xFFFFFFD0] =	vst v60  }
0x24e: {  	[tilespmem:s21+$0xFFFFFFE0] =	vst v62  }
0x24f: {  	[tilespmem:s21+$0xFFFFFFF0] =	vst v63  }
0x250: {  	[spmem:s2] =	stream.indirect.scatter.add.f32 [tilespmem:s31], [sflag:$0x9], $0x80, s24, s9, $0xb8;
	[tilespmem:$0x1B480] =	vst v63  }
0x251: {  	_ =	swait.ge [sflag:s29], $0x2800  }
0x252: {  	p3 =	sgt.u32 s19, $0x48;
	[sflag:s29] =	ssyncset.done $0x0  }
0x253: {  	s7 =	simm.s32 @!p3 $0x1;
	[sflag:s29] =	ssyncadd.s32 $0xFFFFD800  }
0x254: {  	_ =	swait.ge @!p3 [sflag:s7], $0x50  }
0x255: {  	[sflag:s7] =	ssyncset.done @!p3 $0x0  }
0x256: {  	[sflag:s7] =	ssyncadd.s32 @!p3 $0xFFFFFFB0  }
0x257: {  	_ =	swait.ge @!p3 [sflag:s7], $0x50  }
0x258: {  	s20 =	simm.s32 @!p3 $0x0;
	[sflag:s7] =	ssyncset.done @!p3 $0x0  }
0x259: {  	s21 =	simm.s32 @!p3 $0x400;
	[sflag:s7] =	ssyncadd.s32 @!p3 $0xFFFFFFB0;
	s7 =	simm.s32 @!p3 $0x50  }
0x25a: {  	[tilespmem:s21], [sflag:$0x5] =	stream.indirect.gather @!p3 [hbm4b:s1+s7], $0x80, s20, s7, $0xb8;
	[tilespmem:$0x1B480] =	vst v63  }
0x25b: {  	s7 =	smul.u32 @!p3 $0x28, s19  }
0x25c: {  	p4 =	sgt.u32 @!p3 s19, $0x46  }
0x25d: {  	p4 =	por p4, p3;
	s7 =	sadd.s32 @!p3 s7, s22  }
0x25e: {  	s21 =	sadd.s32 @!p4 s19, s23;
	s7 =	sshll.u32 @!p3 s7, $0x4  }
0x25f: {  	s26 =	simm.s32 @!p3 $0x5400;
	s21 =	smul.u32 @!p4 $0xA, s21;
	s7 =	sadd.s32 @!p3 s6, s7  }
0x260: {  	[tilespmem:s26], [sflag:$0x7] =	stream.linear.gather @!p3 [hbm4b:s7+s20], $0x1400, $0x38;
	[tilespmem:$0x1B480] =	vst v63  }
.Ltmp10:
0x261: {  	_ = 	snop;
	(pc) =	sbr.rel .LBB2_17-.Ltmp10, $4  }
0x262: {  	s7 =	sadd.s32 @!p4 s4, s21;
	s20 =	simm.s32 @!p4 $0x0;
	s26 =	simm.s32 @!p4 $0x100  }
0x263: {  	[tilespmem:s26], [sflag:$0x3] =	stream.linear.gather @!p4 [hbm4b:s7+s20], $0x50, $0x38;
	[tilespmem:$0x1B480] =	vst v63  }
0x264: {  	s7 =	sadd.s32 @!p4 s5, s21;
	s21 =	simm.s32 @!p4 $0x300  }
0x265: {  	[tilespmem:s21], [sflag:$0x3] =	stream.linear.gather @!p4 [hbm4b:s7+s20], $0x50, $0x38;
	[tilespmem:$0x1B480] =	vst v63  }
.LBB2_10:
0x266: {  	_ =	swait.ge [sflag:s15], $0x2800  }
0x267: {  	[sflag:s15] =	ssyncset.done $0x0  }
0x268: {  	[sflag:s15] =	ssyncadd.s32 $0xFFFFD800  }
0x269: {  	_ =	swait.ge [sflag:s16], $0x1400  }
0x26a: {  	[sflag:s16] =	ssyncset.done $0x0  }
0x26b: {  	s28 =	simm.s32 $0x6880;
	[sflag:s16] =	ssyncadd.s32 $0xFFFFEC00  }
0x26c: {  	v0 =	vld [tilespmem:s28+$0x0]  }
0x26d: {  	v1 =	vld [tilespmem:s28+$0x10]  }
0x26e: {  	v2 =	vld [tilespmem:s28+$0x30]  }
0x26f: {  	v3 =	vld [tilespmem:s28+$0x20]  }
0x270: {  	v4 =	vld [tilespmem:s28+$0xFFFFFF90]  }
0x271: {  	s20 =	simm.s32 $0x2D00;
	v5 =	vld [tilespmem:s28+$0xFFFFFFA0]  }
0x272: {  	v6 =	vld [tilespmem:s20+$0x0]  }
0x273: {  	v7 =	vld [tilespmem:s20+$0x20]  }
0x274: {  	v8 =	vld [tilespmem:s20+$0x30]  }
0x275: {  	v9 =	vld [tilespmem:s28+$0xFFFFFFB0]  }
0x276: {  	v10 =	vld [tilespmem:s28+$0xFFFFFF80]  }
0x277: {  	v13 =	vld [tilespmem:s20+$0xFFFFFF50]  }
0x278: {  	s26 =	simm.s32 $0x6980;
	v14 =	vld [tilespmem:s20+$0xFFFFFF60]  }
0x279: {  	v18 =	vld [tilespmem:s26+$0x0]  }
0x27a: {  	v19 =	vld [tilespmem:s26+$0x10]  }
0x27b: {  	v20 =	vld [tilespmem:s26+$0x30]  }
0x27c: {  	v21 =	vld [tilespmem:s26+$0x20]  }
0x27d: {  	v22 =	vld [tilespmem:s26+$0xFFFFFF90]  }
0x27e: {  	s21 =	simm.s32 $0x2F00;
	v23 =	vld [tilespmem:s26+$0xFFFFFFA0]  }
0x27f: {  	v24 =	vld [tilespmem:s21+$0x0]  }
0x280: {  	v58 =	vld [tilespmem:s21+$0x10]  }
0x281: {  	v25 =	vld [tilespmem:s21+$0x20]  }
0x282: {  	v26 =	vld [tilespmem:s21+$0x30]  }
0x283: {  	v27 =	vld [tilespmem:s26+$0xFFFFFFB0]  }
0x284: {  	v28 =	vld [tilespmem:s26+$0xFFFFFF80]  }
0x285: {  	v59 =	vld [tilespmem:s21+$0xFFFFFF00]  }
0x286: {  	v60 =	vld [tilespmem:s21+$0xFFFFFF10]  }
0x287: {  	v62 =	vld [tilespmem:s21+$0xFFFFFF30]  }
0x288: {  	v63 =	vld [tilespmem:s21+$0xFFFFFF40]  }
0x289: {  	v38 =	vld [tilespmem:s21+$0xFFFFFF50]  }
0x28a: {  	v31 =	vld [tilespmem:s21+$0xFFFFFF60]  }
0x28b: {  	v41 =	vld [tilespmem:s21+$0x40]  }
0x28c: {  	v43 =	vld [tilespmem:s21+$0x50]  }
0x28d: {  	v44 =	vld [tilespmem:s21+$0x60];
	v1 =	vperm.xlane.i2c.b16 v1;
	v0 =	vperm.xlane.i2c.b16 v0  }
0x28e: {  	v46 =	vld [tilespmem:s21+$0x70];
	v2 =	vperm.xlane.i2c.b16 v2;
	v19 =	vperm.xlane.i2c.b16 v19  }
0x28f: {  	v51 =	vld [tilespmem:s21+$0xFFFFFF80];
	v18 =	vperm.xlane.i2c.b16 v18;
	v20 =	vperm.xlane.i2c.b16 v20  }
0x290: {  	v54 =	vld [tilespmem:s21+$0x80];
	v0 =	vcombine.low v0, v1;
	v1 =	vperm.xlane.i2c.b16 v3  }
0x291: {  	v3 =	vld [tilespmem:s20+$0x10];
	v18 =	vcombine.low v18, v19;
	v19 =	vperm.xlane.i2c.b16 v21  }
0x292: {  	v55 =	vld [tilespmem:s21+$0x90];
	v1 =	vcombine.low v1, v2;
	v2 =	vunpack.c.l.bf16.f32 v0  }
0x293: {  	v56 =	vld [tilespmem:s21+$0xA0];
	v19 =	vcombine.low v19, v20;
	v20 =	vunpack.c.l.bf16.f32 v18  }
0x294: {  	v57 =	vld [tilespmem:s21+$0xB0];
	v0 =	vunpack.c.u.bf16.f32 v0;
	v2 =	vmul.f32 v6, v2  }
0x295: {  	v11 =	vunpack.c.l.bf16.f32 v1;
	v6 =	vld [tilespmem:s20+$0xFFFFFF00];
	v20 =	vmul.f32 v24, v20  }
0x296: {  	v18 =	vunpack.c.u.bf16.f32 v18;
	v1 =	vunpack.c.u.bf16.f32 v1;
	v0 =	vmul.f32 v3, v0;
	v3 =	vld [tilespmem:s20+$0xFFFFFF10];
	[tilespmem:s20+$0x0] =	vst v2  }
0x297: {  	v4 =	vperm.xlane.i2c.b16 v4;
	v7 =	vmul.f32 v7, v11;
	v2 =	vld [tilespmem:s20+$0xFFFFFF20];
	[tilespmem:s21+$0x0] =	vst v20  }
0x298: {  	v29 =	vunpack.c.l.bf16.f32 v19;
	v18 =	vmul.f32 v58, v18;
	v1 =	vmul.f32 v8, v1;
	v8 =	vld [tilespmem:s20+$0xFFFFFF30];
	[tilespmem:s20+$0x10] =	vst v0  }
0x299: {  	v20 =	vld [tilespmem:s21+$0xFFFFFF20];
	v0 =	vperm.xlane.i2c.b16 v5;
	v5 =	vperm.xlane.i2c.b16 v9;
	[tilespmem:s20+$0x20] =	vst v7  }
0x29a: {  	v61 =	vperm.xlane.i2c.b16 v27;
	v19 =	vunpack.c.u.bf16.f32 v19;
	v25 =	vmul.f32 v25, v29;
	v7 =	vld [tilespmem:s20+$0xFFFFFF40];
	[tilespmem:s20+$0x30] =	vst v1  }
0x29b: {  	[tilespmem:s21+$0x10] =	vst v18;
	v18 =	vperm.xlane.i2c.b16 v23;
	v0 =	vcombine.low v0, v5;
	v5 =	vld [tilespmem:s28+$0x40]  }
0x29c: {  	v19 =	vmul.f32 v26, v19;
	v1 =	vperm.xlane.i2c.b16 v10;
	v9 =	vld [tilespmem:s28+$0x50]  }
0x29d: {  	v22 =	vperm.xlane.i2c.b16 v22;
	[tilespmem:s21+$0x20] =	vst v25;
	v18 =	vcombine.low v18, v61;
	v10 =	vld [tilespmem:s28+$0x70]  }
0x29e: {  	[tilespmem:s21+$0x30] =	vst v19;
	v19 =	vperm.xlane.i2c.b16 v28;
	v11 =	vld [tilespmem:s28+$0x60];
	v1 =	vcombine.low v1, v4  }
0x29f: {  	v33 =	vld [tilespmem:s26+$0x40];
	v35 =	vunpack.c.l.bf16.f32 v18;
	v4 =	vunpack.c.l.bf16.f32 v0  }
0x2a0: {  	v34 =	vld [tilespmem:s26+$0x50];
	v19 =	vcombine.low v19, v22;
	v0 =	vunpack.c.u.bf16.f32 v0;
	v12 =	vunpack.c.l.bf16.f32 v1  }
0x2a1: {  	v36 =	vld [tilespmem:s26+$0x70];
	v20 =	vmul.f32 v20, v35;
	v2 =	vmul.f32 v2, v4  }
0x2a2: {  	v37 =	vld [tilespmem:s26+$0x60];
	v1 =	vunpack.c.u.bf16.f32 v1;
	v0 =	vmul.f32 v8, v0;
	v4 =	vmul.f32 v6, v12  }
0x2a3: {  	v8 =	vld [tilespmem:s20+$0x40];
	v6 =	vperm.xlane.i2c.b16 v9;
	v5 =	vperm.xlane.i2c.b16 v5;
	[tilespmem:s21+$0xFFFFFF20] =	vst v20  }
0x2a4: {  	v18 =	vunpack.c.u.bf16.f32 v18;
	v1 =	vmul.f32 v3, v1;
	v3 =	vperm.xlane.i2c.b16 v10;
	v20 =	vld [tilespmem:s21+$0xFFFFFF70];
	[tilespmem:s20+$0xFFFFFF20] =	vst v2  }
0x2a5: {  	v30 =	vunpack.c.l.bf16.f32 v19;
	[tilespmem:s20+$0xFFFFFF00] =	vst v4;
	v4 =	vcombine.low v5, v6;
	v5 =	vperm.xlane.i2c.b16 v11;
	v6 =	vld [tilespmem:s20+$0x50]  }
0x2a6: {  	v19 =	vunpack.c.u.bf16.f32 v19;
	v18 =	vmul.f32 v62, v18;
	[tilespmem:s20+$0xFFFFFF10] =	vst v1;
	v1 =	vld [tilespmem:s20+$0x60]  }
0x2a7: {  	v24 =	vmul.f32 v59, v30;
	[tilespmem:s20+$0xFFFFFF30] =	vst v0;
	v0 =	vcombine.low v5, v3;
	v3 =	vunpack.c.l.bf16.f32 v4;
	v5 =	vld [tilespmem:s20+$0x70]  }
0x2a8: {  	v19 =	vmul.f32 v60, v19;
	[tilespmem:s21+$0xFFFFFF30] =	vst v18;
	v9 =	vld [tilespmem:s28+$0xFFFFFFC0];
	v4 =	vunpack.c.u.bf16.f32 v4  }
0x2a9: {  	[tilespmem:s21+$0xFFFFFF00] =	vst v24;
	v10 =	vld [tilespmem:s28+$0xFFFFFFD0];
	v11 =	vunpack.c.l.bf16.f32 v0;
	v3 =	vmul.f32 v8, v3  }
0x2aa: {  	v2 =	vld [tilespmem:s20+$0xFFFFFF70];
	[tilespmem:s21+$0xFFFFFF10] =	vst v19;
	v0 =	vunpack.c.u.bf16.f32 v0;
	v4 =	vmul.f32 v6, v4  }
0x2ab: {  	v47 =	vld [tilespmem:s26+$0xFFFFFFD0];
	v1 =	vmul.f32 v1, v11;
	[tilespmem:s20+$0x40] =	vst v3  }
0x2ac: {  	v3 =	vld [tilespmem:s28+$0xFFFFFFE0];
	v0 =	vmul.f32 v5, v0;
	[tilespmem:s20+$0x50] =	vst v4  }
0x2ad: {  	v5 =	vld [tilespmem:s28+$0xFFFFFFF0];
	[tilespmem:s20+$0x60] =	vst v1  }
0x2ae: {  	v49 =	vld [tilespmem:s26+$0xFFFFFFE0];
	v6 =	vperm.xlane.i2c.b16 v10;
	v1 =	vperm.xlane.i2c.b16 v9;
	[tilespmem:s20+$0x70] =	vst v0  }
0x2af: {  	v0 =	vld [tilespmem:s28+$0x0]  }
0x2b0: {  	v1 =	vcombine.low v1, v6;
	v6 =	vld [tilespmem:s28+$0x10]  }
0x2b1: {  	v11 =	vld [tilespmem:s20+$0xFFFFFF90]  }
0x2b2: {  	v8 =	vld [tilespmem:s28+$0x30];
	v3 =	vperm.xlane.i2c.b16 v3;
	v5 =	vperm.xlane.i2c.b16 v5  }
0x2b3: {  	v12 =	vld [tilespmem:s28+$0x20]  }
0x2b4: {  	v10 =	vld [tilespmem:s20+$0xFFFFFFA0];
	v9 =	vunpack.c.l.bf16.f32 v1;
	v1 =	vunpack.c.u.bf16.f32 v1;
	v3 =	vcombine.low v3, v5  }
0x2b5: {  	v4 =	vld [tilespmem:s20+$0xFFFFFF80];
	v6 =	vperm.xlane.i2c.b16 v6;
	v0 =	vperm.xlane.i2c.b16 v0  }
0x2b6: {  	v7 =	vmul.f32 v7, v9;
	v5 =	vld [tilespmem:s20+$0xFFFFFFB0];
	v1 =	vmul.f32 v13, v1;
	v9 =	vunpack.c.l.bf16.f32 v3  }
0x2b7: {  	v13 =	vld [tilespmem:s20+$0x80];
	v8 =	vperm.xlane.i2c.b16 v8;
	v3 =	vunpack.c.u.bf16.f32 v3;
	v0 =	vcombine.high v0, v6  }
0x2b8: {  	[tilespmem:s20+$0xFFFFFF40] =	vst v7;
	v6 =	vperm.xlane.i2c.b16 v12;
	v12 =	vld [tilespmem:s20+$0x90];
	v7 =	vmul.f32 v14, v9  }
0x2b9: {  	[tilespmem:s20+$0xFFFFFF50] =	vst v1;
	v9 =	vld [tilespmem:s20+$0xA0];
	v2 =	vmul.f32 v2, v3  }
0x2ba: {  	v1 =	vcombine.high v6, v8;
	v3 =	vunpack.c.l.bf16.f32 v0;
	v6 =	vld [tilespmem:s20+$0xB0];
	[tilespmem:s20+$0xFFFFFF60] =	vst v7  }
0x2bb: {  	v27 =	vperm.xlane.i2c.b16 v34;
	v8 =	vld [tilespmem:s20+$0xE0];
	[tilespmem:s20+$0xFFFFFF70] =	vst v2  }
0x2bc: {  	v23 =	vperm.xlane.i2c.b16 v33;
	v3 =	vmul.f32 v13, v3;
	v13 =	vld [tilespmem:s28+$0xFFFFFF80]  }
0x2bd: {  	v0 =	vunpack.c.u.bf16.f32 v0;
	v14 =	vld [tilespmem:s28+$0xFFFFFFA0]  }
0x2be: {  	v40 =	vperm.xlane.i2c.b16 v36;
	v23 =	vcombine.low v23, v27;
	v2 =	vunpack.c.l.bf16.f32 v1;
	v15 =	vld [tilespmem:s28+$0xFFFFFFB0]  }
0x2bf: {  	v42 =	vperm.xlane.i2c.b16 v37;
	v1 =	vunpack.c.u.bf16.f32 v1;
	v0 =	vmul.f32 v12, v0;
	v12 =	vld [tilespmem:s28+$0xFFFFFF90]  }
0x2c0: {  	v45 =	vunpack.c.l.bf16.f32 v23;
	v7 =	vld [tilespmem:s20+$0xFFFFFFD0];
	v2 =	vmul.f32 v9, v2;
	[tilespmem:s20+$0x80] =	vst v3  }
0x2c1: {  	v19 =	vcombine.low v42, v40;
	v3 =	vld [tilespmem:s20+$0xD0];
	v1 =	vmul.f32 v6, v1;
	[tilespmem:s20+$0x90] =	vst v0  }
0x2c2: {  	v21 =	vmul.f32 v41, v45;
	v9 =	vld [tilespmem:s20+$0xF0];
	[tilespmem:s20+$0xA0] =	vst v2  }
0x2c3: {  	v27 =	vunpack.c.l.bf16.f32 v19;
	v6 =	vld [tilespmem:s20+$0xFFFFFFC0];
	[tilespmem:s20+$0xB0] =	vst v1;
	v14 =	vperm.xlane.i2c.b16 v14;
	v15 =	vperm.xlane.i2c.b16 v15  }
0x2c4: {  	v23 =	vunpack.c.u.bf16.f32 v23;
	v13 =	vperm.xlane.i2c.b16 v13;
	v16 =	vld [tilespmem:s28+$0x60];
	v12 =	vperm.xlane.i2c.b16 v12  }
0x2c5: {  	v19 =	vunpack.c.u.bf16.f32 v19;
	v24 =	vmul.f32 v44, v27;
	v17 =	vld [tilespmem:s28+$0x70];
	v14 =	vcombine.high v14, v15  }
0x2c6: {  	[tilespmem:s21+$0x40] =	vst v21;
	v15 =	vmul.f32 v43, v23;
	v12 =	vcombine.high v13, v12;
	v13 =	vld [tilespmem:s26+$0xFFFFFFC0]  }
0x2c7: {  	v19 =	vmul.f32 v46, v19;
	[tilespmem:s21+$0x60] =	vst v24;
	v0 =	vld [tilespmem:s20+$0xFFFFFFF0];
	v50 =	vunpack.c.l.bf16.f32 v14  }
0x2c8: {  	[tilespmem:s21+$0x50] =	vst v15;
	v15 =	vld [tilespmem:s26+$0xFFFFFFF0];
	v48 =	vunpack.c.l.bf16.f32 v12;
	v12 =	vunpack.c.u.bf16.f32 v12  }
0x2c9: {  	[tilespmem:s21+$0x70] =	vst v19;
	v19 =	vperm.xlane.i2c.b16 v47;
	v18 =	vld [tilespmem:s28+$0x50];
	v10 =	vmul.f32 v10, v50  }
0x2ca: {  	v52 =	vld [tilespmem:s26+$0x0];
	v17 =	vperm.xlane.i2c.b16 v17;
	v11 =	vmul.f32 v11, v12;
	v12 =	vunpack.c.u.bf16.f32 v14  }
0x2cb: {  	v53 =	vld [tilespmem:s26+$0x20];
	v16 =	vperm.xlane.i2c.b16 v16;
	v13 =	vperm.xlane.i2c.b16 v13  }
0x2cc: {  	v5 =	vmul.f32 v5, v12;
	v12 =	vld [tilespmem:s26+$0x10];
	[tilespmem:s20+$0xFFFFFF90] =	vst v11;
	v11 =	vperm.xlane.i2c.b16 v49  }
0x2cd: {  	v15 =	vperm.xlane.i2c.b16 v15;
	v13 =	vcombine.low v13, v19;
	v19 =	vld [tilespmem:s26+$0x30]  }
0x2ce: {  	v2 =	vld [tilespmem:s20+$0xC0];
	v18 =	vperm.xlane.i2c.b16 v18;
	v4 =	vmul.f32 v4, v48  }
0x2cf: {  	v39 =	vld [tilespmem:s28+$0x40];
	[tilespmem:s20+$0xFFFFFFA0] =	vst v10;
	v16 =	vcombine.high v16, v17;
	v11 =	vcombine.low v11, v15;
	v10 =	vunpack.c.l.bf16.f32 v13  }
0x2d0: {  	v1 =	vld [tilespmem:s20+$0xFFFFFFE0];
	v23 =	vperm.xlane.i2c.b16 v52;
	v21 =	vperm.xlane.i2c.b16 v53;
	v13 =	vunpack.c.u.bf16.f32 v13  }
0x2d1: {  	v14 =	vld [tilespmem:s21+$0xFFFFFF90];
	[tilespmem:s20+$0xFFFFFF80] =	vst v4;
	v17 =	vunpack.c.l.bf16.f32 v11;
	v10 =	vmul.f32 v63, v10;
	v12 =	vperm.xlane.i2c.b16 v12  }
0x2d2: {  	v4 =	vld [tilespmem:s21+$0xFFFFFFA0];
	[tilespmem:s20+$0xFFFFFFB0] =	vst v5;
	v11 =	vunpack.c.u.bf16.f32 v11;
	v13 =	vmul.f32 v38, v13;
	v19 =	vperm.xlane.i2c.b16 v19  }
0x2d3: {  	v15 =	vld [tilespmem:s28+$0xFFFFFFC0];
	v17 =	vmul.f32 v31, v17;
	v12 =	vcombine.high v23, v12;
	[tilespmem:s21+$0xFFFFFF40] =	vst v10  }
0x2d4: {  	v58 =	vperm.xlane.i2c.b16 v39;
	v5 =	vld [tilespmem:s21+$0xFFFFFFB0];
	v11 =	vmul.f32 v20, v11;
	v10 =	vunpack.c.u.bf16.f32 v16;
	[tilespmem:s21+$0xFFFFFF50] =	vst v13  }
0x2d5: {  	v20 =	vld [tilespmem:s28+$0xFFFFFFD0];
	v19 =	vcombine.high v21, v19;
	[tilespmem:s21+$0xFFFFFF60] =	vst v17;
	v13 =	vunpack.c.l.bf16.f32 v12  }
0x2d6: {  	v18 =	vcombine.high v58, v18;
	[tilespmem:s21+$0xFFFFFF70] =	vst v11;
	v9 =	vmul.f32 v9, v10;
	v10 =	vunpack.c.u.bf16.f32 v12;
	v12 =	vld [tilespmem:s28+$0xFFFFFFE0]  }
0x2d7: {  	v16 =	vunpack.c.l.bf16.f32 v16;
	v59 =	vld [tilespmem:s26+$0xFFFFFF80];
	v17 =	vunpack.c.l.bf16.f32 v19;
	v11 =	vmul.f32 v54, v13  }
0x2d8: {  	v15 =	vperm.xlane.i2c.b16 v15;
	v60 =	vld [tilespmem:s26+$0xFFFFFF90];
	v19 =	vunpack.c.u.bf16.f32 v19;
	v10 =	vmul.f32 v55, v10;
	[tilespmem:s20+$0xF0] =	vst v9  }
0x2d9: {  	v16 =	vmul.f32 v8, v16;
	v13 =	vld [tilespmem:s28+$0xFFFFFFF0];
	v17 =	vmul.f32 v56, v17;
	[tilespmem:s21+$0x80] =	vst v11  }
0x2da: {  	v8 =	vld [tilespmem:s26+$0xFFFFFFB0];
	v20 =	vperm.xlane.i2c.b16 v20;
	v19 =	vmul.f32 v57, v19;
	v11 =	vunpack.c.u.bf16.f32 v18;
	[tilespmem:s21+$0x90] =	vst v10  }
0x2db: {  	v10 =	vld [tilespmem:s26+$0xFFFFFFA0];
	[tilespmem:s21+$0xA0] =	vst v17;
	v12 =	vperm.xlane.i2c.b16 v12  }
0x2dc: {  	v9 =	vld [tilespmem:s21+$0xFFFFFFF0];
	v18 =	vunpack.c.l.bf16.f32 v18;
	[tilespmem:s21+$0xB0] =	vst v19;
	v11 =	vmul.f32 v3, v11;
	v3 =	vcombine.high v15, v20  }
0x2dd: {  	v19 =	vperm.xlane.i2c.b16 v59;
	v15 =	vld [tilespmem:s26+$0x60];
	v20 =	vperm.xlane.i2c.b16 v60  }
0x2de: {  	v17 =	vmul.f32 v2, v18;
	v61 =	vld [tilespmem:s26+$0x70];
	v13 =	vperm.xlane.i2c.b16 v13;
	v18 =	vunpack.c.u.bf16.f32 v3  }
0x2df: {  	v2 =	vld [tilespmem:s21+$0xFFFFFFC0];
	v62 =	vunpack.c.l.bf16.f32 v3;
	v19 =	vcombine.high v19, v20;
	v20 =	vperm.xlane.i2c.b16 v8  }
0x2e0: {  	[tilespmem:s20+$0xE0] =	vst v16;
	v3 =	vld [tilespmem:s21+$0xFFFFFFD0];
	v12 =	vcombine.high v12, v13;
	v13 =	vperm.xlane.i2c.b16 v10  }
0x2e1: {  	v8 =	vld [tilespmem:s21+$0xFFFFFFE0];
	[tilespmem:s20+$0xC0] =	vst v17;
	v16 =	vmul.f32 v6, v62;
	v18 =	vmul.f32 v7, v18  }
0x2e2: {  	[tilespmem:s20+$0xD0] =	vst v11;
	v11 =	vld [tilespmem:s21+$0xF0];
	v10 =	vunpack.c.u.bf16.f32 v12;
	v17 =	vcombine.high v13, v20;
	v20 =	vunpack.c.l.bf16.f32 v19  }
0x2e3: {  	v6 =	vld [tilespmem:s21+$0xC0];
	v19 =	vunpack.c.u.bf16.f32 v19;
	v21 =	vperm.xlane.i2c.b16 v61;
	v63 =	vperm.xlane.i2c.b16 v15;
	[tilespmem:s20+$0xFFFFFFC0] =	vst v16  }
0x2e4: {  	v7 =	vld [tilespmem:s21+$0xD0];
	[tilespmem:s20+$0xFFFFFFD0] =	vst v18;
	v15 =	vunpack.c.u.bf16.f32 v17;
	v16 =	vmul.f32 v51, v20;
	v18 =	vunpack.c.l.bf16.f32 v17  }
0x2e5: {  	s7 =	simm.s32 $0x6A80;
	s28 =	simm.s32 $0x2;
	v13 =	vunpack.c.l.bf16.f32 v12;
	v12 =	vld [tilespmem:s21+$0xE0];
	v17 =	vmul.f32 v14, v19;
	v14 =	vcombine.high v63, v21  }
.LBB2_11:
0x2e6: {  	v19 =	vld [tilespmem:s7+$0x0];
	v4 =	vmul.f32 v4, v18;
	v5 =	vmul.f32 v5, v15;
	[tilespmem:s21+$0xFFFFFF80] =	vst v16  }
0x2e7: {  	v13 =	vmul.f32 v1, v13;
	v1 =	vmovc v8;
	v15 =	vld [tilespmem:s7+$0x10];
	[tilespmem:s21+$0xFFFFFF90] =	vst v17;
	v16 =	vunpack.c.u.bf16.f32 v14;
	v14 =	vunpack.c.l.bf16.f32 v14  }
0x2e8: {  	v8 =	vld [tilespmem:s7+$0x20];
	[tilespmem:s21+$0xFFFFFFA0] =	vst v4;
	v4 =	vmul.f32 v0, v10;
	v0 =	vmov v9  }
0x2e9: {  	v9 =	vld [tilespmem:s7+$0x30];
	[tilespmem:s21+$0xFFFFFFB0] =	vst v5;
	v5 =	vmul.f32 v11, v16  }
0x2ea: {  	v10 =	vld [tilespmem:s26+$0x40];
	v11 =	vmul.f32 v12, v14;
	[tilespmem:s20+$0xFFFFFFE0] =	vst v13  }
0x2eb: {  	v12 =	vld [tilespmem:s26+$0x50];
	[tilespmem:s21+$0xF0] =	vst v5  }
0x2ec: {  	v5 =	vld [tilespmem:s7+$0xFFFFFF90];
	[tilespmem:s20+$0xFFFFFFF0] =	vst v4;
	s20 =	smov.u32 s21  }
0x2ed: {  	v14 =	vperm.xlane.i2c.b16 v19;
	v13 =	vperm.xlane.i2c.b16 v15;
	s21 =	sadd.s32 $0x200, s21;
	v4 =	vld [tilespmem:s7+$0xFFFFFFA0];
	[tilespmem:s20+$0xE0] =	vst v11  }
0x2ee: {  	v9 =	vperm.xlane.i2c.b16 v9;
	v11 =	vld [tilespmem:s21+$0x0]  }
0x2ef: {  	v8 =	vperm.xlane.i2c.b16 v8;
	v13 =	vcombine.low v14, v13;
	v14 =	vld [tilespmem:s21+$0x10]  }
0x2f0: {  	v10 =	vperm.xlane.i2c.b16 v10;
	v15 =	vld [tilespmem:s21+$0x20];
	v12 =	vperm.xlane.i2c.b16 v12  }
0x2f1: {  	v8 =	vcombine.low v8, v9;
	v9 =	vunpack.c.l.bf16.f32 v13;
	v5 =	vperm.xlane.i2c.b16 v5;
	v16 =	vld [tilespmem:s21+$0x30]  }
0x2f2: {  	v13 =	vunpack.c.u.bf16.f32 v13;
	v17 =	vld [tilespmem:s7+$0xFFFFFFB0];
	v4 =	vperm.xlane.i2c.b16 v4;
	v10 =	vcombine.high v10, v12  }
0x2f3: {  	v18 =	vunpack.c.l.bf16.f32 v8;
	v12 =	vld [tilespmem:s7+$0xFFFFFF80];
	v9 =	vmul.f32 v11, v9  }
0x2f4: {  	s28 =	sadd.s32 $0x2, s28;
	v8 =	vunpack.c.u.bf16.f32 v8;
	v11 =	vld [tilespmem:s21+$0xFFFFFF00];
	v13 =	vmul.f32 v14, v13;
	v14 =	vunpack.c.u.bf16.f32 v10  }
0x2f5: {  	p3 =	slt.u32 s28, $0x26;
	v19 =	vld [tilespmem:s21+$0xFFFFFF10];
	v15 =	vmul.f32 v15, v18;
	[tilespmem:s21+$0x0] =	vst v9;
	v9 =	vunpack.c.l.bf16.f32 v10  }
0x2f6: {  	v10 =	vld [tilespmem:s21+$0xFFFFFF20];
	v8 =	vmul.f32 v16, v8;
	[tilespmem:s21+$0x10] =	vst v13;
	v7 =	vmul.f32 v7, v14  }
0x2f7: {  	v13 =	vperm.xlane.i2c.b16 v17;
	v14 =	vld [tilespmem:s21+$0xFFFFFF30];
	[tilespmem:s21+$0x20] =	vst v15;
	v6 =	vmul.f32 v6, v9  }
0x2f8: {  	v9 =	vperm.xlane.i2c.b16 v12;
	v12 =	vld [tilespmem:s21+$0xFFFFFF40];
	[tilespmem:s21+$0x30] =	vst v8  }
0x2f9: {  	v4 =	vcombine.low v4, v13;
	v8 =	vld [tilespmem:s7+$0x40];
	[tilespmem:s20+$0xC0] =	vst v6  }
0x2fa: {  	v5 =	vcombine.low v9, v5;
	v6 =	vld [tilespmem:s7+$0x50];
	[tilespmem:s20+$0xD0] =	vst v7  }
0x2fb: {  	v7 =	vunpack.c.u.bf16.f32 v4;
	v4 =	vunpack.c.l.bf16.f32 v4;
	v9 =	vld [tilespmem:s7+$0x70]  }
0x2fc: {  	v13 =	vunpack.c.u.bf16.f32 v5;
	v5 =	vunpack.c.l.bf16.f32 v5;
	v15 =	vld [tilespmem:s7+$0x60]  }
0x2fd: {  	v4 =	vmul.f32 v10, v4;
	v7 =	vmul.f32 v14, v7;
	v10 =	vld [tilespmem:s21+$0xFFFFFF50]  }
0x2fe: {  	v5 =	vmul.f32 v11, v5;
	v11 =	vmul.f32 v19, v13;
	v13 =	vld [tilespmem:s21+$0xFFFFFF60]  }
0x2ff: {  	[tilespmem:s21+$0xFFFFFF20] =	vst v4;
	v14 =	vld [tilespmem:s21+$0xFFFFFF70];
	v4 =	vperm.xlane.i2c.b16 v6;
	v6 =	vperm.xlane.i2c.b16 v8  }
0x300: {  	[tilespmem:s21+$0xFFFFFF00] =	vst v5;
	v5 =	vperm.xlane.i2c.b16 v9;
	v8 =	vld [tilespmem:s21+$0x40]  }
0x301: {  	[tilespmem:s21+$0xFFFFFF10] =	vst v11;
	v4 =	vcombine.low v6, v4;
	v6 =	vperm.xlane.i2c.b16 v15;
	v9 =	vld [tilespmem:s21+$0x50]  }
0x302: {  	[tilespmem:s21+$0xFFFFFF30] =	vst v7;
	v7 =	vld [tilespmem:s21+$0x60]  }
0x303: {  	v5 =	vcombine.low v6, v5;
	v6 =	vunpack.c.l.bf16.f32 v4;
	v11 =	vld [tilespmem:s21+$0x70]  }
0x304: {  	v4 =	vunpack.c.u.bf16.f32 v4;
	v15 =	vld [tilespmem:s7+$0xFFFFFFC0]  }
0x305: {  	v16 =	vld [tilespmem:s7+$0xFFFFFFD0];
	v17 =	vunpack.c.l.bf16.f32 v5;
	v6 =	vmul.f32 v8, v6  }
0x306: {  	v5 =	vunpack.c.u.bf16.f32 v5;
	v8 =	vld [tilespmem:s7+$0xFFFFFFE0];
	v4 =	vmul.f32 v9, v4  }
0x307: {  	v9 =	vld [tilespmem:s7+$0xFFFFFFF0];
	v7 =	vmul.f32 v7, v17;
	[tilespmem:s21+$0x40] =	vst v6  }
0x308: {  	v17 =	vld [tilespmem:s21+$0xFFFFFF80];
	v5 =	vmul.f32 v11, v5;
	[tilespmem:s21+$0x50] =	vst v4  }
0x309: {  	v6 =	vperm.xlane.i2c.b16 v15;
	v19 =	vld [tilespmem:s21+$0xFFFFFF90];
	[tilespmem:s21+$0x60] =	vst v7  }
0x30a: {  	v7 =	vperm.xlane.i2c.b16 v16;
	v4 =	vld [tilespmem:s21+$0xFFFFFFA0];
	[tilespmem:s21+$0x70] =	vst v5  }
0x30b: {  	v5 =	vperm.xlane.i2c.b16 v8;
	v8 =	vld [tilespmem:s7+$0x0]  }
0x30c: {  	v6 =	vcombine.low v6, v7;
	v7 =	vperm.xlane.i2c.b16 v9;
	v9 =	vld [tilespmem:s7+$0x10]  }
0x30d: {  	v11 =	vld [tilespmem:s7+$0x30]  }
0x30e: {  	v7 =	vcombine.low v5, v7;
	v15 =	vunpack.c.u.bf16.f32 v6;
	v6 =	vunpack.c.l.bf16.f32 v6;
	v16 =	vld [tilespmem:s7+$0x20]  }
0x30f: {  	v5 =	vld [tilespmem:s21+$0xFFFFFFB0]  }
0x310: {  	v18 =	vunpack.c.u.bf16.f32 v7;
	v7 =	vunpack.c.l.bf16.f32 v7;
	v6 =	vmul.f32 v12, v6;
	v12 =	vld [tilespmem:s26+$0xFFFFFFC0]  }
0x311: {  	v8 =	vperm.xlane.i2c.b16 v8;
	v9 =	vperm.xlane.i2c.b16 v9;
	v20 =	vld [tilespmem:s26+$0xFFFFFFD0]  }
0x312: {  	v10 =	vmul.f32 v10, v15;
	[tilespmem:s21+$0xFFFFFF40] =	vst v6;
	v6 =	vperm.xlane.i2c.b16 v11;
	v11 =	vld [tilespmem:s21+$0x80]  }
0x313: {  	v8 =	vcombine.high v8, v9;
	v9 =	vperm.xlane.i2c.b16 v16;
	v15 =	vld [tilespmem:s21+$0x90]  }
0x314: {  	v7 =	vmul.f32 v13, v7;
	v13 =	vmul.f32 v14, v18;
	[tilespmem:s21+$0xFFFFFF50] =	vst v10;
	v10 =	vld [tilespmem:s21+$0xA0]  }
0x315: {  	v6 =	vcombine.high v9, v6;
	v9 =	vunpack.c.l.bf16.f32 v8;
	v14 =	vld [tilespmem:s21+$0xB0];
	v12 =	vperm.xlane.i2c.b16 v12  }
0x316: {  	[tilespmem:s21+$0xFFFFFF60] =	vst v7;
	v7 =	vunpack.c.u.bf16.f32 v8;
	v8 =	vld [tilespmem:s26+$0xFFFFFFE0];
	v16 =	vperm.xlane.i2c.b16 v20  }
0x317: {  	[tilespmem:s21+$0xFFFFFF70] =	vst v13;
	v13 =	vunpack.c.l.bf16.f32 v6;
	v9 =	vmul.f32 v11, v9;
	v11 =	vld [tilespmem:s26+$0xFFFFFFF0];
	s26 =	smov.u32 s7  }
0x318: {  	v6 =	vunpack.c.u.bf16.f32 v6;
	v18 =	vld [tilespmem:s7+$0xFFFFFF80];
	v7 =	vmul.f32 v15, v7;
	v12 =	vcombine.high v12, v16  }
0x319: {  	v15 =	vld [tilespmem:s7+$0xFFFFFF90];
	v10 =	vmul.f32 v10, v13;
	[tilespmem:s21+$0x80] =	vst v9  }
0x31a: {  	v9 =	vld [tilespmem:s7+$0xFFFFFFA0];
	v6 =	vmul.f32 v14, v6;
	[tilespmem:s21+$0x90] =	vst v7;
	v7 =	vunpack.c.u.bf16.f32 v12;
	v12 =	vunpack.c.l.bf16.f32 v12  }
0x31b: {  	v13 =	vld [tilespmem:s7+$0xFFFFFFB0];
	[tilespmem:s21+$0xA0] =	vst v10;
	v8 =	vperm.xlane.i2c.b16 v8  }
0x31c: {  	[tilespmem:s21+$0xB0] =	vst v6;
	v6 =	vperm.xlane.i2c.b16 v11;
	v10 =	vmul.f32 v2, v12;
	v2 =	vld [tilespmem:s21+$0xFFFFFFC0]  }
0x31d: {  	v7 =	vmul.f32 v3, v7;
	v11 =	vperm.xlane.i2c.b16 v18;
	v12 =	vld [tilespmem:s7+$0x60]  }
0x31e: {  	v14 =	vperm.xlane.i2c.b16 v15;
	v15 =	vld [tilespmem:s7+$0x70];
	v6 =	vcombine.high v8, v6;
	[tilespmem:s20+$0xFFFFFFC0] =	vst v10  }
0x31f: {  	v16 =	vperm.xlane.i2c.b16 v9;
	v3 =	vld [tilespmem:s21+$0xFFFFFFD0];
	[tilespmem:s20+$0xFFFFFFD0] =	vst v7  }
0x320: {  	v7 =	vcombine.high v11, v14;
	v11 =	vperm.xlane.i2c.b16 v13;
	v8 =	vld [tilespmem:s21+$0xFFFFFFE0];
	v10 =	vunpack.c.u.bf16.f32 v6  }
.Ltmp11:
0x321: {  	v13 =	vunpack.c.l.bf16.f32 v6;
	v9 =	vld [tilespmem:s21+$0xFFFFFFF0];
	(pc) =	sbr.rel @p3 .LBB2_11-.Ltmp11, $4  }
0x322: {  	v11 =	vcombine.high v16, v11;
	v14 =	vunpack.c.u.bf16.f32 v7;
	v16 =	vunpack.c.l.bf16.f32 v7;
	v6 =	vld [tilespmem:s21+$0xC0]  }
0x323: {  	v12 =	vperm.xlane.i2c.b16 v12;
	v20 =	vperm.xlane.i2c.b16 v15;
	v7 =	vld [tilespmem:s21+$0xD0]  }
0x324: {  	v15 =	vunpack.c.u.bf16.f32 v11;
	v18 =	vunpack.c.l.bf16.f32 v11;
	v16 =	vmul.f32 v17, v16;
	v11 =	vld [tilespmem:s21+$0xF0]  }
0x325: {  	s7 =	sadd.s32 $0x100, s7;
	v17 =	vmul.f32 v19, v14;
	v14 =	vcombine.high v12, v20;
	v12 =	vld [tilespmem:s21+$0xE0]  }
0x326: {  	v4 =	vmul.f32 v4, v18;
	[tilespmem:s21+$0xFFFFFF80] =	vst v16  }
0x327: {  	v5 =	vmul.f32 v5, v15;
	v44 =	vld [tilespmem:s26+$0x40];
	[tilespmem:s21+$0xFFFFFF90] =	vst v17  }
0x328: {  	v45 =	vld [tilespmem:s26+$0x50];
	[tilespmem:s21+$0xFFFFFFA0] =	vst v4  }
0x329: {  	[tilespmem:s21+$0xFFFFFFB0] =	vst v5  }
0x32a: {  	v46 =	vld [tilespmem:s26+$0xFFFFFFC0]  }
0x32b: {  	v16 =	vld [tilespmem:s26+$0xFFFFFFD0]  }
0x32c: {  	v17 =	vld [tilespmem:s26+$0xFFFFFFE0]  }
0x32d: {  	v47 =	vld [tilespmem:s26+$0xFFFFFFF0];
	v5 =	vperm.xlane.i2c.b16 v45;
	v4 =	vperm.xlane.i2c.b16 v44  }
0x32e: {  	v1 =	vmul.f32 v1, v13  }
0x32f: {  	v0 =	vmul.f32 v0, v10;
	v48 =	vunpack.c.u.bf16.f32 v14;
	v4 =	vcombine.high v4, v5  }
0x330: {  	v15 =	vperm.xlane.i2c.b16 v46;
	v16 =	vperm.xlane.i2c.b16 v16  }
0x331: {  	v49 =	vunpack.c.l.bf16.f32 v14;
	v50 =	vmul.f32 v11, v48;
	v53 =	vperm.xlane.i2c.b16 v17  }
0x332: {  	[tilespmem:s20+$0xFFFFFFE0] =	vst v1;
	v13 =	vperm.xlane.i2c.b16 v47;
	v52 =	vunpack.c.l.bf16.f32 v4;
	v51 =	vcombine.high v15, v16  }
0x333: {  	[tilespmem:s20+$0xFFFFFFF0] =	vst v0;
	v5 =	vmul.f32 v12, v49;
	v4 =	vunpack.c.u.bf16.f32 v4  }
0x334: {  	[tilespmem:s21+$0xF0] =	vst v50;
	v56 =	vcombine.high v53, v13;
	v54 =	vmul.f32 v6, v52;
	v55 =	vunpack.c.l.bf16.f32 v51  }
0x335: {  	[tilespmem:s21+$0xE0] =	vst v5;
	v4 =	vmul.f32 v7, v4;
	v57 =	vunpack.c.u.bf16.f32 v51  }
0x336: {  	v59 =	vunpack.c.l.bf16.f32 v56;
	[tilespmem:s21+$0xC0] =	vst v54;
	v58 =	vmul.f32 v2, v55  }
0x337: {  	v61 =	vunpack.c.u.bf16.f32 v56;
	[tilespmem:s21+$0xD0] =	vst v4;
	v60 =	vmul.f32 v3, v57  }
0x338: {  	v62 =	vmul.f32 v8, v59;
	[tilespmem:s21+$0xFFFFFFC0] =	vst v58  }
0x339: {  	v63 =	vmul.f32 v9, v61;
	[tilespmem:s21+$0xFFFFFFD0] =	vst v60  }
0x33a: {  	[tilespmem:s21+$0xFFFFFFE0] =	vst v62  }
0x33b: {  	[tilespmem:s21+$0xFFFFFFF0] =	vst v63  }
0x33c: {  	[spmem:s2] =	stream.indirect.scatter.add.f32 [tilespmem:s12], [sflag:$0x9], $0x80, s0, s9, $0xb8;
	[tilespmem:$0x1B480] =	vst v63  }
0x33d: {  	_ =	swait.ge [sflag:s29], $0x2800  }
0x33e: {  	p3 =	sgt.u32 s19, $0x48;
	[sflag:s29] =	ssyncset.done $0x0  }
0x33f: {  	s7 =	simm.s32 @!p3 $0x4;
	[sflag:s29] =	ssyncadd.s32 $0xFFFFD800  }
0x340: {  	_ =	swait.ge @!p3 [sflag:s7], $0x50  }
0x341: {  	[sflag:s7] =	ssyncset.done @!p3 $0x0  }
0x342: {  	[sflag:s7] =	ssyncadd.s32 @!p3 $0xFFFFFFB0  }
0x343: {  	p4 =	sgt.u32 @!p3 s19, $0x46;
	_ =	swait.ge @!p3 [sflag:s7], $0x50  }
0x344: {  	s20 =	simm.s32 @!p3 $0x180;
	s26 =	smul.u32 @!p3 $0x28, s19;
	[sflag:s7] =	ssyncset.done @!p3 $0x0  }
0x345: {  	s21 =	simm.s32 @!p3 $0x2C00;
	[sflag:s7] =	ssyncadd.s32 @!p3 $0xFFFFFFB0;
	s7 =	simm.s32 @!p3 $0x50  }
0x346: {  	[tilespmem:s21], [sflag:$0x6] =	stream.indirect.gather @!p3 [hbm4b:s1+s7], $0x80, s20, s7, $0xb8;
	[tilespmem:$0x1B480] =	vst v63  }
0x347: {  	p4 =	por p4, p3;
	s7 =	sadd.s32 @!p3 s26, s22  }
0x348: {  	s20 =	sadd.s32 @!p4 s19, s23;
	s21 =	simm.s32 @!p3 $0x0;
	s7 =	sshll.u32 @!p3 s7, $0x4  }
0x349: {  	s26 =	simm.s32 @!p3 $0x6800;
	s20 =	smul.u32 @!p4 $0xA, s20;
	s7 =	sadd.s32 @!p3 s6, s7  }
0x34a: {  	[tilespmem:s26], [sflag:$0x8] =	stream.linear.gather @!p3 [hbm4b:s7+s21], $0x1400, $0x38;
	[tilespmem:$0x1B480] =	vst v63  }
.Ltmp12:
0x34b: {  	_ = 	snop;
	(pc) =	sbr.rel .LBB2_17-.Ltmp12, $4  }
0x34c: {  	s7 =	sadd.s32 @!p4 s4, s20;
	s21 =	simm.s32 @!p4 $0x0;
	s26 =	simm.s32 @!p4 $0x80  }
0x34d: {  	[tilespmem:s26], [sflag:$0x2] =	stream.linear.gather @!p4 [hbm4b:s7+s21], $0x50, $0x38;
	[tilespmem:$0x1B480] =	vst v63  }
0x34e: {  	s7 =	sadd.s32 @!p4 s5, s20;
	s20 =	simm.s32 @!p4 $0x280  }
0x34f: {  	[tilespmem:s20], [sflag:$0x2] =	stream.linear.gather @!p4 [hbm4b:s7+s21], $0x50, $0x38;
	[tilespmem:$0x1B480] =	vst v63  }
.LBB2_14:
0x350: {  	_ =	swait.ge [sflag:s15], $0x2800  }
0x351: {  	[sflag:s15] =	ssyncset.done $0x0  }
0x352: {  	[sflag:s15] =	ssyncadd.s32 $0xFFFFD800  }
0x353: {  	_ =	swait.ge [sflag:s16], $0x1400  }
0x354: {  	[sflag:s16] =	ssyncset.done $0x0  }
0x355: {  	s28 =	simm.s32 $0x6880;
	[sflag:s16] =	ssyncadd.s32 $0xFFFFEC00  }
0x356: {  	v0 =	vld [tilespmem:s28+$0x0]  }
0x357: {  	v1 =	vld [tilespmem:s28+$0x10]  }
0x358: {  	v2 =	vld [tilespmem:s28+$0x30]  }
0x359: {  	v3 =	vld [tilespmem:s28+$0x20]  }
0x35a: {  	v4 =	vld [tilespmem:s28+$0xFFFFFF90]  }
0x35b: {  	s20 =	simm.s32 $0x2D00;
	v5 =	vld [tilespmem:s28+$0xFFFFFFA0]  }
0x35c: {  	v6 =	vld [tilespmem:s20+$0x0]  }
0x35d: {  	v7 =	vld [tilespmem:s20+$0x20]  }
0x35e: {  	v8 =	vld [tilespmem:s20+$0x30]  }
0x35f: {  	v9 =	vld [tilespmem:s28+$0xFFFFFFB0]  }
0x360: {  	v10 =	vld [tilespmem:s28+$0xFFFFFF80]  }
0x361: {  	v13 =	vld [tilespmem:s20+$0xFFFFFF50]  }
0x362: {  	s26 =	simm.s32 $0x6980;
	v14 =	vld [tilespmem:s20+$0xFFFFFF60]  }
0x363: {  	v18 =	vld [tilespmem:s26+$0x0]  }
0x364: {  	v19 =	vld [tilespmem:s26+$0x10]  }
0x365: {  	v20 =	vld [tilespmem:s26+$0x30]  }
0x366: {  	v21 =	vld [tilespmem:s26+$0x20]  }
0x367: {  	v22 =	vld [tilespmem:s26+$0xFFFFFF90]  }
0x368: {  	s21 =	simm.s32 $0x2F00;
	v23 =	vld [tilespmem:s26+$0xFFFFFFA0]  }
0x369: {  	v24 =	vld [tilespmem:s21+$0x0]  }
0x36a: {  	v58 =	vld [tilespmem:s21+$0x10]  }
0x36b: {  	v25 =	vld [tilespmem:s21+$0x20]  }
0x36c: {  	v26 =	vld [tilespmem:s21+$0x30]  }
0x36d: {  	v27 =	vld [tilespmem:s26+$0xFFFFFFB0]  }
0x36e: {  	v28 =	vld [tilespmem:s26+$0xFFFFFF80]  }
0x36f: {  	v59 =	vld [tilespmem:s21+$0xFFFFFF00]  }
0x370: {  	v60 =	vld [tilespmem:s21+$0xFFFFFF10]  }
0x371: {  	v62 =	vld [tilespmem:s21+$0xFFFFFF30]  }
0x372: {  	v63 =	vld [tilespmem:s21+$0xFFFFFF40]  }
0x373: {  	v38 =	vld [tilespmem:s21+$0xFFFFFF50]  }
0x374: {  	v31 =	vld [tilespmem:s21+$0xFFFFFF60]  }
0x375: {  	v41 =	vld [tilespmem:s21+$0x40]  }
0x376: {  	v43 =	vld [tilespmem:s21+$0x50]  }
0x377: {  	v44 =	vld [tilespmem:s21+$0x60];
	v1 =	vperm.xlane.i2c.b16 v1;
	v0 =	vperm.xlane.i2c.b16 v0  }
0x378: {  	v46 =	vld [tilespmem:s21+$0x70];
	v2 =	vperm.xlane.i2c.b16 v2;
	v19 =	vperm.xlane.i2c.b16 v19  }
0x379: {  	v51 =	vld [tilespmem:s21+$0xFFFFFF80];
	v18 =	vperm.xlane.i2c.b16 v18;
	v20 =	vperm.xlane.i2c.b16 v20  }
0x37a: {  	v54 =	vld [tilespmem:s21+$0x80];
	v0 =	vcombine.low v0, v1;
	v1 =	vperm.xlane.i2c.b16 v3  }
0x37b: {  	v3 =	vld [tilespmem:s20+$0x10];
	v18 =	vcombine.low v18, v19;
	v19 =	vperm.xlane.i2c.b16 v21  }
0x37c: {  	v55 =	vld [tilespmem:s21+$0x90];
	v1 =	vcombine.low v1, v2;
	v2 =	vunpack.c.l.bf16.f32 v0  }
0x37d: {  	v56 =	vld [tilespmem:s21+$0xA0];
	v19 =	vcombine.low v19, v20;
	v20 =	vunpack.c.l.bf16.f32 v18  }
0x37e: {  	v57 =	vld [tilespmem:s21+$0xB0];
	v0 =	vunpack.c.u.bf16.f32 v0;
	v2 =	vmul.f32 v6, v2  }
0x37f: {  	v11 =	vunpack.c.l.bf16.f32 v1;
	v6 =	vld [tilespmem:s20+$0xFFFFFF00];
	v20 =	vmul.f32 v24, v20  }
0x380: {  	v18 =	vunpack.c.u.bf16.f32 v18;
	v1 =	vunpack.c.u.bf16.f32 v1;
	v0 =	vmul.f32 v3, v0;
	v3 =	vld [tilespmem:s20+$0xFFFFFF10];
	[tilespmem:s20+$0x0] =	vst v2  }
0x381: {  	v4 =	vperm.xlane.i2c.b16 v4;
	v7 =	vmul.f32 v7, v11;
	v2 =	vld [tilespmem:s20+$0xFFFFFF20];
	[tilespmem:s21+$0x0] =	vst v20  }
0x382: {  	v29 =	vunpack.c.l.bf16.f32 v19;
	v18 =	vmul.f32 v58, v18;
	v1 =	vmul.f32 v8, v1;
	v8 =	vld [tilespmem:s20+$0xFFFFFF30];
	[tilespmem:s20+$0x10] =	vst v0  }
0x383: {  	v20 =	vld [tilespmem:s21+$0xFFFFFF20];
	v0 =	vperm.xlane.i2c.b16 v5;
	v5 =	vperm.xlane.i2c.b16 v9;
	[tilespmem:s20+$0x20] =	vst v7  }
0x384: {  	v61 =	vperm.xlane.i2c.b16 v27;
	v19 =	vunpack.c.u.bf16.f32 v19;
	v25 =	vmul.f32 v25, v29;
	v7 =	vld [tilespmem:s20+$0xFFFFFF40];
	[tilespmem:s20+$0x30] =	vst v1  }
0x385: {  	[tilespmem:s21+$0x10] =	vst v18;
	v18 =	vperm.xlane.i2c.b16 v23;
	v0 =	vcombine.low v0, v5;
	v5 =	vld [tilespmem:s28+$0x40]  }
0x386: {  	v19 =	vmul.f32 v26, v19;
	v1 =	vperm.xlane.i2c.b16 v10;
	v9 =	vld [tilespmem:s28+$0x50]  }
0x387: {  	v22 =	vperm.xlane.i2c.b16 v22;
	[tilespmem:s21+$0x20] =	vst v25;
	v18 =	vcombine.low v18, v61;
	v10 =	vld [tilespmem:s28+$0x70]  }
0x388: {  	[tilespmem:s21+$0x30] =	vst v19;
	v19 =	vperm.xlane.i2c.b16 v28;
	v11 =	vld [tilespmem:s28+$0x60];
	v1 =	vcombine.low v1, v4  }
0x389: {  	v33 =	vld [tilespmem:s26+$0x40];
	v35 =	vunpack.c.l.bf16.f32 v18;
	v4 =	vunpack.c.l.bf16.f32 v0  }
0x38a: {  	v34 =	vld [tilespmem:s26+$0x50];
	v19 =	vcombine.low v19, v22;
	v0 =	vunpack.c.u.bf16.f32 v0;
	v12 =	vunpack.c.l.bf16.f32 v1  }
0x38b: {  	v36 =	vld [tilespmem:s26+$0x70];
	v20 =	vmul.f32 v20, v35;
	v2 =	vmul.f32 v2, v4  }
0x38c: {  	v37 =	vld [tilespmem:s26+$0x60];
	v1 =	vunpack.c.u.bf16.f32 v1;
	v0 =	vmul.f32 v8, v0;
	v4 =	vmul.f32 v6, v12  }
0x38d: {  	v8 =	vld [tilespmem:s20+$0x40];
	v6 =	vperm.xlane.i2c.b16 v9;
	v5 =	vperm.xlane.i2c.b16 v5;
	[tilespmem:s21+$0xFFFFFF20] =	vst v20  }
0x38e: {  	v18 =	vunpack.c.u.bf16.f32 v18;
	v1 =	vmul.f32 v3, v1;
	v3 =	vperm.xlane.i2c.b16 v10;
	v20 =	vld [tilespmem:s21+$0xFFFFFF70];
	[tilespmem:s20+$0xFFFFFF20] =	vst v2  }
0x38f: {  	v30 =	vunpack.c.l.bf16.f32 v19;
	[tilespmem:s20+$0xFFFFFF00] =	vst v4;
	v4 =	vcombine.low v5, v6;
	v5 =	vperm.xlane.i2c.b16 v11;
	v6 =	vld [tilespmem:s20+$0x50]  }
0x390: {  	v19 =	vunpack.c.u.bf16.f32 v19;
	v18 =	vmul.f32 v62, v18;
	[tilespmem:s20+$0xFFFFFF10] =	vst v1;
	v1 =	vld [tilespmem:s20+$0x60]  }
0x391: {  	v24 =	vmul.f32 v59, v30;
	[tilespmem:s20+$0xFFFFFF30] =	vst v0;
	v0 =	vcombine.low v5, v3;
	v3 =	vunpack.c.l.bf16.f32 v4;
	v5 =	vld [tilespmem:s20+$0x70]  }
0x392: {  	v19 =	vmul.f32 v60, v19;
	[tilespmem:s21+$0xFFFFFF30] =	vst v18;
	v9 =	vld [tilespmem:s28+$0xFFFFFFC0];
	v4 =	vunpack.c.u.bf16.f32 v4  }
0x393: {  	[tilespmem:s21+$0xFFFFFF00] =	vst v24;
	v10 =	vld [tilespmem:s28+$0xFFFFFFD0];
	v11 =	vunpack.c.l.bf16.f32 v0;
	v3 =	vmul.f32 v8, v3  }
0x394: {  	v2 =	vld [tilespmem:s20+$0xFFFFFF70];
	[tilespmem:s21+$0xFFFFFF10] =	vst v19;
	v0 =	vunpack.c.u.bf16.f32 v0;
	v4 =	vmul.f32 v6, v4  }
0x395: {  	v47 =	vld [tilespmem:s26+$0xFFFFFFD0];
	v1 =	vmul.f32 v1, v11;
	[tilespmem:s20+$0x40] =	vst v3  }
0x396: {  	v3 =	vld [tilespmem:s28+$0xFFFFFFE0];
	v0 =	vmul.f32 v5, v0;
	[tilespmem:s20+$0x50] =	vst v4  }
0x397: {  	v5 =	vld [tilespmem:s28+$0xFFFFFFF0];
	[tilespmem:s20+$0x60] =	vst v1  }
0x398: {  	v49 =	vld [tilespmem:s26+$0xFFFFFFE0];
	v6 =	vperm.xlane.i2c.b16 v10;
	v1 =	vperm.xlane.i2c.b16 v9;
	[tilespmem:s20+$0x70] =	vst v0  }
0x399: {  	v0 =	vld [tilespmem:s28+$0x0]  }
0x39a: {  	v1 =	vcombine.low v1, v6;
	v6 =	vld [tilespmem:s28+$0x10]  }
0x39b: {  	v11 =	vld [tilespmem:s20+$0xFFFFFF90]  }
0x39c: {  	v8 =	vld [tilespmem:s28+$0x30];
	v3 =	vperm.xlane.i2c.b16 v3;
	v5 =	vperm.xlane.i2c.b16 v5  }
0x39d: {  	v12 =	vld [tilespmem:s28+$0x20]  }
0x39e: {  	v10 =	vld [tilespmem:s20+$0xFFFFFFA0];
	v9 =	vunpack.c.l.bf16.f32 v1;
	v1 =	vunpack.c.u.bf16.f32 v1;
	v3 =	vcombine.low v3, v5  }
0x39f: {  	v4 =	vld [tilespmem:s20+$0xFFFFFF80];
	v6 =	vperm.xlane.i2c.b16 v6;
	v0 =	vperm.xlane.i2c.b16 v0  }
0x3a0: {  	v7 =	vmul.f32 v7, v9;
	v5 =	vld [tilespmem:s20+$0xFFFFFFB0];
	v1 =	vmul.f32 v13, v1;
	v9 =	vunpack.c.l.bf16.f32 v3  }
0x3a1: {  	v13 =	vld [tilespmem:s20+$0x80];
	v8 =	vperm.xlane.i2c.b16 v8;
	v3 =	vunpack.c.u.bf16.f32 v3;
	v0 =	vcombine.high v0, v6  }
0x3a2: {  	[tilespmem:s20+$0xFFFFFF40] =	vst v7;
	v6 =	vperm.xlane.i2c.b16 v12;
	v12 =	vld [tilespmem:s20+$0x90];
	v7 =	vmul.f32 v14, v9  }
0x3a3: {  	[tilespmem:s20+$0xFFFFFF50] =	vst v1;
	v9 =	vld [tilespmem:s20+$0xA0];
	v2 =	vmul.f32 v2, v3  }
0x3a4: {  	v1 =	vcombine.high v6, v8;
	v3 =	vunpack.c.l.bf16.f32 v0;
	v6 =	vld [tilespmem:s20+$0xB0];
	[tilespmem:s20+$0xFFFFFF60] =	vst v7  }
0x3a5: {  	v27 =	vperm.xlane.i2c.b16 v34;
	v8 =	vld [tilespmem:s20+$0xE0];
	[tilespmem:s20+$0xFFFFFF70] =	vst v2  }
0x3a6: {  	v23 =	vperm.xlane.i2c.b16 v33;
	v3 =	vmul.f32 v13, v3;
	v13 =	vld [tilespmem:s28+$0xFFFFFF80]  }
0x3a7: {  	v0 =	vunpack.c.u.bf16.f32 v0;
	v14 =	vld [tilespmem:s28+$0xFFFFFFA0]  }
0x3a8: {  	v40 =	vperm.xlane.i2c.b16 v36;
	v23 =	vcombine.low v23, v27;
	v2 =	vunpack.c.l.bf16.f32 v1;
	v15 =	vld [tilespmem:s28+$0xFFFFFFB0]  }
0x3a9: {  	v42 =	vperm.xlane.i2c.b16 v37;
	v1 =	vunpack.c.u.bf16.f32 v1;
	v0 =	vmul.f32 v12, v0;
	v12 =	vld [tilespmem:s28+$0xFFFFFF90]  }
0x3aa: {  	v45 =	vunpack.c.l.bf16.f32 v23;
	v7 =	vld [tilespmem:s20+$0xFFFFFFD0];
	v2 =	vmul.f32 v9, v2;
	[tilespmem:s20+$0x80] =	vst v3  }
0x3ab: {  	v19 =	vcombine.low v42, v40;
	v3 =	vld [tilespmem:s20+$0xD0];
	v1 =	vmul.f32 v6, v1;
	[tilespmem:s20+$0x90] =	vst v0  }
0x3ac: {  	v21 =	vmul.f32 v41, v45;
	v9 =	vld [tilespmem:s20+$0xF0];
	[tilespmem:s20+$0xA0] =	vst v2  }
0x3ad: {  	v27 =	vunpack.c.l.bf16.f32 v19;
	v6 =	vld [tilespmem:s20+$0xFFFFFFC0];
	[tilespmem:s20+$0xB0] =	vst v1;
	v14 =	vperm.xlane.i2c.b16 v14;
	v15 =	vperm.xlane.i2c.b16 v15  }
0x3ae: {  	v23 =	vunpack.c.u.bf16.f32 v23;
	v13 =	vperm.xlane.i2c.b16 v13;
	v16 =	vld [tilespmem:s28+$0x60];
	v12 =	vperm.xlane.i2c.b16 v12  }
0x3af: {  	v19 =	vunpack.c.u.bf16.f32 v19;
	v24 =	vmul.f32 v44, v27;
	v17 =	vld [tilespmem:s28+$0x70];
	v14 =	vcombine.high v14, v15  }
0x3b0: {  	[tilespmem:s21+$0x40] =	vst v21;
	v15 =	vmul.f32 v43, v23;
	v12 =	vcombine.high v13, v12;
	v13 =	vld [tilespmem:s26+$0xFFFFFFC0]  }
0x3b1: {  	v19 =	vmul.f32 v46, v19;
	[tilespmem:s21+$0x60] =	vst v24;
	v0 =	vld [tilespmem:s20+$0xFFFFFFF0];
	v50 =	vunpack.c.l.bf16.f32 v14  }
0x3b2: {  	[tilespmem:s21+$0x50] =	vst v15;
	v15 =	vld [tilespmem:s26+$0xFFFFFFF0];
	v48 =	vunpack.c.l.bf16.f32 v12;
	v12 =	vunpack.c.u.bf16.f32 v12  }
0x3b3: {  	[tilespmem:s21+$0x70] =	vst v19;
	v19 =	vperm.xlane.i2c.b16 v47;
	v18 =	vld [tilespmem:s28+$0x50];
	v10 =	vmul.f32 v10, v50  }
0x3b4: {  	v52 =	vld [tilespmem:s26+$0x0];
	v17 =	vperm.xlane.i2c.b16 v17;
	v11 =	vmul.f32 v11, v12;
	v12 =	vunpack.c.u.bf16.f32 v14  }
0x3b5: {  	v53 =	vld [tilespmem:s26+$0x20];
	v16 =	vperm.xlane.i2c.b16 v16;
	v13 =	vperm.xlane.i2c.b16 v13  }
0x3b6: {  	v5 =	vmul.f32 v5, v12;
	v12 =	vld [tilespmem:s26+$0x10];
	[tilespmem:s20+$0xFFFFFF90] =	vst v11;
	v11 =	vperm.xlane.i2c.b16 v49  }
0x3b7: {  	v15 =	vperm.xlane.i2c.b16 v15;
	v13 =	vcombine.low v13, v19;
	v19 =	vld [tilespmem:s26+$0x30]  }
0x3b8: {  	v2 =	vld [tilespmem:s20+$0xC0];
	v18 =	vperm.xlane.i2c.b16 v18;
	v4 =	vmul.f32 v4, v48  }
0x3b9: {  	v39 =	vld [tilespmem:s28+$0x40];
	[tilespmem:s20+$0xFFFFFFA0] =	vst v10;
	v16 =	vcombine.high v16, v17;
	v11 =	vcombine.low v11, v15;
	v10 =	vunpack.c.l.bf16.f32 v13  }
0x3ba: {  	v1 =	vld [tilespmem:s20+$0xFFFFFFE0];
	v23 =	vperm.xlane.i2c.b16 v52;
	v21 =	vperm.xlane.i2c.b16 v53;
	v13 =	vunpack.c.u.bf16.f32 v13  }
0x3bb: {  	v14 =	vld [tilespmem:s21+$0xFFFFFF90];
	[tilespmem:s20+$0xFFFFFF80] =	vst v4;
	v17 =	vunpack.c.l.bf16.f32 v11;
	v10 =	vmul.f32 v63, v10;
	v12 =	vperm.xlane.i2c.b16 v12  }
0x3bc: {  	v4 =	vld [tilespmem:s21+$0xFFFFFFA0];
	[tilespmem:s20+$0xFFFFFFB0] =	vst v5;
	v11 =	vunpack.c.u.bf16.f32 v11;
	v13 =	vmul.f32 v38, v13;
	v19 =	vperm.xlane.i2c.b16 v19  }
0x3bd: {  	v15 =	vld [tilespmem:s28+$0xFFFFFFC0];
	v17 =	vmul.f32 v31, v17;
	v12 =	vcombine.high v23, v12;
	[tilespmem:s21+$0xFFFFFF40] =	vst v10  }
0x3be: {  	v58 =	vperm.xlane.i2c.b16 v39;
	v5 =	vld [tilespmem:s21+$0xFFFFFFB0];
	v11 =	vmul.f32 v20, v11;
	v10 =	vunpack.c.u.bf16.f32 v16;
	[tilespmem:s21+$0xFFFFFF50] =	vst v13  }
0x3bf: {  	v20 =	vld [tilespmem:s28+$0xFFFFFFD0];
	v19 =	vcombine.high v21, v19;
	[tilespmem:s21+$0xFFFFFF60] =	vst v17;
	v13 =	vunpack.c.l.bf16.f32 v12  }
0x3c0: {  	v18 =	vcombine.high v58, v18;
	[tilespmem:s21+$0xFFFFFF70] =	vst v11;
	v9 =	vmul.f32 v9, v10;
	v10 =	vunpack.c.u.bf16.f32 v12;
	v12 =	vld [tilespmem:s28+$0xFFFFFFE0]  }
0x3c1: {  	v16 =	vunpack.c.l.bf16.f32 v16;
	v59 =	vld [tilespmem:s26+$0xFFFFFF80];
	v17 =	vunpack.c.l.bf16.f32 v19;
	v11 =	vmul.f32 v54, v13  }
0x3c2: {  	v15 =	vperm.xlane.i2c.b16 v15;
	v60 =	vld [tilespmem:s26+$0xFFFFFF90];
	v19 =	vunpack.c.u.bf16.f32 v19;
	v10 =	vmul.f32 v55, v10;
	[tilespmem:s20+$0xF0] =	vst v9  }
0x3c3: {  	v16 =	vmul.f32 v8, v16;
	v13 =	vld [tilespmem:s28+$0xFFFFFFF0];
	v17 =	vmul.f32 v56, v17;
	[tilespmem:s21+$0x80] =	vst v11  }
0x3c4: {  	v8 =	vld [tilespmem:s26+$0xFFFFFFB0];
	v20 =	vperm.xlane.i2c.b16 v20;
	v19 =	vmul.f32 v57, v19;
	v11 =	vunpack.c.u.bf16.f32 v18;
	[tilespmem:s21+$0x90] =	vst v10  }
0x3c5: {  	v10 =	vld [tilespmem:s26+$0xFFFFFFA0];
	[tilespmem:s21+$0xA0] =	vst v17;
	v12 =	vperm.xlane.i2c.b16 v12  }
0x3c6: {  	v9 =	vld [tilespmem:s21+$0xFFFFFFF0];
	v18 =	vunpack.c.l.bf16.f32 v18;
	[tilespmem:s21+$0xB0] =	vst v19;
	v11 =	vmul.f32 v3, v11;
	v3 =	vcombine.high v15, v20  }
0x3c7: {  	v19 =	vperm.xlane.i2c.b16 v59;
	v15 =	vld [tilespmem:s26+$0x60];
	v20 =	vperm.xlane.i2c.b16 v60  }
0x3c8: {  	v17 =	vmul.f32 v2, v18;
	v61 =	vld [tilespmem:s26+$0x70];
	v13 =	vperm.xlane.i2c.b16 v13;
	v18 =	vunpack.c.u.bf16.f32 v3  }
0x3c9: {  	v2 =	vld [tilespmem:s21+$0xFFFFFFC0];
	v62 =	vunpack.c.l.bf16.f32 v3;
	v19 =	vcombine.high v19, v20;
	v20 =	vperm.xlane.i2c.b16 v8  }
0x3ca: {  	[tilespmem:s20+$0xE0] =	vst v16;
	v3 =	vld [tilespmem:s21+$0xFFFFFFD0];
	v12 =	vcombine.high v12, v13;
	v13 =	vperm.xlane.i2c.b16 v10  }
0x3cb: {  	v8 =	vld [tilespmem:s21+$0xFFFFFFE0];
	[tilespmem:s20+$0xC0] =	vst v17;
	v16 =	vmul.f32 v6, v62;
	v18 =	vmul.f32 v7, v18  }
0x3cc: {  	[tilespmem:s20+$0xD0] =	vst v11;
	v11 =	vld [tilespmem:s21+$0xF0];
	v10 =	vunpack.c.u.bf16.f32 v12;
	v17 =	vcombine.high v13, v20;
	v20 =	vunpack.c.l.bf16.f32 v19  }
0x3cd: {  	v6 =	vld [tilespmem:s21+$0xC0];
	v19 =	vunpack.c.u.bf16.f32 v19;
	v21 =	vperm.xlane.i2c.b16 v61;
	v63 =	vperm.xlane.i2c.b16 v15;
	[tilespmem:s20+$0xFFFFFFC0] =	vst v16  }
0x3ce: {  	v7 =	vld [tilespmem:s21+$0xD0];
	[tilespmem:s20+$0xFFFFFFD0] =	vst v18;
	v15 =	vunpack.c.u.bf16.f32 v17;
	v16 =	vmul.f32 v51, v20;
	v18 =	vunpack.c.l.bf16.f32 v17  }
0x3cf: {  	s7 =	simm.s32 $0x6A80;
	s28 =	simm.s32 $0x2;
	v13 =	vunpack.c.l.bf16.f32 v12;
	v12 =	vld [tilespmem:s21+$0xE0];
	v17 =	vmul.f32 v14, v19;
	v14 =	vcombine.high v63, v21  }
.LBB2_15:
0x3d0: {  	v19 =	vld [tilespmem:s7+$0x0];
	v4 =	vmul.f32 v4, v18;
	v5 =	vmul.f32 v5, v15;
	[tilespmem:s21+$0xFFFFFF80] =	vst v16  }
0x3d1: {  	v16 =	vunpack.c.u.bf16.f32 v14;
	v14 =	vunpack.c.l.bf16.f32 v14;
	v13 =	vmul.f32 v1, v13;
	v1 =	vmovc v8;
	v15 =	vld [tilespmem:s7+$0x10];
	[tilespmem:s21+$0xFFFFFF90] =	vst v17  }
0x3d2: {  	v8 =	vld [tilespmem:s7+$0x20];
	[tilespmem:s21+$0xFFFFFFA0] =	vst v4;
	v4 =	vmul.f32 v0, v10;
	v0 =	vmov v9  }
0x3d3: {  	v9 =	vld [tilespmem:s7+$0x30];
	[tilespmem:s21+$0xFFFFFFB0] =	vst v5;
	v5 =	vmul.f32 v11, v16  }
0x3d4: {  	v11 =	vmul.f32 v12, v14;
	v10 =	vld [tilespmem:s26+$0x40];
	[tilespmem:s20+$0xFFFFFFE0] =	vst v13  }
0x3d5: {  	v12 =	vld [tilespmem:s26+$0x50];
	[tilespmem:s21+$0xF0] =	vst v5  }
0x3d6: {  	v5 =	vld [tilespmem:s7+$0xFFFFFF90];
	[tilespmem:s20+$0xFFFFFFF0] =	vst v4;
	s20 =	smov.u32 s21  }
0x3d7: {  	v14 =	vperm.xlane.i2c.b16 v19;
	v13 =	vperm.xlane.i2c.b16 v15;
	s21 =	sadd.s32 $0x200, s21;
	v4 =	vld [tilespmem:s7+$0xFFFFFFA0];
	[tilespmem:s20+$0xE0] =	vst v11  }
0x3d8: {  	v9 =	vperm.xlane.i2c.b16 v9;
	v11 =	vld [tilespmem:s21+$0x0]  }
0x3d9: {  	v8 =	vperm.xlane.i2c.b16 v8;
	v13 =	vcombine.low v14, v13;
	v14 =	vld [tilespmem:s21+$0x10]  }
0x3da: {  	v10 =	vperm.xlane.i2c.b16 v10;
	v15 =	vld [tilespmem:s21+$0x20];
	v12 =	vperm.xlane.i2c.b16 v12  }
0x3db: {  	v8 =	vcombine.low v8, v9;
	v9 =	vunpack.c.l.bf16.f32 v13;
	v5 =	vperm.xlane.i2c.b16 v5;
	v16 =	vld [tilespmem:s21+$0x30]  }
0x3dc: {  	v13 =	vunpack.c.u.bf16.f32 v13;
	v17 =	vld [tilespmem:s7+$0xFFFFFFB0];
	v4 =	vperm.xlane.i2c.b16 v4;
	v10 =	vcombine.high v10, v12  }
0x3dd: {  	v18 =	vunpack.c.l.bf16.f32 v8;
	v12 =	vld [tilespmem:s7+$0xFFFFFF80];
	v9 =	vmul.f32 v11, v9  }
0x3de: {  	s28 =	sadd.s32 $0x2, s28;
	v8 =	vunpack.c.u.bf16.f32 v8;
	v11 =	vld [tilespmem:s21+$0xFFFFFF00];
	v13 =	vmul.f32 v14, v13;
	v14 =	vunpack.c.u.bf16.f32 v10  }
0x3df: {  	p3 =	slt.u32 s28, $0x26;
	v19 =	vld [tilespmem:s21+$0xFFFFFF10];
	v15 =	vmul.f32 v15, v18;
	[tilespmem:s21+$0x0] =	vst v9;
	v9 =	vunpack.c.l.bf16.f32 v10  }
0x3e0: {  	v10 =	vld [tilespmem:s21+$0xFFFFFF20];
	v8 =	vmul.f32 v16, v8;
	[tilespmem:s21+$0x10] =	vst v13;
	v7 =	vmul.f32 v7, v14  }
0x3e1: {  	v13 =	vperm.xlane.i2c.b16 v17;
	v14 =	vld [tilespmem:s21+$0xFFFFFF30];
	[tilespmem:s21+$0x20] =	vst v15;
	v6 =	vmul.f32 v6, v9  }
0x3e2: {  	v9 =	vperm.xlane.i2c.b16 v12;
	v12 =	vld [tilespmem:s21+$0xFFFFFF40];
	[tilespmem:s21+$0x30] =	vst v8  }
0x3e3: {  	v4 =	vcombine.low v4, v13;
	v8 =	vld [tilespmem:s7+$0x40];
	[tilespmem:s20+$0xC0] =	vst v6  }
0x3e4: {  	v5 =	vcombine.low v9, v5;
	v6 =	vld [tilespmem:s7+$0x50];
	[tilespmem:s20+$0xD0] =	vst v7  }
0x3e5: {  	v7 =	vunpack.c.u.bf16.f32 v4;
	v4 =	vunpack.c.l.bf16.f32 v4;
	v9 =	vld [tilespmem:s7+$0x70]  }
0x3e6: {  	v13 =	vunpack.c.u.bf16.f32 v5;
	v5 =	vunpack.c.l.bf16.f32 v5;
	v15 =	vld [tilespmem:s7+$0x60]  }
0x3e7: {  	v4 =	vmul.f32 v10, v4;
	v7 =	vmul.f32 v14, v7;
	v10 =	vld [tilespmem:s21+$0xFFFFFF50]  }
0x3e8: {  	v5 =	vmul.f32 v11, v5;
	v11 =	vmul.f32 v19, v13;
	v13 =	vld [tilespmem:s21+$0xFFFFFF60]  }
0x3e9: {  	[tilespmem:s21+$0xFFFFFF20] =	vst v4;
	v14 =	vld [tilespmem:s21+$0xFFFFFF70];
	v4 =	vperm.xlane.i2c.b16 v6;
	v6 =	vperm.xlane.i2c.b16 v8  }
0x3ea: {  	[tilespmem:s21+$0xFFFFFF00] =	vst v5;
	v5 =	vperm.xlane.i2c.b16 v9;
	v8 =	vld [tilespmem:s21+$0x40]  }
0x3eb: {  	[tilespmem:s21+$0xFFFFFF10] =	vst v11;
	v4 =	vcombine.low v6, v4;
	v6 =	vperm.xlane.i2c.b16 v15;
	v9 =	vld [tilespmem:s21+$0x50]  }
0x3ec: {  	[tilespmem:s21+$0xFFFFFF30] =	vst v7;
	v7 =	vld [tilespmem:s21+$0x60]  }
0x3ed: {  	v5 =	vcombine.low v6, v5;
	v6 =	vunpack.c.l.bf16.f32 v4;
	v11 =	vld [tilespmem:s21+$0x70]  }
0x3ee: {  	v4 =	vunpack.c.u.bf16.f32 v4;
	v15 =	vld [tilespmem:s7+$0xFFFFFFC0]  }
0x3ef: {  	v16 =	vld [tilespmem:s7+$0xFFFFFFD0];
	v17 =	vunpack.c.l.bf16.f32 v5;
	v6 =	vmul.f32 v8, v6  }
0x3f0: {  	v5 =	vunpack.c.u.bf16.f32 v5;
	v8 =	vld [tilespmem:s7+$0xFFFFFFE0];
	v4 =	vmul.f32 v9, v4  }
0x3f1: {  	v9 =	vld [tilespmem:s7+$0xFFFFFFF0];
	v7 =	vmul.f32 v7, v17;
	[tilespmem:s21+$0x40] =	vst v6  }
0x3f2: {  	v17 =	vld [tilespmem:s21+$0xFFFFFF80];
	v5 =	vmul.f32 v11, v5;
	[tilespmem:s21+$0x50] =	vst v4  }
0x3f3: {  	v6 =	vperm.xlane.i2c.b16 v15;
	v19 =	vld [tilespmem:s21+$0xFFFFFF90];
	[tilespmem:s21+$0x60] =	vst v7  }
0x3f4: {  	v7 =	vperm.xlane.i2c.b16 v16;
	v4 =	vld [tilespmem:s21+$0xFFFFFFA0];
	[tilespmem:s21+$0x70] =	vst v5  }
0x3f5: {  	v5 =	vperm.xlane.i2c.b16 v8;
	v8 =	vld [tilespmem:s7+$0x0]  }
0x3f6: {  	v6 =	vcombine.low v6, v7;
	v7 =	vperm.xlane.i2c.b16 v9;
	v9 =	vld [tilespmem:s7+$0x10]  }
0x3f7: {  	v11 =	vld [tilespmem:s7+$0x30]  }
0x3f8: {  	v7 =	vcombine.low v5, v7;
	v15 =	vunpack.c.u.bf16.f32 v6;
	v6 =	vunpack.c.l.bf16.f32 v6;
	v16 =	vld [tilespmem:s7+$0x20]  }
0x3f9: {  	v5 =	vld [tilespmem:s21+$0xFFFFFFB0]  }
0x3fa: {  	v18 =	vunpack.c.u.bf16.f32 v7;
	v7 =	vunpack.c.l.bf16.f32 v7;
	v6 =	vmul.f32 v12, v6;
	v12 =	vld [tilespmem:s26+$0xFFFFFFC0]  }
0x3fb: {  	v8 =	vperm.xlane.i2c.b16 v8;
	v9 =	vperm.xlane.i2c.b16 v9;
	v20 =	vld [tilespmem:s26+$0xFFFFFFD0]  }
0x3fc: {  	v10 =	vmul.f32 v10, v15;
	[tilespmem:s21+$0xFFFFFF40] =	vst v6;
	v6 =	vperm.xlane.i2c.b16 v11;
	v11 =	vld [tilespmem:s21+$0x80]  }
0x3fd: {  	v8 =	vcombine.high v8, v9;
	v9 =	vperm.xlane.i2c.b16 v16;
	v15 =	vld [tilespmem:s21+$0x90]  }
0x3fe: {  	v7 =	vmul.f32 v13, v7;
	v13 =	vmul.f32 v14, v18;
	[tilespmem:s21+$0xFFFFFF50] =	vst v10;
	v10 =	vld [tilespmem:s21+$0xA0]  }
0x3ff: {  	v6 =	vcombine.high v9, v6;
	v9 =	vunpack.c.l.bf16.f32 v8;
	v14 =	vld [tilespmem:s21+$0xB0];
	v12 =	vperm.xlane.i2c.b16 v12  }
0x400: {  	[tilespmem:s21+$0xFFFFFF60] =	vst v7;
	v7 =	vunpack.c.u.bf16.f32 v8;
	v8 =	vld [tilespmem:s26+$0xFFFFFFE0];
	v16 =	vperm.xlane.i2c.b16 v20  }
0x401: {  	[tilespmem:s21+$0xFFFFFF70] =	vst v13;
	v13 =	vunpack.c.l.bf16.f32 v6;
	v9 =	vmul.f32 v11, v9;
	v11 =	vld [tilespmem:s26+$0xFFFFFFF0];
	s26 =	smov.u32 s7  }
0x402: {  	v6 =	vunpack.c.u.bf16.f32 v6;
	v18 =	vld [tilespmem:s7+$0xFFFFFF80];
	v7 =	vmul.f32 v15, v7;
	v12 =	vcombine.high v12, v16  }
0x403: {  	v15 =	vld [tilespmem:s7+$0xFFFFFF90];
	v10 =	vmul.f32 v10, v13;
	[tilespmem:s21+$0x80] =	vst v9  }
0x404: {  	v9 =	vld [tilespmem:s7+$0xFFFFFFA0];
	v6 =	vmul.f32 v14, v6;
	[tilespmem:s21+$0x90] =	vst v7;
	v7 =	vunpack.c.u.bf16.f32 v12;
	v12 =	vunpack.c.l.bf16.f32 v12  }
0x405: {  	v13 =	vld [tilespmem:s7+$0xFFFFFFB0];
	[tilespmem:s21+$0xA0] =	vst v10;
	v8 =	vperm.xlane.i2c.b16 v8  }
0x406: {  	[tilespmem:s21+$0xB0] =	vst v6;
	v6 =	vperm.xlane.i2c.b16 v11;
	v10 =	vmul.f32 v2, v12;
	v2 =	vld [tilespmem:s21+$0xFFFFFFC0]  }
0x407: {  	v7 =	vmul.f32 v3, v7;
	v11 =	vperm.xlane.i2c.b16 v18;
	v12 =	vld [tilespmem:s7+$0x60]  }
0x408: {  	v14 =	vperm.xlane.i2c.b16 v15;
	v15 =	vld [tilespmem:s7+$0x70];
	v6 =	vcombine.high v8, v6;
	[tilespmem:s20+$0xFFFFFFC0] =	vst v10  }
0x409: {  	v16 =	vperm.xlane.i2c.b16 v9;
	v3 =	vld [tilespmem:s21+$0xFFFFFFD0];
	[tilespmem:s20+$0xFFFFFFD0] =	vst v7  }
0x40a: {  	v7 =	vcombine.high v11, v14;
	v11 =	vperm.xlane.i2c.b16 v13;
	v8 =	vld [tilespmem:s21+$0xFFFFFFE0];
	v10 =	vunpack.c.u.bf16.f32 v6  }
.Ltmp13:
0x40b: {  	v13 =	vunpack.c.l.bf16.f32 v6;
	v9 =	vld [tilespmem:s21+$0xFFFFFFF0];
	(pc) =	sbr.rel @p3 .LBB2_15-.Ltmp13, $4  }
0x40c: {  	v11 =	vcombine.high v16, v11;
	v14 =	vunpack.c.u.bf16.f32 v7;
	v16 =	vunpack.c.l.bf16.f32 v7;
	v6 =	vld [tilespmem:s21+$0xC0]  }
0x40d: {  	v12 =	vperm.xlane.i2c.b16 v12;
	v20 =	vperm.xlane.i2c.b16 v15;
	v7 =	vld [tilespmem:s21+$0xD0]  }
0x40e: {  	v15 =	vunpack.c.u.bf16.f32 v11;
	v18 =	vunpack.c.l.bf16.f32 v11;
	v16 =	vmul.f32 v17, v16;
	v11 =	vld [tilespmem:s21+$0xF0]  }
0x40f: {  	s7 =	sadd.s32 $0x100, s7;
	v17 =	vmul.f32 v19, v14;
	v14 =	vcombine.high v12, v20;
	v12 =	vld [tilespmem:s21+$0xE0]  }
.Ltmp14:
0x410: {  	_ = 	snop;
	(pc) =	sbr.rel .LBB2_16-.Ltmp14, $1  }
0x411: {  	_ =	sdelay $0x3  }
.LBB2_18:
.Ltmp15:
0x412: {  	(pc) =	sbr.rel @!p1 .LBB2_19-.Ltmp15, $2  }
0x413: {  	_ =	sdelay $0x1  }
0x414: {  	[bflag:$0x0] =	sbarrier.arrive $0xFFFF;
	_ =	sdelay $0x1  }
0x415: {  	s7 =	rddreg [dreg:$0x13]  }
0x416: {  	[hbm:s7], [sflag:s11] =	dma.local [spmem:s18], $0x2700  }
.Ltmp16:
0x417: {  	_ = 	snop;
	(pc) =	sbr.rel @p0 .LBB2_22-.Ltmp16, $4  }
.Ltmp17:
0x418: {  	_ = 	snop;
	(pc) =	sbr.rel @!p0 .LBB2_21-.Ltmp17, $4  }
0x419: {  	_ =	swait.ge [sflag:s29], $0x2700  }
0x41a: {  	[sflag:s29] =	ssyncset.done $0x0  }
0x41b: {  	s7 =	rddreg [dreg:$0x6];
	[sflag:s29] =	ssyncadd.s32 $0xFFFFD900  }
0x41c: {  	_ = 	snop  }
.LBB2_19:
0x41d: {  	s7 =	rddreg [dreg:$0x12]  }
0x41e: {  	[hbm:s7], [sflag:s11] =	dma.local [spmem:s18], $0x2700  }
.Ltmp18:
0x41f: {  	_ = 	snop;
	(pc) =	sbr.rel @!p2 .LBB2_22-.Ltmp18, $4  }
.Ltmp19:
0x420: {  	_ = 	snop;
	(pc) =	sbr.rel @p2 .LBB2_21-.Ltmp19, $4  }
0x421: {  	_ =	swait.ge [sflag:s29], $0x2700  }
0x422: {  	[sflag:s29] =	ssyncset.done $0x0  }
0x423: {  	s7 =	rddreg [dreg:$0x5];
	[sflag:s29] =	ssyncadd.s32 $0xFFFFD900  }
0x424: {  	_ = 	snop  }
.LBB2_23:
0x425: {  	_ =	sfence.sel $0x180000  }
0x426: {  	[bflag:$0x0] =	sbarrier.arrive $0xFFFF  }
0x427: {  	_ =	strace $0x90000047  }
0x428: {  	[bflag:$0x2] =	sbarrier.arrive $0xFFFF  }
0x429: {  	s0 =	rddreg [dreg:$0x3]  }
0x42a: {  	s0 =	sadd.s32 @!p0 $0x100000, s0  }
0x42b: {  	[sflag:s0] =	ssyncadd.tile.s32 @!p0 $0x1;
	_ =	shalt  }
.Lfunc_end2:
_tile_overlayer_lowered:
.L_overlay_start_2:
0x42c: {  	(tag) =	ssettag $0x2  }
0x42d: {  	s0 =	rddreg [dreg:$0x0];
	s2 =	stileid.u32  }
0x42e: {  	s1 =	rddreg [dreg:$0x1];
	p0 =	sne.s32 s2, $0x0  }
0x42f: {  	s3 =	rddreg [dreg:$0x2];
	[bflag:$0x3] =	sbarrier.arrive $0xFFFF;
	s2 =	simm.s32 @!p0 $0x1C09  }
0x430: {  	[timem:s3], [sflag:s2] =	dma.local @!p0 [hbm:s0], s1  }
0x431: {  	s0 =	simm.s32 @!p0 $0x9  }
0x432: {  	_ =	swait.ge @!p0 [sflag:s0], s1  }
0x433: {  	s1 =	ssub.s32 @!p0 $0x0, s1;
	[sflag:s0] =	ssyncset.done @!p0 $0x0  }
0x434: {  	[sflag:s0] =	ssyncadd.s32 @!p0 s1  }
0x435: {  	[bflag:$0x3] =	sbarrier.arrive $0xFFFF  }
0x436: {  	_ =	shalt  }

</sc_bundles>
